<compile_context>
chip_gen: v7x
topology: tpu7x:2x2x1
jax: 0.10.2.dev20260603
libtpu: 0.0.44.dev20260713+nightly
codegen_flags: <defaults>
</compile_context>

<pallas_src>
import functools

import jax
import jax.numpy as jnp
from jax import lax
from jax.experimental import pallas as pl
from jax.experimental.pallas import tpu as pltpu
from jax.experimental.pallas import tpu_sc as plsc

_NX, _NY, _NZ = 128, 128, 128
_SX, _SY, _SZ = 2.0, 2.0, 2.0
_CX, _CY, _CZ = 0.0, 0.0, 0.0
_SCALE_MOD = 1.0
_HX, _HY, _HZ = _SX / _NX, _SY / _NY, _SZ / _NZ
_GX = _CX - _SX / 2 + 0.5 * _HX
_GY = _CY - _SY / 2 + 0.5 * _HY
_GZ = _CZ - _SZ / 2 + 0.5 * _HZ
_NVOX = _NX * _NY * _NZ
_HALF = _NVOX // 2

_BG_SUB = 32
_BG = _BG_SUB * 128
_OFF = (-1, 0, 1)


def _gauss_body(p_ref, val_ref, idx_ref, rad_ref):
  mx, my, mz = p_ref[0], p_ref[1], p_ref[2]
  sx = p_ref[3] * _SCALE_MOD
  sy = p_ref[4] * _SCALE_MOD
  sz = p_ref[5] * _SCALE_MOD
  qw, qx, qy, qz = p_ref[6], p_ref[7], p_ref[8], p_ref[9]
  op = p_ref[10]

  rmax = jnp.maximum(sx, jnp.maximum(sy, sz))
  rad_ref[...] = jnp.ceil(3.0 * rmax / (_SX / _NX)).astype(jnp.int32)

  nrm = jnp.sqrt(qw * qw + qx * qx + qy * qy + qz * qz) + 1e-8
  w, x, y, z = qw / nrm, qx / nrm, qy / nrm, qz / nrm
  r00 = 1 - 2 * (y * y + z * z)
  r01 = 2 * (x * y - w * z)
  r02 = 2 * (x * z + w * y)
  r10 = 2 * (x * y + w * z)
  r11 = 1 - 2 * (x * x + z * z)
  r12 = 2 * (y * z - w * x)
  r20 = 2 * (x * z - w * y)
  r21 = 2 * (y * z + w * x)
  r22 = 1 - 2 * (x * x + y * y)

  s0, s1, s2 = sx * sx, sy * sy, sz * sz
  a = r00 * r00 * s0 + r01 * r01 * s1 + r02 * r02 * s2 + 1e-8
  b = r00 * r10 * s0 + r01 * r11 * s1 + r02 * r12 * s2
  c = r00 * r20 * s0 + r01 * r21 * s1 + r02 * r22 * s2
  d = r10 * r10 * s0 + r11 * r11 * s1 + r12 * r12 * s2 + 1e-8
  e = r10 * r20 * s0 + r11 * r21 * s1 + r12 * r22 * s2
  f = r20 * r20 * s0 + r21 * r21 * s1 + r22 * r22 * s2 + 1e-8

  c00 = d * f - e * e
  c01 = c * e - b * f
  c02 = b * e - c * d
  c11 = a * f - c * c
  c12 = b * c - a * e
  c22 = a * d - b * b
  det = a * c00 + b * c01 + c * c02
  inv = 1.0 / det
  i00, i11, i22 = c00 * inv, c11 * inv, c22 * inv
  i01_2, i02_2, i12_2 = 2 * c01 * inv, 2 * c02 * inv, 2 * c12 * inv

  bxf = jnp.round((mx - _GX) / _HX)
  byf = jnp.round((my - _GY) / _HY)
  bzf = jnp.round((mz - _GZ) / _HZ)
  bxi = bxf.astype(jnp.int32)
  byi = byf.astype(jnp.int32)
  bzi = bzf.astype(jnp.int32)

  dxs, dys, dzs = {}, {}, {}
  vxm, vym, vzm = {}, {}, {}
  xc, yc, zc = {}, {}, {}
  for o in _OFF:
    of = float(o)
    dxs[o] = (_GX + (bxf + of) * _HX) - mx
    dys[o] = (_GY + (byf + of) * _HY) - my
    dzs[o] = (_GZ + (bzf + of) * _HZ) - mz
    ix, iy, iz = bxi + o, byi + o, bzi + o
    vxm[o] = (ix >= 0) & (ix < _NX)
    vym[o] = (iy >= 0) & (iy < _NY)
    vzm[o] = (iz >= 0) & (iz < _NZ)
    xc[o] = jnp.clip(ix, 0, _NX - 1) * (_NY * _NZ)
    yc[o] = jnp.clip(iy, 0, _NY - 1) * _NZ
    zc[o] = jnp.clip(iz, 0, _NZ - 1)

  i22dz = {o: i22 * dzs[o] for o in _OFF}
  k = 0
  for ox in _OFF:
    dx = dxs[ox]
    hx1 = i01_2 * dx
    hx2 = i02_2 * dx
    qx_part = i00 * dx * dx
    for oy in _OFF:
      dy = dys[oy]
      qxy = qx_part + dy * (i11 * dy + hx1)
      t2 = i12_2 * dy + hx2
      vxy = vxm[ox] & vym[oy]
      fxy = xc[ox] + yc[oy]
      for oz in _OFF:
        dz = dzs[oz]
        q = qxy + dz * (i22dz[oz] + t2)
        opv = jnp.where(vxy & vzm[oz], op, 0.0)
        alpha = opv * jnp.exp(-0.5 * q)
        flat = fxy + zc[oz]
        in0 = flat < _HALF
        val_ref[k] = alpha
        idx_ref[0, k] = jnp.where(in0, flat, -1)
        idx_ref[1, k] = jnp.where(in0, -1, flat - _HALF)
        k += 1


def _sc_scatter(valf, idxf, zeros):
  p_total = valf.shape[0]
  per_tile = p_total // 16
  win = 16128
  nwin = per_tile // win
  assert per_tile % win == 0
  seg = _HALF // 16
  mesh = plsc.VectorSubcoreMesh(core_axis_name="c", subcore_axis_name="s")

  @functools.partial(
      pl.kernel,
      mesh=mesh,
      out_type=jax.ShapeDtypeStruct((_NVOX,), jnp.float32),
      scratch_types=[
          pltpu.VMEM_SHARED((_HALF,), jnp.float32),
          pltpu.VMEM((win,), jnp.int32),
          pltpu.VMEM((win,), jnp.int32),
          pltpu.VMEM((win,), jnp.float32),
          pltpu.VMEM((win,), jnp.float32),
          pltpu.SemaphoreType.DMA,
          pltpu.SemaphoreType.DMA,
          pltpu.SemaphoreType.DMA,
          pltpu.SemaphoreType.DMA,
      ],
  )
  def scatter_kernel(val_hbm, idx_hbm, zero_hbm, out_hbm, grid_sp, idx_a,
                     idx_b, val_a, val_b, sem_la, sem_lb, sem_sa, sem_sb):
    cid = lax.axis_index("c")
    sid = lax.axis_index("s")
    pltpu.sync_copy(zero_hbm.at[pl.ds(sid * seg, seg)],
                    grid_sp.at[pl.ds(sid * seg, seg)])
    plsc.subcore_barrier()
    base = sid * per_tile

    idx_bufs = (idx_a, idx_b)
    val_bufs = (val_a, val_b)
    sem_l = (sem_la, sem_lb)
    sem_s = (sem_sa, sem_sb)

    def start_loads(w, bb):
      w_eff = w + cid * (nwin - 1 - 2 * w)
      off = base + w_eff * win
      hi = pltpu.async_copy(idx_hbm.at[cid, pl.ds(off, win)], idx_bufs[bb],
                            sem_l[bb])
      hv = pltpu.async_copy(val_hbm.at[pl.ds(off, win)], val_bufs[bb],
                            sem_l[bb])
      return hi, hv

    loads = [None, None]
    scats = [None, None]
    loads[0] = start_loads(0, 0)
    for wi in range(nwin):
      cur = wi & 1
      nxt = 1 - cur
      loads[cur][0].wait()
      loads[cur][1].wait()
      if wi + 1 < nwin:
        if scats[nxt] is not None:
          scats[nxt].wait()
        loads[nxt] = start_loads(wi + 1, nxt)
      scats[cur] = pltpu.async_copy(
          val_bufs[cur],
          grid_sp.at[plsc.Indices(idx_bufs[cur], ignored_value=-1)],
          sem_s[cur],
          add=True,
      )
    for bb in range(2):
      if scats[bb] is not None:
        scats[bb].wait()
    plsc.subcore_barrier()
    pltpu.sync_copy(grid_sp.at[pl.ds(sid * seg, seg)],
                    out_hbm.at[pl.ds(cid * _HALF + sid * seg, seg)])

  return scatter_kernel(valf, idxf, zeros)


def kernel(means3D, opacities, scales, rotations):
  n = means3D.shape[0]
  nb = -(-n // _BG)
  npad = nb * _BG
  sub = npad // 128
  pad = npad - n

  def padn(arr, v):
    return jnp.pad(arr, ((0, 0), (0, pad)), constant_values=v)

  params = jnp.concatenate([
      padn(means3D.T, 0.0),
      padn(scales.T, 0.01),
      padn(rotations.T, 1.0),
      padn(opacities.T, 0.0),
  ], axis=0).reshape(11, sub, 128)

  val, idx, rad = pl.pallas_call(
      _gauss_body,
      grid=(nb,),
      in_specs=[pl.BlockSpec((11, _BG_SUB, 128), lambda i: (0, i, 0))],
      out_specs=[
          pl.BlockSpec((27, _BG_SUB, 128), lambda i: (0, i, 0)),
          pl.BlockSpec((2, 27, _BG_SUB, 128), lambda i: (0, 0, i, 0)),
          pl.BlockSpec((_BG_SUB, 128), lambda i: (i, 0)),
      ],
      out_shape=[
          jax.ShapeDtypeStruct((27, sub, 128), jnp.float32),
          jax.ShapeDtypeStruct((2, 27, sub, 128), jnp.int32),
          jax.ShapeDtypeStruct((sub, 128), jnp.int32),
      ],
  )(params)

  p_total = 27 * npad
  zeros = jnp.zeros((_HALF,), jnp.float32)
  fields_flat = _sc_scatter(val.reshape(p_total), idx.reshape(2, p_total),
                            zeros)
  fields = fields_flat.reshape(_NX, _NY, _NZ)
  radii = rad.reshape(-1)[:n]
  return fields, radii

# --- scband reference (transcript-rebuilt; emitter-appended) ---
"""Pipeline reference for scband-gaussian-voxelizer-44186623541513 (READ-ONLY COPY).

The authoritative reference and input builder live on the scoring server;
editing this copy changes nothing except your own understanding.
"""

import jax, jax.numpy as jnp
import numpy as np

N_GAUSS = 200000
NX, NY, NZ = 128, 128, 128
SX, SY, SZ = 2.0, 2.0, 2.0
CX, CY, CZ = 0.0, 0.0, 0.0
SCALE_MOD = 1.0
K = 3  # local splat window per axis (KxKxK voxels per gaussian)


def setup_inputs(seed: int = 0) -> dict:
    key = jax.random.key(seed)
    k1, k2, k3, k4 = jax.random.split(key, 4)
    means3D = jax.random.uniform(k1, (N_GAUSS, 3), minval=-0.9, maxval=0.9, dtype=jnp.float32)
    opacities = jax.random.uniform(k2, (N_GAUSS, 1), dtype=jnp.float32)
    scales = jax.random.uniform(k3, (N_GAUSS, 3), minval=0.005, maxval=0.03, dtype=jnp.float32)
    rotations = jax.random.normal(k4, (N_GAUSS, 4), dtype=jnp.float32)
    return {"means3D": means3D, "opacities": opacities, "scales": scales, "rotations": rotations}


def quat_to_rot(q):
    q = q / (jnp.linalg.norm(q, axis=-1, keepdims=True) + 1e-8)
    w, x, y, z = q[:, 0], q[:, 1], q[:, 2], q[:, 3]
    R = jnp.stack([
        1 - 2 * (y * y + z * z), 2 * (x * y - w * z), 2 * (x * z + w * y),
        2 * (x * y + w * z), 1 - 2 * (x * x + z * z), 2 * (y * z - w * x),
        2 * (x * z - w * y), 2 * (y * z + w * x), 1 - 2 * (x * x + y * y)
    ], axis=-1)
    return R.reshape(-1, 3, 3)


def _voxelize(means3D, opacities, scales, rotations):
    vx = jnp.array([SX / NX, SY / NY, SZ / NZ], dtype=jnp.float32)
    gmin = jnp.array([CX - SX / 2, CY - SY / 2, CZ - SZ / 2], dtype=jnp.float32) + 0.5 * vx
    # 3D covariance from scale/rotation (as in the CUDA kernel's computeCov3D)
    R = quat_to_rot(rotations)
    S = scales * SCALE_MOD
    M = R * S[:, None, :]
    Sigma = M @ jnp.swapaxes(M, 1, 2) + 1e-8 * jnp.eye(3, dtype=jnp.float32)
    SigInv = jnp.linalg.inv(Sigma)
    # nearest voxel index per gaussian (index math is constant wrt grads)
    base = jnp.round((means3D - gmin) / vx).astype(jnp.int32)  # [N,3]
    r = K // 2
    offs = jnp.stack(jnp.meshgrid(jnp.arange(-r, r + 1), jnp.arange(-r, r + 1), jnp.arange(-r, r + 1), indexing='ij'), axis=-1).reshape(-1, 3).astype(jnp.int32)  # [K^3,3]
    idx = base[:, None, :] + offs[None, :, :]  # [N,K^3,3]
    valid = jnp.all((idx >= 0) & (idx < jnp.array([NX, NY, NZ], dtype=jnp.int32)), axis=-1)
    center = gmin + idx.astype(jnp.float32) * vx
    d = center - means3D[:, None, :]
    power = -0.5 * jnp.einsum('nki,nij,nkj->nk', d, SigInv, d)
    alpha = opacities * jnp.exp(power) * valid.astype(jnp.float32)  # [N,K^3]
    idxc = jnp.clip(idx, 0, jnp.array([NX - 1, NY - 1, NZ - 1], dtype=jnp.int32))
    flat = (idxc[..., 0] * NY + idxc[..., 1]) * NZ + idxc[..., 2]
    fields = jnp.zeros((NX * NY * NZ,), dtype=jnp.float32).at[flat.reshape(-1)].add(alpha.reshape(-1))
    return fields.reshape(NX, NY, NZ)


def reference(means3D, opacities, scales, rotations):
    fields = _voxelize(means3D, opacities, scales, rotations)
    radii = jnp.ceil(3.0 * jnp.max(scales * SCALE_MOD, axis=-1) / (SX / NX)).astype(jnp.int32)
    return fields, radii

if __name__ == "__main__":
    import jax
    _d = setup_inputs()
    print(jax.jit(kernel)(*tuple(_d.values())))

</pallas_src>

<mosaic_0001>
#map = affine_map<(d0, d1) -> (0)>
#map1 = affine_map<(d0, d1) -> (0, 0)>
module attributes {stable_mosaic.version = 14 : i64} {
  func.func @scatter_kernel(%arg0: i32, %arg1: i32, %arg2: memref<5419008xf32, #tpu.memory_space<hbm>>, %arg3: memref<2x5419008xi32, #tpu.memory_space<hbm>>, %arg4: memref<1048576xf32, #tpu.memory_space<hbm>>, %arg5: memref<2097152xf32, #tpu.memory_space<hbm>>, %arg6: memref<1048576xf32, #tpu.memory_space<vmem_shared>>, %arg7: memref<16128xi32, #tpu.memory_space<vmem>>, %arg8: memref<16128xi32, #tpu.memory_space<vmem>>, %arg9: memref<16128xf32, #tpu.memory_space<vmem>>, %arg10: memref<16128xf32, #tpu.memory_space<vmem>>, %arg11: memref<!tpu.dma_semaphore, #tpu.memory_space<semaphore_mem>>, %arg12: memref<!tpu.dma_semaphore, #tpu.memory_space<semaphore_mem>>, %arg13: memref<!tpu.dma_semaphore, #tpu.memory_space<semaphore_mem>>, %arg14: memref<!tpu.dma_semaphore, #tpu.memory_space<semaphore_mem>>) attributes {dimension_semantics = [#tpu.dimension_semantics<core_parallel>, #tpu.dimension_semantics<subcore_parallel>], iteration_bounds = array<i64: 2, 16>, scalar_prefetch = 0 : i64, scratch_operands = 9 : i64, tpu.core_type = #tpu.core_type<sc_vector_subcore>, window_params = [{transform_indices = #map}, {transform_indices = #map1}, {transform_indices = #map}, {transform_indices = #map}]} {
    %mul3A = arith.constant 65536 : i32
    %mul3A_0 = arith.muli %arg1, %mul3A : i32
    %mul3A_1 = arith.constant 65536 : i32
    %mul3A_2 = arith.muli %arg1, %mul3A_1 : i32
    "tpu.region"() ({
      %run_scoped3A = tpu.sem_alloc : memref<!tpu.dma_semaphore, #tpu.memory_space<semaphore_mem>>
      %dma_start3A_514 = tpu.memref_slice %arg6[%mul3A_2] : memref<1048576xf32, #tpu.memory_space<vmem_shared>> -> memref<65536xf32, #tpu.memory_space<vmem_shared>>
      %dma_start3A_515 = tpu.memref_slice %arg4[%mul3A_0] : memref<1048576xf32, #tpu.memory_space<hbm>> -> memref<65536xf32, #tpu.memory_space<hbm>>
      tpu.enqueue_dma source(%dma_start3A_515 : memref<65536xf32, #tpu.memory_space<hbm>>) target(%dma_start3A_514 : memref<65536xf32, #tpu.memory_space<vmem_shared>>) target_semaphore(%run_scoped3A : memref<!tpu.dma_semaphore, #tpu.memory_space<semaphore_mem>>)
      %dma_wait3A_516 = tpu.memref_slice %arg6[%mul3A_2] : memref<1048576xf32, #tpu.memory_space<vmem_shared>> -> memref<65536xf32, #tpu.memory_space<vmem_shared>>
      %dma_wait3A_517 = tpu.memref_slice %arg4[%mul3A_0] : memref<1048576xf32, #tpu.memory_space<hbm>> -> memref<65536xf32, #tpu.memory_space<hbm>>
      tpu.wait_dma2 semaphore(%run_scoped3A : memref<!tpu.dma_semaphore, #tpu.memory_space<semaphore_mem>>) src(%dma_wait3A_517 : memref<65536xf32, #tpu.memory_space<hbm>>) dst(%dma_wait3A_516 : memref<65536xf32, #tpu.memory_space<vmem_shared>>)
      tpu.yield
    }) : () -> ()
    %barrier3A = arith.constant 0 : index
    tpu.barrier barrier_id(%barrier3A)
    %mul3A_3 = arith.constant 338688 : i32
    %mul3A_4 = arith.muli %arg1, %mul3A_3 : i32
    %mul3A_5 = arith.constant 20 : i32
    %mul3A_6 = arith.muli %arg0, %mul3A_5 : i32
    %add3A = arith.constant 0 : i32
    %add3A_7 = arith.addi %add3A, %mul3A_6 : i32
    %mul3A_8 = arith.constant 16128 : i32
    %mul3A_9 = arith.muli %add3A_7, %mul3A_8 : i32
    %add3A_10 = arith.addi %mul3A_4, %mul3A_9 : i32
    %dma_start3A = tpu.memref_slice %arg3[%arg0, %add3A_10] : memref<2x5419008xi32, #tpu.memory_space<hbm>> -> memref<1x16128xi32, #tpu.memory_space<hbm>>
    %dma_start3A_11 = tpu.memref_squeeze %dma_start3A : memref<1x16128xi32, #tpu.memory_space<hbm>> -> memref<16128xi32, #tpu.memory_space<hbm>>
    %dma_start3A_12 = tpu.memref_slice %arg3[%arg0, %add3A_10] : memref<2x5419008xi32, #tpu.memory_space<hbm>> -> memref<1x16128xi32, #tpu.memory_space<hbm>>
    %dma_start3A_13 = tpu.memref_squeeze %dma_start3A_12 : memref<1x16128xi32, #tpu.memory_space<hbm>> -> memref<16128xi32, #tpu.memory_space<hbm>>
    tpu.enqueue_dma source(%dma_start3A_13 : memref<16128xi32, #tpu.memory_space<hbm>>) target(%arg7 : memref<16128xi32, #tpu.memory_space<vmem>>) target_semaphore(%arg11 : memref<!tpu.dma_semaphore, #tpu.memory_space<semaphore_mem>>)
    %dma_start3A_14 = tpu.memref_slice %arg2[%add3A_10] : memref<5419008xf32, #tpu.memory_space<hbm>> -> memref<16128xf32, #tpu.memory_space<hbm>>
    %dma_start3A_15 = tpu.memref_slice %arg2[%add3A_10] : memref<5419008xf32, #tpu.memory_space<hbm>> -> memref<16128xf32, #tpu.memory_space<hbm>>
    tpu.enqueue_dma source(%dma_start3A_15 : memref<16128xf32, #tpu.memory_space<hbm>>) target(%arg9 : memref<16128xf32, #tpu.memory_space<vmem>>) target_semaphore(%arg11 : memref<!tpu.dma_semaphore, #tpu.memory_space<semaphore_mem>>)
    %dma_wait3A = tpu.memref_slice %arg3[%arg0, %add3A_10] : memref<2x5419008xi32, #tpu.memory_space<hbm>> -> memref<1x16128xi32, #tpu.memory_space<hbm>>
    %dma_wait3A_16 = tpu.memref_squeeze %dma_wait3A : memref<1x16128xi32, #tpu.memory_space<hbm>> -> memref<16128xi32, #tpu.memory_space<hbm>>
    %dma_wait3A_17 = tpu.memref_slice %arg3[%arg0, %add3A_10] : memref<2x5419008xi32, #tpu.memory_space<hbm>> -> memref<1x16128xi32, #tpu.memory_space<hbm>>
    %dma_wait3A_18 = tpu.memref_squeeze %dma_wait3A_17 : memref<1x16128xi32, #tpu.memory_space<hbm>> -> memref<16128xi32, #tpu.memory_space<hbm>>
    tpu.wait_dma2 semaphore(%arg11 : memref<!tpu.dma_semaphore, #tpu.memory_space<semaphore_mem>>) src(%dma_wait3A_18 : memref<16128xi32, #tpu.memory_space<hbm>>) dst(%arg7 : memref<16128xi32, #tpu.memory_space<vmem>>)
    %dma_wait3A_19 = tpu.memref_slice %arg2[%add3A_10] : memref<5419008xf32, #tpu.memory_space<hbm>> -> memref<16128xf32, #tpu.memory_space<hbm>>
    %dma_wait3A_20 = tpu.memref_slice %arg2[%add3A_10] : memref<5419008xf32, #tpu.memory_space<hbm>> -> memref<16128xf32, #tpu.memory_space<hbm>>
    tpu.wait_dma2 semaphore(%arg11 : memref<!tpu.dma_semaphore, #tpu.memory_space<semaphore_mem>>) src(%dma_wait3A_20 : memref<16128xf32, #tpu.memory_space<hbm>>) dst(%arg9 : memref<16128xf32, #tpu.memory_space<vmem>>)
    %mul3A_21 = arith.constant 18 : i32
    %mul3A_22 = arith.muli %arg0, %mul3A_21 : i32
    %add3A_23 = arith.constant 1 : i32
    %add3A_24 = arith.addi %add3A_23, %mul3A_22 : i32
    %mul3A_25 = arith.constant 16128 : i32
    %mul3A_26 = arith.muli %add3A_24, %mul3A_25 : i32
    %add3A_27 = arith.addi %mul3A_4, %mul3A_26 : i32
    %dma_start3A_28 = tpu.memref_slice %arg3[%arg0, %add3A_27] : memref<2x5419008xi32, #tpu.memory_space<hbm>> -> memref<1x16128xi32, #tpu.memory_space<hbm>>
    %dma_start3A_29 = tpu.memref_squeeze %dma_start3A_28 : memref<1x16128xi32, #tpu.memory_space<hbm>> -> memref<16128xi32, #tpu.memory_space<hbm>>
    %dma_start3A_30 = tpu.memref_slice %arg3[%arg0, %add3A_27] : memref<2x5419008xi32, #tpu.memory_space<hbm>> -> memref<1x16128xi32, #tpu.memory_space<hbm>>
    %dma_start3A_31 = tpu.memref_squeeze %dma_start3A_30 : memref<1x16128xi32, #tpu.memory_space<hbm>> -> memref<16128xi32, #tpu.memory_space<hbm>>
    tpu.enqueue_dma source(%dma_start3A_31 : memref<16128xi32, #tpu.memory_space<hbm>>) target(%arg8 : memref<16128xi32, #tpu.memory_space<vmem>>) target_semaphore(%arg12 : memref<!tpu.dma_semaphore, #tpu.memory_space<semaphore_mem>>)
    %dma_start3A_32 = tpu.memref_slice %arg2[%add3A_27] : memref<5419008xf32, #tpu.memory_space<hbm>> -> memref<16128xf32, #tpu.memory_space<hbm>>
    %dma_start3A_33 = tpu.memref_slice %arg2[%add3A_27] : memref<5419008xf32, #tpu.memory_space<hbm>> -> memref<16128xf32, #tpu.memory_space<hbm>>
    tpu.enqueue_dma source(%dma_start3A_33 : memref<16128xf32, #tpu.memory_space<hbm>>) target(%arg10 : memref<16128xf32, #tpu.memory_space<vmem>>) target_semaphore(%arg12 : memref<!tpu.dma_semaphore, #tpu.memory_space<semaphore_mem>>)
    %dma_start3A_34 = arith.constant 0 : i32
    %dma_start3A_35 = tpu.memref_slice %arg6[%dma_start3A_34] : memref<1048576xf32, #tpu.memory_space<vmem_shared>> -> memref<1048576xf32, #tpu.memory_space<vmem_shared>>
    %dma_start3A_36 = arith.constant -1 : i32
    tpu.enqueue_indirect_dma source(%arg9 : memref<16128xf32, #tpu.memory_space<vmem>>) target(%dma_start3A_35 : memref<1048576xf32, #tpu.memory_space<vmem_shared>>) offsets(%arg7 : memref<16128xi32, #tpu.memory_space<vmem>>) offset_filter(%dma_start3A_36) semaphore(%arg13 : memref<!tpu.dma_semaphore, #tpu.memory_space<semaphore_mem>>) {add = true}
    %dma_wait3A_37 = tpu.memref_slice %arg3[%arg0, %add3A_27] : memref<2x5419008xi32, #tpu.memory_space<hbm>> -> memref<1x16128xi32, #tpu.memory_space<hbm>>
    %dma_wait3A_38 = tpu.memref_squeeze %dma_wait3A_37 : memref<1x16128xi32, #tpu.memory_space<hbm>> -> memref<16128xi32, #tpu.memory_space<hbm>>
    %dma_wait3A_39 = tpu.memref_slice %arg3[%arg0, %add3A_27] : memref<2x5419008xi32, #tpu.memory_space<hbm>> -> memref<1x16128xi32, #tpu.memory_space<hbm>>
    %dma_wait3A_40 = tpu.memref_squeeze %dma_wait3A_39 : memref<1x16128xi32, #tpu.memory_space<hbm>> -> memref<16128xi32, #tpu.memory_space<hbm>>
    tpu.wait_dma2 semaphore(%arg12 : memref<!tpu.dma_semaphore, #tpu.memory_space<semaphore_mem>>) src(%dma_wait3A_40 : memref<16128xi32, #tpu.memory_space<hbm>>) dst(%arg8 : memref<16128xi32, #tpu.memory_space<vmem>>)
    %dma_wait3A_41 = tpu.memref_slice %arg2[%add3A_27] : memref<5419008xf32, #tpu.memory_space<hbm>> -> memref<16128xf32, #tpu.memory_space<hbm>>
    %dma_wait3A_42 = tpu.memref_slice %arg2[%add3A_27] : memref<5419008xf32, #tpu.memory_space<hbm>> -> memref<16128xf32, #tpu.memory_space<hbm>>
    tpu.wait_dma2 semaphore(%arg12 : memref<!tpu.dma_semaphore, #tpu.memory_space<semaphore_mem>>) src(%dma_wait3A_42 : memref<16128xf32, #tpu.memory_space<hbm>>) dst(%arg10 : memref<16128xf32, #tpu.memory_space<vmem>>)
    %dma_wait3A_43 = arith.constant 0 : i32
    %dma_wait3A_44 = tpu.memref_slice %arg6[%dma_wait3A_43] : memref<1048576xf32, #tpu.memory_space<vmem_shared>> -> memref<1048576xf32, #tpu.memory_space<vmem_shared>>
    tpu.wait_indirect_dma semaphore(%arg13 : memref<!tpu.dma_semaphore, #tpu.memory_space<semaphore_mem>>) src(%arg9 : memref<16128xf32, #tpu.memory_space<vmem>>) dst(%dma_wait3A_44 : memref<1048576xf32, #tpu.memory_space<vmem_shared>>)
    %mul3A_45 = arith.constant 16 : i32
    %mul3A_46 = arith.muli %arg0, %mul3A_45 : i32
    %add3A_47 = arith.constant 2 : i32
    %add3A_48 = arith.addi %add3A_47, %mul3A_46 : i32
    %mul3A_49 = arith.constant 16128 : i32
    %mul3A_50 = arith.muli %add3A_48, %mul3A_49 : i32
    %add3A_51 = arith.addi %mul3A_4, %mul3A_50 : i32
    %dma_start3A_52 = tpu.memref_slice %arg3[%arg0, %add3A_51] : memref<2x5419008xi32, #tpu.memory_space<hbm>> -> memref<1x16128xi32, #tpu.memory_space<hbm>>
    %dma_start3A_53 = tpu.memref_squeeze %dma_start3A_52 : memref<1x16128xi32, #tpu.memory_space<hbm>> -> memref<16128xi32, #tpu.memory_space<hbm>>
    %dma_start3A_54 = tpu.memref_slice %arg3[%arg0, %add3A_51] : memref<2x5419008xi32, #tpu.memory_space<hbm>> -> memref<1x16128xi32, #tpu.memory_space<hbm>>
    %dma_start3A_55 = tpu.memref_squeeze %dma_start3A_54 : memref<1x16128xi32, #tpu.memory_space<hbm>> -> memref<16128xi32, #tpu.memory_space<hbm>>
    tpu.enqueue_dma source(%dma_start3A_55 : memref<16128xi32, #tpu.memory_space<hbm>>) target(%arg7 : memref<16128xi32, #tpu.memory_space<vmem>>) target_semaphore(%arg11 : memref<!tpu.dma_semaphore, #tpu.memory_space<semaphore_mem>>)
    %dma_start3A_56 = tpu.memref_slice %arg2[%add3A_51] : memref<5419008xf32, #tpu.memory_space<hbm>> -> memref<16128xf32, #tpu.memory_space<hbm>>
    %dma_start3A_57 = tpu.memref_slice %arg2[%add3A_51] : memref<5419008xf32, #tpu.memory_space<hbm>> -> memref<16128xf32, #tpu.memory_space<hbm>>
    tpu.enqueue_dma source(%dma_start3A_57 : memref<16128xf32, #tpu.memory_space<hbm>>) target(%arg9 : memref<16128xf32, #tpu.memory_space<vmem>>) target_semaphore(%arg11 : memref<!tpu.dma_semaphore, #tpu.memory_space<semaphore_mem>>)
    %dma_start3A_58 = arith.constant 0 : i32
    %dma_start3A_59 = tpu.memref_slice %arg6[%dma_start3A_58] : memref<1048576xf32, #tpu.memory_space<vmem_shared>> -> memref<1048576xf32, #tpu.memory_space<vmem_shared>>
    %dma_start3A_60 = arith.constant -1 : i32
    tpu.enqueue_indirect_dma source(%arg10 : memref<16128xf32, #tpu.memory_space<vmem>>) target(%dma_start3A_59 : memref<1048576xf32, #tpu.memory_space<vmem_shared>>) offsets(%arg8 : memref<16128xi32, #tpu.memory_space<vmem>>) offset_filter(%dma_start3A_60) semaphore(%arg14 : memref<!tpu.dma_semaphore, #tpu.memory_space<semaphore_mem>>) {add = true}
    %dma_wait3A_61 = tpu.memref_slice %arg3[%arg0, %add3A_51] : memref<2x5419008xi32, #tpu.memory_space<hbm>> -> memref<1x16128xi32, #tpu.memory_space<hbm>>
    %dma_wait3A_62 = tpu.memref_squeeze %dma_wait3A_61 : memref<1x16128xi32, #tpu.memory_space<hbm>> -> memref<16128xi32, #tpu.memory_space<hbm>>
    %dma_wait3A_63 = tpu.memref_slice %arg3[%arg0, %add3A_51] : memref<2x5419008xi32, #tpu.memory_space<hbm>> -> memref<1x16128xi32, #tpu.memory_space<hbm>>
    %dma_wait3A_64 = tpu.memref_squeeze %dma_wait3A_63 : memref<1x16128xi32, #tpu.memory_space<hbm>> -> memref<16128xi32, #tpu.memory_space<hbm>>
    tpu.wait_dma2 semaphore(%arg11 : memref<!tpu.dma_semaphore, #tpu.memory_space<semaphore_mem>>) src(%dma_wait3A_64 : memref<16128xi32, #tpu.memory_space<hbm>>) dst(%arg7 : memref<16128xi32, #tpu.memory_space<vmem>>)
    %dma_wait3A_65 = tpu.memref_slice %arg2[%add3A_51] : memref<5419008xf32, #tpu.memory_space<hbm>> -> memref<16128xf32, #tpu.memory_space<hbm>>
    %dma_wait3A_66 = tpu.memref_slice %arg2[%add3A_51] : memref<5419008xf32, #tpu.memory_space<hbm>> -> memref<16128xf32, #tpu.memory_space<hbm>>
    tpu.wait_dma2 semaphore(%arg11 : memref<!tpu.dma_semaphore, #tpu.memory_space<semaphore_mem>>) src(%dma_wait3A_66 : memref<16128xf32, #tpu.memory_space<hbm>>) dst(%arg9 : memref<16128xf32, #tpu.memory_space<vmem>>)
    %dma_wait3A_67 = arith.constant 0 : i32
    %dma_wait3A_68 = tpu.memref_slice %arg6[%dma_wait3A_67] : memref<1048576xf32, #tpu.memory_space<vmem_shared>> -> memref<1048576xf32, #tpu.memory_space<vmem_shared>>
    tpu.wait_indirect_dma semaphore(%arg14 : memref<!tpu.dma_semaphore, #tpu.memory_space<semaphore_mem>>) src(%arg10 : memref<16128xf32, #tpu.memory_space<vmem>>) dst(%dma_wait3A_68 : memref<1048576xf32, #tpu.memory_space<vmem_shared>>)
    %mul3A_69 = arith.constant 14 : i32
    %mul3A_70 = arith.muli %arg0, %mul3A_69 : i32
    %add3A_71 = arith.constant 3 : i32
    %add3A_72 = arith.addi %add3A_71, %mul3A_70 : i32
    %mul3A_73 = arith.constant 16128 : i32
    %mul3A_74 = arith.muli %add3A_72, %mul3A_73 : i32
    %add3A_75 = arith.addi %mul3A_4, %mul3A_74 : i32
    %dma_start3A_76 = tpu.memref_slice %arg3[%arg0, %add3A_75] : memref<2x5419008xi32, #tpu.memory_space<hbm>> -> memref<1x16128xi32, #tpu.memory_space<hbm>>
    %dma_start3A_77 = tpu.memref_squeeze %dma_start3A_76 : memref<1x16128xi32, #tpu.memory_space<hbm>> -> memref<16128xi32, #tpu.memory_space<hbm>>
    %dma_start3A_78 = tpu.memref_slice %arg3[%arg0, %add3A_75] : memref<2x5419008xi32, #tpu.memory_space<hbm>> -> memref<1x16128xi32, #tpu.memory_space<hbm>>
    %dma_start3A_79 = tpu.memref_squeeze %dma_start3A_78 : memref<1x16128xi32, #tpu.memory_space<hbm>> -> memref<16128xi32, #tpu.memory_space<hbm>>
    tpu.enqueue_dma source(%dma_start3A_79 : memref<16128xi32, #tpu.memory_space<hbm>>) target(%arg8 : memref<16128xi32, #tpu.memory_space<vmem>>) target_semaphore(%arg12 : memref<!tpu.dma_semaphore, #tpu.memory_space<semaphore_mem>>)
    %dma_start3A_80 = tpu.memref_slice %arg2[%add3A_75] : memref<5419008xf32, #tpu.memory_space<hbm>> -> memref<16128xf32, #tpu.memory_space<hbm>>
    %dma_start3A_81 = tpu.memref_slice %arg2[%add3A_75] : memref<5419008xf32, #tpu.memory_space<hbm>> -> memref<16128xf32, #tpu.memory_space<hbm>>
    tpu.enqueue_dma source(%dma_start3A_81 : memref<16128xf32, #tpu.memory_space<hbm>>) target(%arg10 : memref<16128xf32, #tpu.memory_space<vmem>>) target_semaphore(%arg12 : memref<!tpu.dma_semaphore, #tpu.memory_space<semaphore_mem>>)
    %dma_start3A_82 = arith.constant 0 : i32
    %dma_start3A_83 = tpu.memref_slice %arg6[%dma_start3A_82] : memref<1048576xf32, #tpu.memory_space<vmem_shared>> -> memref<1048576xf32, #tpu.memory_space<vmem_shared>>
    %dma_start3A_84 = arith.constant -1 : i32
    tpu.enqueue_indirect_dma source(%arg9 : memref<16128xf32, #tpu.memory_space<vmem>>) target(%dma_start3A_83 : memref<1048576xf32, #tpu.memory_space<vmem_shared>>) offsets(%arg7 : memref<16128xi32, #tpu.memory_space<vmem>>) offset_filter(%dma_start3A_84) semaphore(%arg13 : memref<!tpu.dma_semaphore, #tpu.memory_space<semaphore_mem>>) {add = true}
    %dma_wait3A_85 = tpu.memref_slice %arg3[%arg0, %add3A_75] : memref<2x5419008xi32, #tpu.memory_space<hbm>> -> memref<1x16128xi32, #tpu.memory_space<hbm>>
    %dma_wait3A_86 = tpu.memref_squeeze %dma_wait3A_85 : memref<1x16128xi32, #tpu.memory_space<hbm>> -> memref<16128xi32, #tpu.memory_space<hbm>>
    %dma_wait3A_87 = tpu.memref_slice %arg3[%arg0, %add3A_75] : memref<2x5419008xi32, #tpu.memory_space<hbm>> -> memref<1x16128xi32, #tpu.memory_space<hbm>>
    %dma_wait3A_88 = tpu.memref_squeeze %dma_wait3A_87 : memref<1x16128xi32, #tpu.memory_space<hbm>> -> memref<16128xi32, #tpu.memory_space<hbm>>
    tpu.wait_dma2 semaphore(%arg12 : memref<!tpu.dma_semaphore, #tpu.memory_space<semaphore_mem>>) src(%dma_wait3A_88 : memref<16128xi32, #tpu.memory_space<hbm>>) dst(%arg8 : memref<16128xi32, #tpu.memory_space<vmem>>)
    %dma_wait3A_89 = tpu.memref_slice %arg2[%add3A_75] : memref<5419008xf32, #tpu.memory_space<hbm>> -> memref<16128xf32, #tpu.memory_space<hbm>>
    %dma_wait3A_90 = tpu.memref_slice %arg2[%add3A_75] : memref<5419008xf32, #tpu.memory_space<hbm>> -> memref<16128xf32, #tpu.memory_space<hbm>>
    tpu.wait_dma2 semaphore(%arg12 : memref<!tpu.dma_semaphore, #tpu.memory_space<semaphore_mem>>) src(%dma_wait3A_90 : memref<16128xf32, #tpu.memory_space<hbm>>) dst(%arg10 : memref<16128xf32, #tpu.memory_space<vmem>>)
    %dma_wait3A_91 = arith.constant 0 : i32
    %dma_wait3A_92 = tpu.memref_slice %arg6[%dma_wait3A_91] : memref<1048576xf32, #tpu.memory_space<vmem_shared>> -> memref<1048576xf32, #tpu.memory_space<vmem_shared>>
    tpu.wait_indirect_dma semaphore(%arg13 : memref<!tpu.dma_semaphore, #tpu.memory_space<semaphore_mem>>) src(%arg9 : memref<16128xf32, #tpu.memory_space<vmem>>) dst(%dma_wait3A_92 : memref<1048576xf32, #tpu.memory_space<vmem_shared>>)
    %mul3A_93 = arith.constant 12 : i32
    %mul3A_94 = arith.muli %arg0, %mul3A_93 : i32
    %add3A_95 = arith.constant 4 : i32
    %add3A_96 = arith.addi %add3A_95, %mul3A_94 : i32
    %mul3A_97 = arith.constant 16128 : i32
    %mul3A_98 = arith.muli %add3A_96, %mul3A_97 : i32
    %add3A_99 = arith.addi %mul3A_4, %mul3A_98 : i32
    %dma_start3A_100 = tpu.memref_slice %arg3[%arg0, %add3A_99] : memref<2x5419008xi32, #tpu.memory_space<hbm>> -> memref<1x16128xi32, #tpu.memory_space<hbm>>
    %dma_start3A_101 = tpu.memref_squeeze %dma_start3A_100 : memref<1x16128xi32, #tpu.memory_space<hbm>> -> memref<16128xi32, #tpu.memory_space<hbm>>
    %dma_start3A_102 = tpu.memref_slice %arg3[%arg0, %add3A_99] : memref<2x5419008xi32, #tpu.memory_space<hbm>> -> memref<1x16128xi32, #tpu.memory_space<hbm>>
    %dma_start3A_103 = tpu.memref_squeeze %dma_start3A_102 : memref<1x16128xi32, #tpu.memory_space<hbm>> -> memref<16128xi32, #tpu.memory_space<hbm>>
    tpu.enqueue_dma source(%dma_start3A_103 : memref<16128xi32, #tpu.memory_space<hbm>>) target(%arg7 : memref<16128xi32, #tpu.memory_space<vmem>>) target_semaphore(%arg11 : memref<!tpu.dma_semaphore, #tpu.memory_space<semaphore_mem>>)
    %dma_start3A_104 = tpu.memref_slice %arg2[%add3A_99] : memref<5419008xf32, #tpu.memory_space<hbm>> -> memref<16128xf32, #tpu.memory_space<hbm>>
    %dma_start3A_105 = tpu.memref_slice %arg2[%add3A_99] : memref<5419008xf32, #tpu.memory_space<hbm>> -> memref<16128xf32, #tpu.memory_space<hbm>>
    tpu.enqueue_dma source(%dma_start3A_105 : memref<16128xf32, #tpu.memory_space<hbm>>) target(%arg9 : memref<16128xf32, #tpu.memory_space<vmem>>) target_semaphore(%arg11 : memref<!tpu.dma_semaphore, #tpu.memory_space<semaphore_mem>>)
    %dma_start3A_106 = arith.constant 0 : i32
    %dma_start3A_107 = tpu.memref_slice %arg6[%dma_start3A_106] : memref<1048576xf32, #tpu.memory_space<vmem_shared>> -> memref<1048576xf32, #tpu.memory_space<vmem_shared>>
    %dma_start3A_108 = arith.constant -1 : i32
    tpu.enqueue_indirect_dma source(%arg10 : memref<16128xf32, #tpu.memory_space<vmem>>) target(%dma_start3A_107 : memref<1048576xf32, #tpu.memory_space<vmem_shared>>) offsets(%arg8 : memref<16128xi32, #tpu.memory_space<vmem>>) offset_filter(%dma_start3A_108) semaphore(%arg14 : memref<!tpu.dma_semaphore, #tpu.memory_space<semaphore_mem>>) {add = true}
    %dma_wait3A_109 = tpu.memref_slice %arg3[%arg0, %add3A_99] : memref<2x5419008xi32, #tpu.memory_space<hbm>> -> memref<1x16128xi32, #tpu.memory_space<hbm>>
    %dma_wait3A_110 = tpu.memref_squeeze %dma_wait3A_109 : memref<1x16128xi32, #tpu.memory_space<hbm>> -> memref<16128xi32, #tpu.memory_space<hbm>>
    %dma_wait3A_111 = tpu.memref_slice %arg3[%arg0, %add3A_99] : memref<2x5419008xi32, #tpu.memory_space<hbm>> -> memref<1x16128xi32, #tpu.memory_space<hbm>>
    %dma_wait3A_112 = tpu.memref_squeeze %dma_wait3A_111 : memref<1x16128xi32, #tpu.memory_space<hbm>> -> memref<16128xi32, #tpu.memory_space<hbm>>
    tpu.wait_dma2 semaphore(%arg11 : memref<!tpu.dma_semaphore, #tpu.memory_space<semaphore_mem>>) src(%dma_wait3A_112 : memref<16128xi32, #tpu.memory_space<hbm>>) dst(%arg7 : memref<16128xi32, #tpu.memory_space<vmem>>)
    %dma_wait3A_113 = tpu.memref_slice %arg2[%add3A_99] : memref<5419008xf32, #tpu.memory_space<hbm>> -> memref<16128xf32, #tpu.memory_space<hbm>>
    %dma_wait3A_114 = tpu.memref_slice %arg2[%add3A_99] : memref<5419008xf32, #tpu.memory_space<hbm>> -> memref<16128xf32, #tpu.memory_space<hbm>>
    tpu.wait_dma2 semaphore(%arg11 : memref<!tpu.dma_semaphore, #tpu.memory_space<semaphore_mem>>) src(%dma_wait3A_114 : memref<16128xf32, #tpu.memory_space<hbm>>) dst(%arg9 : memref<16128xf32, #tpu.memory_space<vmem>>)
    %dma_wait3A_115 = arith.constant 0 : i32
    %dma_wait3A_116 = tpu.memref_slice %arg6[%dma_wait3A_115] : memref<1048576xf32, #tpu.memory_space<vmem_shared>> -> memref<1048576xf32, #tpu.memory_space<vmem_shared>>
    tpu.wait_indirect_dma semaphore(%arg14 : memref<!tpu.dma_semaphore, #tpu.memory_space<semaphore_mem>>) src(%arg10 : memref<16128xf32, #tpu.memory_space<vmem>>) dst(%dma_wait3A_116 : memref<1048576xf32, #tpu.memory_space<vmem_shared>>)
    %mul3A_117 = arith.constant 10 : i32
    %mul3A_118 = arith.muli %arg0, %mul3A_117 : i32
    %add3A_119 = arith.constant 5 : i32
    %add3A_120 = arith.addi %add3A_119, %mul3A_118 : i32
    %mul3A_121 = arith.constant 16128 : i32
    %mul3A_122 = arith.muli %add3A_120, %mul3A_121 : i32
    %add3A_123 = arith.addi %mul3A_4, %mul3A_122 : i32
    %dma_start3A_124 = tpu.memref_slice %arg3[%arg0, %add3A_123] : memref<2x5419008xi32, #tpu.memory_space<hbm>> -> memref<1x16128xi32, #tpu.memory_space<hbm>>
    %dma_start3A_125 = tpu.memref_squeeze %dma_start3A_124 : memref<1x16128xi32, #tpu.memory_space<hbm>> -> memref<16128xi32, #tpu.memory_space<hbm>>
    %dma_start3A_126 = tpu.memref_slice %arg3[%arg0, %add3A_123] : memref<2x5419008xi32, #tpu.memory_space<hbm>> -> memref<1x16128xi32, #tpu.memory_space<hbm>>
    %dma_start3A_127 = tpu.memref_squeeze %dma_start3A_126 : memref<1x16128xi32, #tpu.memory_space<hbm>> -> memref<16128xi32, #tpu.memory_space<hbm>>
    tpu.enqueue_dma source(%dma_start3A_127 : memref<16128xi32, #tpu.memory_space<hbm>>) target(%arg8 : memref<16128xi32, #tpu.memory_space<vmem>>) target_semaphore(%arg12 : memref<!tpu.dma_semaphore, #tpu.memory_space<semaphore_mem>>)
    %dma_start3A_128 = tpu.memref_slice %arg2[%add3A_123] : memref<5419008xf32, #tpu.memory_space<hbm>> -> memref<16128xf32, #tpu.memory_space<hbm>>
    %dma_start3A_129 = tpu.memref_slice %arg2[%add3A_123] : memref<5419008xf32, #tpu.memory_space<hbm>> -> memref<16128xf32, #tpu.memory_space<hbm>>
    tpu.enqueue_dma source(%dma_start3A_129 : memref<16128xf32, #tpu.memory_space<hbm>>) target(%arg10 : memref<16128xf32, #tpu.memory_space<vmem>>) target_semaphore(%arg12 : memref<!tpu.dma_semaphore, #tpu.memory_space<semaphore_mem>>)
    %dma_start3A_130 = arith.constant 0 : i32
    %dma_start3A_131 = tpu.memref_slice %arg6[%dma_start3A_130] : memref<1048576xf32, #tpu.memory_space<vmem_shared>> -> memref<1048576xf32, #tpu.memory_space<vmem_shared>>
    %dma_start3A_132 = arith.constant -1 : i32
    tpu.enqueue_indirect_dma source(%arg9 : memref<16128xf32, #tpu.memory_space<vmem>>) target(%dma_start3A_131 : memref<1048576xf32, #tpu.memory_space<vmem_shared>>) offsets(%arg7 : memref<16128xi32, #tpu.memory_space<vmem>>) offset_filter(%dma_start3A_132) semaphore(%arg13 : memref<!tpu.dma_semaphore, #tpu.memory_space<semaphore_mem>>) {add = true}
    %dma_wait3A_133 = tpu.memref_slice %arg3[%arg0, %add3A_123] : memref<2x5419008xi32, #tpu.memory_space<hbm>> -> memref<1x16128xi32, #tpu.memory_space<hbm>>
    %dma_wait3A_134 = tpu.memref_squeeze %dma_wait3A_133 : memref<1x16128xi32, #tpu.memory_space<hbm>> -> memref<16128xi32, #tpu.memory_space<hbm>>
    %dma_wait3A_135 = tpu.memref_slice %arg3[%arg0, %add3A_123] : memref<2x5419008xi32, #tpu.memory_space<hbm>> -> memref<1x16128xi32, #tpu.memory_space<hbm>>
    %dma_wait3A_136 = tpu.memref_squeeze %dma_wait3A_135 : memref<1x16128xi32, #tpu.memory_space<hbm>> -> memref<16128xi32, #tpu.memory_space<hbm>>
    tpu.wait_dma2 semaphore(%arg12 : memref<!tpu.dma_semaphore, #tpu.memory_space<semaphore_mem>>) src(%dma_wait3A_136 : memref<16128xi32, #tpu.memory_space<hbm>>) dst(%arg8 : memref<16128xi32, #tpu.memory_space<vmem>>)
    %dma_wait3A_137 = tpu.memref_slice %arg2[%add3A_123] : memref<5419008xf32, #tpu.memory_space<hbm>> -> memref<16128xf32, #tpu.memory_space<hbm>>
    %dma_wait3A_138 = tpu.memref_slice %arg2[%add3A_123] : memref<5419008xf32, #tpu.memory_space<hbm>> -> memref<16128xf32, #tpu.memory_space<hbm>>
    tpu.wait_dma2 semaphore(%arg12 : memref<!tpu.dma_semaphore, #tpu.memory_space<semaphore_mem>>) src(%dma_wait3A_138 : memref<16128xf32, #tpu.memory_space<hbm>>) dst(%arg10 : memref<16128xf32, #tpu.memory_space<vmem>>)
    %dma_wait3A_139 = arith.constant 0 : i32
    %dma_wait3A_140 = tpu.memref_slice %arg6[%dma_wait3A_139] : memref<1048576xf32, #tpu.memory_space<vmem_shared>> -> memref<1048576xf32, #tpu.memory_space<vmem_shared>>
    tpu.wait_indirect_dma semaphore(%arg13 : memref<!tpu.dma_semaphore, #tpu.memory_space<semaphore_mem>>) src(%arg9 : memref<16128xf32, #tpu.memory_space<vmem>>) dst(%dma_wait3A_140 : memref<1048576xf32, #tpu.memory_space<vmem_shared>>)
    %mul3A_141 = arith.constant 8 : i32
    %mul3A_142 = arith.muli %arg0, %mul3A_141 : i32
    %add3A_143 = arith.constant 6 : i32
    %add3A_144 = arith.addi %add3A_143, %mul3A_142 : i32
    %mul3A_145 = arith.constant 16128 : i32
    %mul3A_146 = arith.muli %add3A_144, %mul3A_145 : i32
    %add3A_147 = arith.addi %mul3A_4, %mul3A_146 : i32
    %dma_start3A_148 = tpu.memref_slice %arg3[%arg0, %add3A_147] : memref<2x5419008xi32, #tpu.memory_space<hbm>> -> memref<1x16128xi32, #tpu.memory_space<hbm>>
    %dma_start3A_149 = tpu.memref_squeeze %dma_start3A_148 : memref<1x16128xi32, #tpu.memory_space<hbm>> -> memref<16128xi32, #tpu.memory_space<hbm>>
    %dma_start3A_150 = tpu.memref_slice %arg3[%arg0, %add3A_147] : memref<2x5419008xi32, #tpu.memory_space<hbm>> -> memref<1x16128xi32, #tpu.memory_space<hbm>>
    %dma_start3A_151 = tpu.memref_squeeze %dma_start3A_150 : memref<1x16128xi32, #tpu.memory_space<hbm>> -> memref<16128xi32, #tpu.memory_space<hbm>>
    tpu.enqueue_dma source(%dma_start3A_151 : memref<16128xi32, #tpu.memory_space<hbm>>) target(%arg7 : memref<16128xi32, #tpu.memory_space<vmem>>) target_semaphore(%arg11 : memref<!tpu.dma_semaphore, #tpu.memory_space<semaphore_mem>>)
    %dma_start3A_152 = tpu.memref_slice %arg2[%add3A_147] : memref<5419008xf32, #tpu.memory_space<hbm>> -> memref<16128xf32, #tpu.memory_space<hbm>>
    %dma_start3A_153 = tpu.memref_slice %arg2[%add3A_147] : memref<5419008xf32, #tpu.memory_space<hbm>> -> memref<16128xf32, #tpu.memory_space<hbm>>
    tpu.enqueue_dma source(%dma_start3A_153 : memref<16128xf32, #tpu.memory_space<hbm>>) target(%arg9 : memref<16128xf32, #tpu.memory_space<vmem>>) target_semaphore(%arg11 : memref<!tpu.dma_semaphore, #tpu.memory_space<semaphore_mem>>)
    %dma_start3A_154 = arith.constant 0 : i32
    %dma_start3A_155 = tpu.memref_slice %arg6[%dma_start3A_154] : memref<1048576xf32, #tpu.memory_space<vmem_shared>> -> memref<1048576xf32, #tpu.memory_space<vmem_shared>>
    %dma_start3A_156 = arith.constant -1 : i32
    tpu.enqueue_indirect_dma source(%arg10 : memref<16128xf32, #tpu.memory_space<vmem>>) target(%dma_start3A_155 : memref<1048576xf32, #tpu.memory_space<vmem_shared>>) offsets(%arg8 : memref<16128xi32, #tpu.memory_space<vmem>>) offset_filter(%dma_start3A_156) semaphore(%arg14 : memref<!tpu.dma_semaphore, #tpu.memory_space<semaphore_mem>>) {add = true}
    %dma_wait3A_157 = tpu.memref_slice %arg3[%arg0, %add3A_147] : memref<2x5419008xi32, #tpu.memory_space<hbm>> -> memref<1x16128xi32, #tpu.memory_space<hbm>>
    %dma_wait3A_158 = tpu.memref_squeeze %dma_wait3A_157 : memref<1x16128xi32, #tpu.memory_space<hbm>> -> memref<16128xi32, #tpu.memory_space<hbm>>
    %dma_wait3A_159 = tpu.memref_slice %arg3[%arg0, %add3A_147] : memref<2x5419008xi32, #tpu.memory_space<hbm>> -> memref<1x16128xi32, #tpu.memory_space<hbm>>
    %dma_wait3A_160 = tpu.memref_squeeze %dma_wait3A_159 : memref<1x16128xi32, #tpu.memory_space<hbm>> -> memref<16128xi32, #tpu.memory_space<hbm>>
    tpu.wait_dma2 semaphore(%arg11 : memref<!tpu.dma_semaphore, #tpu.memory_space<semaphore_mem>>) src(%dma_wait3A_160 : memref<16128xi32, #tpu.memory_space<hbm>>) dst(%arg7 : memref<16128xi32, #tpu.memory_space<vmem>>)
    %dma_wait3A_161 = tpu.memref_slice %arg2[%add3A_147] : memref<5419008xf32, #tpu.memory_space<hbm>> -> memref<16128xf32, #tpu.memory_space<hbm>>
    %dma_wait3A_162 = tpu.memref_slice %arg2[%add3A_147] : memref<5419008xf32, #tpu.memory_space<hbm>> -> memref<16128xf32, #tpu.memory_space<hbm>>
    tpu.wait_dma2 semaphore(%arg11 : memref<!tpu.dma_semaphore, #tpu.memory_space<semaphore_mem>>) src(%dma_wait3A_162 : memref<16128xf32, #tpu.memory_space<hbm>>) dst(%arg9 : memref<16128xf32, #tpu.memory_space<vmem>>)
    %dma_wait3A_163 = arith.constant 0 : i32
    %dma_wait3A_164 = tpu.memref_slice %arg6[%dma_wait3A_163] : memref<1048576xf32, #tpu.memory_space<vmem_shared>> -> memref<1048576xf32, #tpu.memory_space<vmem_shared>>
    tpu.wait_indirect_dma semaphore(%arg14 : memref<!tpu.dma_semaphore, #tpu.memory_space<semaphore_mem>>) src(%arg10 : memref<16128xf32, #tpu.memory_space<vmem>>) dst(%dma_wait3A_164 : memref<1048576xf32, #tpu.memory_space<vmem_shared>>)
    %mul3A_165 = arith.constant 6 : i32
    %mul3A_166 = arith.muli %arg0, %mul3A_165 : i32
    %add3A_167 = arith.constant 7 : i32
    %add3A_168 = arith.addi %add3A_167, %mul3A_166 : i32
    %mul3A_169 = arith.constant 16128 : i32
    %mul3A_170 = arith.muli %add3A_168, %mul3A_169 : i32
    %add3A_171 = arith.addi %mul3A_4, %mul3A_170 : i32
    %dma_start3A_172 = tpu.memref_slice %arg3[%arg0, %add3A_171] : memref<2x5419008xi32, #tpu.memory_space<hbm>> -> memref<1x16128xi32, #tpu.memory_space<hbm>>
    %dma_start3A_173 = tpu.memref_squeeze %dma_start3A_172 : memref<1x16128xi32, #tpu.memory_space<hbm>> -> memref<16128xi32, #tpu.memory_space<hbm>>
    %dma_start3A_174 = tpu.memref_slice %arg3[%arg0, %add3A_171] : memref<2x5419008xi32, #tpu.memory_space<hbm>> -> memref<1x16128xi32, #tpu.memory_space<hbm>>
    %dma_start3A_175 = tpu.memref_squeeze %dma_start3A_174 : memref<1x16128xi32, #tpu.memory_space<hbm>> -> memref<16128xi32, #tpu.memory_space<hbm>>
    tpu.enqueue_dma source(%dma_start3A_175 : memref<16128xi32, #tpu.memory_space<hbm>>) target(%arg8 : memref<16128xi32, #tpu.memory_space<vmem>>) target_semaphore(%arg12 : memref<!tpu.dma_semaphore, #tpu.memory_space<semaphore_mem>>)
    %dma_start3A_176 = tpu.memref_slice %arg2[%add3A_171] : memref<5419008xf32, #tpu.memory_space<hbm>> -> memref<16128xf32, #tpu.memory_space<hbm>>
    %dma_start3A_177 = tpu.memref_slice %arg2[%add3A_171] : memref<5419008xf32, #tpu.memory_space<hbm>> -> memref<16128xf32, #tpu.memory_space<hbm>>
    tpu.enqueue_dma source(%dma_start3A_177 : memref<16128xf32, #tpu.memory_space<hbm>>) target(%arg10 : memref<16128xf32, #tpu.memory_space<vmem>>) target_semaphore(%arg12 : memref<!tpu.dma_semaphore, #tpu.memory_space<semaphore_mem>>)
    %dma_start3A_178 = arith.constant 0 : i32
    %dma_start3A_179 = tpu.memref_slice %arg6[%dma_start3A_178] : memref<1048576xf32, #tpu.memory_space<vmem_shared>> -> memref<1048576xf32, #tpu.memory_space<vmem_shared>>
    %dma_start3A_180 = arith.constant -1 : i32
    tpu.enqueue_indirect_dma source(%arg9 : memref<16128xf32, #tpu.memory_space<vmem>>) target(%dma_start3A_179 : memref<1048576xf32, #tpu.memory_space<vmem_shared>>) offsets(%arg7 : memref<16128xi32, #tpu.memory_space<vmem>>) offset_filter(%dma_start3A_180) semaphore(%arg13 : memref<!tpu.dma_semaphore, #tpu.memory_space<semaphore_mem>>) {add = true}
    %dma_wait3A_181 = tpu.memref_slice %arg3[%arg0, %add3A_171] : memref<2x5419008xi32, #tpu.memory_space<hbm>> -> memref<1x16128xi32, #tpu.memory_space<hbm>>
    %dma_wait3A_182 = tpu.memref_squeeze %dma_wait3A_181 : memref<1x16128xi32, #tpu.memory_space<hbm>> -> memref<16128xi32, #tpu.memory_space<hbm>>
    %dma_wait3A_183 = tpu.memref_slice %arg3[%arg0, %add3A_171] : memref<2x5419008xi32, #tpu.memory_space<hbm>> -> memref<1x16128xi32, #tpu.memory_space<hbm>>
    %dma_wait3A_184 = tpu.memref_squeeze %dma_wait3A_183 : memref<1x16128xi32, #tpu.memory_space<hbm>> -> memref<16128xi32, #tpu.memory_space<hbm>>
    tpu.wait_dma2 semaphore(%arg12 : memref<!tpu.dma_semaphore, #tpu.memory_space<semaphore_mem>>) src(%dma_wait3A_184 : memref<16128xi32, #tpu.memory_space<hbm>>) dst(%arg8 : memref<16128xi32, #tpu.memory_space<vmem>>)
    %dma_wait3A_185 = tpu.memref_slice %arg2[%add3A_171] : memref<5419008xf32, #tpu.memory_space<hbm>> -> memref<16128xf32, #tpu.memory_space<hbm>>
    %dma_wait3A_186 = tpu.memref_slice %arg2[%add3A_171] : memref<5419008xf32, #tpu.memory_space<hbm>> -> memref<16128xf32, #tpu.memory_space<hbm>>
    tpu.wait_dma2 semaphore(%arg12 : memref<!tpu.dma_semaphore, #tpu.memory_space<semaphore_mem>>) src(%dma_wait3A_186 : memref<16128xf32, #tpu.memory_space<hbm>>) dst(%arg10 : memref<16128xf32, #tpu.memory_space<vmem>>)
    %dma_wait3A_187 = arith.constant 0 : i32
    %dma_wait3A_188 = tpu.memref_slice %arg6[%dma_wait3A_187] : memref<1048576xf32, #tpu.memory_space<vmem_shared>> -> memref<1048576xf32, #tpu.memory_space<vmem_shared>>
    tpu.wait_indirect_dma semaphore(%arg13 : memref<!tpu.dma_semaphore, #tpu.memory_space<semaphore_mem>>) src(%arg9 : memref<16128xf32, #tpu.memory_space<vmem>>) dst(%dma_wait3A_188 : memref<1048576xf32, #tpu.memory_space<vmem_shared>>)
    %mul3A_189 = arith.constant 4 : i32
    %mul3A_190 = arith.muli %arg0, %mul3A_189 : i32
    %add3A_191 = arith.constant 8 : i32
    %add3A_192 = arith.addi %add3A_191, %mul3A_190 : i32
    %mul3A_193 = arith.constant 16128 : i32
    %mul3A_194 = arith.muli %add3A_192, %mul3A_193 : i32
    %add3A_195 = arith.addi %mul3A_4, %mul3A_194 : i32
    %dma_start3A_196 = tpu.memref_slice %arg3[%arg0, %add3A_195] : memref<2x5419008xi32, #tpu.memory_space<hbm>> -> memref<1x16128xi32, #tpu.memory_space<hbm>>
    %dma_start3A_197 = tpu.memref_squeeze %dma_start3A_196 : memref<1x16128xi32, #tpu.memory_space<hbm>> -> memref<16128xi32, #tpu.memory_space<hbm>>
    %dma_start3A_198 = tpu.memref_slice %arg3[%arg0, %add3A_195] : memref<2x5419008xi32, #tpu.memory_space<hbm>> -> memref<1x16128xi32, #tpu.memory_space<hbm>>
    %dma_start3A_199 = tpu.memref_squeeze %dma_start3A_198 : memref<1x16128xi32, #tpu.memory_space<hbm>> -> memref<16128xi32, #tpu.memory_space<hbm>>
    tpu.enqueue_dma source(%dma_start3A_199 : memref<16128xi32, #tpu.memory_space<hbm>>) target(%arg7 : memref<16128xi32, #tpu.memory_space<vmem>>) target_semaphore(%arg11 : memref<!tpu.dma_semaphore, #tpu.memory_space<semaphore_mem>>)
    %dma_start3A_200 = tpu.memref_slice %arg2[%add3A_195] : memref<5419008xf32, #tpu.memory_space<hbm>> -> memref<16128xf32, #tpu.memory_space<hbm>>
    %dma_start3A_201 = tpu.memref_slice %arg2[%add3A_195] : memref<5419008xf32, #tpu.memory_space<hbm>> -> memref<16128xf32, #tpu.memory_space<hbm>>
    tpu.enqueue_dma source(%dma_start3A_201 : memref<16128xf32, #tpu.memory_space<hbm>>) target(%arg9 : memref<16128xf32, #tpu.memory_space<vmem>>) target_semaphore(%arg11 : memref<!tpu.dma_semaphore, #tpu.memory_space<semaphore_mem>>)
    %dma_start3A_202 = arith.constant 0 : i32
    %dma_start3A_203 = tpu.memref_slice %arg6[%dma_start3A_202] : memref<1048576xf32, #tpu.memory_space<vmem_shared>> -> memref<1048576xf32, #tpu.memory_space<vmem_shared>>
    %dma_start3A_204 = arith.constant -1 : i32
    tpu.enqueue_indirect_dma source(%arg10 : memref<16128xf32, #tpu.memory_space<vmem>>) target(%dma_start3A_203 : memref<1048576xf32, #tpu.memory_space<vmem_shared>>) offsets(%arg8 : memref<16128xi32, #tpu.memory_space<vmem>>) offset_filter(%dma_start3A_204) semaphore(%arg14 : memref<!tpu.dma_semaphore, #tpu.memory_space<semaphore_mem>>) {add = true}
    %dma_wait3A_205 = tpu.memref_slice %arg3[%arg0, %add3A_195] : memref<2x5419008xi32, #tpu.memory_space<hbm>> -> memref<1x16128xi32, #tpu.memory_space<hbm>>
    %dma_wait3A_206 = tpu.memref_squeeze %dma_wait3A_205 : memref<1x16128xi32, #tpu.memory_space<hbm>> -> memref<16128xi32, #tpu.memory_space<hbm>>
    %dma_wait3A_207 = tpu.memref_slice %arg3[%arg0, %add3A_195] : memref<2x5419008xi32, #tpu.memory_space<hbm>> -> memref<1x16128xi32, #tpu.memory_space<hbm>>
    %dma_wait3A_208 = tpu.memref_squeeze %dma_wait3A_207 : memref<1x16128xi32, #tpu.memory_space<hbm>> -> memref<16128xi32, #tpu.memory_space<hbm>>
    tpu.wait_dma2 semaphore(%arg11 : memref<!tpu.dma_semaphore, #tpu.memory_space<semaphore_mem>>) src(%dma_wait3A_208 : memref<16128xi32, #tpu.memory_space<hbm>>) dst(%arg7 : memref<16128xi32, #tpu.memory_space<vmem>>)
    %dma_wait3A_209 = tpu.memref_slice %arg2[%add3A_195] : memref<5419008xf32, #tpu.memory_space<hbm>> -> memref<16128xf32, #tpu.memory_space<hbm>>
    %dma_wait3A_210 = tpu.memref_slice %arg2[%add3A_195] : memref<5419008xf32, #tpu.memory_space<hbm>> -> memref<16128xf32, #tpu.memory_space<hbm>>
    tpu.wait_dma2 semaphore(%arg11 : memref<!tpu.dma_semaphore, #tpu.memory_space<semaphore_mem>>) src(%dma_wait3A_210 : memref<16128xf32, #tpu.memory_space<hbm>>) dst(%arg9 : memref<16128xf32, #tpu.memory_space<vmem>>)
    %dma_wait3A_211 = arith.constant 0 : i32
    %dma_wait3A_212 = tpu.memref_slice %arg6[%dma_wait3A_211] : memref<1048576xf32, #tpu.memory_space<vmem_shared>> -> memref<1048576xf32, #tpu.memory_space<vmem_shared>>
    tpu.wait_indirect_dma semaphore(%arg14 : memref<!tpu.dma_semaphore, #tpu.memory_space<semaphore_mem>>) src(%arg10 : memref<16128xf32, #tpu.memory_space<vmem>>) dst(%dma_wait3A_212 : memref<1048576xf32, #tpu.memory_space<vmem_shared>>)
    %mul3A_213 = arith.constant 2 : i32
    %mul3A_214 = arith.muli %arg0, %mul3A_213 : i32
    %add3A_215 = arith.constant 9 : i32
    %add3A_216 = arith.addi %add3A_215, %mul3A_214 : i32
    %mul3A_217 = arith.constant 16128 : i32
    %mul3A_218 = arith.muli %add3A_216, %mul3A_217 : i32
    %add3A_219 = arith.addi %mul3A_4, %mul3A_218 : i32
    %dma_start3A_220 = tpu.memref_slice %arg3[%arg0, %add3A_219] : memref<2x5419008xi32, #tpu.memory_space<hbm>> -> memref<1x16128xi32, #tpu.memory_space<hbm>>
    %dma_start3A_221 = tpu.memref_squeeze %dma_start3A_220 : memref<1x16128xi32, #tpu.memory_space<hbm>> -> memref<16128xi32, #tpu.memory_space<hbm>>
    %dma_start3A_222 = tpu.memref_slice %arg3[%arg0, %add3A_219] : memref<2x5419008xi32, #tpu.memory_space<hbm>> -> memref<1x16128xi32, #tpu.memory_space<hbm>>
    %dma_start3A_223 = tpu.memref_squeeze %dma_start3A_222 : memref<1x16128xi32, #tpu.memory_space<hbm>> -> memref<16128xi32, #tpu.memory_space<hbm>>
    tpu.enqueue_dma source(%dma_start3A_223 : memref<16128xi32, #tpu.memory_space<hbm>>) target(%arg8 : memref<16128xi32, #tpu.memory_space<vmem>>) target_semaphore(%arg12 : memref<!tpu.dma_semaphore, #tpu.memory_space<semaphore_mem>>)
    %dma_start3A_224 = tpu.memref_slice %arg2[%add3A_219] : memref<5419008xf32, #tpu.memory_space<hbm>> -> memref<16128xf32, #tpu.memory_space<hbm>>
    %dma_start3A_225 = tpu.memref_slice %arg2[%add3A_219] : memref<5419008xf32, #tpu.memory_space<hbm>> -> memref<16128xf32, #tpu.memory_space<hbm>>
    tpu.enqueue_dma source(%dma_start3A_225 : memref<16128xf32, #tpu.memory_space<hbm>>) target(%arg10 : memref<16128xf32, #tpu.memory_space<vmem>>) target_semaphore(%arg12 : memref<!tpu.dma_semaphore, #tpu.memory_space<semaphore_mem>>)
    %dma_start3A_226 = arith.constant 0 : i32
    %dma_start3A_227 = tpu.memref_slice %arg6[%dma_start3A_226] : memref<1048576xf32, #tpu.memory_space<vmem_shared>> -> memref<1048576xf32, #tpu.memory_space<vmem_shared>>
    %dma_start3A_228 = arith.constant -1 : i32
    tpu.enqueue_indirect_dma source(%arg9 : memref<16128xf32, #tpu.memory_space<vmem>>) target(%dma_start3A_227 : memref<1048576xf32, #tpu.memory_space<vmem_shared>>) offsets(%arg7 : memref<16128xi32, #tpu.memory_space<vmem>>) offset_filter(%dma_start3A_228) semaphore(%arg13 : memref<!tpu.dma_semaphore, #tpu.memory_space<semaphore_mem>>) {add = true}
    %dma_wait3A_229 = tpu.memref_slice %arg3[%arg0, %add3A_219] : memref<2x5419008xi32, #tpu.memory_space<hbm>> -> memref<1x16128xi32, #tpu.memory_space<hbm>>
    %dma_wait3A_230 = tpu.memref_squeeze %dma_wait3A_229 : memref<1x16128xi32, #tpu.memory_space<hbm>> -> memref<16128xi32, #tpu.memory_space<hbm>>
    %dma_wait3A_231 = tpu.memref_slice %arg3[%arg0, %add3A_219] : memref<2x5419008xi32, #tpu.memory_space<hbm>> -> memref<1x16128xi32, #tpu.memory_space<hbm>>
    %dma_wait3A_232 = tpu.memref_squeeze %dma_wait3A_231 : memref<1x16128xi32, #tpu.memory_space<hbm>> -> memref<16128xi32, #tpu.memory_space<hbm>>
    tpu.wait_dma2 semaphore(%arg12 : memref<!tpu.dma_semaphore, #tpu.memory_space<semaphore_mem>>) src(%dma_wait3A_232 : memref<16128xi32, #tpu.memory_space<hbm>>) dst(%arg8 : memref<16128xi32, #tpu.memory_space<vmem>>)
    %dma_wait3A_233 = tpu.memref_slice %arg2[%add3A_219] : memref<5419008xf32, #tpu.memory_space<hbm>> -> memref<16128xf32, #tpu.memory_space<hbm>>
    %dma_wait3A_234 = tpu.memref_slice %arg2[%add3A_219] : memref<5419008xf32, #tpu.memory_space<hbm>> -> memref<16128xf32, #tpu.memory_space<hbm>>
    tpu.wait_dma2 semaphore(%arg12 : memref<!tpu.dma_semaphore, #tpu.memory_space<semaphore_mem>>) src(%dma_wait3A_234 : memref<16128xf32, #tpu.memory_space<hbm>>) dst(%arg10 : memref<16128xf32, #tpu.memory_space<vmem>>)
    %dma_wait3A_235 = arith.constant 0 : i32
    %dma_wait3A_236 = tpu.memref_slice %arg6[%dma_wait3A_235] : memref<1048576xf32, #tpu.memory_space<vmem_shared>> -> memref<1048576xf32, #tpu.memory_space<vmem_shared>>
    tpu.wait_indirect_dma semaphore(%arg13 : memref<!tpu.dma_semaphore, #tpu.memory_space<semaphore_mem>>) src(%arg9 : memref<16128xf32, #tpu.memory_space<vmem>>) dst(%dma_wait3A_236 : memref<1048576xf32, #tpu.memory_space<vmem_shared>>)
    %mul3A_237 = arith.constant 0 : i32
    %mul3A_238 = arith.muli %arg0, %mul3A_237 : i32
    %add3A_239 = arith.constant 10 : i32
    %add3A_240 = arith.addi %add3A_239, %mul3A_238 : i32
    %mul3A_241 = arith.constant 16128 : i32
    %mul3A_242 = arith.muli %add3A_240, %mul3A_241 : i32
    %add3A_243 = arith.addi %mul3A_4, %mul3A_242 : i32
    %dma_start3A_244 = tpu.memref_slice %arg3[%arg0, %add3A_243] : memref<2x5419008xi32, #tpu.memory_space<hbm>> -> memref<1x16128xi32, #tpu.memory_space<hbm>>
    %dma_start3A_245 = tpu.memref_squeeze %dma_start3A_244 : memref<1x16128xi32, #tpu.memory_space<hbm>> -> memref<16128xi32, #tpu.memory_space<hbm>>
    %dma_start3A_246 = tpu.memref_slice %arg3[%arg0, %add3A_243] : memref<2x5419008xi32, #tpu.memory_space<hbm>> -> memref<1x16128xi32, #tpu.memory_space<hbm>>
    %dma_start3A_247 = tpu.memref_squeeze %dma_start3A_246 : memref<1x16128xi32, #tpu.memory_space<hbm>> -> memref<16128xi32, #tpu.memory_space<hbm>>
    tpu.enqueue_dma source(%dma_start3A_247 : memref<16128xi32, #tpu.memory_space<hbm>>) target(%arg7 : memref<16128xi32, #tpu.memory_space<vmem>>) target_semaphore(%arg11 : memref<!tpu.dma_semaphore, #tpu.memory_space<semaphore_mem>>)
    %dma_start3A_248 = tpu.memref_slice %arg2[%add3A_243] : memref<5419008xf32, #tpu.memory_space<hbm>> -> memref<16128xf32, #tpu.memory_space<hbm>>
    %dma_start3A_249 = tpu.memref_slice %arg2[%add3A_243] : memref<5419008xf32, #tpu.memory_space<hbm>> -> memref<16128xf32, #tpu.memory_space<hbm>>
    tpu.enqueue_dma source(%dma_start3A_249 : memref<16128xf32, #tpu.memory_space<hbm>>) target(%arg9 : memref<16128xf32, #tpu.memory_space<vmem>>) target_semaphore(%arg11 : memref<!tpu.dma_semaphore, #tpu.memory_space<semaphore_mem>>)
    %dma_start3A_250 = arith.constant 0 : i32
    %dma_start3A_251 = tpu.memref_slice %arg6[%dma_start3A_250] : memref<1048576xf32, #tpu.memory_space<vmem_shared>> -> memref<1048576xf32, #tpu.memory_space<vmem_shared>>
    %dma_start3A_252 = arith.constant -1 : i32
    tpu.enqueue_indirect_dma source(%arg10 : memref<16128xf32, #tpu.memory_space<vmem>>) target(%dma_start3A_251 : memref<1048576xf32, #tpu.memory_space<vmem_shared>>) offsets(%arg8 : memref<16128xi32, #tpu.memory_space<vmem>>) offset_filter(%dma_start3A_252) semaphore(%arg14 : memref<!tpu.dma_semaphore, #tpu.memory_space<semaphore_mem>>) {add = true}
    %dma_wait3A_253 = tpu.memref_slice %arg3[%arg0, %add3A_243] : memref<2x5419008xi32, #tpu.memory_space<hbm>> -> memref<1x16128xi32, #tpu.memory_space<hbm>>
    %dma_wait3A_254 = tpu.memref_squeeze %dma_wait3A_253 : memref<1x16128xi32, #tpu.memory_space<hbm>> -> memref<16128xi32, #tpu.memory_space<hbm>>
    %dma_wait3A_255 = tpu.memref_slice %arg3[%arg0, %add3A_243] : memref<2x5419008xi32, #tpu.memory_space<hbm>> -> memref<1x16128xi32, #tpu.memory_space<hbm>>
    %dma_wait3A_256 = tpu.memref_squeeze %dma_wait3A_255 : memref<1x16128xi32, #tpu.memory_space<hbm>> -> memref<16128xi32, #tpu.memory_space<hbm>>
    tpu.wait_dma2 semaphore(%arg11 : memref<!tpu.dma_semaphore, #tpu.memory_space<semaphore_mem>>) src(%dma_wait3A_256 : memref<16128xi32, #tpu.memory_space<hbm>>) dst(%arg7 : memref<16128xi32, #tpu.memory_space<vmem>>)
    %dma_wait3A_257 = tpu.memref_slice %arg2[%add3A_243] : memref<5419008xf32, #tpu.memory_space<hbm>> -> memref<16128xf32, #tpu.memory_space<hbm>>
    %dma_wait3A_258 = tpu.memref_slice %arg2[%add3A_243] : memref<5419008xf32, #tpu.memory_space<hbm>> -> memref<16128xf32, #tpu.memory_space<hbm>>
    tpu.wait_dma2 semaphore(%arg11 : memref<!tpu.dma_semaphore, #tpu.memory_space<semaphore_mem>>) src(%dma_wait3A_258 : memref<16128xf32, #tpu.memory_space<hbm>>) dst(%arg9 : memref<16128xf32, #tpu.memory_space<vmem>>)
    %dma_wait3A_259 = arith.constant 0 : i32
    %dma_wait3A_260 = tpu.memref_slice %arg6[%dma_wait3A_259] : memref<1048576xf32, #tpu.memory_space<vmem_shared>> -> memref<1048576xf32, #tpu.memory_space<vmem_shared>>
    tpu.wait_indirect_dma semaphore(%arg14 : memref<!tpu.dma_semaphore, #tpu.memory_space<semaphore_mem>>) src(%arg10 : memref<16128xf32, #tpu.memory_space<vmem>>) dst(%dma_wait3A_260 : memref<1048576xf32, #tpu.memory_space<vmem_shared>>)
    %mul3A_261 = arith.constant -2 : i32
    %mul3A_262 = arith.muli %arg0, %mul3A_261 : i32
    %add3A_263 = arith.constant 11 : i32
    %add3A_264 = arith.addi %add3A_263, %mul3A_262 : i32
    %mul3A_265 = arith.constant 16128 : i32
    %mul3A_266 = arith.muli %add3A_264, %mul3A_265 : i32
    %add3A_267 = arith.addi %mul3A_4, %mul3A_266 : i32
    %dma_start3A_268 = tpu.memref_slice %arg3[%arg0, %add3A_267] : memref<2x5419008xi32, #tpu.memory_space<hbm>> -> memref<1x16128xi32, #tpu.memory_space<hbm>>
    %dma_start3A_269 = tpu.memref_squeeze %dma_start3A_268 : memref<1x16128xi32, #tpu.memory_space<hbm>> -> memref<16128xi32, #tpu.memory_space<hbm>>
    %dma_start3A_270 = tpu.memref_slice %arg3[%arg0, %add3A_267] : memref<2x5419008xi32, #tpu.memory_space<hbm>> -> memref<1x16128xi32, #tpu.memory_space<hbm>>
    %dma_start3A_271 = tpu.memref_squeeze %dma_start3A_270 : memref<1x16128xi32, #tpu.memory_space<hbm>> -> memref<16128xi32, #tpu.memory_space<hbm>>
    tpu.enqueue_dma source(%dma_start3A_271 : memref<16128xi32, #tpu.memory_space<hbm>>) target(%arg8 : memref<16128xi32, #tpu.memory_space<vmem>>) target_semaphore(%arg12 : memref<!tpu.dma_semaphore, #tpu.memory_space<semaphore_mem>>)
    %dma_start3A_272 = tpu.memref_slice %arg2[%add3A_267] : memref<5419008xf32, #tpu.memory_space<hbm>> -> memref<16128xf32, #tpu.memory_space<hbm>>
    %dma_start3A_273 = tpu.memref_slice %arg2[%add3A_267] : memref<5419008xf32, #tpu.memory_space<hbm>> -> memref<16128xf32, #tpu.memory_space<hbm>>
    tpu.enqueue_dma source(%dma_start3A_273 : memref<16128xf32, #tpu.memory_space<hbm>>) target(%arg10 : memref<16128xf32, #tpu.memory_space<vmem>>) target_semaphore(%arg12 : memref<!tpu.dma_semaphore, #tpu.memory_space<semaphore_mem>>)
    %dma_start3A_274 = arith.constant 0 : i32
    %dma_start3A_275 = tpu.memref_slice %arg6[%dma_start3A_274] : memref<1048576xf32, #tpu.memory_space<vmem_shared>> -> memref<1048576xf32, #tpu.memory_space<vmem_shared>>
    %dma_start3A_276 = arith.constant -1 : i32
    tpu.enqueue_indirect_dma source(%arg9 : memref<16128xf32, #tpu.memory_space<vmem>>) target(%dma_start3A_275 : memref<1048576xf32, #tpu.memory_space<vmem_shared>>) offsets(%arg7 : memref<16128xi32, #tpu.memory_space<vmem>>) offset_filter(%dma_start3A_276) semaphore(%arg13 : memref<!tpu.dma_semaphore, #tpu.memory_space<semaphore_mem>>) {add = true}
    %dma_wait3A_277 = tpu.memref_slice %arg3[%arg0, %add3A_267] : memref<2x5419008xi32, #tpu.memory_space<hbm>> -> memref<1x16128xi32, #tpu.memory_space<hbm>>
    %dma_wait3A_278 = tpu.memref_squeeze %dma_wait3A_277 : memref<1x16128xi32, #tpu.memory_space<hbm>> -> memref<16128xi32, #tpu.memory_space<hbm>>
    %dma_wait3A_279 = tpu.memref_slice %arg3[%arg0, %add3A_267] : memref<2x5419008xi32, #tpu.memory_space<hbm>> -> memref<1x16128xi32, #tpu.memory_space<hbm>>
    %dma_wait3A_280 = tpu.memref_squeeze %dma_wait3A_279 : memref<1x16128xi32, #tpu.memory_space<hbm>> -> memref<16128xi32, #tpu.memory_space<hbm>>
    tpu.wait_dma2 semaphore(%arg12 : memref<!tpu.dma_semaphore, #tpu.memory_space<semaphore_mem>>) src(%dma_wait3A_280 : memref<16128xi32, #tpu.memory_space<hbm>>) dst(%arg8 : memref<16128xi32, #tpu.memory_space<vmem>>)
    %dma_wait3A_281 = tpu.memref_slice %arg2[%add3A_267] : memref<5419008xf32, #tpu.memory_space<hbm>> -> memref<16128xf32, #tpu.memory_space<hbm>>
    %dma_wait3A_282 = tpu.memref_slice %arg2[%add3A_267] : memref<5419008xf32, #tpu.memory_space<hbm>> -> memref<16128xf32, #tpu.memory_space<hbm>>
    tpu.wait_dma2 semaphore(%arg12 : memref<!tpu.dma_semaphore, #tpu.memory_space<semaphore_mem>>) src(%dma_wait3A_282 : memref<16128xf32, #tpu.memory_space<hbm>>) dst(%arg10 : memref<16128xf32, #tpu.memory_space<vmem>>)
    %dma_wait3A_283 = arith.constant 0 : i32
    %dma_wait3A_284 = tpu.memref_slice %arg6[%dma_wait3A_283] : memref<1048576xf32, #tpu.memory_space<vmem_shared>> -> memref<1048576xf32, #tpu.memory_space<vmem_shared>>
    tpu.wait_indirect_dma semaphore(%arg13 : memref<!tpu.dma_semaphore, #tpu.memory_space<semaphore_mem>>) src(%arg9 : memref<16128xf32, #tpu.memory_space<vmem>>) dst(%dma_wait3A_284 : memref<1048576xf32, #tpu.memory_space<vmem_shared>>)
    %mul3A_285 = arith.constant -4 : i32
    %mul3A_286 = arith.muli %arg0, %mul3A_285 : i32
    %add3A_287 = arith.constant 12 : i32
    %add3A_288 = arith.addi %add3A_287, %mul3A_286 : i32
    %mul3A_289 = arith.constant 16128 : i32
    %mul3A_290 = arith.muli %add3A_288, %mul3A_289 : i32
    %add3A_291 = arith.addi %mul3A_4, %mul3A_290 : i32
    %dma_start3A_292 = tpu.memref_slice %arg3[%arg0, %add3A_291] : memref<2x5419008xi32, #tpu.memory_space<hbm>> -> memref<1x16128xi32, #tpu.memory_space<hbm>>
    %dma_start3A_293 = tpu.memref_squeeze %dma_start3A_292 : memref<1x16128xi32, #tpu.memory_space<hbm>> -> memref<16128xi32, #tpu.memory_space<hbm>>
    %dma_start3A_294 = tpu.memref_slice %arg3[%arg0, %add3A_291] : memref<2x5419008xi32, #tpu.memory_space<hbm>> -> memref<1x16128xi32, #tpu.memory_space<hbm>>
    %dma_start3A_295 = tpu.memref_squeeze %dma_start3A_294 : memref<1x16128xi32, #tpu.memory_space<hbm>> -> memref<16128xi32, #tpu.memory_space<hbm>>
    tpu.enqueue_dma source(%dma_start3A_295 : memref<16128xi32, #tpu.memory_space<hbm>>) target(%arg7 : memref<16128xi32, #tpu.memory_space<vmem>>) target_semaphore(%arg11 : memref<!tpu.dma_semaphore, #tpu.memory_space<semaphore_mem>>)
    %dma_start3A_296 = tpu.memref_slice %arg2[%add3A_291] : memref<5419008xf32, #tpu.memory_space<hbm>> -> memref<16128xf32, #tpu.memory_space<hbm>>
    %dma_start3A_297 = tpu.memref_slice %arg2[%add3A_291] : memref<5419008xf32, #tpu.memory_space<hbm>> -> memref<16128xf32, #tpu.memory_space<hbm>>
    tpu.enqueue_dma source(%dma_start3A_297 : memref<16128xf32, #tpu.memory_space<hbm>>) target(%arg9 : memref<16128xf32, #tpu.memory_space<vmem>>) target_semaphore(%arg11 : memref<!tpu.dma_semaphore, #tpu.memory_space<semaphore_mem>>)
    %dma_start3A_298 = arith.constant 0 : i32
    %dma_start3A_299 = tpu.memref_slice %arg6[%dma_start3A_298] : memref<1048576xf32, #tpu.memory_space<vmem_shared>> -> memref<1048576xf32, #tpu.memory_space<vmem_shared>>
    %dma_start3A_300 = arith.constant -1 : i32
    tpu.enqueue_indirect_dma source(%arg10 : memref<16128xf32, #tpu.memory_space<vmem>>) target(%dma_start3A_299 : memref<1048576xf32, #tpu.memory_space<vmem_shared>>) offsets(%arg8 : memref<16128xi32, #tpu.memory_space<vmem>>) offset_filter(%dma_start3A_300) semaphore(%arg14 : memref<!tpu.dma_semaphore, #tpu.memory_space<semaphore_mem>>) {add = true}
    %dma_wait3A_301 = tpu.memref_slice %arg3[%arg0, %add3A_291] : memref<2x5419008xi32, #tpu.memory_space<hbm>> -> memref<1x16128xi32, #tpu.memory_space<hbm>>
    %dma_wait3A_302 = tpu.memref_squeeze %dma_wait3A_301 : memref<1x16128xi32, #tpu.memory_space<hbm>> -> memref<16128xi32, #tpu.memory_space<hbm>>
    %dma_wait3A_303 = tpu.memref_slice %arg3[%arg0, %add3A_291] : memref<2x5419008xi32, #tpu.memory_space<hbm>> -> memref<1x16128xi32, #tpu.memory_space<hbm>>
    %dma_wait3A_304 = tpu.memref_squeeze %dma_wait3A_303 : memref<1x16128xi32, #tpu.memory_space<hbm>> -> memref<16128xi32, #tpu.memory_space<hbm>>
    tpu.wait_dma2 semaphore(%arg11 : memref<!tpu.dma_semaphore, #tpu.memory_space<semaphore_mem>>) src(%dma_wait3A_304 : memref<16128xi32, #tpu.memory_space<hbm>>) dst(%arg7 : memref<16128xi32, #tpu.memory_space<vmem>>)
    %dma_wait3A_305 = tpu.memref_slice %arg2[%add3A_291] : memref<5419008xf32, #tpu.memory_space<hbm>> -> memref<16128xf32, #tpu.memory_space<hbm>>
    %dma_wait3A_306 = tpu.memref_slice %arg2[%add3A_291] : memref<5419008xf32, #tpu.memory_space<hbm>> -> memref<16128xf32, #tpu.memory_space<hbm>>
    tpu.wait_dma2 semaphore(%arg11 : memref<!tpu.dma_semaphore, #tpu.memory_space<semaphore_mem>>) src(%dma_wait3A_306 : memref<16128xf32, #tpu.memory_space<hbm>>) dst(%arg9 : memref<16128xf32, #tpu.memory_space<vmem>>)
    %dma_wait3A_307 = arith.constant 0 : i32
    %dma_wait3A_308 = tpu.memref_slice %arg6[%dma_wait3A_307] : memref<1048576xf32, #tpu.memory_space<vmem_shared>> -> memref<1048576xf32, #tpu.memory_space<vmem_shared>>
    tpu.wait_indirect_dma semaphore(%arg14 : memref<!tpu.dma_semaphore, #tpu.memory_space<semaphore_mem>>) src(%arg10 : memref<16128xf32, #tpu.memory_space<vmem>>) dst(%dma_wait3A_308 : memref<1048576xf32, #tpu.memory_space<vmem_shared>>)
    %mul3A_309 = arith.constant -6 : i32
    %mul3A_310 = arith.muli %arg0, %mul3A_309 : i32
    %add3A_311 = arith.constant 13 : i32
    %add3A_312 = arith.addi %add3A_311, %mul3A_310 : i32
    %mul3A_313 = arith.constant 16128 : i32
    %mul3A_314 = arith.muli %add3A_312, %mul3A_313 : i32
    %add3A_315 = arith.addi %mul3A_4, %mul3A_314 : i32
    %dma_start3A_316 = tpu.memref_slice %arg3[%arg0, %add3A_315] : memref<2x5419008xi32, #tpu.memory_space<hbm>> -> memref<1x16128xi32, #tpu.memory_space<hbm>>
    %dma_start3A_317 = tpu.memref_squeeze %dma_start3A_316 : memref<1x16128xi32, #tpu.memory_space<hbm>> -> memref<16128xi32, #tpu.memory_space<hbm>>
    %dma_start3A_318 = tpu.memref_slice %arg3[%arg0, %add3A_315] : memref<2x5419008xi32, #tpu.memory_space<hbm>> -> memref<1x16128xi32, #tpu.memory_space<hbm>>
    %dma_start3A_319 = tpu.memref_squeeze %dma_start3A_318 : memref<1x16128xi32, #tpu.memory_space<hbm>> -> memref<16128xi32, #tpu.memory_space<hbm>>
    tpu.enqueue_dma source(%dma_start3A_319 : memref<16128xi32, #tpu.memory_space<hbm>>) target(%arg8 : memref<16128xi32, #tpu.memory_space<vmem>>) target_semaphore(%arg12 : memref<!tpu.dma_semaphore, #tpu.memory_space<semaphore_mem>>)
    %dma_start3A_320 = tpu.memref_slice %arg2[%add3A_315] : memref<5419008xf32, #tpu.memory_space<hbm>> -> memref<16128xf32, #tpu.memory_space<hbm>>
    %dma_start3A_321 = tpu.memref_slice %arg2[%add3A_315] : memref<5419008xf32, #tpu.memory_space<hbm>> -> memref<16128xf32, #tpu.memory_space<hbm>>
    tpu.enqueue_dma source(%dma_start3A_321 : memref<16128xf32, #tpu.memory_space<hbm>>) target(%arg10 : memref<16128xf32, #tpu.memory_space<vmem>>) target_semaphore(%arg12 : memref<!tpu.dma_semaphore, #tpu.memory_space<semaphore_mem>>)
    %dma_start3A_322 = arith.constant 0 : i32
    %dma_start3A_323 = tpu.memref_slice %arg6[%dma_start3A_322] : memref<1048576xf32, #tpu.memory_space<vmem_shared>> -> memref<1048576xf32, #tpu.memory_space<vmem_shared>>
    %dma_start3A_324 = arith.constant -1 : i32
    tpu.enqueue_indirect_dma source(%arg9 : memref<16128xf32, #tpu.memory_space<vmem>>) target(%dma_start3A_323 : memref<1048576xf32, #tpu.memory_space<vmem_shared>>) offsets(%arg7 : memref<16128xi32, #tpu.memory_space<vmem>>) offset_filter(%dma_start3A_324) semaphore(%arg13 : memref<!tpu.dma_semaphore, #tpu.memory_space<semaphore_mem>>) {add = true}
    %dma_wait3A_325 = tpu.memref_slice %arg3[%arg0, %add3A_315] : memref<2x5419008xi32, #tpu.memory_space<hbm>> -> memref<1x16128xi32, #tpu.memory_space<hbm>>
    %dma_wait3A_326 = tpu.memref_squeeze %dma_wait3A_325 : memref<1x16128xi32, #tpu.memory_space<hbm>> -> memref<16128xi32, #tpu.memory_space<hbm>>
    %dma_wait3A_327 = tpu.memref_slice %arg3[%arg0, %add3A_315] : memref<2x5419008xi32, #tpu.memory_space<hbm>> -> memref<1x16128xi32, #tpu.memory_space<hbm>>
    %dma_wait3A_328 = tpu.memref_squeeze %dma_wait3A_327 : memref<1x16128xi32, #tpu.memory_space<hbm>> -> memref<16128xi32, #tpu.memory_space<hbm>>
    tpu.wait_dma2 semaphore(%arg12 : memref<!tpu.dma_semaphore, #tpu.memory_space<semaphore_mem>>) src(%dma_wait3A_328 : memref<16128xi32, #tpu.memory_space<hbm>>) dst(%arg8 : memref<16128xi32, #tpu.memory_space<vmem>>)
    %dma_wait3A_329 = tpu.memref_slice %arg2[%add3A_315] : memref<5419008xf32, #tpu.memory_space<hbm>> -> memref<16128xf32, #tpu.memory_space<hbm>>
    %dma_wait3A_330 = tpu.memref_slice %arg2[%add3A_315] : memref<5419008xf32, #tpu.memory_space<hbm>> -> memref<16128xf32, #tpu.memory_space<hbm>>
    tpu.wait_dma2 semaphore(%arg12 : memref<!tpu.dma_semaphore, #tpu.memory_space<semaphore_mem>>) src(%dma_wait3A_330 : memref<16128xf32, #tpu.memory_space<hbm>>) dst(%arg10 : memref<16128xf32, #tpu.memory_space<vmem>>)
    %dma_wait3A_331 = arith.constant 0 : i32
    %dma_wait3A_332 = tpu.memref_slice %arg6[%dma_wait3A_331] : memref<1048576xf32, #tpu.memory_space<vmem_shared>> -> memref<1048576xf32, #tpu.memory_space<vmem_shared>>
    tpu.wait_indirect_dma semaphore(%arg13 : memref<!tpu.dma_semaphore, #tpu.memory_space<semaphore_mem>>) src(%arg9 : memref<16128xf32, #tpu.memory_space<vmem>>) dst(%dma_wait3A_332 : memref<1048576xf32, #tpu.memory_space<vmem_shared>>)
    %mul3A_333 = arith.constant -8 : i32
    %mul3A_334 = arith.muli %arg0, %mul3A_333 : i32
    %add3A_335 = arith.constant 14 : i32
    %add3A_336 = arith.addi %add3A_335, %mul3A_334 : i32
    %mul3A_337 = arith.constant 16128 : i32
    %mul3A_338 = arith.muli %add3A_336, %mul3A_337 : i32
    %add3A_339 = arith.addi %mul3A_4, %mul3A_338 : i32
    %dma_start3A_340 = tpu.memref_slice %arg3[%arg0, %add3A_339] : memref<2x5419008xi32, #tpu.memory_space<hbm>> -> memref<1x16128xi32, #tpu.memory_space<hbm>>
    %dma_start3A_341 = tpu.memref_squeeze %dma_start3A_340 : memref<1x16128xi32, #tpu.memory_space<hbm>> -> memref<16128xi32, #tpu.memory_space<hbm>>
    %dma_start3A_342 = tpu.memref_slice %arg3[%arg0, %add3A_339] : memref<2x5419008xi32, #tpu.memory_space<hbm>> -> memref<1x16128xi32, #tpu.memory_space<hbm>>
    %dma_start3A_343 = tpu.memref_squeeze %dma_start3A_342 : memref<1x16128xi32, #tpu.memory_space<hbm>> -> memref<16128xi32, #tpu.memory_space<hbm>>
    tpu.enqueue_dma source(%dma_start3A_343 : memref<16128xi32, #tpu.memory_space<hbm>>) target(%arg7 : memref<16128xi32, #tpu.memory_space<vmem>>) target_semaphore(%arg11 : memref<!tpu.dma_semaphore, #tpu.memory_space<semaphore_mem>>)
    %dma_start3A_344 = tpu.memref_slice %arg2[%add3A_339] : memref<5419008xf32, #tpu.memory_space<hbm>> -> memref<16128xf32, #tpu.memory_space<hbm>>
    %dma_start3A_345 = tpu.memref_slice %arg2[%add3A_339] : memref<5419008xf32, #tpu.memory_space<hbm>> -> memref<16128xf32, #tpu.memory_space<hbm>>
    tpu.enqueue_dma source(%dma_start3A_345 : memref<16128xf32, #tpu.memory_space<hbm>>) target(%arg9 : memref<16128xf32, #tpu.memory_space<vmem>>) target_semaphore(%arg11 : memref<!tpu.dma_semaphore, #tpu.memory_space<semaphore_mem>>)
    %dma_start3A_346 = arith.constant 0 : i32
    %dma_start3A_347 = tpu.memref_slice %arg6[%dma_start3A_346] : memref<1048576xf32, #tpu.memory_space<vmem_shared>> -> memref<1048576xf32, #tpu.memory_space<vmem_shared>>
    %dma_start3A_348 = arith.constant -1 : i32
    tpu.enqueue_indirect_dma source(%arg10 : memref<16128xf32, #tpu.memory_space<vmem>>) target(%dma_start3A_347 : memref<1048576xf32, #tpu.memory_space<vmem_shared>>) offsets(%arg8 : memref<16128xi32, #tpu.memory_space<vmem>>) offset_filter(%dma_start3A_348) semaphore(%arg14 : memref<!tpu.dma_semaphore, #tpu.memory_space<semaphore_mem>>) {add = true}
    %dma_wait3A_349 = tpu.memref_slice %arg3[%arg0, %add3A_339] : memref<2x5419008xi32, #tpu.memory_space<hbm>> -> memref<1x16128xi32, #tpu.memory_space<hbm>>
    %dma_wait3A_350 = tpu.memref_squeeze %dma_wait3A_349 : memref<1x16128xi32, #tpu.memory_space<hbm>> -> memref<16128xi32, #tpu.memory_space<hbm>>
    %dma_wait3A_351 = tpu.memref_slice %arg3[%arg0, %add3A_339] : memref<2x5419008xi32, #tpu.memory_space<hbm>> -> memref<1x16128xi32, #tpu.memory_space<hbm>>
    %dma_wait3A_352 = tpu.memref_squeeze %dma_wait3A_351 : memref<1x16128xi32, #tpu.memory_space<hbm>> -> memref<16128xi32, #tpu.memory_space<hbm>>
    tpu.wait_dma2 semaphore(%arg11 : memref<!tpu.dma_semaphore, #tpu.memory_space<semaphore_mem>>) src(%dma_wait3A_352 : memref<16128xi32, #tpu.memory_space<hbm>>) dst(%arg7 : memref<16128xi32, #tpu.memory_space<vmem>>)
    %dma_wait3A_353 = tpu.memref_slice %arg2[%add3A_339] : memref<5419008xf32, #tpu.memory_space<hbm>> -> memref<16128xf32, #tpu.memory_space<hbm>>
    %dma_wait3A_354 = tpu.memref_slice %arg2[%add3A_339] : memref<5419008xf32, #tpu.memory_space<hbm>> -> memref<16128xf32, #tpu.memory_space<hbm>>
    tpu.wait_dma2 semaphore(%arg11 : memref<!tpu.dma_semaphore, #tpu.memory_space<semaphore_mem>>) src(%dma_wait3A_354 : memref<16128xf32, #tpu.memory_space<hbm>>) dst(%arg9 : memref<16128xf32, #tpu.memory_space<vmem>>)
    %dma_wait3A_355 = arith.constant 0 : i32
    %dma_wait3A_356 = tpu.memref_slice %arg6[%dma_wait3A_355] : memref<1048576xf32, #tpu.memory_space<vmem_shared>> -> memref<1048576xf32, #tpu.memory_space<vmem_shared>>
    tpu.wait_indirect_dma semaphore(%arg14 : memref<!tpu.dma_semaphore, #tpu.memory_space<semaphore_mem>>) src(%arg10 : memref<16128xf32, #tpu.memory_space<vmem>>) dst(%dma_wait3A_356 : memref<1048576xf32, #tpu.memory_space<vmem_shared>>)
    %mul3A_357 = arith.constant -10 : i32
    %mul3A_358 = arith.muli %arg0, %mul3A_357 : i32
    %add3A_359 = arith.constant 15 : i32
    %add3A_360 = arith.addi %add3A_359, %mul3A_358 : i32
    %mul3A_361 = arith.constant 16128 : i32
    %mul3A_362 = arith.muli %add3A_360, %mul3A_361 : i32
    %add3A_363 = arith.addi %mul3A_4, %mul3A_362 : i32
    %dma_start3A_364 = tpu.memref_slice %arg3[%arg0, %add3A_363] : memref<2x5419008xi32, #tpu.memory_space<hbm>> -> memref<1x16128xi32, #tpu.memory_space<hbm>>
    %dma_start3A_365 = tpu.memref_squeeze %dma_start3A_364 : memref<1x16128xi32, #tpu.memory_space<hbm>> -> memref<16128xi32, #tpu.memory_space<hbm>>
    %dma_start3A_366 = tpu.memref_slice %arg3[%arg0, %add3A_363] : memref<2x5419008xi32, #tpu.memory_space<hbm>> -> memref<1x16128xi32, #tpu.memory_space<hbm>>
    %dma_start3A_367 = tpu.memref_squeeze %dma_start3A_366 : memref<1x16128xi32, #tpu.memory_space<hbm>> -> memref<16128xi32, #tpu.memory_space<hbm>>
    tpu.enqueue_dma source(%dma_start3A_367 : memref<16128xi32, #tpu.memory_space<hbm>>) target(%arg8 : memref<16128xi32, #tpu.memory_space<vmem>>) target_semaphore(%arg12 : memref<!tpu.dma_semaphore, #tpu.memory_space<semaphore_mem>>)
    %dma_start3A_368 = tpu.memref_slice %arg2[%add3A_363] : memref<5419008xf32, #tpu.memory_space<hbm>> -> memref<16128xf32, #tpu.memory_space<hbm>>
    %dma_start3A_369 = tpu.memref_slice %arg2[%add3A_363] : memref<5419008xf32, #tpu.memory_space<hbm>> -> memref<16128xf32, #tpu.memory_space<hbm>>
    tpu.enqueue_dma source(%dma_start3A_369 : memref<16128xf32, #tpu.memory_space<hbm>>) target(%arg10 : memref<16128xf32, #tpu.memory_space<vmem>>) target_semaphore(%arg12 : memref<!tpu.dma_semaphore, #tpu.memory_space<semaphore_mem>>)
    %dma_start3A_370 = arith.constant 0 : i32
    %dma_start3A_371 = tpu.memref_slice %arg6[%dma_start3A_370] : memref<1048576xf32, #tpu.memory_space<vmem_shared>> -> memref<1048576xf32, #tpu.memory_space<vmem_shared>>
    %dma_start3A_372 = arith.constant -1 : i32
    tpu.enqueue_indirect_dma source(%arg9 : memref<16128xf32, #tpu.memory_space<vmem>>) target(%dma_start3A_371 : memref<1048576xf32, #tpu.memory_space<vmem_shared>>) offsets(%arg7 : memref<16128xi32, #tpu.memory_space<vmem>>) offset_filter(%dma_start3A_372) semaphore(%arg13 : memref<!tpu.dma_semaphore, #tpu.memory_space<semaphore_mem>>) {add = true}
    %dma_wait3A_373 = tpu.memref_slice %arg3[%arg0, %add3A_363] : memref<2x5419008xi32, #tpu.memory_space<hbm>> -> memref<1x16128xi32, #tpu.memory_space<hbm>>
    %dma_wait3A_374 = tpu.memref_squeeze %dma_wait3A_373 : memref<1x16128xi32, #tpu.memory_space<hbm>> -> memref<16128xi32, #tpu.memory_space<hbm>>
    %dma_wait3A_375 = tpu.memref_slice %arg3[%arg0, %add3A_363] : memref<2x5419008xi32, #tpu.memory_space<hbm>> -> memref<1x16128xi32, #tpu.memory_space<hbm>>
    %dma_wait3A_376 = tpu.memref_squeeze %dma_wait3A_375 : memref<1x16128xi32, #tpu.memory_space<hbm>> -> memref<16128xi32, #tpu.memory_space<hbm>>
    tpu.wait_dma2 semaphore(%arg12 : memref<!tpu.dma_semaphore, #tpu.memory_space<semaphore_mem>>) src(%dma_wait3A_376 : memref<16128xi32, #tpu.memory_space<hbm>>) dst(%arg8 : memref<16128xi32, #tpu.memory_space<vmem>>)
    %dma_wait3A_377 = tpu.memref_slice %arg2[%add3A_363] : memref<5419008xf32, #tpu.memory_space<hbm>> -> memref<16128xf32, #tpu.memory_space<hbm>>
    %dma_wait3A_378 = tpu.memref_slice %arg2[%add3A_363] : memref<5419008xf32, #tpu.memory_space<hbm>> -> memref<16128xf32, #tpu.memory_space<hbm>>
    tpu.wait_dma2 semaphore(%arg12 : memref<!tpu.dma_semaphore, #tpu.memory_space<semaphore_mem>>) src(%dma_wait3A_378 : memref<16128xf32, #tpu.memory_space<hbm>>) dst(%arg10 : memref<16128xf32, #tpu.memory_space<vmem>>)
    %dma_wait3A_379 = arith.constant 0 : i32
    %dma_wait3A_380 = tpu.memref_slice %arg6[%dma_wait3A_379] : memref<1048576xf32, #tpu.memory_space<vmem_shared>> -> memref<1048576xf32, #tpu.memory_space<vmem_shared>>
    tpu.wait_indirect_dma semaphore(%arg13 : memref<!tpu.dma_semaphore, #tpu.memory_space<semaphore_mem>>) src(%arg9 : memref<16128xf32, #tpu.memory_space<vmem>>) dst(%dma_wait3A_380 : memref<1048576xf32, #tpu.memory_space<vmem_shared>>)
    %mul3A_381 = arith.constant -12 : i32
    %mul3A_382 = arith.muli %arg0, %mul3A_381 : i32
    %add3A_383 = arith.constant 16 : i32
    %add3A_384 = arith.addi %add3A_383, %mul3A_382 : i32
    %mul3A_385 = arith.constant 16128 : i32
    %mul3A_386 = arith.muli %add3A_384, %mul3A_385 : i32
    %add3A_387 = arith.addi %mul3A_4, %mul3A_386 : i32
    %dma_start3A_388 = tpu.memref_slice %arg3[%arg0, %add3A_387] : memref<2x5419008xi32, #tpu.memory_space<hbm>> -> memref<1x16128xi32, #tpu.memory_space<hbm>>
    %dma_start3A_389 = tpu.memref_squeeze %dma_start3A_388 : memref<1x16128xi32, #tpu.memory_space<hbm>> -> memref<16128xi32, #tpu.memory_space<hbm>>
    %dma_start3A_390 = tpu.memref_slice %arg3[%arg0, %add3A_387] : memref<2x5419008xi32, #tpu.memory_space<hbm>> -> memref<1x16128xi32, #tpu.memory_space<hbm>>
    %dma_start3A_391 = tpu.memref_squeeze %dma_start3A_390 : memref<1x16128xi32, #tpu.memory_space<hbm>> -> memref<16128xi32, #tpu.memory_space<hbm>>
    tpu.enqueue_dma source(%dma_start3A_391 : memref<16128xi32, #tpu.memory_space<hbm>>) target(%arg7 : memref<16128xi32, #tpu.memory_space<vmem>>) target_semaphore(%arg11 : memref<!tpu.dma_semaphore, #tpu.memory_space<semaphore_mem>>)
    %dma_start3A_392 = tpu.memref_slice %arg2[%add3A_387] : memref<5419008xf32, #tpu.memory_space<hbm>> -> memref<16128xf32, #tpu.memory_space<hbm>>
    %dma_start3A_393 = tpu.memref_slice %arg2[%add3A_387] : memref<5419008xf32, #tpu.memory_space<hbm>> -> memref<16128xf32, #tpu.memory_space<hbm>>
    tpu.enqueue_dma source(%dma_start3A_393 : memref<16128xf32, #tpu.memory_space<hbm>>) target(%arg9 : memref<16128xf32, #tpu.memory_space<vmem>>) target_semaphore(%arg11 : memref<!tpu.dma_semaphore, #tpu.memory_space<semaphore_mem>>)
    %dma_start3A_394 = arith.constant 0 : i32
    %dma_start3A_395 = tpu.memref_slice %arg6[%dma_start3A_394] : memref<1048576xf32, #tpu.memory_space<vmem_shared>> -> memref<1048576xf32, #tpu.memory_space<vmem_shared>>
    %dma_start3A_396 = arith.constant -1 : i32
    tpu.enqueue_indirect_dma source(%arg10 : memref<16128xf32, #tpu.memory_space<vmem>>) target(%dma_start3A_395 : memref<1048576xf32, #tpu.memory_space<vmem_shared>>) offsets(%arg8 : memref<16128xi32, #tpu.memory_space<vmem>>) offset_filter(%dma_start3A_396) semaphore(%arg14 : memref<!tpu.dma_semaphore, #tpu.memory_space<semaphore_mem>>) {add = true}
    %dma_wait3A_397 = tpu.memref_slice %arg3[%arg0, %add3A_387] : memref<2x5419008xi32, #tpu.memory_space<hbm>> -> memref<1x16128xi32, #tpu.memory_space<hbm>>
    %dma_wait3A_398 = tpu.memref_squeeze %dma_wait3A_397 : memref<1x16128xi32, #tpu.memory_space<hbm>> -> memref<16128xi32, #tpu.memory_space<hbm>>
    %dma_wait3A_399 = tpu.memref_slice %arg3[%arg0, %add3A_387] : memref<2x5419008xi32, #tpu.memory_space<hbm>> -> memref<1x16128xi32, #tpu.memory_space<hbm>>
    %dma_wait3A_400 = tpu.memref_squeeze %dma_wait3A_399 : memref<1x16128xi32, #tpu.memory_space<hbm>> -> memref<16128xi32, #tpu.memory_space<hbm>>
    tpu.wait_dma2 semaphore(%arg11 : memref<!tpu.dma_semaphore, #tpu.memory_space<semaphore_mem>>) src(%dma_wait3A_400 : memref<16128xi32, #tpu.memory_space<hbm>>) dst(%arg7 : memref<16128xi32, #tpu.memory_space<vmem>>)
    %dma_wait3A_401 = tpu.memref_slice %arg2[%add3A_387] : memref<5419008xf32, #tpu.memory_space<hbm>> -> memref<16128xf32, #tpu.memory_space<hbm>>
    %dma_wait3A_402 = tpu.memref_slice %arg2[%add3A_387] : memref<5419008xf32, #tpu.memory_space<hbm>> -> memref<16128xf32, #tpu.memory_space<hbm>>
    tpu.wait_dma2 semaphore(%arg11 : memref<!tpu.dma_semaphore, #tpu.memory_space<semaphore_mem>>) src(%dma_wait3A_402 : memref<16128xf32, #tpu.memory_space<hbm>>) dst(%arg9 : memref<16128xf32, #tpu.memory_space<vmem>>)
    %dma_wait3A_403 = arith.constant 0 : i32
    %dma_wait3A_404 = tpu.memref_slice %arg6[%dma_wait3A_403] : memref<1048576xf32, #tpu.memory_space<vmem_shared>> -> memref<1048576xf32, #tpu.memory_space<vmem_shared>>
    tpu.wait_indirect_dma semaphore(%arg14 : memref<!tpu.dma_semaphore, #tpu.memory_space<semaphore_mem>>) src(%arg10 : memref<16128xf32, #tpu.memory_space<vmem>>) dst(%dma_wait3A_404 : memref<1048576xf32, #tpu.memory_space<vmem_shared>>)
    %mul3A_405 = arith.constant -14 : i32
    %mul3A_406 = arith.muli %arg0, %mul3A_405 : i32
    %add3A_407 = arith.constant 17 : i32
    %add3A_408 = arith.addi %add3A_407, %mul3A_406 : i32
    %mul3A_409 = arith.constant 16128 : i32
    %mul3A_410 = arith.muli %add3A_408, %mul3A_409 : i32
    %add3A_411 = arith.addi %mul3A_4, %mul3A_410 : i32
    %dma_start3A_412 = tpu.memref_slice %arg3[%arg0, %add3A_411] : memref<2x5419008xi32, #tpu.memory_space<hbm>> -> memref<1x16128xi32, #tpu.memory_space<hbm>>
    %dma_start3A_413 = tpu.memref_squeeze %dma_start3A_412 : memref<1x16128xi32, #tpu.memory_space<hbm>> -> memref<16128xi32, #tpu.memory_space<hbm>>
    %dma_start3A_414 = tpu.memref_slice %arg3[%arg0, %add3A_411] : memref<2x5419008xi32, #tpu.memory_space<hbm>> -> memref<1x16128xi32, #tpu.memory_space<hbm>>
    %dma_start3A_415 = tpu.memref_squeeze %dma_start3A_414 : memref<1x16128xi32, #tpu.memory_space<hbm>> -> memref<16128xi32, #tpu.memory_space<hbm>>
    tpu.enqueue_dma source(%dma_start3A_415 : memref<16128xi32, #tpu.memory_space<hbm>>) target(%arg8 : memref<16128xi32, #tpu.memory_space<vmem>>) target_semaphore(%arg12 : memref<!tpu.dma_semaphore, #tpu.memory_space<semaphore_mem>>)
    %dma_start3A_416 = tpu.memref_slice %arg2[%add3A_411] : memref<5419008xf32, #tpu.memory_space<hbm>> -> memref<16128xf32, #tpu.memory_space<hbm>>
    %dma_start3A_417 = tpu.memref_slice %arg2[%add3A_411] : memref<5419008xf32, #tpu.memory_space<hbm>> -> memref<16128xf32, #tpu.memory_space<hbm>>
    tpu.enqueue_dma source(%dma_start3A_417 : memref<16128xf32, #tpu.memory_space<hbm>>) target(%arg10 : memref<16128xf32, #tpu.memory_space<vmem>>) target_semaphore(%arg12 : memref<!tpu.dma_semaphore, #tpu.memory_space<semaphore_mem>>)
    %dma_start3A_418 = arith.constant 0 : i32
    %dma_start3A_419 = tpu.memref_slice %arg6[%dma_start3A_418] : memref<1048576xf32, #tpu.memory_space<vmem_shared>> -> memref<1048576xf32, #tpu.memory_space<vmem_shared>>
    %dma_start3A_420 = arith.constant -1 : i32
    tpu.enqueue_indirect_dma source(%arg9 : memref<16128xf32, #tpu.memory_space<vmem>>) target(%dma_start3A_419 : memref<1048576xf32, #tpu.memory_space<vmem_shared>>) offsets(%arg7 : memref<16128xi32, #tpu.memory_space<vmem>>) offset_filter(%dma_start3A_420) semaphore(%arg13 : memref<!tpu.dma_semaphore, #tpu.memory_space<semaphore_mem>>) {add = true}
    %dma_wait3A_421 = tpu.memref_slice %arg3[%arg0, %add3A_411] : memref<2x5419008xi32, #tpu.memory_space<hbm>> -> memref<1x16128xi32, #tpu.memory_space<hbm>>
    %dma_wait3A_422 = tpu.memref_squeeze %dma_wait3A_421 : memref<1x16128xi32, #tpu.memory_space<hbm>> -> memref<16128xi32, #tpu.memory_space<hbm>>
    %dma_wait3A_423 = tpu.memref_slice %arg3[%arg0, %add3A_411] : memref<2x5419008xi32, #tpu.memory_space<hbm>> -> memref<1x16128xi32, #tpu.memory_space<hbm>>
    %dma_wait3A_424 = tpu.memref_squeeze %dma_wait3A_423 : memref<1x16128xi32, #tpu.memory_space<hbm>> -> memref<16128xi32, #tpu.memory_space<hbm>>
    tpu.wait_dma2 semaphore(%arg12 : memref<!tpu.dma_semaphore, #tpu.memory_space<semaphore_mem>>) src(%dma_wait3A_424 : memref<16128xi32, #tpu.memory_space<hbm>>) dst(%arg8 : memref<16128xi32, #tpu.memory_space<vmem>>)
    %dma_wait3A_425 = tpu.memref_slice %arg2[%add3A_411] : memref<5419008xf32, #tpu.memory_space<hbm>> -> memref<16128xf32, #tpu.memory_space<hbm>>
    %dma_wait3A_426 = tpu.memref_slice %arg2[%add3A_411] : memref<5419008xf32, #tpu.memory_space<hbm>> -> memref<16128xf32, #tpu.memory_space<hbm>>
    tpu.wait_dma2 semaphore(%arg12 : memref<!tpu.dma_semaphore, #tpu.memory_space<semaphore_mem>>) src(%dma_wait3A_426 : memref<16128xf32, #tpu.memory_space<hbm>>) dst(%arg10 : memref<16128xf32, #tpu.memory_space<vmem>>)
    %dma_wait3A_427 = arith.constant 0 : i32
    %dma_wait3A_428 = tpu.memref_slice %arg6[%dma_wait3A_427] : memref<1048576xf32, #tpu.memory_space<vmem_shared>> -> memref<1048576xf32, #tpu.memory_space<vmem_shared>>
    tpu.wait_indirect_dma semaphore(%arg13 : memref<!tpu.dma_semaphore, #tpu.memory_space<semaphore_mem>>) src(%arg9 : memref<16128xf32, #tpu.memory_space<vmem>>) dst(%dma_wait3A_428 : memref<1048576xf32, #tpu.memory_space<vmem_shared>>)
    %mul3A_429 = arith.constant -16 : i32
    %mul3A_430 = arith.muli %arg0, %mul3A_429 : i32
    %add3A_431 = arith.constant 18 : i32
    %add3A_432 = arith.addi %add3A_431, %mul3A_430 : i32
    %mul3A_433 = arith.constant 16128 : i32
    %mul3A_434 = arith.muli %add3A_432, %mul3A_433 : i32
    %add3A_435 = arith.addi %mul3A_4, %mul3A_434 : i32
    %dma_start3A_436 = tpu.memref_slice %arg3[%arg0, %add3A_435] : memref<2x5419008xi32, #tpu.memory_space<hbm>> -> memref<1x16128xi32, #tpu.memory_space<hbm>>
    %dma_start3A_437 = tpu.memref_squeeze %dma_start3A_436 : memref<1x16128xi32, #tpu.memory_space<hbm>> -> memref<16128xi32, #tpu.memory_space<hbm>>
    %dma_start3A_438 = tpu.memref_slice %arg3[%arg0, %add3A_435] : memref<2x5419008xi32, #tpu.memory_space<hbm>> -> memref<1x16128xi32, #tpu.memory_space<hbm>>
    %dma_start3A_439 = tpu.memref_squeeze %dma_start3A_438 : memref<1x16128xi32, #tpu.memory_space<hbm>> -> memref<16128xi32, #tpu.memory_space<hbm>>
    tpu.enqueue_dma source(%dma_start3A_439 : memref<16128xi32, #tpu.memory_space<hbm>>) target(%arg7 : memref<16128xi32, #tpu.memory_space<vmem>>) target_semaphore(%arg11 : memref<!tpu.dma_semaphore, #tpu.memory_space<semaphore_mem>>)
    %dma_start3A_440 = tpu.memref_slice %arg2[%add3A_435] : memref<5419008xf32, #tpu.memory_space<hbm>> -> memref<16128xf32, #tpu.memory_space<hbm>>
    %dma_start3A_441 = tpu.memref_slice %arg2[%add3A_435] : memref<5419008xf32, #tpu.memory_space<hbm>> -> memref<16128xf32, #tpu.memory_space<hbm>>
    tpu.enqueue_dma source(%dma_start3A_441 : memref<16128xf32, #tpu.memory_space<hbm>>) target(%arg9 : memref<16128xf32, #tpu.memory_space<vmem>>) target_semaphore(%arg11 : memref<!tpu.dma_semaphore, #tpu.memory_space<semaphore_mem>>)
    %dma_start3A_442 = arith.constant 0 : i32
    %dma_start3A_443 = tpu.memref_slice %arg6[%dma_start3A_442] : memref<1048576xf32, #tpu.memory_space<vmem_shared>> -> memref<1048576xf32, #tpu.memory_space<vmem_shared>>
    %dma_start3A_444 = arith.constant -1 : i32
    tpu.enqueue_indirect_dma source(%arg10 : memref<16128xf32, #tpu.memory_space<vmem>>) target(%dma_start3A_443 : memref<1048576xf32, #tpu.memory_space<vmem_shared>>) offsets(%arg8 : memref<16128xi32, #tpu.memory_space<vmem>>) offset_filter(%dma_start3A_444) semaphore(%arg14 : memref<!tpu.dma_semaphore, #tpu.memory_space<semaphore_mem>>) {add = true}
    %dma_wait3A_445 = tpu.memref_slice %arg3[%arg0, %add3A_435] : memref<2x5419008xi32, #tpu.memory_space<hbm>> -> memref<1x16128xi32, #tpu.memory_space<hbm>>
    %dma_wait3A_446 = tpu.memref_squeeze %dma_wait3A_445 : memref<1x16128xi32, #tpu.memory_space<hbm>> -> memref<16128xi32, #tpu.memory_space<hbm>>
    %dma_wait3A_447 = tpu.memref_slice %arg3[%arg0, %add3A_435] : memref<2x5419008xi32, #tpu.memory_space<hbm>> -> memref<1x16128xi32, #tpu.memory_space<hbm>>
    %dma_wait3A_448 = tpu.memref_squeeze %dma_wait3A_447 : memref<1x16128xi32, #tpu.memory_space<hbm>> -> memref<16128xi32, #tpu.memory_space<hbm>>
    tpu.wait_dma2 semaphore(%arg11 : memref<!tpu.dma_semaphore, #tpu.memory_space<semaphore_mem>>) src(%dma_wait3A_448 : memref<16128xi32, #tpu.memory_space<hbm>>) dst(%arg7 : memref<16128xi32, #tpu.memory_space<vmem>>)
    %dma_wait3A_449 = tpu.memref_slice %arg2[%add3A_435] : memref<5419008xf32, #tpu.memory_space<hbm>> -> memref<16128xf32, #tpu.memory_space<hbm>>
    %dma_wait3A_450 = tpu.memref_slice %arg2[%add3A_435] : memref<5419008xf32, #tpu.memory_space<hbm>> -> memref<16128xf32, #tpu.memory_space<hbm>>
    tpu.wait_dma2 semaphore(%arg11 : memref<!tpu.dma_semaphore, #tpu.memory_space<semaphore_mem>>) src(%dma_wait3A_450 : memref<16128xf32, #tpu.memory_space<hbm>>) dst(%arg9 : memref<16128xf32, #tpu.memory_space<vmem>>)
    %dma_wait3A_451 = arith.constant 0 : i32
    %dma_wait3A_452 = tpu.memref_slice %arg6[%dma_wait3A_451] : memref<1048576xf32, #tpu.memory_space<vmem_shared>> -> memref<1048576xf32, #tpu.memory_space<vmem_shared>>
    tpu.wait_indirect_dma semaphore(%arg14 : memref<!tpu.dma_semaphore, #tpu.memory_space<semaphore_mem>>) src(%arg10 : memref<16128xf32, #tpu.memory_space<vmem>>) dst(%dma_wait3A_452 : memref<1048576xf32, #tpu.memory_space<vmem_shared>>)
    %mul3A_453 = arith.constant -18 : i32
    %mul3A_454 = arith.muli %arg0, %mul3A_453 : i32
    %add3A_455 = arith.constant 19 : i32
    %add3A_456 = arith.addi %add3A_455, %mul3A_454 : i32
    %mul3A_457 = arith.constant 16128 : i32
    %mul3A_458 = arith.muli %add3A_456, %mul3A_457 : i32
    %add3A_459 = arith.addi %mul3A_4, %mul3A_458 : i32
    %dma_start3A_460 = tpu.memref_slice %arg3[%arg0, %add3A_459] : memref<2x5419008xi32, #tpu.memory_space<hbm>> -> memref<1x16128xi32, #tpu.memory_space<hbm>>
    %dma_start3A_461 = tpu.memref_squeeze %dma_start3A_460 : memref<1x16128xi32, #tpu.memory_space<hbm>> -> memref<16128xi32, #tpu.memory_space<hbm>>
    %dma_start3A_462 = tpu.memref_slice %arg3[%arg0, %add3A_459] : memref<2x5419008xi32, #tpu.memory_space<hbm>> -> memref<1x16128xi32, #tpu.memory_space<hbm>>
    %dma_start3A_463 = tpu.memref_squeeze %dma_start3A_462 : memref<1x16128xi32, #tpu.memory_space<hbm>> -> memref<16128xi32, #tpu.memory_space<hbm>>
    tpu.enqueue_dma source(%dma_start3A_463 : memref<16128xi32, #tpu.memory_space<hbm>>) target(%arg8 : memref<16128xi32, #tpu.memory_space<vmem>>) target_semaphore(%arg12 : memref<!tpu.dma_semaphore, #tpu.memory_space<semaphore_mem>>)
    %dma_start3A_464 = tpu.memref_slice %arg2[%add3A_459] : memref<5419008xf32, #tpu.memory_space<hbm>> -> memref<16128xf32, #tpu.memory_space<hbm>>
    %dma_start3A_465 = tpu.memref_slice %arg2[%add3A_459] : memref<5419008xf32, #tpu.memory_space<hbm>> -> memref<16128xf32, #tpu.memory_space<hbm>>
    tpu.enqueue_dma source(%dma_start3A_465 : memref<16128xf32, #tpu.memory_space<hbm>>) target(%arg10 : memref<16128xf32, #tpu.memory_space<vmem>>) target_semaphore(%arg12 : memref<!tpu.dma_semaphore, #tpu.memory_space<semaphore_mem>>)
    %dma_start3A_466 = arith.constant 0 : i32
    %dma_start3A_467 = tpu.memref_slice %arg6[%dma_start3A_466] : memref<1048576xf32, #tpu.memory_space<vmem_shared>> -> memref<1048576xf32, #tpu.memory_space<vmem_shared>>
    %dma_start3A_468 = arith.constant -1 : i32
    tpu.enqueue_indirect_dma source(%arg9 : memref<16128xf32, #tpu.memory_space<vmem>>) target(%dma_start3A_467 : memref<1048576xf32, #tpu.memory_space<vmem_shared>>) offsets(%arg7 : memref<16128xi32, #tpu.memory_space<vmem>>) offset_filter(%dma_start3A_468) semaphore(%arg13 : memref<!tpu.dma_semaphore, #tpu.memory_space<semaphore_mem>>) {add = true}
    %dma_wait3A_469 = tpu.memref_slice %arg3[%arg0, %add3A_459] : memref<2x5419008xi32, #tpu.memory_space<hbm>> -> memref<1x16128xi32, #tpu.memory_space<hbm>>
    %dma_wait3A_470 = tpu.memref_squeeze %dma_wait3A_469 : memref<1x16128xi32, #tpu.memory_space<hbm>> -> memref<16128xi32, #tpu.memory_space<hbm>>
    %dma_wait3A_471 = tpu.memref_slice %arg3[%arg0, %add3A_459] : memref<2x5419008xi32, #tpu.memory_space<hbm>> -> memref<1x16128xi32, #tpu.memory_space<hbm>>
    %dma_wait3A_472 = tpu.memref_squeeze %dma_wait3A_471 : memref<1x16128xi32, #tpu.memory_space<hbm>> -> memref<16128xi32, #tpu.memory_space<hbm>>
    tpu.wait_dma2 semaphore(%arg12 : memref<!tpu.dma_semaphore, #tpu.memory_space<semaphore_mem>>) src(%dma_wait3A_472 : memref<16128xi32, #tpu.memory_space<hbm>>) dst(%arg8 : memref<16128xi32, #tpu.memory_space<vmem>>)
    %dma_wait3A_473 = tpu.memref_slice %arg2[%add3A_459] : memref<5419008xf32, #tpu.memory_space<hbm>> -> memref<16128xf32, #tpu.memory_space<hbm>>
    %dma_wait3A_474 = tpu.memref_slice %arg2[%add3A_459] : memref<5419008xf32, #tpu.memory_space<hbm>> -> memref<16128xf32, #tpu.memory_space<hbm>>
    tpu.wait_dma2 semaphore(%arg12 : memref<!tpu.dma_semaphore, #tpu.memory_space<semaphore_mem>>) src(%dma_wait3A_474 : memref<16128xf32, #tpu.memory_space<hbm>>) dst(%arg10 : memref<16128xf32, #tpu.memory_space<vmem>>)
    %dma_wait3A_475 = arith.constant 0 : i32
    %dma_wait3A_476 = tpu.memref_slice %arg6[%dma_wait3A_475] : memref<1048576xf32, #tpu.memory_space<vmem_shared>> -> memref<1048576xf32, #tpu.memory_space<vmem_shared>>
    tpu.wait_indirect_dma semaphore(%arg13 : memref<!tpu.dma_semaphore, #tpu.memory_space<semaphore_mem>>) src(%arg9 : memref<16128xf32, #tpu.memory_space<vmem>>) dst(%dma_wait3A_476 : memref<1048576xf32, #tpu.memory_space<vmem_shared>>)
    %mul3A_477 = arith.constant -20 : i32
    %mul3A_478 = arith.muli %arg0, %mul3A_477 : i32
    %add3A_479 = arith.constant 20 : i32
    %add3A_480 = arith.addi %add3A_479, %mul3A_478 : i32
    %mul3A_481 = arith.constant 16128 : i32
    %mul3A_482 = arith.muli %add3A_480, %mul3A_481 : i32
    %add3A_483 = arith.addi %mul3A_4, %mul3A_482 : i32
    %dma_start3A_484 = tpu.memref_slice %arg3[%arg0, %add3A_483] : memref<2x5419008xi32, #tpu.memory_space<hbm>> -> memref<1x16128xi32, #tpu.memory_space<hbm>>
    %dma_start3A_485 = tpu.memref_squeeze %dma_start3A_484 : memref<1x16128xi32, #tpu.memory_space<hbm>> -> memref<16128xi32, #tpu.memory_space<hbm>>
    %dma_start3A_486 = tpu.memref_slice %arg3[%arg0, %add3A_483] : memref<2x5419008xi32, #tpu.memory_space<hbm>> -> memref<1x16128xi32, #tpu.memory_space<hbm>>
    %dma_start3A_487 = tpu.memref_squeeze %dma_start3A_486 : memref<1x16128xi32, #tpu.memory_space<hbm>> -> memref<16128xi32, #tpu.memory_space<hbm>>
    tpu.enqueue_dma source(%dma_start3A_487 : memref<16128xi32, #tpu.memory_space<hbm>>) target(%arg7 : memref<16128xi32, #tpu.memory_space<vmem>>) target_semaphore(%arg11 : memref<!tpu.dma_semaphore, #tpu.memory_space<semaphore_mem>>)
    %dma_start3A_488 = tpu.memref_slice %arg2[%add3A_483] : memref<5419008xf32, #tpu.memory_space<hbm>> -> memref<16128xf32, #tpu.memory_space<hbm>>
    %dma_start3A_489 = tpu.memref_slice %arg2[%add3A_483] : memref<5419008xf32, #tpu.memory_space<hbm>> -> memref<16128xf32, #tpu.memory_space<hbm>>
    tpu.enqueue_dma source(%dma_start3A_489 : memref<16128xf32, #tpu.memory_space<hbm>>) target(%arg9 : memref<16128xf32, #tpu.memory_space<vmem>>) target_semaphore(%arg11 : memref<!tpu.dma_semaphore, #tpu.memory_space<semaphore_mem>>)
    %dma_start3A_490 = arith.constant 0 : i32
    %dma_start3A_491 = tpu.memref_slice %arg6[%dma_start3A_490] : memref<1048576xf32, #tpu.memory_space<vmem_shared>> -> memref<1048576xf32, #tpu.memory_space<vmem_shared>>
    %dma_start3A_492 = arith.constant -1 : i32
    tpu.enqueue_indirect_dma source(%arg10 : memref<16128xf32, #tpu.memory_space<vmem>>) target(%dma_start3A_491 : memref<1048576xf32, #tpu.memory_space<vmem_shared>>) offsets(%arg8 : memref<16128xi32, #tpu.memory_space<vmem>>) offset_filter(%dma_start3A_492) semaphore(%arg14 : memref<!tpu.dma_semaphore, #tpu.memory_space<semaphore_mem>>) {add = true}
    %dma_wait3A_493 = tpu.memref_slice %arg3[%arg0, %add3A_483] : memref<2x5419008xi32, #tpu.memory_space<hbm>> -> memref<1x16128xi32, #tpu.memory_space<hbm>>
    %dma_wait3A_494 = tpu.memref_squeeze %dma_wait3A_493 : memref<1x16128xi32, #tpu.memory_space<hbm>> -> memref<16128xi32, #tpu.memory_space<hbm>>
    %dma_wait3A_495 = tpu.memref_slice %arg3[%arg0, %add3A_483] : memref<2x5419008xi32, #tpu.memory_space<hbm>> -> memref<1x16128xi32, #tpu.memory_space<hbm>>
    %dma_wait3A_496 = tpu.memref_squeeze %dma_wait3A_495 : memref<1x16128xi32, #tpu.memory_space<hbm>> -> memref<16128xi32, #tpu.memory_space<hbm>>
    tpu.wait_dma2 semaphore(%arg11 : memref<!tpu.dma_semaphore, #tpu.memory_space<semaphore_mem>>) src(%dma_wait3A_496 : memref<16128xi32, #tpu.memory_space<hbm>>) dst(%arg7 : memref<16128xi32, #tpu.memory_space<vmem>>)
    %dma_wait3A_497 = tpu.memref_slice %arg2[%add3A_483] : memref<5419008xf32, #tpu.memory_space<hbm>> -> memref<16128xf32, #tpu.memory_space<hbm>>
    %dma_wait3A_498 = tpu.memref_slice %arg2[%add3A_483] : memref<5419008xf32, #tpu.memory_space<hbm>> -> memref<16128xf32, #tpu.memory_space<hbm>>
    tpu.wait_dma2 semaphore(%arg11 : memref<!tpu.dma_semaphore, #tpu.memory_space<semaphore_mem>>) src(%dma_wait3A_498 : memref<16128xf32, #tpu.memory_space<hbm>>) dst(%arg9 : memref<16128xf32, #tpu.memory_space<vmem>>)
    %dma_start3A_499 = arith.constant 0 : i32
    %dma_start3A_500 = tpu.memref_slice %arg6[%dma_start3A_499] : memref<1048576xf32, #tpu.memory_space<vmem_shared>> -> memref<1048576xf32, #tpu.memory_space<vmem_shared>>
    %dma_start3A_501 = arith.constant -1 : i32
    tpu.enqueue_indirect_dma source(%arg9 : memref<16128xf32, #tpu.memory_space<vmem>>) target(%dma_start3A_500 : memref<1048576xf32, #tpu.memory_space<vmem_shared>>) offsets(%arg7 : memref<16128xi32, #tpu.memory_space<vmem>>) offset_filter(%dma_start3A_501) semaphore(%arg13 : memref<!tpu.dma_semaphore, #tpu.memory_space<semaphore_mem>>) {add = true}
    %dma_wait3A_502 = arith.constant 0 : i32
    %dma_wait3A_503 = tpu.memref_slice %arg6[%dma_wait3A_502] : memref<1048576xf32, #tpu.memory_space<vmem_shared>> -> memref<1048576xf32, #tpu.memory_space<vmem_shared>>
    tpu.wait_indirect_dma semaphore(%arg13 : memref<!tpu.dma_semaphore, #tpu.memory_space<semaphore_mem>>) src(%arg9 : memref<16128xf32, #tpu.memory_space<vmem>>) dst(%dma_wait3A_503 : memref<1048576xf32, #tpu.memory_space<vmem_shared>>)
    %dma_wait3A_504 = arith.constant 0 : i32
    %dma_wait3A_505 = tpu.memref_slice %arg6[%dma_wait3A_504] : memref<1048576xf32, #tpu.memory_space<vmem_shared>> -> memref<1048576xf32, #tpu.memory_space<vmem_shared>>
    tpu.wait_indirect_dma semaphore(%arg14 : memref<!tpu.dma_semaphore, #tpu.memory_space<semaphore_mem>>) src(%arg10 : memref<16128xf32, #tpu.memory_space<vmem>>) dst(%dma_wait3A_505 : memref<1048576xf32, #tpu.memory_space<vmem_shared>>)
    %barrier3A_506 = arith.constant 0 : index
    tpu.barrier barrier_id(%barrier3A_506)
    %mul3A_507 = arith.constant 65536 : i32
    %mul3A_508 = arith.muli %arg1, %mul3A_507 : i32
    %mul3A_509 = arith.constant 1048576 : i32
    %mul3A_510 = arith.muli %arg0, %mul3A_509 : i32
    %mul3A_511 = arith.constant 65536 : i32
    %mul3A_512 = arith.muli %arg1, %mul3A_511 : i32
    %add3A_513 = arith.addi %mul3A_510, %mul3A_512 : i32
    "tpu.region"() ({
      %run_scoped3A = tpu.sem_alloc : memref<!tpu.dma_semaphore, #tpu.memory_space<semaphore_mem>>
      %dma_start3A_514 = tpu.memref_slice %arg5[%add3A_513] : memref<2097152xf32, #tpu.memory_space<hbm>> -> memref<65536xf32, #tpu.memory_space<hbm>>
      %dma_start3A_515 = tpu.memref_slice %arg6[%mul3A_508] : memref<1048576xf32, #tpu.memory_space<vmem_shared>> -> memref<65536xf32, #tpu.memory_space<vmem_shared>>
      tpu.enqueue_dma source(%dma_start3A_515 : memref<65536xf32, #tpu.memory_space<vmem_shared>>) target(%dma_start3A_514 : memref<65536xf32, #tpu.memory_space<hbm>>) target_semaphore(%run_scoped3A : memref<!tpu.dma_semaphore, #tpu.memory_space<semaphore_mem>>)
      %dma_wait3A_516 = tpu.memref_slice %arg5[%add3A_513] : memref<2097152xf32, #tpu.memory_space<hbm>> -> memref<65536xf32, #tpu.memory_space<hbm>>
      %dma_wait3A_517 = tpu.memref_slice %arg6[%mul3A_508] : memref<1048576xf32, #tpu.memory_space<vmem_shared>> -> memref<65536xf32, #tpu.memory_space<vmem_shared>>
      tpu.wait_dma2 semaphore(%run_scoped3A : memref<!tpu.dma_semaphore, #tpu.memory_space<semaphore_mem>>) src(%dma_wait3A_517 : memref<65536xf32, #tpu.memory_space<vmem_shared>>) dst(%dma_wait3A_516 : memref<65536xf32, #tpu.memory_space<hbm>>)
      tpu.yield
    }) : () -> ()
    return
  }
}

module attributes {stable_mosaic.version = 14 : i64} {
  func.func @_gauss_body(%arg0: i32, %arg1: memref<11x32x128xf32, #tpu.memory_space<vmem>>, %arg2: memref<27x32x128xf32, #tpu.memory_space<vmem>>, %arg3: memref<2x27x32x128xi32, #tpu.memory_space<vmem>>, %arg4: memref<32x128xi32, #tpu.memory_space<vmem>>) attributes {dimension_semantics = [#tpu.dimension_semantics<arbitrary>], iteration_bounds = array<i64: 49>, scalar_prefetch = 0 : i64, scratch_operands = 0 : i64, tpu.core_type = #tpu.core_type<tc>, window_params = [{transform_indices = @transform_0, window_bounds = array<i64: 11, 32, 128>}, {transform_indices = @transform_1, window_bounds = array<i64: 27, 32, 128>}, {transform_indices = @transform_2, window_bounds = array<i64: 2, 27, 32, 128>}, {transform_indices = @transform_3, window_bounds = array<i64: 32, 128>}]} {
    %get3A = arith.constant 0 : index
    %get3A_0 = arith.constant 0 : index
    %get3A_1 = arith.constant 0 : index
    %get3A_2 = vector.load %arg1[%get3A, %get3A_0, %get3A_1] : memref<11x32x128xf32, #tpu.memory_space<vmem>>, vector<1x32x128xf32>
    %get3A_3 = vector.shape_cast %get3A_2 : vector<1x32x128xf32> to vector<32x128xf32>
    %get3A_4 = arith.constant 1 : index
    %get3A_5 = arith.constant 0 : index
    %get3A_6 = arith.constant 0 : index
    %get3A_7 = vector.load %arg1[%get3A_4, %get3A_5, %get3A_6] : memref<11x32x128xf32, #tpu.memory_space<vmem>>, vector<1x32x128xf32>
    %get3A_8 = vector.shape_cast %get3A_7 : vector<1x32x128xf32> to vector<32x128xf32>
    %get3A_9 = arith.constant 2 : index
    %get3A_10 = arith.constant 0 : index
    %get3A_11 = arith.constant 0 : index
    %get3A_12 = vector.load %arg1[%get3A_9, %get3A_10, %get3A_11] : memref<11x32x128xf32, #tpu.memory_space<vmem>>, vector<1x32x128xf32>
    %get3A_13 = vector.shape_cast %get3A_12 : vector<1x32x128xf32> to vector<32x128xf32>
    %get3A_14 = arith.constant 3 : index
    %get3A_15 = arith.constant 0 : index
    %get3A_16 = arith.constant 0 : index
    %get3A_17 = vector.load %arg1[%get3A_14, %get3A_15, %get3A_16] : memref<11x32x128xf32, #tpu.memory_space<vmem>>, vector<1x32x128xf32>
    %get3A_18 = vector.shape_cast %get3A_17 : vector<1x32x128xf32> to vector<32x128xf32>
    %mul3A = arith.constant 1.000000e+00 : f32
    %mul3A_19 = vector.broadcast %mul3A : f32 to vector<32x128xf32>
    %mul3A_20 = arith.mulf %get3A_18, %mul3A_19 : vector<32x128xf32>
    %get3A_21 = arith.constant 4 : index
    %get3A_22 = arith.constant 0 : index
    %get3A_23 = arith.constant 0 : index
    %get3A_24 = vector.load %arg1[%get3A_21, %get3A_22, %get3A_23] : memref<11x32x128xf32, #tpu.memory_space<vmem>>, vector<1x32x128xf32>
    %get3A_25 = vector.shape_cast %get3A_24 : vector<1x32x128xf32> to vector<32x128xf32>
    %mul3A_26 = arith.constant 1.000000e+00 : f32
    %mul3A_27 = vector.broadcast %mul3A_26 : f32 to vector<32x128xf32>
    %mul3A_28 = arith.mulf %get3A_25, %mul3A_27 : vector<32x128xf32>
    %get3A_29 = arith.constant 5 : index
    %get3A_30 = arith.constant 0 : index
    %get3A_31 = arith.constant 0 : index
    %get3A_32 = vector.load %arg1[%get3A_29, %get3A_30, %get3A_31] : memref<11x32x128xf32, #tpu.memory_space<vmem>>, vector<1x32x128xf32>
    %get3A_33 = vector.shape_cast %get3A_32 : vector<1x32x128xf32> to vector<32x128xf32>
    %mul3A_34 = arith.constant 1.000000e+00 : f32
    %mul3A_35 = vector.broadcast %mul3A_34 : f32 to vector<32x128xf32>
    %mul3A_36 = arith.mulf %get3A_33, %mul3A_35 : vector<32x128xf32>
    %get3A_37 = arith.constant 6 : index
    %get3A_38 = arith.constant 0 : index
    %get3A_39 = arith.constant 0 : index
    %get3A_40 = vector.load %arg1[%get3A_37, %get3A_38, %get3A_39] : memref<11x32x128xf32, #tpu.memory_space<vmem>>, vector<1x32x128xf32>
    %get3A_41 = vector.shape_cast %get3A_40 : vector<1x32x128xf32> to vector<32x128xf32>
    %get3A_42 = arith.constant 7 : index
    %get3A_43 = arith.constant 0 : index
    %get3A_44 = arith.constant 0 : index
    %get3A_45 = vector.load %arg1[%get3A_42, %get3A_43, %get3A_44] : memref<11x32x128xf32, #tpu.memory_space<vmem>>, vector<1x32x128xf32>
    %get3A_46 = vector.shape_cast %get3A_45 : vector<1x32x128xf32> to vector<32x128xf32>
    %get3A_47 = arith.constant 8 : index
    %get3A_48 = arith.constant 0 : index
    %get3A_49 = arith.constant 0 : index
    %get3A_50 = vector.load %arg1[%get3A_47, %get3A_48, %get3A_49] : memref<11x32x128xf32, #tpu.memory_space<vmem>>, vector<1x32x128xf32>
    %get3A_51 = vector.shape_cast %get3A_50 : vector<1x32x128xf32> to vector<32x128xf32>
    %get3A_52 = arith.constant 9 : index
    %get3A_53 = arith.constant 0 : index
    %get3A_54 = arith.constant 0 : index
    %get3A_55 = vector.load %arg1[%get3A_52, %get3A_53, %get3A_54] : memref<11x32x128xf32, #tpu.memory_space<vmem>>, vector<1x32x128xf32>
    %get3A_56 = vector.shape_cast %get3A_55 : vector<1x32x128xf32> to vector<32x128xf32>
    %get3A_57 = arith.constant 10 : index
    %get3A_58 = arith.constant 0 : index
    %get3A_59 = arith.constant 0 : index
    %get3A_60 = vector.load %arg1[%get3A_57, %get3A_58, %get3A_59] : memref<11x32x128xf32, #tpu.memory_space<vmem>>, vector<1x32x128xf32>
    %get3A_61 = vector.shape_cast %get3A_60 : vector<1x32x128xf32> to vector<32x128xf32>
    %max3A = arith.maximumf %mul3A_28, %mul3A_36 : vector<32x128xf32>
    %max3A_62 = arith.maximumf %mul3A_20, %max3A : vector<32x128xf32>
    %mul3A_63 = arith.constant 3.000000e+00 : f32
    %mul3A_64 = vector.broadcast %mul3A_63 : f32 to vector<32x128xf32>
    %mul3A_65 = arith.mulf %mul3A_64, %max3A_62 : vector<32x128xf32>
    %div3A = arith.constant 1.562500e-02 : f32
    %div3A_66 = vector.broadcast %div3A : f32 to vector<32x128xf32>
    %div3A_67 = arith.divf %mul3A_65, %div3A_66 : vector<32x128xf32>
    %ceil3A = math.ceil %div3A_67 : vector<32x128xf32>
    %convert_element_type3A = arith.fptosi %ceil3A : vector<32x128xf32> to vector<32x128xi32>
    %swap3A = arith.constant 0 : index
    %swap3A_68 = arith.constant 0 : index
    %swap3A_69 = vector.load %arg4[%swap3A, %swap3A_68] : memref<32x128xi32, #tpu.memory_space<vmem>>, vector<32x128xi32>
    tpu.vector_store %arg4[%swap3A, %swap3A_68], %convert_element_type3A {strides = array<i32>} : memref<32x128xi32, #tpu.memory_space<vmem>>, vector<32x128xi32>,
    %mul3A_70 = arith.mulf %get3A_41, %get3A_41 : vector<32x128xf32>
    %mul3A_71 = arith.mulf %get3A_46, %get3A_46 : vector<32x128xf32>
    %add3A = arith.addf %mul3A_70, %mul3A_71 : vector<32x128xf32>
    %mul3A_72 = arith.mulf %get3A_51, %get3A_51 : vector<32x128xf32>
    %add3A_73 = arith.addf %add3A, %mul3A_72 : vector<32x128xf32>
    %mul3A_74 = arith.mulf %get3A_56, %get3A_56 : vector<32x128xf32>
    %add3A_75 = arith.addf %add3A_73, %mul3A_74 : vector<32x128xf32>
    %sqrt3A = math.sqrt %add3A_75 : vector<32x128xf32>
    %add3A_76 = arith.constant 9.99999993E-9 : f32
    %add3A_77 = vector.broadcast %add3A_76 : f32 to vector<32x128xf32>
    %add3A_78 = arith.addf %sqrt3A, %add3A_77 : vector<32x128xf32>
    %div3A_79 = arith.divf %get3A_41, %add3A_78 : vector<32x128xf32>
    %div3A_80 = arith.divf %get3A_46, %add3A_78 : vector<32x128xf32>
    %div3A_81 = arith.divf %get3A_51, %add3A_78 : vector<32x128xf32>
    %div3A_82 = arith.divf %get3A_56, %add3A_78 : vector<32x128xf32>
    %mul3A_83 = arith.mulf %div3A_81, %div3A_81 : vector<32x128xf32>
    %mul3A_84 = arith.mulf %div3A_82, %div3A_82 : vector<32x128xf32>
    %add3A_85 = arith.addf %mul3A_83, %mul3A_84 : vector<32x128xf32>
    %mul3A_86 = arith.constant 2.000000e+00 : f32
    %mul3A_87 = vector.broadcast %mul3A_86 : f32 to vector<32x128xf32>
    %mul3A_88 = arith.mulf %mul3A_87, %add3A_85 : vector<32x128xf32>
    %sub3A = arith.constant 1.000000e+00 : f32
    %sub3A_89 = vector.broadcast %sub3A : f32 to vector<32x128xf32>
    %sub3A_90 = arith.subf %sub3A_89, %mul3A_88 : vector<32x128xf32>
    %mul3A_91 = arith.mulf %div3A_80, %div3A_81 : vector<32x128xf32>
    %mul3A_92 = arith.mulf %div3A_79, %div3A_82 : vector<32x128xf32>
    %sub3A_93 = arith.subf %mul3A_91, %mul3A_92 : vector<32x128xf32>
    %mul3A_94 = arith.constant 2.000000e+00 : f32
    %mul3A_95 = vector.broadcast %mul3A_94 : f32 to vector<32x128xf32>
    %mul3A_96 = arith.mulf %mul3A_95, %sub3A_93 : vector<32x128xf32>
    %mul3A_97 = arith.mulf %div3A_80, %div3A_82 : vector<32x128xf32>
    %mul3A_98 = arith.mulf %div3A_79, %div3A_81 : vector<32x128xf32>
    %add3A_99 = arith.addf %mul3A_97, %mul3A_98 : vector<32x128xf32>
    %mul3A_100 = arith.constant 2.000000e+00 : f32
    %mul3A_101 = vector.broadcast %mul3A_100 : f32 to vector<32x128xf32>
    %mul3A_102 = arith.mulf %mul3A_101, %add3A_99 : vector<32x128xf32>
    %mul3A_103 = arith.mulf %div3A_80, %div3A_81 : vector<32x128xf32>
    %mul3A_104 = arith.mulf %div3A_79, %div3A_82 : vector<32x128xf32>
    %add3A_105 = arith.addf %mul3A_103, %mul3A_104 : vector<32x128xf32>
    %mul3A_106 = arith.constant 2.000000e+00 : f32
    %mul3A_107 = vector.broadcast %mul3A_106 : f32 to vector<32x128xf32>
    %mul3A_108 = arith.mulf %mul3A_107, %add3A_105 : vector<32x128xf32>
    %mul3A_109 = arith.mulf %div3A_80, %div3A_80 : vector<32x128xf32>
    %mul3A_110 = arith.mulf %div3A_82, %div3A_82 : vector<32x128xf32>
    %add3A_111 = arith.addf %mul3A_109, %mul3A_110 : vector<32x128xf32>
    %mul3A_112 = arith.constant 2.000000e+00 : f32
    %mul3A_113 = vector.broadcast %mul3A_112 : f32 to vector<32x128xf32>
    %mul3A_114 = arith.mulf %mul3A_113, %add3A_111 : vector<32x128xf32>
    %sub3A_115 = arith.constant 1.000000e+00 : f32
    %sub3A_116 = vector.broadcast %sub3A_115 : f32 to vector<32x128xf32>
    %sub3A_117 = arith.subf %sub3A_116, %mul3A_114 : vector<32x128xf32>
    %mul3A_118 = arith.mulf %div3A_81, %div3A_82 : vector<32x128xf32>
    %mul3A_119 = arith.mulf %div3A_79, %div3A_80 : vector<32x128xf32>
    %sub3A_120 = arith.subf %mul3A_118, %mul3A_119 : vector<32x128xf32>
    %mul3A_121 = arith.constant 2.000000e+00 : f32
    %mul3A_122 = vector.broadcast %mul3A_121 : f32 to vector<32x128xf32>
    %mul3A_123 = arith.mulf %mul3A_122, %sub3A_120 : vector<32x128xf32>
    %mul3A_124 = arith.mulf %div3A_80, %div3A_82 : vector<32x128xf32>
    %mul3A_125 = arith.mulf %div3A_79, %div3A_81 : vector<32x128xf32>
    %sub3A_126 = arith.subf %mul3A_124, %mul3A_125 : vector<32x128xf32>
    %mul3A_127 = arith.constant 2.000000e+00 : f32
    %mul3A_128 = vector.broadcast %mul3A_127 : f32 to vector<32x128xf32>
    %mul3A_129 = arith.mulf %mul3A_128, %sub3A_126 : vector<32x128xf32>
    %mul3A_130 = arith.mulf %div3A_81, %div3A_82 : vector<32x128xf32>
    %mul3A_131 = arith.mulf %div3A_79, %div3A_80 : vector<32x128xf32>
    %add3A_132 = arith.addf %mul3A_130, %mul3A_131 : vector<32x128xf32>
    %mul3A_133 = arith.constant 2.000000e+00 : f32
    %mul3A_134 = vector.broadcast %mul3A_133 : f32 to vector<32x128xf32>
    %mul3A_135 = arith.mulf %mul3A_134, %add3A_132 : vector<32x128xf32>
    %mul3A_136 = arith.mulf %div3A_80, %div3A_80 : vector<32x128xf32>
    %mul3A_137 = arith.mulf %div3A_81, %div3A_81 : vector<32x128xf32>
    %add3A_138 = arith.addf %mul3A_136, %mul3A_137 : vector<32x128xf32>
    %mul3A_139 = arith.constant 2.000000e+00 : f32
    %mul3A_140 = vector.broadcast %mul3A_139 : f32 to vector<32x128xf32>
    %mul3A_141 = arith.mulf %mul3A_140, %add3A_138 : vector<32x128xf32>
    %sub3A_142 = arith.constant 1.000000e+00 : f32
    %sub3A_143 = vector.broadcast %sub3A_142 : f32 to vector<32x128xf32>
    %sub3A_144 = arith.subf %sub3A_143, %mul3A_141 : vector<32x128xf32>
    %mul3A_145 = arith.mulf %mul3A_20, %mul3A_20 : vector<32x128xf32>
    %mul3A_146 = arith.mulf %mul3A_28, %mul3A_28 : vector<32x128xf32>
    %mul3A_147 = arith.mulf %mul3A_36, %mul3A_36 : vector<32x128xf32>
    %mul3A_148 = arith.mulf %sub3A_90, %sub3A_90 : vector<32x128xf32>
    %mul3A_149 = arith.mulf %mul3A_148, %mul3A_145 : vector<32x128xf32>
    %mul3A_150 = arith.mulf %mul3A_96, %mul3A_96 : vector<32x128xf32>
    %mul3A_151 = arith.mulf %mul3A_150, %mul3A_146 : vector<32x128xf32>
    %add3A_152 = arith.addf %mul3A_149, %mul3A_151 : vector<32x128xf32>
    %mul3A_153 = arith.mulf %mul3A_102, %mul3A_102 : vector<32x128xf32>
    %mul3A_154 = arith.mulf %mul3A_153, %mul3A_147 : vector<32x128xf32>
    %add3A_155 = arith.addf %add3A_152, %mul3A_154 : vector<32x128xf32>
    %add3A_156 = arith.constant 9.99999993E-9 : f32
    %add3A_157 = vector.broadcast %add3A_156 : f32 to vector<32x128xf32>
    %add3A_158 = arith.addf %add3A_155, %add3A_157 : vector<32x128xf32>
    %mul3A_159 = arith.mulf %sub3A_90, %mul3A_108 : vector<32x128xf32>
    %mul3A_160 = arith.mulf %mul3A_159, %mul3A_145 : vector<32x128xf32>
    %mul3A_161 = arith.mulf %mul3A_96, %sub3A_117 : vector<32x128xf32>
    %mul3A_162 = arith.mulf %mul3A_161, %mul3A_146 : vector<32x128xf32>
    %add3A_163 = arith.addf %mul3A_160, %mul3A_162 : vector<32x128xf32>
    %mul3A_164 = arith.mulf %mul3A_102, %mul3A_123 : vector<32x128xf32>
    %mul3A_165 = arith.mulf %mul3A_164, %mul3A_147 : vector<32x128xf32>
    %add3A_166 = arith.addf %add3A_163, %mul3A_165 : vector<32x128xf32>
    %mul3A_167 = arith.mulf %sub3A_90, %mul3A_129 : vector<32x128xf32>
    %mul3A_168 = arith.mulf %mul3A_167, %mul3A_145 : vector<32x128xf32>
    %mul3A_169 = arith.mulf %mul3A_96, %mul3A_135 : vector<32x128xf32>
    %mul3A_170 = arith.mulf %mul3A_169, %mul3A_146 : vector<32x128xf32>
    %add3A_171 = arith.addf %mul3A_168, %mul3A_170 : vector<32x128xf32>
    %mul3A_172 = arith.mulf %mul3A_102, %sub3A_144 : vector<32x128xf32>
    %mul3A_173 = arith.mulf %mul3A_172, %mul3A_147 : vector<32x128xf32>
    %add3A_174 = arith.addf %add3A_171, %mul3A_173 : vector<32x128xf32>
    %mul3A_175 = arith.mulf %mul3A_108, %mul3A_108 : vector<32x128xf32>
    %mul3A_176 = arith.mulf %mul3A_175, %mul3A_145 : vector<32x128xf32>
    %mul3A_177 = arith.mulf %sub3A_117, %sub3A_117 : vector<32x128xf32>
    %mul3A_178 = arith.mulf %mul3A_177, %mul3A_146 : vector<32x128xf32>
    %add3A_179 = arith.addf %mul3A_176, %mul3A_178 : vector<32x128xf32>
    %mul3A_180 = arith.mulf %mul3A_123, %mul3A_123 : vector<32x128xf32>
    %mul3A_181 = arith.mulf %mul3A_180, %mul3A_147 : vector<32x128xf32>
    %add3A_182 = arith.addf %add3A_179, %mul3A_181 : vector<32x128xf32>
    %add3A_183 = arith.constant 9.99999993E-9 : f32
    %add3A_184 = vector.broadcast %add3A_183 : f32 to vector<32x128xf32>
    %add3A_185 = arith.addf %add3A_182, %add3A_184 : vector<32x128xf32>
    %mul3A_186 = arith.mulf %mul3A_108, %mul3A_129 : vector<32x128xf32>
    %mul3A_187 = arith.mulf %mul3A_186, %mul3A_145 : vector<32x128xf32>
    %mul3A_188 = arith.mulf %sub3A_117, %mul3A_135 : vector<32x128xf32>
    %mul3A_189 = arith.mulf %mul3A_188, %mul3A_146 : vector<32x128xf32>
    %add3A_190 = arith.addf %mul3A_187, %mul3A_189 : vector<32x128xf32>
    %mul3A_191 = arith.mulf %mul3A_123, %sub3A_144 : vector<32x128xf32>
    %mul3A_192 = arith.mulf %mul3A_191, %mul3A_147 : vector<32x128xf32>
    %add3A_193 = arith.addf %add3A_190, %mul3A_192 : vector<32x128xf32>
    %mul3A_194 = arith.mulf %mul3A_129, %mul3A_129 : vector<32x128xf32>
    %mul3A_195 = arith.mulf %mul3A_194, %mul3A_145 : vector<32x128xf32>
    %mul3A_196 = arith.mulf %mul3A_135, %mul3A_135 : vector<32x128xf32>
    %mul3A_197 = arith.mulf %mul3A_196, %mul3A_146 : vector<32x128xf32>
    %add3A_198 = arith.addf %mul3A_195, %mul3A_197 : vector<32x128xf32>
    %mul3A_199 = arith.mulf %sub3A_144, %sub3A_144 : vector<32x128xf32>
    %mul3A_200 = arith.mulf %mul3A_199, %mul3A_147 : vector<32x128xf32>
    %add3A_201 = arith.addf %add3A_198, %mul3A_200 : vector<32x128xf32>
    %add3A_202 = arith.constant 9.99999993E-9 : f32
    %add3A_203 = vector.broadcast %add3A_202 : f32 to vector<32x128xf32>
    %add3A_204 = arith.addf %add3A_201, %add3A_203 : vector<32x128xf32>
    %mul3A_205 = arith.mulf %add3A_185, %add3A_204 : vector<32x128xf32>
    %mul3A_206 = arith.mulf %add3A_193, %add3A_193 : vector<32x128xf32>
    %sub3A_207 = arith.subf %mul3A_205, %mul3A_206 : vector<32x128xf32>
    %mul3A_208 = arith.mulf %add3A_174, %add3A_193 : vector<32x128xf32>
    %mul3A_209 = arith.mulf %add3A_166, %add3A_204 : vector<32x128xf32>
    %sub3A_210 = arith.subf %mul3A_208, %mul3A_209 : vector<32x128xf32>
    %mul3A_211 = arith.mulf %add3A_166, %add3A_193 : vector<32x128xf32>
    %mul3A_212 = arith.mulf %add3A_174, %add3A_185 : vector<32x128xf32>
    %sub3A_213 = arith.subf %mul3A_211, %mul3A_212 : vector<32x128xf32>
    %mul3A_214 = arith.mulf %add3A_158, %add3A_204 : vector<32x128xf32>
    %mul3A_215 = arith.mulf %add3A_174, %add3A_174 : vector<32x128xf32>
    %sub3A_216 = arith.subf %mul3A_214, %mul3A_215 : vector<32x128xf32>
    %mul3A_217 = arith.mulf %add3A_166, %add3A_174 : vector<32x128xf32>
    %mul3A_218 = arith.mulf %add3A_158, %add3A_193 : vector<32x128xf32>
    %sub3A_219 = arith.subf %mul3A_217, %mul3A_218 : vector<32x128xf32>
    %mul3A_220 = arith.mulf %add3A_158, %add3A_185 : vector<32x128xf32>
    %mul3A_221 = arith.mulf %add3A_166, %add3A_166 : vector<32x128xf32>
    %sub3A_222 = arith.subf %mul3A_220, %mul3A_221 : vector<32x128xf32>
    %mul3A_223 = arith.mulf %add3A_158, %sub3A_207 : vector<32x128xf32>
    %mul3A_224 = arith.mulf %add3A_166, %sub3A_210 : vector<32x128xf32>
    %add3A_225 = arith.addf %mul3A_223, %mul3A_224 : vector<32x128xf32>
    %mul3A_226 = arith.mulf %add3A_174, %sub3A_213 : vector<32x128xf32>
    %add3A_227 = arith.addf %add3A_225, %mul3A_226 : vector<32x128xf32>
    %div3A_228 = arith.constant 1.000000e+00 : f32
    %div3A_229 = vector.broadcast %div3A_228 : f32 to vector<32x128xf32>
    %div3A_230 = arith.divf %div3A_229, %add3A_227 : vector<32x128xf32>
    %mul3A_231 = arith.mulf %sub3A_207, %div3A_230 : vector<32x128xf32>
    %mul3A_232 = arith.mulf %sub3A_216, %div3A_230 : vector<32x128xf32>
    %mul3A_233 = arith.mulf %sub3A_222, %div3A_230 : vector<32x128xf32>
    %mul3A_234 = arith.constant 2.000000e+00 : f32
    %mul3A_235 = vector.broadcast %mul3A_234 : f32 to vector<32x128xf32>
    %mul3A_236 = arith.mulf %mul3A_235, %sub3A_210 : vector<32x128xf32>
    %mul3A_237 = arith.mulf %mul3A_236, %div3A_230 : vector<32x128xf32>
    %mul3A_238 = arith.constant 2.000000e+00 : f32
    %mul3A_239 = vector.broadcast %mul3A_238 : f32 to vector<32x128xf32>
    %mul3A_240 = arith.mulf %mul3A_239, %sub3A_213 : vector<32x128xf32>
    %mul3A_241 = arith.mulf %mul3A_240, %div3A_230 : vector<32x128xf32>
    %mul3A_242 = arith.constant 2.000000e+00 : f32
    %mul3A_243 = vector.broadcast %mul3A_242 : f32 to vector<32x128xf32>
    %mul3A_244 = arith.mulf %mul3A_243, %sub3A_219 : vector<32x128xf32>
    %mul3A_245 = arith.mulf %mul3A_244, %div3A_230 : vector<32x128xf32>
    %sub3A_246 = arith.constant -0.9921875 : f32
    %sub3A_247 = vector.broadcast %sub3A_246 : f32 to vector<32x128xf32>
    %sub3A_248 = arith.subf %get3A_3, %sub3A_247 : vector<32x128xf32>
    %div3A_249 = arith.constant 1.562500e-02 : f32
    %div3A_250 = vector.broadcast %div3A_249 : f32 to vector<32x128xf32>
    %div3A_251 = arith.divf %sub3A_248, %div3A_250 : vector<32x128xf32>
    %round3A = math.roundeven %div3A_251 : vector<32x128xf32>
    %sub3A_252 = arith.constant -0.9921875 : f32
    %sub3A_253 = vector.broadcast %sub3A_252 : f32 to vector<32x128xf32>
    %sub3A_254 = arith.subf %get3A_8, %sub3A_253 : vector<32x128xf32>
    %div3A_255 = arith.constant 1.562500e-02 : f32
    %div3A_256 = vector.broadcast %div3A_255 : f32 to vector<32x128xf32>
    %div3A_257 = arith.divf %sub3A_254, %div3A_256 : vector<32x128xf32>
    %round3A_258 = math.roundeven %div3A_257 : vector<32x128xf32>
    %sub3A_259 = arith.constant -0.9921875 : f32
    %sub3A_260 = vector.broadcast %sub3A_259 : f32 to vector<32x128xf32>
    %sub3A_261 = arith.subf %get3A_13, %sub3A_260 : vector<32x128xf32>
    %div3A_262 = arith.constant 1.562500e-02 : f32
    %div3A_263 = vector.broadcast %div3A_262 : f32 to vector<32x128xf32>
    %div3A_264 = arith.divf %sub3A_261, %div3A_263 : vector<32x128xf32>
    %round3A_265 = math.roundeven %div3A_264 : vector<32x128xf32>
    %convert_element_type3A_266 = arith.fptosi %round3A : vector<32x128xf32> to vector<32x128xi32>
    %convert_element_type3A_267 = arith.fptosi %round3A_258 : vector<32x128xf32> to vector<32x128xi32>
    %convert_element_type3A_268 = arith.fptosi %round3A_265 : vector<32x128xf32> to vector<32x128xi32>
    %add3A_269 = arith.constant -1.000000e+00 : f32
    %add3A_270 = vector.broadcast %add3A_269 : f32 to vector<32x128xf32>
    %add3A_271 = arith.addf %round3A, %add3A_270 : vector<32x128xf32>
    %mul3A_272 = arith.constant 1.562500e-02 : f32
    %mul3A_273 = vector.broadcast %mul3A_272 : f32 to vector<32x128xf32>
    %mul3A_274 = arith.mulf %add3A_271, %mul3A_273 : vector<32x128xf32>
    %add3A_275 = arith.constant -0.9921875 : f32
    %add3A_276 = vector.broadcast %add3A_275 : f32 to vector<32x128xf32>
    %add3A_277 = arith.addf %add3A_276, %mul3A_274 : vector<32x128xf32>
    %sub3A_278 = arith.subf %add3A_277, %get3A_3 : vector<32x128xf32>
    %add3A_279 = arith.constant -1.000000e+00 : f32
    %add3A_280 = vector.broadcast %add3A_279 : f32 to vector<32x128xf32>
    %add3A_281 = arith.addf %round3A_258, %add3A_280 : vector<32x128xf32>
    %mul3A_282 = arith.constant 1.562500e-02 : f32
    %mul3A_283 = vector.broadcast %mul3A_282 : f32 to vector<32x128xf32>
    %mul3A_284 = arith.mulf %add3A_281, %mul3A_283 : vector<32x128xf32>
    %add3A_285 = arith.constant -0.9921875 : f32
    %add3A_286 = vector.broadcast %add3A_285 : f32 to vector<32x128xf32>
    %add3A_287 = arith.addf %add3A_286, %mul3A_284 : vector<32x128xf32>
    %sub3A_288 = arith.subf %add3A_287, %get3A_8 : vector<32x128xf32>
    %add3A_289 = arith.constant -1.000000e+00 : f32
    %add3A_290 = vector.broadcast %add3A_289 : f32 to vector<32x128xf32>
    %add3A_291 = arith.addf %round3A_265, %add3A_290 : vector<32x128xf32>
    %mul3A_292 = arith.constant 1.562500e-02 : f32
    %mul3A_293 = vector.broadcast %mul3A_292 : f32 to vector<32x128xf32>
    %mul3A_294 = arith.mulf %add3A_291, %mul3A_293 : vector<32x128xf32>
    %add3A_295 = arith.constant -0.9921875 : f32
    %add3A_296 = vector.broadcast %add3A_295 : f32 to vector<32x128xf32>
    %add3A_297 = arith.addf %add3A_296, %mul3A_294 : vector<32x128xf32>
    %sub3A_298 = arith.subf %add3A_297, %get3A_13 : vector<32x128xf32>
    %add3A_299 = arith.constant -1 : i32
    %add3A_300 = vector.broadcast %add3A_299 : i32 to vector<32x128xi32>
    %add3A_301 = arith.addi %convert_element_type3A_266, %add3A_300 : vector<32x128xi32>
    %add3A_302 = arith.constant -1 : i32
    %add3A_303 = vector.broadcast %add3A_302 : i32 to vector<32x128xi32>
    %add3A_304 = arith.addi %convert_element_type3A_267, %add3A_303 : vector<32x128xi32>
    %add3A_305 = arith.constant -1 : i32
    %add3A_306 = vector.broadcast %add3A_305 : i32 to vector<32x128xi32>
    %add3A_307 = arith.addi %convert_element_type3A_268, %add3A_306 : vector<32x128xi32>
    %ge3A = arith.constant 0 : i32
    %ge3A_308 = vector.broadcast %ge3A : i32 to vector<32x128xi32>
    %ge3A_309 = arith.cmpi sge, %add3A_301, %ge3A_308 : vector<32x128xi32>
    %lt3A = arith.constant 128 : i32
    %lt3A_310 = vector.broadcast %lt3A : i32 to vector<32x128xi32>
    %lt3A_311 = arith.cmpi slt, %add3A_301, %lt3A_310 : vector<32x128xi32>
    %and3A = arith.andi %ge3A_309, %lt3A_311 : vector<32x128xi1>
    %ge3A_312 = arith.constant 0 : i32
    %ge3A_313 = vector.broadcast %ge3A_312 : i32 to vector<32x128xi32>
    %ge3A_314 = arith.cmpi sge, %add3A_304, %ge3A_313 : vector<32x128xi32>
    %lt3A_315 = arith.constant 128 : i32
    %lt3A_316 = vector.broadcast %lt3A_315 : i32 to vector<32x128xi32>
    %lt3A_317 = arith.cmpi slt, %add3A_304, %lt3A_316 : vector<32x128xi32>
    %and3A_318 = arith.andi %ge3A_314, %lt3A_317 : vector<32x128xi1>
    %ge3A_319 = arith.constant 0 : i32
    %ge3A_320 = vector.broadcast %ge3A_319 : i32 to vector<32x128xi32>
    %ge3A_321 = arith.cmpi sge, %add3A_307, %ge3A_320 : vector<32x128xi32>
    %lt3A_322 = arith.constant 128 : i32
    %lt3A_323 = vector.broadcast %lt3A_322 : i32 to vector<32x128xi32>
    %lt3A_324 = arith.cmpi slt, %add3A_307, %lt3A_323 : vector<32x128xi32>
    %and3A_325 = arith.andi %ge3A_321, %lt3A_324 : vector<32x128xi1>
    %jit3A = arith.constant 0 : i32
    %jit3A_326 = arith.constant 127 : i32
    %max3A_327 = vector.broadcast %jit3A : i32 to vector<32x128xi32>
    %max3A_328 = arith.maxsi %max3A_327, %add3A_301 : vector<32x128xi32>
    %min3A = vector.broadcast %jit3A_326 : i32 to vector<32x128xi32>
    %min3A_329 = arith.minsi %min3A, %max3A_328 : vector<32x128xi32>
    %mul3A_330 = arith.constant 16384 : i32
    %mul3A_331 = vector.broadcast %mul3A_330 : i32 to vector<32x128xi32>
    %mul3A_332 = arith.muli %min3A_329, %mul3A_331 : vector<32x128xi32>
    %jit3A_333 = arith.constant 0 : i32
    %jit3A_334 = arith.constant 127 : i32
    %max3A_335 = vector.broadcast %jit3A_333 : i32 to vector<32x128xi32>
    %max3A_336 = arith.maxsi %max3A_335, %add3A_304 : vector<32x128xi32>
    %min3A_337 = vector.broadcast %jit3A_334 : i32 to vector<32x128xi32>
    %min3A_338 = arith.minsi %min3A_337, %max3A_336 : vector<32x128xi32>
    %mul3A_339 = arith.constant 128 : i32
    %mul3A_340 = vector.broadcast %mul3A_339 : i32 to vector<32x128xi32>
    %mul3A_341 = arith.muli %min3A_338, %mul3A_340 : vector<32x128xi32>
    %jit3A_342 = arith.constant 0 : i32
    %jit3A_343 = arith.constant 127 : i32
    %max3A_344 = vector.broadcast %jit3A_342 : i32 to vector<32x128xi32>
    %max3A_345 = arith.maxsi %max3A_344, %add3A_307 : vector<32x128xi32>
    %min3A_346 = vector.broadcast %jit3A_343 : i32 to vector<32x128xi32>
    %min3A_347 = arith.minsi %min3A_346, %max3A_345 : vector<32x128xi32>
    %add3A_348 = arith.constant 0.000000e+00 : f32
    %add3A_349 = vector.broadcast %add3A_348 : f32 to vector<32x128xf32>
    %add3A_350 = arith.addf %round3A, %add3A_349 : vector<32x128xf32>
    %mul3A_351 = arith.constant 1.562500e-02 : f32
    %mul3A_352 = vector.broadcast %mul3A_351 : f32 to vector<32x128xf32>
    %mul3A_353 = arith.mulf %add3A_350, %mul3A_352 : vector<32x128xf32>
    %add3A_354 = arith.constant -0.9921875 : f32
    %add3A_355 = vector.broadcast %add3A_354 : f32 to vector<32x128xf32>
    %add3A_356 = arith.addf %add3A_355, %mul3A_353 : vector<32x128xf32>
    %sub3A_357 = arith.subf %add3A_356, %get3A_3 : vector<32x128xf32>
    %add3A_358 = arith.constant 0.000000e+00 : f32
    %add3A_359 = vector.broadcast %add3A_358 : f32 to vector<32x128xf32>
    %add3A_360 = arith.addf %round3A_258, %add3A_359 : vector<32x128xf32>
    %mul3A_361 = arith.constant 1.562500e-02 : f32
    %mul3A_362 = vector.broadcast %mul3A_361 : f32 to vector<32x128xf32>
    %mul3A_363 = arith.mulf %add3A_360, %mul3A_362 : vector<32x128xf32>
    %add3A_364 = arith.constant -0.9921875 : f32
    %add3A_365 = vector.broadcast %add3A_364 : f32 to vector<32x128xf32>
    %add3A_366 = arith.addf %add3A_365, %mul3A_363 : vector<32x128xf32>
    %sub3A_367 = arith.subf %add3A_366, %get3A_8 : vector<32x128xf32>
    %add3A_368 = arith.constant 0.000000e+00 : f32
    %add3A_369 = vector.broadcast %add3A_368 : f32 to vector<32x128xf32>
    %add3A_370 = arith.addf %round3A_265, %add3A_369 : vector<32x128xf32>
    %mul3A_371 = arith.constant 1.562500e-02 : f32
    %mul3A_372 = vector.broadcast %mul3A_371 : f32 to vector<32x128xf32>
    %mul3A_373 = arith.mulf %add3A_370, %mul3A_372 : vector<32x128xf32>
    %add3A_374 = arith.constant -0.9921875 : f32
    %add3A_375 = vector.broadcast %add3A_374 : f32 to vector<32x128xf32>
    %add3A_376 = arith.addf %add3A_375, %mul3A_373 : vector<32x128xf32>
    %sub3A_377 = arith.subf %add3A_376, %get3A_13 : vector<32x128xf32>
    %add3A_378 = arith.constant 0 : i32
    %add3A_379 = vector.broadcast %add3A_378 : i32 to vector<32x128xi32>
    %add3A_380 = arith.addi %convert_element_type3A_266, %add3A_379 : vector<32x128xi32>
    %add3A_381 = arith.constant 0 : i32
    %add3A_382 = vector.broadcast %add3A_381 : i32 to vector<32x128xi32>
    %add3A_383 = arith.addi %convert_element_type3A_267, %add3A_382 : vector<32x128xi32>
    %add3A_384 = arith.constant 0 : i32
    %add3A_385 = vector.broadcast %add3A_384 : i32 to vector<32x128xi32>
    %add3A_386 = arith.addi %convert_element_type3A_268, %add3A_385 : vector<32x128xi32>
    %ge3A_387 = arith.constant 0 : i32
    %ge3A_388 = vector.broadcast %ge3A_387 : i32 to vector<32x128xi32>
    %ge3A_389 = arith.cmpi sge, %add3A_380, %ge3A_388 : vector<32x128xi32>
    %lt3A_390 = arith.constant 128 : i32
    %lt3A_391 = vector.broadcast %lt3A_390 : i32 to vector<32x128xi32>
    %lt3A_392 = arith.cmpi slt, %add3A_380, %lt3A_391 : vector<32x128xi32>
    %and3A_393 = arith.andi %ge3A_389, %lt3A_392 : vector<32x128xi1>
    %ge3A_394 = arith.constant 0 : i32
    %ge3A_395 = vector.broadcast %ge3A_394 : i32 to vector<32x128xi32>
    %ge3A_396 = arith.cmpi sge, %add3A_383, %ge3A_395 : vector<32x128xi32>
    %lt3A_397 = arith.constant 128 : i32
    %lt3A_398 = vector.broadcast %lt3A_397 : i32 to vector<32x128xi32>
    %lt3A_399 = arith.cmpi slt, %add3A_383, %lt3A_398 : vector<32x128xi32>
    %and3A_400 = arith.andi %ge3A_396, %lt3A_399 : vector<32x128xi1>
    %ge3A_401 = arith.constant 0 : i32
    %ge3A_402 = vector.broadcast %ge3A_401 : i32 to vector<32x128xi32>
    %ge3A_403 = arith.cmpi sge, %add3A_386, %ge3A_402 : vector<32x128xi32>
    %lt3A_404 = arith.constant 128 : i32
    %lt3A_405 = vector.broadcast %lt3A_404 : i32 to vector<32x128xi32>
    %lt3A_406 = arith.cmpi slt, %add3A_386, %lt3A_405 : vector<32x128xi32>
    %and3A_407 = arith.andi %ge3A_403, %lt3A_406 : vector<32x128xi1>
    %jit3A_408 = arith.constant 0 : i32
    %jit3A_409 = arith.constant 127 : i32
    %max3A_410 = vector.broadcast %jit3A_408 : i32 to vector<32x128xi32>
    %max3A_411 = arith.maxsi %max3A_410, %add3A_380 : vector<32x128xi32>
    %min3A_412 = vector.broadcast %jit3A_409 : i32 to vector<32x128xi32>
    %min3A_413 = arith.minsi %min3A_412, %max3A_411 : vector<32x128xi32>
    %mul3A_414 = arith.constant 16384 : i32
    %mul3A_415 = vector.broadcast %mul3A_414 : i32 to vector<32x128xi32>
    %mul3A_416 = arith.muli %min3A_413, %mul3A_415 : vector<32x128xi32>
    %jit3A_417 = arith.constant 0 : i32
    %jit3A_418 = arith.constant 127 : i32
    %max3A_419 = vector.broadcast %jit3A_417 : i32 to vector<32x128xi32>
    %max3A_420 = arith.maxsi %max3A_419, %add3A_383 : vector<32x128xi32>
    %min3A_421 = vector.broadcast %jit3A_418 : i32 to vector<32x128xi32>
    %min3A_422 = arith.minsi %min3A_421, %max3A_420 : vector<32x128xi32>
    %mul3A_423 = arith.constant 128 : i32
    %mul3A_424 = vector.broadcast %mul3A_423 : i32 to vector<32x128xi32>
    %mul3A_425 = arith.muli %min3A_422, %mul3A_424 : vector<32x128xi32>
    %jit3A_426 = arith.constant 0 : i32
    %jit3A_427 = arith.constant 127 : i32
    %max3A_428 = vector.broadcast %jit3A_426 : i32 to vector<32x128xi32>
    %max3A_429 = arith.maxsi %max3A_428, %add3A_386 : vector<32x128xi32>
    %min3A_430 = vector.broadcast %jit3A_427 : i32 to vector<32x128xi32>
    %min3A_431 = arith.minsi %min3A_430, %max3A_429 : vector<32x128xi32>
    %add3A_432 = arith.constant 1.000000e+00 : f32
    %add3A_433 = vector.broadcast %add3A_432 : f32 to vector<32x128xf32>
    %add3A_434 = arith.addf %round3A, %add3A_433 : vector<32x128xf32>
    %mul3A_435 = arith.constant 1.562500e-02 : f32
    %mul3A_436 = vector.broadcast %mul3A_435 : f32 to vector<32x128xf32>
    %mul3A_437 = arith.mulf %add3A_434, %mul3A_436 : vector<32x128xf32>
    %add3A_438 = arith.constant -0.9921875 : f32
    %add3A_439 = vector.broadcast %add3A_438 : f32 to vector<32x128xf32>
    %add3A_440 = arith.addf %add3A_439, %mul3A_437 : vector<32x128xf32>
    %sub3A_441 = arith.subf %add3A_440, %get3A_3 : vector<32x128xf32>
    %add3A_442 = arith.constant 1.000000e+00 : f32
    %add3A_443 = vector.broadcast %add3A_442 : f32 to vector<32x128xf32>
    %add3A_444 = arith.addf %round3A_258, %add3A_443 : vector<32x128xf32>
    %mul3A_445 = arith.constant 1.562500e-02 : f32
    %mul3A_446 = vector.broadcast %mul3A_445 : f32 to vector<32x128xf32>
    %mul3A_447 = arith.mulf %add3A_444, %mul3A_446 : vector<32x128xf32>
    %add3A_448 = arith.constant -0.9921875 : f32
    %add3A_449 = vector.broadcast %add3A_448 : f32 to vector<32x128xf32>
    %add3A_450 = arith.addf %add3A_449, %mul3A_447 : vector<32x128xf32>
    %sub3A_451 = arith.subf %add3A_450, %get3A_8 : vector<32x128xf32>
    %add3A_452 = arith.constant 1.000000e+00 : f32
    %add3A_453 = vector.broadcast %add3A_452 : f32 to vector<32x128xf32>
    %add3A_454 = arith.addf %round3A_265, %add3A_453 : vector<32x128xf32>
    %mul3A_455 = arith.constant 1.562500e-02 : f32
    %mul3A_456 = vector.broadcast %mul3A_455 : f32 to vector<32x128xf32>
    %mul3A_457 = arith.mulf %add3A_454, %mul3A_456 : vector<32x128xf32>
    %add3A_458 = arith.constant -0.9921875 : f32
    %add3A_459 = vector.broadcast %add3A_458 : f32 to vector<32x128xf32>
    %add3A_460 = arith.addf %add3A_459, %mul3A_457 : vector<32x128xf32>
    %sub3A_461 = arith.subf %add3A_460, %get3A_13 : vector<32x128xf32>
    %add3A_462 = arith.constant 1 : i32
    %add3A_463 = vector.broadcast %add3A_462 : i32 to vector<32x128xi32>
    %add3A_464 = arith.addi %convert_element_type3A_266, %add3A_463 : vector<32x128xi32>
    %add3A_465 = arith.constant 1 : i32
    %add3A_466 = vector.broadcast %add3A_465 : i32 to vector<32x128xi32>
    %add3A_467 = arith.addi %convert_element_type3A_267, %add3A_466 : vector<32x128xi32>
    %add3A_468 = arith.constant 1 : i32
    %add3A_469 = vector.broadcast %add3A_468 : i32 to vector<32x128xi32>
    %add3A_470 = arith.addi %convert_element_type3A_268, %add3A_469 : vector<32x128xi32>
    %ge3A_471 = arith.constant 0 : i32
    %ge3A_472 = vector.broadcast %ge3A_471 : i32 to vector<32x128xi32>
    %ge3A_473 = arith.cmpi sge, %add3A_464, %ge3A_472 : vector<32x128xi32>
    %lt3A_474 = arith.constant 128 : i32
    %lt3A_475 = vector.broadcast %lt3A_474 : i32 to vector<32x128xi32>
    %lt3A_476 = arith.cmpi slt, %add3A_464, %lt3A_475 : vector<32x128xi32>
    %and3A_477 = arith.andi %ge3A_473, %lt3A_476 : vector<32x128xi1>
    %ge3A_478 = arith.constant 0 : i32
    %ge3A_479 = vector.broadcast %ge3A_478 : i32 to vector<32x128xi32>
    %ge3A_480 = arith.cmpi sge, %add3A_467, %ge3A_479 : vector<32x128xi32>
    %lt3A_481 = arith.constant 128 : i32
    %lt3A_482 = vector.broadcast %lt3A_481 : i32 to vector<32x128xi32>
    %lt3A_483 = arith.cmpi slt, %add3A_467, %lt3A_482 : vector<32x128xi32>
    %and3A_484 = arith.andi %ge3A_480, %lt3A_483 : vector<32x128xi1>
    %ge3A_485 = arith.constant 0 : i32
    %ge3A_486 = vector.broadcast %ge3A_485 : i32 to vector<32x128xi32>
    %ge3A_487 = arith.cmpi sge, %add3A_470, %ge3A_486 : vector<32x128xi32>
    %lt3A_488 = arith.constant 128 : i32
    %lt3A_489 = vector.broadcast %lt3A_488 : i32 to vector<32x128xi32>
    %lt3A_490 = arith.cmpi slt, %add3A_470, %lt3A_489 : vector<32x128xi32>
    %and3A_491 = arith.andi %ge3A_487, %lt3A_490 : vector<32x128xi1>
    %jit3A_492 = arith.constant 0 : i32
    %jit3A_493 = arith.constant 127 : i32
    %max3A_494 = vector.broadcast %jit3A_492 : i32 to vector<32x128xi32>
    %max3A_495 = arith.maxsi %max3A_494, %add3A_464 : vector<32x128xi32>
    %min3A_496 = vector.broadcast %jit3A_493 : i32 to vector<32x128xi32>
    %min3A_497 = arith.minsi %min3A_496, %max3A_495 : vector<32x128xi32>
    %mul3A_498 = arith.constant 16384 : i32
    %mul3A_499 = vector.broadcast %mul3A_498 : i32 to vector<32x128xi32>
    %mul3A_500 = arith.muli %min3A_497, %mul3A_499 : vector<32x128xi32>
    %jit3A_501 = arith.constant 0 : i32
    %jit3A_502 = arith.constant 127 : i32
    %max3A_503 = vector.broadcast %jit3A_501 : i32 to vector<32x128xi32>
    %max3A_504 = arith.maxsi %max3A_503, %add3A_467 : vector<32x128xi32>
    %min3A_505 = vector.broadcast %jit3A_502 : i32 to vector<32x128xi32>
    %min3A_506 = arith.minsi %min3A_505, %max3A_504 : vector<32x128xi32>
    %mul3A_507 = arith.constant 128 : i32
    %mul3A_508 = vector.broadcast %mul3A_507 : i32 to vector<32x128xi32>
    %mul3A_509 = arith.muli %min3A_506, %mul3A_508 : vector<32x128xi32>
    %jit3A_510 = arith.constant 0 : i32
    %jit3A_511 = arith.constant 127 : i32
    %max3A_512 = vector.broadcast %jit3A_510 : i32 to vector<32x128xi32>
    %max3A_513 = arith.maxsi %max3A_512, %add3A_470 : vector<32x128xi32>
    %min3A_514 = vector.broadcast %jit3A_511 : i32 to vector<32x128xi32>
    %min3A_515 = arith.minsi %min3A_514, %max3A_513 : vector<32x128xi32>
    %mul3A_516 = arith.mulf %mul3A_233, %sub3A_298 : vector<32x128xf32>
    %mul3A_517 = arith.mulf %mul3A_233, %sub3A_377 : vector<32x128xf32>
    %mul3A_518 = arith.mulf %mul3A_233, %sub3A_461 : vector<32x128xf32>
    %mul3A_519 = arith.mulf %mul3A_237, %sub3A_278 : vector<32x128xf32>
    %mul3A_520 = arith.mulf %mul3A_241, %sub3A_278 : vector<32x128xf32>
    %mul3A_521 = arith.mulf %mul3A_231, %sub3A_278 : vector<32x128xf32>
    %mul3A_522 = arith.mulf %mul3A_521, %sub3A_278 : vector<32x128xf32>
    %mul3A_523 = arith.mulf %mul3A_232, %sub3A_288 : vector<32x128xf32>
    %add3A_524 = arith.addf %mul3A_523, %mul3A_519 : vector<32x128xf32>
    %mul3A_525 = arith.mulf %sub3A_288, %add3A_524 : vector<32x128xf32>
    %add3A_526 = arith.addf %mul3A_522, %mul3A_525 : vector<32x128xf32>
    %mul3A_527 = arith.mulf %mul3A_245, %sub3A_288 : vector<32x128xf32>
    %add3A_528 = arith.addf %mul3A_527, %mul3A_520 : vector<32x128xf32>
    %and3A_529 = arith.andi %and3A, %and3A_318 : vector<32x128xi1>
    %add3A_530 = arith.addi %mul3A_332, %mul3A_341 : vector<32x128xi32>
    %add3A_531 = arith.addf %mul3A_516, %add3A_528 : vector<32x128xf32>
    %mul3A_532 = arith.mulf %sub3A_298, %add3A_531 : vector<32x128xf32>
    %add3A_533 = arith.addf %add3A_526, %mul3A_532 : vector<32x128xf32>
    %and3A_534 = arith.andi %and3A_529, %and3A_325 : vector<32x128xi1>
    %jit3A_535 = arith.constant 0.000000e+00 : f32
    %broadcast_in_dim3A = vector.broadcast %jit3A_535 : f32 to vector<32x128xf32>
    %select_n3A = arith.select %and3A_534, %get3A_61, %broadcast_in_dim3A : vector<32x128xi1>, vector<32x128xf32>
    %mul3A_536 = arith.constant -5.000000e-01 : f32
    %mul3A_537 = vector.broadcast %mul3A_536 : f32 to vector<32x128xf32>
    %mul3A_538 = arith.mulf %mul3A_537, %add3A_533 : vector<32x128xf32>
    %exp3A = math.exp %mul3A_538 : vector<32x128xf32>
    %mul3A_539 = arith.mulf %select_n3A, %exp3A : vector<32x128xf32>
    %add3A_540 = arith.addi %add3A_530, %min3A_347 : vector<32x128xi32>
    %lt3A_541 = arith.constant 1048576 : i32
    %lt3A_542 = vector.broadcast %lt3A_541 : i32 to vector<32x128xi32>
    %lt3A_543 = arith.cmpi slt, %add3A_540, %lt3A_542 : vector<32x128xi32>
    %swap3A_544 = arith.constant 0 : index
    %swap3A_545 = arith.constant 0 : index
    %swap3A_546 = arith.constant 0 : index
    %swap3A_547 = vector.load %arg2[%swap3A_544, %swap3A_545, %swap3A_546] : memref<27x32x128xf32, #tpu.memory_space<vmem>>, vector<1x32x128xf32>
    %swap3A_548 = vector.shape_cast %swap3A_547 : vector<1x32x128xf32> to vector<32x128xf32>
    %swap3A_549 = vector.shape_cast %mul3A_539 : vector<32x128xf32> to vector<1x32x128xf32>
    tpu.vector_store %arg2[%swap3A_544, %swap3A_545, %swap3A_546], %swap3A_549 {strides = array<i32>} : memref<27x32x128xf32, #tpu.memory_space<vmem>>, vector<1x32x128xf32>,
    %jit3A_550 = arith.constant -1 : i32
    %broadcast_in_dim3A_551 = vector.broadcast %jit3A_550 : i32 to vector<32x128xi32>
    %select_n3A_552 = arith.select %lt3A_543, %add3A_540, %broadcast_in_dim3A_551 : vector<32x128xi1>, vector<32x128xi32>
    %swap3A_553 = arith.constant 0 : index
    %swap3A_554 = arith.constant 0 : index
    %swap3A_555 = arith.constant 0 : index
    %swap3A_556 = arith.constant 0 : index
    %swap3A_557 = vector.load %arg3[%swap3A_553, %swap3A_554, %swap3A_555, %swap3A_556] : memref<2x27x32x128xi32, #tpu.memory_space<vmem>>, vector<1x1x32x128xi32>
    %swap3A_558 = vector.shape_cast %swap3A_557 : vector<1x1x32x128xi32> to vector<32x128xi32>
    %swap3A_559 = vector.shape_cast %select_n3A_552 : vector<32x128xi32> to vector<1x1x32x128xi32>
    tpu.vector_store %arg3[%swap3A_553, %swap3A_554, %swap3A_555, %swap3A_556], %swap3A_559 {strides = array<i32>} : memref<2x27x32x128xi32, #tpu.memory_space<vmem>>, vector<1x1x32x128xi32>,
    %sub3A_560 = arith.constant 1048576 : i32
    %sub3A_561 = vector.broadcast %sub3A_560 : i32 to vector<32x128xi32>
    %sub3A_562 = arith.subi %add3A_540, %sub3A_561 : vector<32x128xi32>
    %jit3A_563 = arith.constant -1 : i32
    %broadcast_in_dim3A_564 = vector.broadcast %jit3A_563 : i32 to vector<32x128xi32>
    %select_n3A_565 = arith.select %lt3A_543, %broadcast_in_dim3A_564, %sub3A_562 : vector<32x128xi1>, vector<32x128xi32>
    %swap3A_566 = arith.constant 1 : index
    %swap3A_567 = arith.constant 0 : index
    %swap3A_568 = arith.constant 0 : index
    %swap3A_569 = arith.constant 0 : index
    %swap3A_570 = vector.load %arg3[%swap3A_566, %swap3A_567, %swap3A_568, %swap3A_569] : memref<2x27x32x128xi32, #tpu.memory_space<vmem>>, vector<1x1x32x128xi32>
    %swap3A_571 = vector.shape_cast %swap3A_570 : vector<1x1x32x128xi32> to vector<32x128xi32>
    %swap3A_572 = vector.shape_cast %select_n3A_565 : vector<32x128xi32> to vector<1x1x32x128xi32>
    tpu.vector_store %arg3[%swap3A_566, %swap3A_567, %swap3A_568, %swap3A_569], %swap3A_572 {strides = array<i32>} : memref<2x27x32x128xi32, #tpu.memory_space<vmem>>, vector<1x1x32x128xi32>,
    %add3A_573 = arith.addf %mul3A_517, %add3A_528 : vector<32x128xf32>
    %mul3A_574 = arith.mulf %sub3A_377, %add3A_573 : vector<32x128xf32>
    %add3A_575 = arith.addf %add3A_526, %mul3A_574 : vector<32x128xf32>
    %and3A_576 = arith.andi %and3A_529, %and3A_407 : vector<32x128xi1>
    %jit3A_577 = arith.constant 0.000000e+00 : f32
    %broadcast_in_dim3A_578 = vector.broadcast %jit3A_577 : f32 to vector<32x128xf32>
    %select_n3A_579 = arith.select %and3A_576, %get3A_61, %broadcast_in_dim3A_578 : vector<32x128xi1>, vector<32x128xf32>
    %mul3A_580 = arith.constant -5.000000e-01 : f32
    %mul3A_581 = vector.broadcast %mul3A_580 : f32 to vector<32x128xf32>
    %mul3A_582 = arith.mulf %mul3A_581, %add3A_575 : vector<32x128xf32>
    %exp3A_583 = math.exp %mul3A_582 : vector<32x128xf32>
    %mul3A_584 = arith.mulf %select_n3A_579, %exp3A_583 : vector<32x128xf32>
    %add3A_585 = arith.addi %add3A_530, %min3A_431 : vector<32x128xi32>
    %lt3A_586 = arith.constant 1048576 : i32
    %lt3A_587 = vector.broadcast %lt3A_586 : i32 to vector<32x128xi32>
    %lt3A_588 = arith.cmpi slt, %add3A_585, %lt3A_587 : vector<32x128xi32>
    %swap3A_589 = arith.constant 1 : index
    %swap3A_590 = arith.constant 0 : index
    %swap3A_591 = arith.constant 0 : index
    %swap3A_592 = vector.load %arg2[%swap3A_589, %swap3A_590, %swap3A_591] : memref<27x32x128xf32, #tpu.memory_space<vmem>>, vector<1x32x128xf32>
    %swap3A_593 = vector.shape_cast %swap3A_592 : vector<1x32x128xf32> to vector<32x128xf32>
    %swap3A_594 = vector.shape_cast %mul3A_584 : vector<32x128xf32> to vector<1x32x128xf32>
    tpu.vector_store %arg2[%swap3A_589, %swap3A_590, %swap3A_591], %swap3A_594 {strides = array<i32>} : memref<27x32x128xf32, #tpu.memory_space<vmem>>, vector<1x32x128xf32>,
    %jit3A_595 = arith.constant -1 : i32
    %broadcast_in_dim3A_596 = vector.broadcast %jit3A_595 : i32 to vector<32x128xi32>
    %select_n3A_597 = arith.select %lt3A_588, %add3A_585, %broadcast_in_dim3A_596 : vector<32x128xi1>, vector<32x128xi32>
    %swap3A_598 = arith.constant 0 : index
    %swap3A_599 = arith.constant 1 : index
    %swap3A_600 = arith.constant 0 : index
    %swap3A_601 = arith.constant 0 : index
    %swap3A_602 = vector.load %arg3[%swap3A_598, %swap3A_599, %swap3A_600, %swap3A_601] : memref<2x27x32x128xi32, #tpu.memory_space<vmem>>, vector<1x1x32x128xi32>
    %swap3A_603 = vector.shape_cast %swap3A_602 : vector<1x1x32x128xi32> to vector<32x128xi32>
    %swap3A_604 = vector.shape_cast %select_n3A_597 : vector<32x128xi32> to vector<1x1x32x128xi32>
    tpu.vector_store %arg3[%swap3A_598, %swap3A_599, %swap3A_600, %swap3A_601], %swap3A_604 {strides = array<i32>} : memref<2x27x32x128xi32, #tpu.memory_space<vmem>>, vector<1x1x32x128xi32>,
    %sub3A_605 = arith.constant 1048576 : i32
    %sub3A_606 = vector.broadcast %sub3A_605 : i32 to vector<32x128xi32>
    %sub3A_607 = arith.subi %add3A_585, %sub3A_606 : vector<32x128xi32>
    %jit3A_608 = arith.constant -1 : i32
    %broadcast_in_dim3A_609 = vector.broadcast %jit3A_608 : i32 to vector<32x128xi32>
    %select_n3A_610 = arith.select %lt3A_588, %broadcast_in_dim3A_609, %sub3A_607 : vector<32x128xi1>, vector<32x128xi32>
    %swap3A_611 = arith.constant 1 : index
    %swap3A_612 = arith.constant 1 : index
    %swap3A_613 = arith.constant 0 : index
    %swap3A_614 = arith.constant 0 : index
    %swap3A_615 = vector.load %arg3[%swap3A_611, %swap3A_612, %swap3A_613, %swap3A_614] : memref<2x27x32x128xi32, #tpu.memory_space<vmem>>, vector<1x1x32x128xi32>
    %swap3A_616 = vector.shape_cast %swap3A_615 : vector<1x1x32x128xi32> to vector<32x128xi32>
    %swap3A_617 = vector.shape_cast %select_n3A_610 : vector<32x128xi32> to vector<1x1x32x128xi32>
    tpu.vector_store %arg3[%swap3A_611, %swap3A_612, %swap3A_613, %swap3A_614], %swap3A_617 {strides = array<i32>} : memref<2x27x32x128xi32, #tpu.memory_space<vmem>>, vector<1x1x32x128xi32>,
    %add3A_618 = arith.addf %mul3A_518, %add3A_528 : vector<32x128xf32>
    %mul3A_619 = arith.mulf %sub3A_461, %add3A_618 : vector<32x128xf32>
    %add3A_620 = arith.addf %add3A_526, %mul3A_619 : vector<32x128xf32>
    %and3A_621 = arith.andi %and3A_529, %and3A_491 : vector<32x128xi1>
    %jit3A_622 = arith.constant 0.000000e+00 : f32
    %broadcast_in_dim3A_623 = vector.broadcast %jit3A_622 : f32 to vector<32x128xf32>
    %select_n3A_624 = arith.select %and3A_621, %get3A_61, %broadcast_in_dim3A_623 : vector<32x128xi1>, vector<32x128xf32>
    %mul3A_625 = arith.constant -5.000000e-01 : f32
    %mul3A_626 = vector.broadcast %mul3A_625 : f32 to vector<32x128xf32>
    %mul3A_627 = arith.mulf %mul3A_626, %add3A_620 : vector<32x128xf32>
    %exp3A_628 = math.exp %mul3A_627 : vector<32x128xf32>
    %mul3A_629 = arith.mulf %select_n3A_624, %exp3A_628 : vector<32x128xf32>
    %add3A_630 = arith.addi %add3A_530, %min3A_515 : vector<32x128xi32>
    %lt3A_631 = arith.constant 1048576 : i32
    %lt3A_632 = vector.broadcast %lt3A_631 : i32 to vector<32x128xi32>
    %lt3A_633 = arith.cmpi slt, %add3A_630, %lt3A_632 : vector<32x128xi32>
    %swap3A_634 = arith.constant 2 : index
    %swap3A_635 = arith.constant 0 : index
    %swap3A_636 = arith.constant 0 : index
    %swap3A_637 = vector.load %arg2[%swap3A_634, %swap3A_635, %swap3A_636] : memref<27x32x128xf32, #tpu.memory_space<vmem>>, vector<1x32x128xf32>
    %swap3A_638 = vector.shape_cast %swap3A_637 : vector<1x32x128xf32> to vector<32x128xf32>
    %swap3A_639 = vector.shape_cast %mul3A_629 : vector<32x128xf32> to vector<1x32x128xf32>
    tpu.vector_store %arg2[%swap3A_634, %swap3A_635, %swap3A_636], %swap3A_639 {strides = array<i32>} : memref<27x32x128xf32, #tpu.memory_space<vmem>>, vector<1x32x128xf32>,
    %jit3A_640 = arith.constant -1 : i32
    %broadcast_in_dim3A_641 = vector.broadcast %jit3A_640 : i32 to vector<32x128xi32>
    %select_n3A_642 = arith.select %lt3A_633, %add3A_630, %broadcast_in_dim3A_641 : vector<32x128xi1>, vector<32x128xi32>
    %swap3A_643 = arith.constant 0 : index
    %swap3A_644 = arith.constant 2 : index
    %swap3A_645 = arith.constant 0 : index
    %swap3A_646 = arith.constant 0 : index
    %swap3A_647 = vector.load %arg3[%swap3A_643, %swap3A_644, %swap3A_645, %swap3A_646] : memref<2x27x32x128xi32, #tpu.memory_space<vmem>>, vector<1x1x32x128xi32>
    %swap3A_648 = vector.shape_cast %swap3A_647 : vector<1x1x32x128xi32> to vector<32x128xi32>
    %swap3A_649 = vector.shape_cast %select_n3A_642 : vector<32x128xi32> to vector<1x1x32x128xi32>
    tpu.vector_store %arg3[%swap3A_643, %swap3A_644, %swap3A_645, %swap3A_646], %swap3A_649 {strides = array<i32>} : memref<2x27x32x128xi32, #tpu.memory_space<vmem>>, vector<1x1x32x128xi32>,
    %sub3A_650 = arith.constant 1048576 : i32
    %sub3A_651 = vector.broadcast %sub3A_650 : i32 to vector<32x128xi32>
    %sub3A_652 = arith.subi %add3A_630, %sub3A_651 : vector<32x128xi32>
    %jit3A_653 = arith.constant -1 : i32
    %broadcast_in_dim3A_654 = vector.broadcast %jit3A_653 : i32 to vector<32x128xi32>
    %select_n3A_655 = arith.select %lt3A_633, %broadcast_in_dim3A_654, %sub3A_652 : vector<32x128xi1>, vector<32x128xi32>
    %swap3A_656 = arith.constant 1 : index
    %swap3A_657 = arith.constant 2 : index
    %swap3A_658 = arith.constant 0 : index
    %swap3A_659 = arith.constant 0 : index
    %swap3A_660 = vector.load %arg3[%swap3A_656, %swap3A_657, %swap3A_658, %swap3A_659] : memref<2x27x32x128xi32, #tpu.memory_space<vmem>>, vector<1x1x32x128xi32>
    %swap3A_661 = vector.shape_cast %swap3A_660 : vector<1x1x32x128xi32> to vector<32x128xi32>
    %swap3A_662 = vector.shape_cast %select_n3A_655 : vector<32x128xi32> to vector<1x1x32x128xi32>
    tpu.vector_store %arg3[%swap3A_656, %swap3A_657, %swap3A_658, %swap3A_659], %swap3A_662 {strides = array<i32>} : memref<2x27x32x128xi32, #tpu.memory_space<vmem>>, vector<1x1x32x128xi32>,
    %mul3A_663 = arith.mulf %mul3A_232, %sub3A_367 : vector<32x128xf32>
    %add3A_664 = arith.addf %mul3A_663, %mul3A_519 : vector<32x128xf32>
    %mul3A_665 = arith.mulf %sub3A_367, %add3A_664 : vector<32x128xf32>
    %add3A_666 = arith.addf %mul3A_522, %mul3A_665 : vector<32x128xf32>
    %mul3A_667 = arith.mulf %mul3A_245, %sub3A_367 : vector<32x128xf32>
    %add3A_668 = arith.addf %mul3A_667, %mul3A_520 : vector<32x128xf32>
    %and3A_669 = arith.andi %and3A, %and3A_400 : vector<32x128xi1>
    %add3A_670 = arith.addi %mul3A_332, %mul3A_425 : vector<32x128xi32>
    %add3A_671 = arith.addf %mul3A_516, %add3A_668 : vector<32x128xf32>
    %mul3A_672 = arith.mulf %sub3A_298, %add3A_671 : vector<32x128xf32>
    %add3A_673 = arith.addf %add3A_666, %mul3A_672 : vector<32x128xf32>
    %and3A_674 = arith.andi %and3A_669, %and3A_325 : vector<32x128xi1>
    %jit3A_675 = arith.constant 0.000000e+00 : f32
    %broadcast_in_dim3A_676 = vector.broadcast %jit3A_675 : f32 to vector<32x128xf32>
    %select_n3A_677 = arith.select %and3A_674, %get3A_61, %broadcast_in_dim3A_676 : vector<32x128xi1>, vector<32x128xf32>
    %mul3A_678 = arith.constant -5.000000e-01 : f32
    %mul3A_679 = vector.broadcast %mul3A_678 : f32 to vector<32x128xf32>
    %mul3A_680 = arith.mulf %mul3A_679, %add3A_673 : vector<32x128xf32>
    %exp3A_681 = math.exp %mul3A_680 : vector<32x128xf32>
    %mul3A_682 = arith.mulf %select_n3A_677, %exp3A_681 : vector<32x128xf32>
    %add3A_683 = arith.addi %add3A_670, %min3A_347 : vector<32x128xi32>
    %lt3A_684 = arith.constant 1048576 : i32
    %lt3A_685 = vector.broadcast %lt3A_684 : i32 to vector<32x128xi32>
    %lt3A_686 = arith.cmpi slt, %add3A_683, %lt3A_685 : vector<32x128xi32>
    %swap3A_687 = arith.constant 3 : index
    %swap3A_688 = arith.constant 0 : index
    %swap3A_689 = arith.constant 0 : index
    %swap3A_690 = vector.load %arg2[%swap3A_687, %swap3A_688, %swap3A_689] : memref<27x32x128xf32, #tpu.memory_space<vmem>>, vector<1x32x128xf32>
    %swap3A_691 = vector.shape_cast %swap3A_690 : vector<1x32x128xf32> to vector<32x128xf32>
    %swap3A_692 = vector.shape_cast %mul3A_682 : vector<32x128xf32> to vector<1x32x128xf32>
    tpu.vector_store %arg2[%swap3A_687, %swap3A_688, %swap3A_689], %swap3A_692 {strides = array<i32>} : memref<27x32x128xf32, #tpu.memory_space<vmem>>, vector<1x32x128xf32>,
    %jit3A_693 = arith.constant -1 : i32
    %broadcast_in_dim3A_694 = vector.broadcast %jit3A_693 : i32 to vector<32x128xi32>
    %select_n3A_695 = arith.select %lt3A_686, %add3A_683, %broadcast_in_dim3A_694 : vector<32x128xi1>, vector<32x128xi32>
    %swap3A_696 = arith.constant 0 : index
    %swap3A_697 = arith.constant 3 : index
    %swap3A_698 = arith.constant 0 : index
    %swap3A_699 = arith.constant 0 : index
    %swap3A_700 = vector.load %arg3[%swap3A_696, %swap3A_697, %swap3A_698, %swap3A_699] : memref<2x27x32x128xi32, #tpu.memory_space<vmem>>, vector<1x1x32x128xi32>
    %swap3A_701 = vector.shape_cast %swap3A_700 : vector<1x1x32x128xi32> to vector<32x128xi32>
    %swap3A_702 = vector.shape_cast %select_n3A_695 : vector<32x128xi32> to vector<1x1x32x128xi32>
    tpu.vector_store %arg3[%swap3A_696, %swap3A_697, %swap3A_698, %swap3A_699], %swap3A_702 {strides = array<i32>} : memref<2x27x32x128xi32, #tpu.memory_space<vmem>>, vector<1x1x32x128xi32>,
    %sub3A_703 = arith.constant 1048576 : i32
    %sub3A_704 = vector.broadcast %sub3A_703 : i32 to vector<32x128xi32>
    %sub3A_705 = arith.subi %add3A_683, %sub3A_704 : vector<32x128xi32>
    %jit3A_706 = arith.constant -1 : i32
    %broadcast_in_dim3A_707 = vector.broadcast %jit3A_706 : i32 to vector<32x128xi32>
    %select_n3A_708 = arith.select %lt3A_686, %broadcast_in_dim3A_707, %sub3A_705 : vector<32x128xi1>, vector<32x128xi32>
    %swap3A_709 = arith.constant 1 : index
    %swap3A_710 = arith.constant 3 : index
    %swap3A_711 = arith.constant 0 : index
    %swap3A_712 = arith.constant 0 : index
    %swap3A_713 = vector.load %arg3[%swap3A_709, %swap3A_710, %swap3A_711, %swap3A_712] : memref<2x27x32x128xi32, #tpu.memory_space<vmem>>, vector<1x1x32x128xi32>
    %swap3A_714 = vector.shape_cast %swap3A_713 : vector<1x1x32x128xi32> to vector<32x128xi32>
    %swap3A_715 = vector.shape_cast %select_n3A_708 : vector<32x128xi32> to vector<1x1x32x128xi32>
    tpu.vector_store %arg3[%swap3A_709, %swap3A_710, %swap3A_711, %swap3A_712], %swap3A_715 {strides = array<i32>} : memref<2x27x32x128xi32, #tpu.memory_space<vmem>>, vector<1x1x32x128xi32>,
    %add3A_716 = arith.addf %mul3A_517, %add3A_668 : vector<32x128xf32>
    %mul3A_717 = arith.mulf %sub3A_377, %add3A_716 : vector<32x128xf32>
    %add3A_718 = arith.addf %add3A_666, %mul3A_717 : vector<32x128xf32>
    %and3A_719 = arith.andi %and3A_669, %and3A_407 : vector<32x128xi1>
    %jit3A_720 = arith.constant 0.000000e+00 : f32
    %broadcast_in_dim3A_721 = vector.broadcast %jit3A_720 : f32 to vector<32x128xf32>
    %select_n3A_722 = arith.select %and3A_719, %get3A_61, %broadcast_in_dim3A_721 : vector<32x128xi1>, vector<32x128xf32>
    %mul3A_723 = arith.constant -5.000000e-01 : f32
    %mul3A_724 = vector.broadcast %mul3A_723 : f32 to vector<32x128xf32>
    %mul3A_725 = arith.mulf %mul3A_724, %add3A_718 : vector<32x128xf32>
    %exp3A_726 = math.exp %mul3A_725 : vector<32x128xf32>
    %mul3A_727 = arith.mulf %select_n3A_722, %exp3A_726 : vector<32x128xf32>
    %add3A_728 = arith.addi %add3A_670, %min3A_431 : vector<32x128xi32>
    %lt3A_729 = arith.constant 1048576 : i32
    %lt3A_730 = vector.broadcast %lt3A_729 : i32 to vector<32x128xi32>
    %lt3A_731 = arith.cmpi slt, %add3A_728, %lt3A_730 : vector<32x128xi32>
    %swap3A_732 = arith.constant 4 : index
    %swap3A_733 = arith.constant 0 : index
    %swap3A_734 = arith.constant 0 : index
    %swap3A_735 = vector.load %arg2[%swap3A_732, %swap3A_733, %swap3A_734] : memref<27x32x128xf32, #tpu.memory_space<vmem>>, vector<1x32x128xf32>
    %swap3A_736 = vector.shape_cast %swap3A_735 : vector<1x32x128xf32> to vector<32x128xf32>
    %swap3A_737 = vector.shape_cast %mul3A_727 : vector<32x128xf32> to vector<1x32x128xf32>
    tpu.vector_store %arg2[%swap3A_732, %swap3A_733, %swap3A_734], %swap3A_737 {strides = array<i32>} : memref<27x32x128xf32, #tpu.memory_space<vmem>>, vector<1x32x128xf32>,
    %jit3A_738 = arith.constant -1 : i32
    %broadcast_in_dim3A_739 = vector.broadcast %jit3A_738 : i32 to vector<32x128xi32>
    %select_n3A_740 = arith.select %lt3A_731, %add3A_728, %broadcast_in_dim3A_739 : vector<32x128xi1>, vector<32x128xi32>
    %swap3A_741 = arith.constant 0 : index
    %swap3A_742 = arith.constant 4 : index
    %swap3A_743 = arith.constant 0 : index
    %swap3A_744 = arith.constant 0 : index
    %swap3A_745 = vector.load %arg3[%swap3A_741, %swap3A_742, %swap3A_743, %swap3A_744] : memref<2x27x32x128xi32, #tpu.memory_space<vmem>>, vector<1x1x32x128xi32>
    %swap3A_746 = vector.shape_cast %swap3A_745 : vector<1x1x32x128xi32> to vector<32x128xi32>
    %swap3A_747 = vector.shape_cast %select_n3A_740 : vector<32x128xi32> to vector<1x1x32x128xi32>
    tpu.vector_store %arg3[%swap3A_741, %swap3A_742, %swap3A_743, %swap3A_744], %swap3A_747 {strides = array<i32>} : memref<2x27x32x128xi32, #tpu.memory_space<vmem>>, vector<1x1x32x128xi32>,
    %sub3A_748 = arith.constant 1048576 : i32
    %sub3A_749 = vector.broadcast %sub3A_748 : i32 to vector<32x128xi32>
    %sub3A_750 = arith.subi %add3A_728, %sub3A_749 : vector<32x128xi32>
    %jit3A_751 = arith.constant -1 : i32
    %broadcast_in_dim3A_752 = vector.broadcast %jit3A_751 : i32 to vector<32x128xi32>
    %select_n3A_753 = arith.select %lt3A_731, %broadcast_in_dim3A_752, %sub3A_750 : vector<32x128xi1>, vector<32x128xi32>
    %swap3A_754 = arith.constant 1 : index
    %swap3A_755 = arith.constant 4 : index
    %swap3A_756 = arith.constant 0 : index
    %swap3A_757 = arith.constant 0 : index
    %swap3A_758 = vector.load %arg3[%swap3A_754, %swap3A_755, %swap3A_756, %swap3A_757] : memref<2x27x32x128xi32, #tpu.memory_space<vmem>>, vector<1x1x32x128xi32>
    %swap3A_759 = vector.shape_cast %swap3A_758 : vector<1x1x32x128xi32> to vector<32x128xi32>
    %swap3A_760 = vector.shape_cast %select_n3A_753 : vector<32x128xi32> to vector<1x1x32x128xi32>
    tpu.vector_store %arg3[%swap3A_754, %swap3A_755, %swap3A_756, %swap3A_757], %swap3A_760 {strides = array<i32>} : memref<2x27x32x128xi32, #tpu.memory_space<vmem>>, vector<1x1x32x128xi32>,
    %add3A_761 = arith.addf %mul3A_518, %add3A_668 : vector<32x128xf32>
    %mul3A_762 = arith.mulf %sub3A_461, %add3A_761 : vector<32x128xf32>
    %add3A_763 = arith.addf %add3A_666, %mul3A_762 : vector<32x128xf32>
    %and3A_764 = arith.andi %and3A_669, %and3A_491 : vector<32x128xi1>
    %jit3A_765 = arith.constant 0.000000e+00 : f32
    %broadcast_in_dim3A_766 = vector.broadcast %jit3A_765 : f32 to vector<32x128xf32>
    %select_n3A_767 = arith.select %and3A_764, %get3A_61, %broadcast_in_dim3A_766 : vector<32x128xi1>, vector<32x128xf32>
    %mul3A_768 = arith.constant -5.000000e-01 : f32
    %mul3A_769 = vector.broadcast %mul3A_768 : f32 to vector<32x128xf32>
    %mul3A_770 = arith.mulf %mul3A_769, %add3A_763 : vector<32x128xf32>
    %exp3A_771 = math.exp %mul3A_770 : vector<32x128xf32>
    %mul3A_772 = arith.mulf %select_n3A_767, %exp3A_771 : vector<32x128xf32>
    %add3A_773 = arith.addi %add3A_670, %min3A_515 : vector<32x128xi32>
    %lt3A_774 = arith.constant 1048576 : i32
    %lt3A_775 = vector.broadcast %lt3A_774 : i32 to vector<32x128xi32>
    %lt3A_776 = arith.cmpi slt, %add3A_773, %lt3A_775 : vector<32x128xi32>
    %swap3A_777 = arith.constant 5 : index
    %swap3A_778 = arith.constant 0 : index
    %swap3A_779 = arith.constant 0 : index
    %swap3A_780 = vector.load %arg2[%swap3A_777, %swap3A_778, %swap3A_779] : memref<27x32x128xf32, #tpu.memory_space<vmem>>, vector<1x32x128xf32>
    %swap3A_781 = vector.shape_cast %swap3A_780 : vector<1x32x128xf32> to vector<32x128xf32>
    %swap3A_782 = vector.shape_cast %mul3A_772 : vector<32x128xf32> to vector<1x32x128xf32>
    tpu.vector_store %arg2[%swap3A_777, %swap3A_778, %swap3A_779], %swap3A_782 {strides = array<i32>} : memref<27x32x128xf32, #tpu.memory_space<vmem>>, vector<1x32x128xf32>,
    %jit3A_783 = arith.constant -1 : i32
    %broadcast_in_dim3A_784 = vector.broadcast %jit3A_783 : i32 to vector<32x128xi32>
    %select_n3A_785 = arith.select %lt3A_776, %add3A_773, %broadcast_in_dim3A_784 : vector<32x128xi1>, vector<32x128xi32>
    %swap3A_786 = arith.constant 0 : index
    %swap3A_787 = arith.constant 5 : index
    %swap3A_788 = arith.constant 0 : index
    %swap3A_789 = arith.constant 0 : index
    %swap3A_790 = vector.load %arg3[%swap3A_786, %swap3A_787, %swap3A_788, %swap3A_789] : memref<2x27x32x128xi32, #tpu.memory_space<vmem>>, vector<1x1x32x128xi32>
    %swap3A_791 = vector.shape_cast %swap3A_790 : vector<1x1x32x128xi32> to vector<32x128xi32>
    %swap3A_792 = vector.shape_cast %select_n3A_785 : vector<32x128xi32> to vector<1x1x32x128xi32>
    tpu.vector_store %arg3[%swap3A_786, %swap3A_787, %swap3A_788, %swap3A_789], %swap3A_792 {strides = array<i32>} : memref<2x27x32x128xi32, #tpu.memory_space<vmem>>, vector<1x1x32x128xi32>,
    %sub3A_793 = arith.constant 1048576 : i32
    %sub3A_794 = vector.broadcast %sub3A_793 : i32 to vector<32x128xi32>
    %sub3A_795 = arith.subi %add3A_773, %sub3A_794 : vector<32x128xi32>
    %jit3A_796 = arith.constant -1 : i32
    %broadcast_in_dim3A_797 = vector.broadcast %jit3A_796 : i32 to vector<32x128xi32>
    %select_n3A_798 = arith.select %lt3A_776, %broadcast_in_dim3A_797, %sub3A_795 : vector<32x128xi1>, vector<32x128xi32>
    %swap3A_799 = arith.constant 1 : index
    %swap3A_800 = arith.constant 5 : index
    %swap3A_801 = arith.constant 0 : index
    %swap3A_802 = arith.constant 0 : index
    %swap3A_803 = vector.load %arg3[%swap3A_799, %swap3A_800, %swap3A_801, %swap3A_802] : memref<2x27x32x128xi32, #tpu.memory_space<vmem>>, vector<1x1x32x128xi32>
    %swap3A_804 = vector.shape_cast %swap3A_803 : vector<1x1x32x128xi32> to vector<32x128xi32>
    %swap3A_805 = vector.shape_cast %select_n3A_798 : vector<32x128xi32> to vector<1x1x32x128xi32>
    tpu.vector_store %arg3[%swap3A_799, %swap3A_800, %swap3A_801, %swap3A_802], %swap3A_805 {strides = array<i32>} : memref<2x27x32x128xi32, #tpu.memory_space<vmem>>, vector<1x1x32x128xi32>,
    %mul3A_806 = arith.mulf %mul3A_232, %sub3A_451 : vector<32x128xf32>
    %add3A_807 = arith.addf %mul3A_806, %mul3A_519 : vector<32x128xf32>
    %mul3A_808 = arith.mulf %sub3A_451, %add3A_807 : vector<32x128xf32>
    %add3A_809 = arith.addf %mul3A_522, %mul3A_808 : vector<32x128xf32>
    %mul3A_810 = arith.mulf %mul3A_245, %sub3A_451 : vector<32x128xf32>
    %add3A_811 = arith.addf %mul3A_810, %mul3A_520 : vector<32x128xf32>
    %and3A_812 = arith.andi %and3A, %and3A_484 : vector<32x128xi1>
    %add3A_813 = arith.addi %mul3A_332, %mul3A_509 : vector<32x128xi32>
    %add3A_814 = arith.addf %mul3A_516, %add3A_811 : vector<32x128xf32>
    %mul3A_815 = arith.mulf %sub3A_298, %add3A_814 : vector<32x128xf32>
    %add3A_816 = arith.addf %add3A_809, %mul3A_815 : vector<32x128xf32>
    %and3A_817 = arith.andi %and3A_812, %and3A_325 : vector<32x128xi1>
    %jit3A_818 = arith.constant 0.000000e+00 : f32
    %broadcast_in_dim3A_819 = vector.broadcast %jit3A_818 : f32 to vector<32x128xf32>
    %select_n3A_820 = arith.select %and3A_817, %get3A_61, %broadcast_in_dim3A_819 : vector<32x128xi1>, vector<32x128xf32>
    %mul3A_821 = arith.constant -5.000000e-01 : f32
    %mul3A_822 = vector.broadcast %mul3A_821 : f32 to vector<32x128xf32>
    %mul3A_823 = arith.mulf %mul3A_822, %add3A_816 : vector<32x128xf32>
    %exp3A_824 = math.exp %mul3A_823 : vector<32x128xf32>
    %mul3A_825 = arith.mulf %select_n3A_820, %exp3A_824 : vector<32x128xf32>
    %add3A_826 = arith.addi %add3A_813, %min3A_347 : vector<32x128xi32>
    %lt3A_827 = arith.constant 1048576 : i32
    %lt3A_828 = vector.broadcast %lt3A_827 : i32 to vector<32x128xi32>
    %lt3A_829 = arith.cmpi slt, %add3A_826, %lt3A_828 : vector<32x128xi32>
    %swap3A_830 = arith.constant 6 : index
    %swap3A_831 = arith.constant 0 : index
    %swap3A_832 = arith.constant 0 : index
    %swap3A_833 = vector.load %arg2[%swap3A_830, %swap3A_831, %swap3A_832] : memref<27x32x128xf32, #tpu.memory_space<vmem>>, vector<1x32x128xf32>
    %swap3A_834 = vector.shape_cast %swap3A_833 : vector<1x32x128xf32> to vector<32x128xf32>
    %swap3A_835 = vector.shape_cast %mul3A_825 : vector<32x128xf32> to vector<1x32x128xf32>
    tpu.vector_store %arg2[%swap3A_830, %swap3A_831, %swap3A_832], %swap3A_835 {strides = array<i32>} : memref<27x32x128xf32, #tpu.memory_space<vmem>>, vector<1x32x128xf32>,
    %jit3A_836 = arith.constant -1 : i32
    %broadcast_in_dim3A_837 = vector.broadcast %jit3A_836 : i32 to vector<32x128xi32>
    %select_n3A_838 = arith.select %lt3A_829, %add3A_826, %broadcast_in_dim3A_837 : vector<32x128xi1>, vector<32x128xi32>
    %swap3A_839 = arith.constant 0 : index
    %swap3A_840 = arith.constant 6 : index
    %swap3A_841 = arith.constant 0 : index
    %swap3A_842 = arith.constant 0 : index
    %swap3A_843 = vector.load %arg3[%swap3A_839, %swap3A_840, %swap3A_841, %swap3A_842] : memref<2x27x32x128xi32, #tpu.memory_space<vmem>>, vector<1x1x32x128xi32>
    %swap3A_844 = vector.shape_cast %swap3A_843 : vector<1x1x32x128xi32> to vector<32x128xi32>
    %swap3A_845 = vector.shape_cast %select_n3A_838 : vector<32x128xi32> to vector<1x1x32x128xi32>
    tpu.vector_store %arg3[%swap3A_839, %swap3A_840, %swap3A_841, %swap3A_842], %swap3A_845 {strides = array<i32>} : memref<2x27x32x128xi32, #tpu.memory_space<vmem>>, vector<1x1x32x128xi32>,
    %sub3A_846 = arith.constant 1048576 : i32
    %sub3A_847 = vector.broadcast %sub3A_846 : i32 to vector<32x128xi32>
    %sub3A_848 = arith.subi %add3A_826, %sub3A_847 : vector<32x128xi32>
    %jit3A_849 = arith.constant -1 : i32
    %broadcast_in_dim3A_850 = vector.broadcast %jit3A_849 : i32 to vector<32x128xi32>
    %select_n3A_851 = arith.select %lt3A_829, %broadcast_in_dim3A_850, %sub3A_848 : vector<32x128xi1>, vector<32x128xi32>
    %swap3A_852 = arith.constant 1 : index
    %swap3A_853 = arith.constant 6 : index
    %swap3A_854 = arith.constant 0 : index
    %swap3A_855 = arith.constant 0 : index
    %swap3A_856 = vector.load %arg3[%swap3A_852, %swap3A_853, %swap3A_854, %swap3A_855] : memref<2x27x32x128xi32, #tpu.memory_space<vmem>>, vector<1x1x32x128xi32>
    %swap3A_857 = vector.shape_cast %swap3A_856 : vector<1x1x32x128xi32> to vector<32x128xi32>
    %swap3A_858 = vector.shape_cast %select_n3A_851 : vector<32x128xi32> to vector<1x1x32x128xi32>
    tpu.vector_store %arg3[%swap3A_852, %swap3A_853, %swap3A_854, %swap3A_855], %swap3A_858 {strides = array<i32>} : memref<2x27x32x128xi32, #tpu.memory_space<vmem>>, vector<1x1x32x128xi32>,
    %add3A_859 = arith.addf %mul3A_517, %add3A_811 : vector<32x128xf32>
    %mul3A_860 = arith.mulf %sub3A_377, %add3A_859 : vector<32x128xf32>
    %add3A_861 = arith.addf %add3A_809, %mul3A_860 : vector<32x128xf32>
    %and3A_862 = arith.andi %and3A_812, %and3A_407 : vector<32x128xi1>
    %jit3A_863 = arith.constant 0.000000e+00 : f32
    %broadcast_in_dim3A_864 = vector.broadcast %jit3A_863 : f32 to vector<32x128xf32>
    %select_n3A_865 = arith.select %and3A_862, %get3A_61, %broadcast_in_dim3A_864 : vector<32x128xi1>, vector<32x128xf32>
    %mul3A_866 = arith.constant -5.000000e-01 : f32
    %mul3A_867 = vector.broadcast %mul3A_866 : f32 to vector<32x128xf32>
    %mul3A_868 = arith.mulf %mul3A_867, %add3A_861 : vector<32x128xf32>
    %exp3A_869 = math.exp %mul3A_868 : vector<32x128xf32>
    %mul3A_870 = arith.mulf %select_n3A_865, %exp3A_869 : vector<32x128xf32>
    %add3A_871 = arith.addi %add3A_813, %min3A_431 : vector<32x128xi32>
    %lt3A_872 = arith.constant 1048576 : i32
    %lt3A_873 = vector.broadcast %lt3A_872 : i32 to vector<32x128xi32>
    %lt3A_874 = arith.cmpi slt, %add3A_871, %lt3A_873 : vector<32x128xi32>
    %swap3A_875 = arith.constant 7 : index
    %swap3A_876 = arith.constant 0 : index
    %swap3A_877 = arith.constant 0 : index
    %swap3A_878 = vector.load %arg2[%swap3A_875, %swap3A_876, %swap3A_877] : memref<27x32x128xf32, #tpu.memory_space<vmem>>, vector<1x32x128xf32>
    %swap3A_879 = vector.shape_cast %swap3A_878 : vector<1x32x128xf32> to vector<32x128xf32>
    %swap3A_880 = vector.shape_cast %mul3A_870 : vector<32x128xf32> to vector<1x32x128xf32>
    tpu.vector_store %arg2[%swap3A_875, %swap3A_876, %swap3A_877], %swap3A_880 {strides = array<i32>} : memref<27x32x128xf32, #tpu.memory_space<vmem>>, vector<1x32x128xf32>,
    %jit3A_881 = arith.constant -1 : i32
    %broadcast_in_dim3A_882 = vector.broadcast %jit3A_881 : i32 to vector<32x128xi32>
    %select_n3A_883 = arith.select %lt3A_874, %add3A_871, %broadcast_in_dim3A_882 : vector<32x128xi1>, vector<32x128xi32>
    %swap3A_884 = arith.constant 0 : index
    %swap3A_885 = arith.constant 7 : index
    %swap3A_886 = arith.constant 0 : index
    %swap3A_887 = arith.constant 0 : index
    %swap3A_888 = vector.load %arg3[%swap3A_884, %swap3A_885, %swap3A_886, %swap3A_887] : memref<2x27x32x128xi32, #tpu.memory_space<vmem>>, vector<1x1x32x128xi32>
    %swap3A_889 = vector.shape_cast %swap3A_888 : vector<1x1x32x128xi32> to vector<32x128xi32>
    %swap3A_890 = vector.shape_cast %select_n3A_883 : vector<32x128xi32> to vector<1x1x32x128xi32>
    tpu.vector_store %arg3[%swap3A_884, %swap3A_885, %swap3A_886, %swap3A_887], %swap3A_890 {strides = array<i32>} : memref<2x27x32x128xi32, #tpu.memory_space<vmem>>, vector<1x1x32x128xi32>,
    %sub3A_891 = arith.constant 1048576 : i32
    %sub3A_892 = vector.broadcast %sub3A_891 : i32 to vector<32x128xi32>
    %sub3A_893 = arith.subi %add3A_871, %sub3A_892 : vector<32x128xi32>
    %jit3A_894 = arith.constant -1 : i32
    %broadcast_in_dim3A_895 = vector.broadcast %jit3A_894 : i32 to vector<32x128xi32>
    %select_n3A_896 = arith.select %lt3A_874, %broadcast_in_dim3A_895, %sub3A_893 : vector<32x128xi1>, vector<32x128xi32>
    %swap3A_897 = arith.constant 1 : index
    %swap3A_898 = arith.constant 7 : index
    %swap3A_899 = arith.constant 0 : index
    %swap3A_900 = arith.constant 0 : index
    %swap3A_901 = vector.load %arg3[%swap3A_897, %swap3A_898, %swap3A_899, %swap3A_900] : memref<2x27x32x128xi32, #tpu.memory_space<vmem>>, vector<1x1x32x128xi32>
    %swap3A_902 = vector.shape_cast %swap3A_901 : vector<1x1x32x128xi32> to vector<32x128xi32>
    %swap3A_903 = vector.shape_cast %select_n3A_896 : vector<32x128xi32> to vector<1x1x32x128xi32>
    tpu.vector_store %arg3[%swap3A_897, %swap3A_898, %swap3A_899, %swap3A_900], %swap3A_903 {strides = array<i32>} : memref<2x27x32x128xi32, #tpu.memory_space<vmem>>, vector<1x1x32x128xi32>,
    %add3A_904 = arith.addf %mul3A_518, %add3A_811 : vector<32x128xf32>
    %mul3A_905 = arith.mulf %sub3A_461, %add3A_904 : vector<32x128xf32>
    %add3A_906 = arith.addf %add3A_809, %mul3A_905 : vector<32x128xf32>
    %and3A_907 = arith.andi %and3A_812, %and3A_491 : vector<32x128xi1>
    %jit3A_908 = arith.constant 0.000000e+00 : f32
    %broadcast_in_dim3A_909 = vector.broadcast %jit3A_908 : f32 to vector<32x128xf32>
    %select_n3A_910 = arith.select %and3A_907, %get3A_61, %broadcast_in_dim3A_909 : vector<32x128xi1>, vector<32x128xf32>
    %mul3A_911 = arith.constant -5.000000e-01 : f32
    %mul3A_912 = vector.broadcast %mul3A_911 : f32 to vector<32x128xf32>
    %mul3A_913 = arith.mulf %mul3A_912, %add3A_906 : vector<32x128xf32>
    %exp3A_914 = math.exp %mul3A_913 : vector<32x128xf32>
    %mul3A_915 = arith.mulf %select_n3A_910, %exp3A_914 : vector<32x128xf32>
    %add3A_916 = arith.addi %add3A_813, %min3A_515 : vector<32x128xi32>
    %lt3A_917 = arith.constant 1048576 : i32
    %lt3A_918 = vector.broadcast %lt3A_917 : i32 to vector<32x128xi32>
    %lt3A_919 = arith.cmpi slt, %add3A_916, %lt3A_918 : vector<32x128xi32>
    %swap3A_920 = arith.constant 8 : index
    %swap3A_921 = arith.constant 0 : index
    %swap3A_922 = arith.constant 0 : index
    %swap3A_923 = vector.load %arg2[%swap3A_920, %swap3A_921, %swap3A_922] : memref<27x32x128xf32, #tpu.memory_space<vmem>>, vector<1x32x128xf32>
    %swap3A_924 = vector.shape_cast %swap3A_923 : vector<1x32x128xf32> to vector<32x128xf32>
    %swap3A_925 = vector.shape_cast %mul3A_915 : vector<32x128xf32> to vector<1x32x128xf32>
    tpu.vector_store %arg2[%swap3A_920, %swap3A_921, %swap3A_922], %swap3A_925 {strides = array<i32>} : memref<27x32x128xf32, #tpu.memory_space<vmem>>, vector<1x32x128xf32>,
    %jit3A_926 = arith.constant -1 : i32
    %broadcast_in_dim3A_927 = vector.broadcast %jit3A_926 : i32 to vector<32x128xi32>
    %select_n3A_928 = arith.select %lt3A_919, %add3A_916, %broadcast_in_dim3A_927 : vector<32x128xi1>, vector<32x128xi32>
    %swap3A_929 = arith.constant 0 : index
    %swap3A_930 = arith.constant 8 : index
    %swap3A_931 = arith.constant 0 : index
    %swap3A_932 = arith.constant 0 : index
    %swap3A_933 = vector.load %arg3[%swap3A_929, %swap3A_930, %swap3A_931, %swap3A_932] : memref<2x27x32x128xi32, #tpu.memory_space<vmem>>, vector<1x1x32x128xi32>
    %swap3A_934 = vector.shape_cast %swap3A_933 : vector<1x1x32x128xi32> to vector<32x128xi32>
    %swap3A_935 = vector.shape_cast %select_n3A_928 : vector<32x128xi32> to vector<1x1x32x128xi32>
    tpu.vector_store %arg3[%swap3A_929, %swap3A_930, %swap3A_931, %swap3A_932], %swap3A_935 {strides = array<i32>} : memref<2x27x32x128xi32, #tpu.memory_space<vmem>>, vector<1x1x32x128xi32>,
    %sub3A_936 = arith.constant 1048576 : i32
    %sub3A_937 = vector.broadcast %sub3A_936 : i32 to vector<32x128xi32>
    %sub3A_938 = arith.subi %add3A_916, %sub3A_937 : vector<32x128xi32>
    %jit3A_939 = arith.constant -1 : i32
    %broadcast_in_dim3A_940 = vector.broadcast %jit3A_939 : i32 to vector<32x128xi32>
    %select_n3A_941 = arith.select %lt3A_919, %broadcast_in_dim3A_940, %sub3A_938 : vector<32x128xi1>, vector<32x128xi32>
    %swap3A_942 = arith.constant 1 : index
    %swap3A_943 = arith.constant 8 : index
    %swap3A_944 = arith.constant 0 : index
    %swap3A_945 = arith.constant 0 : index
    %swap3A_946 = vector.load %arg3[%swap3A_942, %swap3A_943, %swap3A_944, %swap3A_945] : memref<2x27x32x128xi32, #tpu.memory_space<vmem>>, vector<1x1x32x128xi32>
    %swap3A_947 = vector.shape_cast %swap3A_946 : vector<1x1x32x128xi32> to vector<32x128xi32>
    %swap3A_948 = vector.shape_cast %select_n3A_941 : vector<32x128xi32> to vector<1x1x32x128xi32>
    tpu.vector_store %arg3[%swap3A_942, %swap3A_943, %swap3A_944, %swap3A_945], %swap3A_948 {strides = array<i32>} : memref<2x27x32x128xi32, #tpu.memory_space<vmem>>, vector<1x1x32x128xi32>,
    %mul3A_949 = arith.mulf %mul3A_237, %sub3A_357 : vector<32x128xf32>
    %mul3A_950 = arith.mulf %mul3A_241, %sub3A_357 : vector<32x128xf32>
    %mul3A_951 = arith.mulf %mul3A_231, %sub3A_357 : vector<32x128xf32>
    %mul3A_952 = arith.mulf %mul3A_951, %sub3A_357 : vector<32x128xf32>
    %mul3A_953 = arith.mulf %mul3A_232, %sub3A_288 : vector<32x128xf32>
    %add3A_954 = arith.addf %mul3A_953, %mul3A_949 : vector<32x128xf32>
    %mul3A_955 = arith.mulf %sub3A_288, %add3A_954 : vector<32x128xf32>
    %add3A_956 = arith.addf %mul3A_952, %mul3A_955 : vector<32x128xf32>
    %mul3A_957 = arith.mulf %mul3A_245, %sub3A_288 : vector<32x128xf32>
    %add3A_958 = arith.addf %mul3A_957, %mul3A_950 : vector<32x128xf32>
    %and3A_959 = arith.andi %and3A_393, %and3A_318 : vector<32x128xi1>
    %add3A_960 = arith.addi %mul3A_416, %mul3A_341 : vector<32x128xi32>
    %add3A_961 = arith.addf %mul3A_516, %add3A_958 : vector<32x128xf32>
    %mul3A_962 = arith.mulf %sub3A_298, %add3A_961 : vector<32x128xf32>
    %add3A_963 = arith.addf %add3A_956, %mul3A_962 : vector<32x128xf32>
    %and3A_964 = arith.andi %and3A_959, %and3A_325 : vector<32x128xi1>
    %jit3A_965 = arith.constant 0.000000e+00 : f32
    %broadcast_in_dim3A_966 = vector.broadcast %jit3A_965 : f32 to vector<32x128xf32>
    %select_n3A_967 = arith.select %and3A_964, %get3A_61, %broadcast_in_dim3A_966 : vector<32x128xi1>, vector<32x128xf32>
    %mul3A_968 = arith.constant -5.000000e-01 : f32
    %mul3A_969 = vector.broadcast %mul3A_968 : f32 to vector<32x128xf32>
    %mul3A_970 = arith.mulf %mul3A_969, %add3A_963 : vector<32x128xf32>
    %exp3A_971 = math.exp %mul3A_970 : vector<32x128xf32>
    %mul3A_972 = arith.mulf %select_n3A_967, %exp3A_971 : vector<32x128xf32>
    %add3A_973 = arith.addi %add3A_960, %min3A_347 : vector<32x128xi32>
    %lt3A_974 = arith.constant 1048576 : i32
    %lt3A_975 = vector.broadcast %lt3A_974 : i32 to vector<32x128xi32>
    %lt3A_976 = arith.cmpi slt, %add3A_973, %lt3A_975 : vector<32x128xi32>
    %swap3A_977 = arith.constant 9 : index
    %swap3A_978 = arith.constant 0 : index
    %swap3A_979 = arith.constant 0 : index
    %swap3A_980 = vector.load %arg2[%swap3A_977, %swap3A_978, %swap3A_979] : memref<27x32x128xf32, #tpu.memory_space<vmem>>, vector<1x32x128xf32>
    %swap3A_981 = vector.shape_cast %swap3A_980 : vector<1x32x128xf32> to vector<32x128xf32>
    %swap3A_982 = vector.shape_cast %mul3A_972 : vector<32x128xf32> to vector<1x32x128xf32>
    tpu.vector_store %arg2[%swap3A_977, %swap3A_978, %swap3A_979], %swap3A_982 {strides = array<i32>} : memref<27x32x128xf32, #tpu.memory_space<vmem>>, vector<1x32x128xf32>,
    %jit3A_983 = arith.constant -1 : i32
    %broadcast_in_dim3A_984 = vector.broadcast %jit3A_983 : i32 to vector<32x128xi32>
    %select_n3A_985 = arith.select %lt3A_976, %add3A_973, %broadcast_in_dim3A_984 : vector<32x128xi1>, vector<32x128xi32>
    %swap3A_986 = arith.constant 0 : index
    %swap3A_987 = arith.constant 9 : index
    %swap3A_988 = arith.constant 0 : index
    %swap3A_989 = arith.constant 0 : index
    %swap3A_990 = vector.load %arg3[%swap3A_986, %swap3A_987, %swap3A_988, %swap3A_989] : memref<2x27x32x128xi32, #tpu.memory_space<vmem>>, vector<1x1x32x128xi32>
    %swap3A_991 = vector.shape_cast %swap3A_990 : vector<1x1x32x128xi32> to vector<32x128xi32>
    %swap3A_992 = vector.shape_cast %select_n3A_985 : vector<32x128xi32> to vector<1x1x32x128xi32>
    tpu.vector_store %arg3[%swap3A_986, %swap3A_987, %swap3A_988, %swap3A_989], %swap3A_992 {strides = array<i32>} : memref<2x27x32x128xi32, #tpu.memory_space<vmem>>, vector<1x1x32x128xi32>,
    %sub3A_993 = arith.constant 1048576 : i32
    %sub3A_994 = vector.broadcast %sub3A_993 : i32 to vector<32x128xi32>
    %sub3A_995 = arith.subi %add3A_973, %sub3A_994 : vector<32x128xi32>
    %jit3A_996 = arith.constant -1 : i32
    %broadcast_in_dim3A_997 = vector.broadcast %jit3A_996 : i32 to vector<32x128xi32>
    %select_n3A_998 = arith.select %lt3A_976, %broadcast_in_dim3A_997, %sub3A_995 : vector<32x128xi1>, vector<32x128xi32>
    %swap3A_999 = arith.constant 1 : index
    %swap3A_1000 = arith.constant 9 : index
    %swap3A_1001 = arith.constant 0 : index
    %swap3A_1002 = arith.constant 0 : index
    %swap3A_1003 = vector.load %arg3[%swap3A_999, %swap3A_1000, %swap3A_1001, %swap3A_1002] : memref<2x27x32x128xi32, #tpu.memory_space<vmem>>, vector<1x1x32x128xi32>
    %swap3A_1004 = vector.shape_cast %swap3A_1003 : vector<1x1x32x128xi32> to vector<32x128xi32>
    %swap3A_1005 = vector.shape_cast %select_n3A_998 : vector<32x128xi32> to vector<1x1x32x128xi32>
    tpu.vector_store %arg3[%swap3A_999, %swap3A_1000, %swap3A_1001, %swap3A_1002], %swap3A_1005 {strides = array<i32>} : memref<2x27x32x128xi32, #tpu.memory_space<vmem>>, vector<1x1x32x128xi32>,
    %add3A_1006 = arith.addf %mul3A_517, %add3A_958 : vector<32x128xf32>
    %mul3A_1007 = arith.mulf %sub3A_377, %add3A_1006 : vector<32x128xf32>
    %add3A_1008 = arith.addf %add3A_956, %mul3A_1007 : vector<32x128xf32>
    %and3A_1009 = arith.andi %and3A_959, %and3A_407 : vector<32x128xi1>
    %jit3A_1010 = arith.constant 0.000000e+00 : f32
    %broadcast_in_dim3A_1011 = vector.broadcast %jit3A_1010 : f32 to vector<32x128xf32>
    %select_n3A_1012 = arith.select %and3A_1009, %get3A_61, %broadcast_in_dim3A_1011 : vector<32x128xi1>, vector<32x128xf32>
    %mul3A_1013 = arith.constant -5.000000e-01 : f32
    %mul3A_1014 = vector.broadcast %mul3A_1013 : f32 to vector<32x128xf32>
    %mul3A_1015 = arith.mulf %mul3A_1014, %add3A_1008 : vector<32x128xf32>
    %exp3A_1016 = math.exp %mul3A_1015 : vector<32x128xf32>
    %mul3A_1017 = arith.mulf %select_n3A_1012, %exp3A_1016 : vector<32x128xf32>
    %add3A_1018 = arith.addi %add3A_960, %min3A_431 : vector<32x128xi32>
    %lt3A_1019 = arith.constant 1048576 : i32
    %lt3A_1020 = vector.broadcast %lt3A_1019 : i32 to vector<32x128xi32>
    %lt3A_1021 = arith.cmpi slt, %add3A_1018, %lt3A_1020 : vector<32x128xi32>
    %swap3A_1022 = arith.constant 10 : index
    %swap3A_1023 = arith.constant 0 : index
    %swap3A_1024 = arith.constant 0 : index
    %swap3A_1025 = vector.load %arg2[%swap3A_1022, %swap3A_1023, %swap3A_1024] : memref<27x32x128xf32, #tpu.memory_space<vmem>>, vector<1x32x128xf32>
    %swap3A_1026 = vector.shape_cast %swap3A_1025 : vector<1x32x128xf32> to vector<32x128xf32>
    %swap3A_1027 = vector.shape_cast %mul3A_1017 : vector<32x128xf32> to vector<1x32x128xf32>
    tpu.vector_store %arg2[%swap3A_1022, %swap3A_1023, %swap3A_1024], %swap3A_1027 {strides = array<i32>} : memref<27x32x128xf32, #tpu.memory_space<vmem>>, vector<1x32x128xf32>,
    %jit3A_1028 = arith.constant -1 : i32
    %broadcast_in_dim3A_1029 = vector.broadcast %jit3A_1028 : i32 to vector<32x128xi32>
    %select_n3A_1030 = arith.select %lt3A_1021, %add3A_1018, %broadcast_in_dim3A_1029 : vector<32x128xi1>, vector<32x128xi32>
    %swap3A_1031 = arith.constant 0 : index
    %swap3A_1032 = arith.constant 10 : index
    %swap3A_1033 = arith.constant 0 : index
    %swap3A_1034 = arith.constant 0 : index
    %swap3A_1035 = vector.load %arg3[%swap3A_1031, %swap3A_1032, %swap3A_1033, %swap3A_1034] : memref<2x27x32x128xi32, #tpu.memory_space<vmem>>, vector<1x1x32x128xi32>
    %swap3A_1036 = vector.shape_cast %swap3A_1035 : vector<1x1x32x128xi32> to vector<32x128xi32>
    %swap3A_1037 = vector.shape_cast %select_n3A_1030 : vector<32x128xi32> to vector<1x1x32x128xi32>
    tpu.vector_store %arg3[%swap3A_1031, %swap3A_1032, %swap3A_1033, %swap3A_1034], %swap3A_1037 {strides = array<i32>} : memref<2x27x32x128xi32, #tpu.memory_space<vmem>>, vector<1x1x32x128xi32>,
    %sub3A_1038 = arith.constant 1048576 : i32
    %sub3A_1039 = vector.broadcast %sub3A_1038 : i32 to vector<32x128xi32>
    %sub3A_1040 = arith.subi %add3A_1018, %sub3A_1039 : vector<32x128xi32>
    %jit3A_1041 = arith.constant -1 : i32
    %broadcast_in_dim3A_1042 = vector.broadcast %jit3A_1041 : i32 to vector<32x128xi32>
    %select_n3A_1043 = arith.select %lt3A_1021, %broadcast_in_dim3A_1042, %sub3A_1040 : vector<32x128xi1>, vector<32x128xi32>
    %swap3A_1044 = arith.constant 1 : index
    %swap3A_1045 = arith.constant 10 : index
    %swap3A_1046 = arith.constant 0 : index
    %swap3A_1047 = arith.constant 0 : index
    %swap3A_1048 = vector.load %arg3[%swap3A_1044, %swap3A_1045, %swap3A_1046, %swap3A_1047] : memref<2x27x32x128xi32, #tpu.memory_space<vmem>>, vector<1x1x32x128xi32>
    %swap3A_1049 = vector.shape_cast %swap3A_1048 : vector<1x1x32x128xi32> to vector<32x128xi32>
    %swap3A_1050 = vector.shape_cast %select_n3A_1043 : vector<32x128xi32> to vector<1x1x32x128xi32>
    tpu.vector_store %arg3[%swap3A_1044, %swap3A_1045, %swap3A_1046, %swap3A_1047], %swap3A_1050 {strides = array<i32>} : memref<2x27x32x128xi32, #tpu.memory_space<vmem>>, vector<1x1x32x128xi32>,
    %add3A_1051 = arith.addf %mul3A_518, %add3A_958 : vector<32x128xf32>
    %mul3A_1052 = arith.mulf %sub3A_461, %add3A_1051 : vector<32x128xf32>
    %add3A_1053 = arith.addf %add3A_956, %mul3A_1052 : vector<32x128xf32>
    %and3A_1054 = arith.andi %and3A_959, %and3A_491 : vector<32x128xi1>
    %jit3A_1055 = arith.constant 0.000000e+00 : f32
    %broadcast_in_dim3A_1056 = vector.broadcast %jit3A_1055 : f32 to vector<32x128xf32>
    %select_n3A_1057 = arith.select %and3A_1054, %get3A_61, %broadcast_in_dim3A_1056 : vector<32x128xi1>, vector<32x128xf32>
    %mul3A_1058 = arith.constant -5.000000e-01 : f32
    %mul3A_1059 = vector.broadcast %mul3A_1058 : f32 to vector<32x128xf32>
    %mul3A_1060 = arith.mulf %mul3A_1059, %add3A_1053 : vector<32x128xf32>
    %exp3A_1061 = math.exp %mul3A_1060 : vector<32x128xf32>
    %mul3A_1062 = arith.mulf %select_n3A_1057, %exp3A_1061 : vector<32x128xf32>
    %add3A_1063 = arith.addi %add3A_960, %min3A_515 : vector<32x128xi32>
    %lt3A_1064 = arith.constant 1048576 : i32
    %lt3A_1065 = vector.broadcast %lt3A_1064 : i32 to vector<32x128xi32>
    %lt3A_1066 = arith.cmpi slt, %add3A_1063, %lt3A_1065 : vector<32x128xi32>
    %swap3A_1067 = arith.constant 11 : index
    %swap3A_1068 = arith.constant 0 : index
    %swap3A_1069 = arith.constant 0 : index
    %swap3A_1070 = vector.load %arg2[%swap3A_1067, %swap3A_1068, %swap3A_1069] : memref<27x32x128xf32, #tpu.memory_space<vmem>>, vector<1x32x128xf32>
    %swap3A_1071 = vector.shape_cast %swap3A_1070 : vector<1x32x128xf32> to vector<32x128xf32>
    %swap3A_1072 = vector.shape_cast %mul3A_1062 : vector<32x128xf32> to vector<1x32x128xf32>
    tpu.vector_store %arg2[%swap3A_1067, %swap3A_1068, %swap3A_1069], %swap3A_1072 {strides = array<i32>} : memref<27x32x128xf32, #tpu.memory_space<vmem>>, vector<1x32x128xf32>,
    %jit3A_1073 = arith.constant -1 : i32
    %broadcast_in_dim3A_1074 = vector.broadcast %jit3A_1073 : i32 to vector<32x128xi32>
    %select_n3A_1075 = arith.select %lt3A_1066, %add3A_1063, %broadcast_in_dim3A_1074 : vector<32x128xi1>, vector<32x128xi32>
    %swap3A_1076 = arith.constant 0 : index
    %swap3A_1077 = arith.constant 11 : index
    %swap3A_1078 = arith.constant 0 : index
    %swap3A_1079 = arith.constant 0 : index
    %swap3A_1080 = vector.load %arg3[%swap3A_1076, %swap3A_1077, %swap3A_1078, %swap3A_1079] : memref<2x27x32x128xi32, #tpu.memory_space<vmem>>, vector<1x1x32x128xi32>
    %swap3A_1081 = vector.shape_cast %swap3A_1080 : vector<1x1x32x128xi32> to vector<32x128xi32>
    %swap3A_1082 = vector.shape_cast %select_n3A_1075 : vector<32x128xi32> to vector<1x1x32x128xi32>
    tpu.vector_store %arg3[%swap3A_1076, %swap3A_1077, %swap3A_1078, %swap3A_1079], %swap3A_1082 {strides = array<i32>} : memref<2x27x32x128xi32, #tpu.memory_space<vmem>>, vector<1x1x32x128xi32>,
    %sub3A_1083 = arith.constant 1048576 : i32
    %sub3A_1084 = vector.broadcast %sub3A_1083 : i32 to vector<32x128xi32>
    %sub3A_1085 = arith.subi %add3A_1063, %sub3A_1084 : vector<32x128xi32>
    %jit3A_1086 = arith.constant -1 : i32
    %broadcast_in_dim3A_1087 = vector.broadcast %jit3A_1086 : i32 to vector<32x128xi32>
    %select_n3A_1088 = arith.select %lt3A_1066, %broadcast_in_dim3A_1087, %sub3A_1085 : vector<32x128xi1>, vector<32x128xi32>
    %swap3A_1089 = arith.constant 1 : index
    %swap3A_1090 = arith.constant 11 : index
    %swap3A_1091 = arith.constant 0 : index
    %swap3A_1092 = arith.constant 0 : index
    %swap3A_1093 = vector.load %arg3[%swap3A_1089, %swap3A_1090, %swap3A_1091, %swap3A_1092] : memref<2x27x32x128xi32, #tpu.memory_space<vmem>>, vector<1x1x32x128xi32>
    %swap3A_1094 = vector.shape_cast %swap3A_1093 : vector<1x1x32x128xi32> to vector<32x128xi32>
    %swap3A_1095 = vector.shape_cast %select_n3A_1088 : vector<32x128xi32> to vector<1x1x32x128xi32>
    tpu.vector_store %arg3[%swap3A_1089, %swap3A_1090, %swap3A_1091, %swap3A_1092], %swap3A_1095 {strides = array<i32>} : memref<2x27x32x128xi32, #tpu.memory_space<vmem>>, vector<1x1x32x128xi32>,
    %mul3A_1096 = arith.mulf %mul3A_232, %sub3A_367 : vector<32x128xf32>
    %add3A_1097 = arith.addf %mul3A_1096, %mul3A_949 : vector<32x128xf32>
    %mul3A_1098 = arith.mulf %sub3A_367, %add3A_1097 : vector<32x128xf32>
    %add3A_1099 = arith.addf %mul3A_952, %mul3A_1098 : vector<32x128xf32>
    %mul3A_1100 = arith.mulf %mul3A_245, %sub3A_367 : vector<32x128xf32>
    %add3A_1101 = arith.addf %mul3A_1100, %mul3A_950 : vector<32x128xf32>
    %and3A_1102 = arith.andi %and3A_393, %and3A_400 : vector<32x128xi1>
    %add3A_1103 = arith.addi %mul3A_416, %mul3A_425 : vector<32x128xi32>
    %add3A_1104 = arith.addf %mul3A_516, %add3A_1101 : vector<32x128xf32>
    %mul3A_1105 = arith.mulf %sub3A_298, %add3A_1104 : vector<32x128xf32>
    %add3A_1106 = arith.addf %add3A_1099, %mul3A_1105 : vector<32x128xf32>
    %and3A_1107 = arith.andi %and3A_1102, %and3A_325 : vector<32x128xi1>
    %jit3A_1108 = arith.constant 0.000000e+00 : f32
    %broadcast_in_dim3A_1109 = vector.broadcast %jit3A_1108 : f32 to vector<32x128xf32>
    %select_n3A_1110 = arith.select %and3A_1107, %get3A_61, %broadcast_in_dim3A_1109 : vector<32x128xi1>, vector<32x128xf32>
    %mul3A_1111 = arith.constant -5.000000e-01 : f32
    %mul3A_1112 = vector.broadcast %mul3A_1111 : f32 to vector<32x128xf32>
    %mul3A_1113 = arith.mulf %mul3A_1112, %add3A_1106 : vector<32x128xf32>
    %exp3A_1114 = math.exp %mul3A_1113 : vector<32x128xf32>
    %mul3A_1115 = arith.mulf %select_n3A_1110, %exp3A_1114 : vector<32x128xf32>
    %add3A_1116 = arith.addi %add3A_1103, %min3A_347 : vector<32x128xi32>
    %lt3A_1117 = arith.constant 1048576 : i32
    %lt3A_1118 = vector.broadcast %lt3A_1117 : i32 to vector<32x128xi32>
    %lt3A_1119 = arith.cmpi slt, %add3A_1116, %lt3A_1118 : vector<32x128xi32>
    %swap3A_1120 = arith.constant 12 : index
    %swap3A_1121 = arith.constant 0 : index
    %swap3A_1122 = arith.constant 0 : index
    %swap3A_1123 = vector.load %arg2[%swap3A_1120, %swap3A_1121, %swap3A_1122] : memref<27x32x128xf32, #tpu.memory_space<vmem>>, vector<1x32x128xf32>
    %swap3A_1124 = vector.shape_cast %swap3A_1123 : vector<1x32x128xf32> to vector<32x128xf32>
    %swap3A_1125 = vector.shape_cast %mul3A_1115 : vector<32x128xf32> to vector<1x32x128xf32>
    tpu.vector_store %arg2[%swap3A_1120, %swap3A_1121, %swap3A_1122], %swap3A_1125 {strides = array<i32>} : memref<27x32x128xf32, #tpu.memory_space<vmem>>, vector<1x32x128xf32>,
    %jit3A_1126 = arith.constant -1 : i32
    %broadcast_in_dim3A_1127 = vector.broadcast %jit3A_1126 : i32 to vector<32x128xi32>
    %select_n3A_1128 = arith.select %lt3A_1119, %add3A_1116, %broadcast_in_dim3A_1127 : vector<32x128xi1>, vector<32x128xi32>
    %swap3A_1129 = arith.constant 0 : index
    %swap3A_1130 = arith.constant 12 : index
    %swap3A_1131 = arith.constant 0 : index
    %swap3A_1132 = arith.constant 0 : index
    %swap3A_1133 = vector.load %arg3[%swap3A_1129, %swap3A_1130, %swap3A_1131, %swap3A_1132] : memref<2x27x32x128xi32, #tpu.memory_space<vmem>>, vector<1x1x32x128xi32>
    %swap3A_1134 = vector.shape_cast %swap3A_1133 : vector<1x1x32x128xi32> to vector<32x128xi32>
    %swap3A_1135 = vector.shape_cast %select_n3A_1128 : vector<32x128xi32> to vector<1x1x32x128xi32>
    tpu.vector_store %arg3[%swap3A_1129, %swap3A_1130, %swap3A_1131, %swap3A_1132], %swap3A_1135 {strides = array<i32>} : memref<2x27x32x128xi32, #tpu.memory_space<vmem>>, vector<1x1x32x128xi32>,
    %sub3A_1136 = arith.constant 1048576 : i32
    %sub3A_1137 = vector.broadcast %sub3A_1136 : i32 to vector<32x128xi32>
    %sub3A_1138 = arith.subi %add3A_1116, %sub3A_1137 : vector<32x128xi32>
    %jit3A_1139 = arith.constant -1 : i32
    %broadcast_in_dim3A_1140 = vector.broadcast %jit3A_1139 : i32 to vector<32x128xi32>
    %select_n3A_1141 = arith.select %lt3A_1119, %broadcast_in_dim3A_1140, %sub3A_1138 : vector<32x128xi1>, vector<32x128xi32>
    %swap3A_1142 = arith.constant 1 : index
    %swap3A_1143 = arith.constant 12 : index
    %swap3A_1144 = arith.constant 0 : index
    %swap3A_1145 = arith.constant 0 : index
    %swap3A_1146 = vector.load %arg3[%swap3A_1142, %swap3A_1143, %swap3A_1144, %swap3A_1145] : memref<2x27x32x128xi32, #tpu.memory_space<vmem>>, vector<1x1x32x128xi32>
    %swap3A_1147 = vector.shape_cast %swap3A_1146 : vector<1x1x32x128xi32> to vector<32x128xi32>
    %swap3A_1148 = vector.shape_cast %select_n3A_1141 : vector<32x128xi32> to vector<1x1x32x128xi32>
    tpu.vector_store %arg3[%swap3A_1142, %swap3A_1143, %swap3A_1144, %swap3A_1145], %swap3A_1148 {strides = array<i32>} : memref<2x27x32x128xi32, #tpu.memory_space<vmem>>, vector<1x1x32x128xi32>,
    %add3A_1149 = arith.addf %mul3A_517, %add3A_1101 : vector<32x128xf32>
    %mul3A_1150 = arith.mulf %sub3A_377, %add3A_1149 : vector<32x128xf32>
    %add3A_1151 = arith.addf %add3A_1099, %mul3A_1150 : vector<32x128xf32>
    %and3A_1152 = arith.andi %and3A_1102, %and3A_407 : vector<32x128xi1>
    %jit3A_1153 = arith.constant 0.000000e+00 : f32
    %broadcast_in_dim3A_1154 = vector.broadcast %jit3A_1153 : f32 to vector<32x128xf32>
    %select_n3A_1155 = arith.select %and3A_1152, %get3A_61, %broadcast_in_dim3A_1154 : vector<32x128xi1>, vector<32x128xf32>
    %mul3A_1156 = arith.constant -5.000000e-01 : f32
    %mul3A_1157 = vector.broadcast %mul3A_1156 : f32 to vector<32x128xf32>
    %mul3A_1158 = arith.mulf %mul3A_1157, %add3A_1151 : vector<32x128xf32>
    %exp3A_1159 = math.exp %mul3A_1158 : vector<32x128xf32>
    %mul3A_1160 = arith.mulf %select_n3A_1155, %exp3A_1159 : vector<32x128xf32>
    %add3A_1161 = arith.addi %add3A_1103, %min3A_431 : vector<32x128xi32>
    %lt3A_1162 = arith.constant 1048576 : i32
    %lt3A_1163 = vector.broadcast %lt3A_1162 : i32 to vector<32x128xi32>
    %lt3A_1164 = arith.cmpi slt, %add3A_1161, %lt3A_1163 : vector<32x128xi32>
    %swap3A_1165 = arith.constant 13 : index
    %swap3A_1166 = arith.constant 0 : index
    %swap3A_1167 = arith.constant 0 : index
    %swap3A_1168 = vector.load %arg2[%swap3A_1165, %swap3A_1166, %swap3A_1167] : memref<27x32x128xf32, #tpu.memory_space<vmem>>, vector<1x32x128xf32>
    %swap3A_1169 = vector.shape_cast %swap3A_1168 : vector<1x32x128xf32> to vector<32x128xf32>
    %swap3A_1170 = vector.shape_cast %mul3A_1160 : vector<32x128xf32> to vector<1x32x128xf32>
    tpu.vector_store %arg2[%swap3A_1165, %swap3A_1166, %swap3A_1167], %swap3A_1170 {strides = array<i32>} : memref<27x32x128xf32, #tpu.memory_space<vmem>>, vector<1x32x128xf32>,
    %jit3A_1171 = arith.constant -1 : i32
    %broadcast_in_dim3A_1172 = vector.broadcast %jit3A_1171 : i32 to vector<32x128xi32>
    %select_n3A_1173 = arith.select %lt3A_1164, %add3A_1161, %broadcast_in_dim3A_1172 : vector<32x128xi1>, vector<32x128xi32>
    %swap3A_1174 = arith.constant 0 : index
    %swap3A_1175 = arith.constant 13 : index
    %swap3A_1176 = arith.constant 0 : index
    %swap3A_1177 = arith.constant 0 : index
    %swap3A_1178 = vector.load %arg3[%swap3A_1174, %swap3A_1175, %swap3A_1176, %swap3A_1177] : memref<2x27x32x128xi32, #tpu.memory_space<vmem>>, vector<1x1x32x128xi32>
    %swap3A_1179 = vector.shape_cast %swap3A_1178 : vector<1x1x32x128xi32> to vector<32x128xi32>
    %swap3A_1180 = vector.shape_cast %select_n3A_1173 : vector<32x128xi32> to vector<1x1x32x128xi32>
    tpu.vector_store %arg3[%swap3A_1174, %swap3A_1175, %swap3A_1176, %swap3A_1177], %swap3A_1180 {strides = array<i32>} : memref<2x27x32x128xi32, #tpu.memory_space<vmem>>, vector<1x1x32x128xi32>,
    %sub3A_1181 = arith.constant 1048576 : i32
    %sub3A_1182 = vector.broadcast %sub3A_1181 : i32 to vector<32x128xi32>
    %sub3A_1183 = arith.subi %add3A_1161, %sub3A_1182 : vector<32x128xi32>
    %jit3A_1184 = arith.constant -1 : i32
    %broadcast_in_dim3A_1185 = vector.broadcast %jit3A_1184 : i32 to vector<32x128xi32>
    %select_n3A_1186 = arith.select %lt3A_1164, %broadcast_in_dim3A_1185, %sub3A_1183 : vector<32x128xi1>, vector<32x128xi32>
    %swap3A_1187 = arith.constant 1 : index
    %swap3A_1188 = arith.constant 13 : index
    %swap3A_1189 = arith.constant 0 : index
    %swap3A_1190 = arith.constant 0 : index
    %swap3A_1191 = vector.load %arg3[%swap3A_1187, %swap3A_1188, %swap3A_1189, %swap3A_1190] : memref<2x27x32x128xi32, #tpu.memory_space<vmem>>, vector<1x1x32x128xi32>
    %swap3A_1192 = vector.shape_cast %swap3A_1191 : vector<1x1x32x128xi32> to vector<32x128xi32>
    %swap3A_1193 = vector.shape_cast %select_n3A_1186 : vector<32x128xi32> to vector<1x1x32x128xi32>
    tpu.vector_store %arg3[%swap3A_1187, %swap3A_1188, %swap3A_1189, %swap3A_1190], %swap3A_1193 {strides = array<i32>} : memref<2x27x32x128xi32, #tpu.memory_space<vmem>>, vector<1x1x32x128xi32>,
    %add3A_1194 = arith.addf %mul3A_518, %add3A_1101 : vector<32x128xf32>
    %mul3A_1195 = arith.mulf %sub3A_461, %add3A_1194 : vector<32x128xf32>
    %add3A_1196 = arith.addf %add3A_1099, %mul3A_1195 : vector<32x128xf32>
    %and3A_1197 = arith.andi %and3A_1102, %and3A_491 : vector<32x128xi1>
    %jit3A_1198 = arith.constant 0.000000e+00 : f32
    %broadcast_in_dim3A_1199 = vector.broadcast %jit3A_1198 : f32 to vector<32x128xf32>
    %select_n3A_1200 = arith.select %and3A_1197, %get3A_61, %broadcast_in_dim3A_1199 : vector<32x128xi1>, vector<32x128xf32>
    %mul3A_1201 = arith.constant -5.000000e-01 : f32
    %mul3A_1202 = vector.broadcast %mul3A_1201 : f32 to vector<32x128xf32>
    %mul3A_1203 = arith.mulf %mul3A_1202, %add3A_1196 : vector<32x128xf32>
    %exp3A_1204 = math.exp %mul3A_1203 : vector<32x128xf32>
    %mul3A_1205 = arith.mulf %select_n3A_1200, %exp3A_1204 : vector<32x128xf32>
    %add3A_1206 = arith.addi %add3A_1103, %min3A_515 : vector<32x128xi32>
    %lt3A_1207 = arith.constant 1048576 : i32
    %lt3A_1208 = vector.broadcast %lt3A_1207 : i32 to vector<32x128xi32>
    %lt3A_1209 = arith.cmpi slt, %add3A_1206, %lt3A_1208 : vector<32x128xi32>
    %swap3A_1210 = arith.constant 14 : index
    %swap3A_1211 = arith.constant 0 : index
    %swap3A_1212 = arith.constant 0 : index
    %swap3A_1213 = vector.load %arg2[%swap3A_1210, %swap3A_1211, %swap3A_1212] : memref<27x32x128xf32, #tpu.memory_space<vmem>>, vector<1x32x128xf32>
    %swap3A_1214 = vector.shape_cast %swap3A_1213 : vector<1x32x128xf32> to vector<32x128xf32>
    %swap3A_1215 = vector.shape_cast %mul3A_1205 : vector<32x128xf32> to vector<1x32x128xf32>
    tpu.vector_store %arg2[%swap3A_1210, %swap3A_1211, %swap3A_1212], %swap3A_1215 {strides = array<i32>} : memref<27x32x128xf32, #tpu.memory_space<vmem>>, vector<1x32x128xf32>,
    %jit3A_1216 = arith.constant -1 : i32
    %broadcast_in_dim3A_1217 = vector.broadcast %jit3A_1216 : i32 to vector<32x128xi32>
    %select_n3A_1218 = arith.select %lt3A_1209, %add3A_1206, %broadcast_in_dim3A_1217 : vector<32x128xi1>, vector<32x128xi32>
    %swap3A_1219 = arith.constant 0 : index
    %swap3A_1220 = arith.constant 14 : index
    %swap3A_1221 = arith.constant 0 : index
    %swap3A_1222 = arith.constant 0 : index
    %swap3A_1223 = vector.load %arg3[%swap3A_1219, %swap3A_1220, %swap3A_1221, %swap3A_1222] : memref<2x27x32x128xi32, #tpu.memory_space<vmem>>, vector<1x1x32x128xi32>
    %swap3A_1224 = vector.shape_cast %swap3A_1223 : vector<1x1x32x128xi32> to vector<32x128xi32>
    %swap3A_1225 = vector.shape_cast %select_n3A_1218 : vector<32x128xi32> to vector<1x1x32x128xi32>
    tpu.vector_store %arg3[%swap3A_1219, %swap3A_1220, %swap3A_1221, %swap3A_1222], %swap3A_1225 {strides = array<i32>} : memref<2x27x32x128xi32, #tpu.memory_space<vmem>>, vector<1x1x32x128xi32>,
    %sub3A_1226 = arith.constant 1048576 : i32
    %sub3A_1227 = vector.broadcast %sub3A_1226 : i32 to vector<32x128xi32>
    %sub3A_1228 = arith.subi %add3A_1206, %sub3A_1227 : vector<32x128xi32>
    %jit3A_1229 = arith.constant -1 : i32
    %broadcast_in_dim3A_1230 = vector.broadcast %jit3A_1229 : i32 to vector<32x128xi32>
    %select_n3A_1231 = arith.select %lt3A_1209, %broadcast_in_dim3A_1230, %sub3A_1228 : vector<32x128xi1>, vector<32x128xi32>
    %swap3A_1232 = arith.constant 1 : index
    %swap3A_1233 = arith.constant 14 : index
    %swap3A_1234 = arith.constant 0 : index
    %swap3A_1235 = arith.constant 0 : index
    %swap3A_1236 = vector.load %arg3[%swap3A_1232, %swap3A_1233, %swap3A_1234, %swap3A_1235] : memref<2x27x32x128xi32, #tpu.memory_space<vmem>>, vector<1x1x32x128xi32>
    %swap3A_1237 = vector.shape_cast %swap3A_1236 : vector<1x1x32x128xi32> to vector<32x128xi32>
    %swap3A_1238 = vector.shape_cast %select_n3A_1231 : vector<32x128xi32> to vector<1x1x32x128xi32>
    tpu.vector_store %arg3[%swap3A_1232, %swap3A_1233, %swap3A_1234, %swap3A_1235], %swap3A_1238 {strides = array<i32>} : memref<2x27x32x128xi32, #tpu.memory_space<vmem>>, vector<1x1x32x128xi32>,
    %mul3A_1239 = arith.mulf %mul3A_232, %sub3A_451 : vector<32x128xf32>
    %add3A_1240 = arith.addf %mul3A_1239, %mul3A_949 : vector<32x128xf32>
    %mul3A_1241 = arith.mulf %sub3A_451, %add3A_1240 : vector<32x128xf32>
    %add3A_1242 = arith.addf %mul3A_952, %mul3A_1241 : vector<32x128xf32>
    %mul3A_1243 = arith.mulf %mul3A_245, %sub3A_451 : vector<32x128xf32>
    %add3A_1244 = arith.addf %mul3A_1243, %mul3A_950 : vector<32x128xf32>
    %and3A_1245 = arith.andi %and3A_393, %and3A_484 : vector<32x128xi1>
    %add3A_1246 = arith.addi %mul3A_416, %mul3A_509 : vector<32x128xi32>
    %add3A_1247 = arith.addf %mul3A_516, %add3A_1244 : vector<32x128xf32>
    %mul3A_1248 = arith.mulf %sub3A_298, %add3A_1247 : vector<32x128xf32>
    %add3A_1249 = arith.addf %add3A_1242, %mul3A_1248 : vector<32x128xf32>
    %and3A_1250 = arith.andi %and3A_1245, %and3A_325 : vector<32x128xi1>
    %jit3A_1251 = arith.constant 0.000000e+00 : f32
    %broadcast_in_dim3A_1252 = vector.broadcast %jit3A_1251 : f32 to vector<32x128xf32>
    %select_n3A_1253 = arith.select %and3A_1250, %get3A_61, %broadcast_in_dim3A_1252 : vector<32x128xi1>, vector<32x128xf32>
    %mul3A_1254 = arith.constant -5.000000e-01 : f32
    %mul3A_1255 = vector.broadcast %mul3A_1254 : f32 to vector<32x128xf32>
    %mul3A_1256 = arith.mulf %mul3A_1255, %add3A_1249 : vector<32x128xf32>
    %exp3A_1257 = math.exp %mul3A_1256 : vector<32x128xf32>
    %mul3A_1258 = arith.mulf %select_n3A_1253, %exp3A_1257 : vector<32x128xf32>
    %add3A_1259 = arith.addi %add3A_1246, %min3A_347 : vector<32x128xi32>
    %lt3A_1260 = arith.constant 1048576 : i32
    %lt3A_1261 = vector.broadcast %lt3A_1260 : i32 to vector<32x128xi32>
    %lt3A_1262 = arith.cmpi slt, %add3A_1259, %lt3A_1261 : vector<32x128xi32>
    %swap3A_1263 = arith.constant 15 : index
    %swap3A_1264 = arith.constant 0 : index
    %swap3A_1265 = arith.constant 0 : index
    %swap3A_1266 = vector.load %arg2[%swap3A_1263, %swap3A_1264, %swap3A_1265] : memref<27x32x128xf32, #tpu.memory_space<vmem>>, vector<1x32x128xf32>
    %swap3A_1267 = vector.shape_cast %swap3A_1266 : vector<1x32x128xf32> to vector<32x128xf32>
    %swap3A_1268 = vector.shape_cast %mul3A_1258 : vector<32x128xf32> to vector<1x32x128xf32>
    tpu.vector_store %arg2[%swap3A_1263, %swap3A_1264, %swap3A_1265], %swap3A_1268 {strides = array<i32>} : memref<27x32x128xf32, #tpu.memory_space<vmem>>, vector<1x32x128xf32>,
    %jit3A_1269 = arith.constant -1 : i32
    %broadcast_in_dim3A_1270 = vector.broadcast %jit3A_1269 : i32 to vector<32x128xi32>
    %select_n3A_1271 = arith.select %lt3A_1262, %add3A_1259, %broadcast_in_dim3A_1270 : vector<32x128xi1>, vector<32x128xi32>
    %swap3A_1272 = arith.constant 0 : index
    %swap3A_1273 = arith.constant 15 : index
    %swap3A_1274 = arith.constant 0 : index
    %swap3A_1275 = arith.constant 0 : index
    %swap3A_1276 = vector.load %arg3[%swap3A_1272, %swap3A_1273, %swap3A_1274, %swap3A_1275] : memref<2x27x32x128xi32, #tpu.memory_space<vmem>>, vector<1x1x32x128xi32>
    %swap3A_1277 = vector.shape_cast %swap3A_1276 : vector<1x1x32x128xi32> to vector<32x128xi32>
    %swap3A_1278 = vector.shape_cast %select_n3A_1271 : vector<32x128xi32> to vector<1x1x32x128xi32>
    tpu.vector_store %arg3[%swap3A_1272, %swap3A_1273, %swap3A_1274, %swap3A_1275], %swap3A_1278 {strides = array<i32>} : memref<2x27x32x128xi32, #tpu.memory_space<vmem>>, vector<1x1x32x128xi32>,
    %sub3A_1279 = arith.constant 1048576 : i32
    %sub3A_1280 = vector.broadcast %sub3A_1279 : i32 to vector<32x128xi32>
    %sub3A_1281 = arith.subi %add3A_1259, %sub3A_1280 : vector<32x128xi32>
    %jit3A_1282 = arith.constant -1 : i32
    %broadcast_in_dim3A_1283 = vector.broadcast %jit3A_1282 : i32 to vector<32x128xi32>
    %select_n3A_1284 = arith.select %lt3A_1262, %broadcast_in_dim3A_1283, %sub3A_1281 : vector<32x128xi1>, vector<32x128xi32>
    %swap3A_1285 = arith.constant 1 : index
    %swap3A_1286 = arith.constant 15 : index
    %swap3A_1287 = arith.constant 0 : index
    %swap3A_1288 = arith.constant 0 : index
    %swap3A_1289 = vector.load %arg3[%swap3A_1285, %swap3A_1286, %swap3A_1287, %swap3A_1288] : memref<2x27x32x128xi32, #tpu.memory_space<vmem>>, vector<1x1x32x128xi32>
    %swap3A_1290 = vector.shape_cast %swap3A_1289 : vector<1x1x32x128xi32> to vector<32x128xi32>
    %swap3A_1291 = vector.shape_cast %select_n3A_1284 : vector<32x128xi32> to vector<1x1x32x128xi32>
    tpu.vector_store %arg3[%swap3A_1285, %swap3A_1286, %swap3A_1287, %swap3A_1288], %swap3A_1291 {strides = array<i32>} : memref<2x27x32x128xi32, #tpu.memory_space<vmem>>, vector<1x1x32x128xi32>,
    %add3A_1292 = arith.addf %mul3A_517, %add3A_1244 : vector<32x128xf32>
    %mul3A_1293 = arith.mulf %sub3A_377, %add3A_1292 : vector<32x128xf32>
    %add3A_1294 = arith.addf %add3A_1242, %mul3A_1293 : vector<32x128xf32>
    %and3A_1295 = arith.andi %and3A_1245, %and3A_407 : vector<32x128xi1>
    %jit3A_1296 = arith.constant 0.000000e+00 : f32
    %broadcast_in_dim3A_1297 = vector.broadcast %jit3A_1296 : f32 to vector<32x128xf32>
    %select_n3A_1298 = arith.select %and3A_1295, %get3A_61, %broadcast_in_dim3A_1297 : vector<32x128xi1>, vector<32x128xf32>
    %mul3A_1299 = arith.constant -5.000000e-01 : f32
    %mul3A_1300 = vector.broadcast %mul3A_1299 : f32 to vector<32x128xf32>
    %mul3A_1301 = arith.mulf %mul3A_1300, %add3A_1294 : vector<32x128xf32>
    %exp3A_1302 = math.exp %mul3A_1301 : vector<32x128xf32>
    %mul3A_1303 = arith.mulf %select_n3A_1298, %exp3A_1302 : vector<32x128xf32>
    %add3A_1304 = arith.addi %add3A_1246, %min3A_431 : vector<32x128xi32>
    %lt3A_1305 = arith.constant 1048576 : i32
    %lt3A_1306 = vector.broadcast %lt3A_1305 : i32 to vector<32x128xi32>
    %lt3A_1307 = arith.cmpi slt, %add3A_1304, %lt3A_1306 : vector<32x128xi32>
    %swap3A_1308 = arith.constant 16 : index
    %swap3A_1309 = arith.constant 0 : index
    %swap3A_1310 = arith.constant 0 : index
    %swap3A_1311 = vector.load %arg2[%swap3A_1308, %swap3A_1309, %swap3A_1310] : memref<27x32x128xf32, #tpu.memory_space<vmem>>, vector<1x32x128xf32>
    %swap3A_1312 = vector.shape_cast %swap3A_1311 : vector<1x32x128xf32> to vector<32x128xf32>
    %swap3A_1313 = vector.shape_cast %mul3A_1303 : vector<32x128xf32> to vector<1x32x128xf32>
    tpu.vector_store %arg2[%swap3A_1308, %swap3A_1309, %swap3A_1310], %swap3A_1313 {strides = array<i32>} : memref<27x32x128xf32, #tpu.memory_space<vmem>>, vector<1x32x128xf32>,
    %jit3A_1314 = arith.constant -1 : i32
    %broadcast_in_dim3A_1315 = vector.broadcast %jit3A_1314 : i32 to vector<32x128xi32>
    %select_n3A_1316 = arith.select %lt3A_1307, %add3A_1304, %broadcast_in_dim3A_1315 : vector<32x128xi1>, vector<32x128xi32>
    %swap3A_1317 = arith.constant 0 : index
    %swap3A_1318 = arith.constant 16 : index
    %swap3A_1319 = arith.constant 0 : index
    %swap3A_1320 = arith.constant 0 : index
    %swap3A_1321 = vector.load %arg3[%swap3A_1317, %swap3A_1318, %swap3A_1319, %swap3A_1320] : memref<2x27x32x128xi32, #tpu.memory_space<vmem>>, vector<1x1x32x128xi32>
    %swap3A_1322 = vector.shape_cast %swap3A_1321 : vector<1x1x32x128xi32> to vector<32x128xi32>
    %swap3A_1323 = vector.shape_cast %select_n3A_1316 : vector<32x128xi32> to vector<1x1x32x128xi32>
    tpu.vector_store %arg3[%swap3A_1317, %swap3A_1318, %swap3A_1319, %swap3A_1320], %swap3A_1323 {strides = array<i32>} : memref<2x27x32x128xi32, #tpu.memory_space<vmem>>, vector<1x1x32x128xi32>,
    %sub3A_1324 = arith.constant 1048576 : i32
    %sub3A_1325 = vector.broadcast %sub3A_1324 : i32 to vector<32x128xi32>
    %sub3A_1326 = arith.subi %add3A_1304, %sub3A_1325 : vector<32x128xi32>
    %jit3A_1327 = arith.constant -1 : i32
    %broadcast_in_dim3A_1328 = vector.broadcast %jit3A_1327 : i32 to vector<32x128xi32>
    %select_n3A_1329 = arith.select %lt3A_1307, %broadcast_in_dim3A_1328, %sub3A_1326 : vector<32x128xi1>, vector<32x128xi32>
    %swap3A_1330 = arith.constant 1 : index
    %swap3A_1331 = arith.constant 16 : index
    %swap3A_1332 = arith.constant 0 : index
    %swap3A_1333 = arith.constant 0 : index
    %swap3A_1334 = vector.load %arg3[%swap3A_1330, %swap3A_1331, %swap3A_1332, %swap3A_1333] : memref<2x27x32x128xi32, #tpu.memory_space<vmem>>, vector<1x1x32x128xi32>
    %swap3A_1335 = vector.shape_cast %swap3A_1334 : vector<1x1x32x128xi32> to vector<32x128xi32>
    %swap3A_1336 = vector.shape_cast %select_n3A_1329 : vector<32x128xi32> to vector<1x1x32x128xi32>
    tpu.vector_store %arg3[%swap3A_1330, %swap3A_1331, %swap3A_1332, %swap3A_1333], %swap3A_1336 {strides = array<i32>} : memref<2x27x32x128xi32, #tpu.memory_space<vmem>>, vector<1x1x32x128xi32>,
    %add3A_1337 = arith.addf %mul3A_518, %add3A_1244 : vector<32x128xf32>
    %mul3A_1338 = arith.mulf %sub3A_461, %add3A_1337 : vector<32x128xf32>
    %add3A_1339 = arith.addf %add3A_1242, %mul3A_1338 : vector<32x128xf32>
    %and3A_1340 = arith.andi %and3A_1245, %and3A_491 : vector<32x128xi1>
    %jit3A_1341 = arith.constant 0.000000e+00 : f32
    %broadcast_in_dim3A_1342 = vector.broadcast %jit3A_1341 : f32 to vector<32x128xf32>
    %select_n3A_1343 = arith.select %and3A_1340, %get3A_61, %broadcast_in_dim3A_1342 : vector<32x128xi1>, vector<32x128xf32>
    %mul3A_1344 = arith.constant -5.000000e-01 : f32
    %mul3A_1345 = vector.broadcast %mul3A_1344 : f32 to vector<32x128xf32>
    %mul3A_1346 = arith.mulf %mul3A_1345, %add3A_1339 : vector<32x128xf32>
    %exp3A_1347 = math.exp %mul3A_1346 : vector<32x128xf32>
    %mul3A_1348 = arith.mulf %select_n3A_1343, %exp3A_1347 : vector<32x128xf32>
    %add3A_1349 = arith.addi %add3A_1246, %min3A_515 : vector<32x128xi32>
    %lt3A_1350 = arith.constant 1048576 : i32
    %lt3A_1351 = vector.broadcast %lt3A_1350 : i32 to vector<32x128xi32>
    %lt3A_1352 = arith.cmpi slt, %add3A_1349, %lt3A_1351 : vector<32x128xi32>
    %swap3A_1353 = arith.constant 17 : index
    %swap3A_1354 = arith.constant 0 : index
    %swap3A_1355 = arith.constant 0 : index
    %swap3A_1356 = vector.load %arg2[%swap3A_1353, %swap3A_1354, %swap3A_1355] : memref<27x32x128xf32, #tpu.memory_space<vmem>>, vector<1x32x128xf32>
    %swap3A_1357 = vector.shape_cast %swap3A_1356 : vector<1x32x128xf32> to vector<32x128xf32>
    %swap3A_1358 = vector.shape_cast %mul3A_1348 : vector<32x128xf32> to vector<1x32x128xf32>
    tpu.vector_store %arg2[%swap3A_1353, %swap3A_1354, %swap3A_1355], %swap3A_1358 {strides = array<i32>} : memref<27x32x128xf32, #tpu.memory_space<vmem>>, vector<1x32x128xf32>,
    %jit3A_1359 = arith.constant -1 : i32
    %broadcast_in_dim3A_1360 = vector.broadcast %jit3A_1359 : i32 to vector<32x128xi32>
    %select_n3A_1361 = arith.select %lt3A_1352, %add3A_1349, %broadcast_in_dim3A_1360 : vector<32x128xi1>, vector<32x128xi32>
    %swap3A_1362 = arith.constant 0 : index
    %swap3A_1363 = arith.constant 17 : index
    %swap3A_1364 = arith.constant 0 : index
    %swap3A_1365 = arith.constant 0 : index
    %swap3A_1366 = vector.load %arg3[%swap3A_1362, %swap3A_1363, %swap3A_1364, %swap3A_1365] : memref<2x27x32x128xi32, #tpu.memory_space<vmem>>, vector<1x1x32x128xi32>
    %swap3A_1367 = vector.shape_cast %swap3A_1366 : vector<1x1x32x128xi32> to vector<32x128xi32>
    %swap3A_1368 = vector.shape_cast %select_n3A_1361 : vector<32x128xi32> to vector<1x1x32x128xi32>
    tpu.vector_store %arg3[%swap3A_1362, %swap3A_1363, %swap3A_1364, %swap3A_1365], %swap3A_1368 {strides = array<i32>} : memref<2x27x32x128xi32, #tpu.memory_space<vmem>>, vector<1x1x32x128xi32>,
    %sub3A_1369 = arith.constant 1048576 : i32
    %sub3A_1370 = vector.broadcast %sub3A_1369 : i32 to vector<32x128xi32>
    %sub3A_1371 = arith.subi %add3A_1349, %sub3A_1370 : vector<32x128xi32>
    %jit3A_1372 = arith.constant -1 : i32
    %broadcast_in_dim3A_1373 = vector.broadcast %jit3A_1372 : i32 to vector<32x128xi32>
    %select_n3A_1374 = arith.select %lt3A_1352, %broadcast_in_dim3A_1373, %sub3A_1371 : vector<32x128xi1>, vector<32x128xi32>
    %swap3A_1375 = arith.constant 1 : index
    %swap3A_1376 = arith.constant 17 : index
    %swap3A_1377 = arith.constant 0 : index
    %swap3A_1378 = arith.constant 0 : index
    %swap3A_1379 = vector.load %arg3[%swap3A_1375, %swap3A_1376, %swap3A_1377, %swap3A_1378] : memref<2x27x32x128xi32, #tpu.memory_space<vmem>>, vector<1x1x32x128xi32>
    %swap3A_1380 = vector.shape_cast %swap3A_1379 : vector<1x1x32x128xi32> to vector<32x128xi32>
    %swap3A_1381 = vector.shape_cast %select_n3A_1374 : vector<32x128xi32> to vector<1x1x32x128xi32>
    tpu.vector_store %arg3[%swap3A_1375, %swap3A_1376, %swap3A_1377, %swap3A_1378], %swap3A_1381 {strides = array<i32>} : memref<2x27x32x128xi32, #tpu.memory_space<vmem>>, vector<1x1x32x128xi32>,
    %mul3A_1382 = arith.mulf %mul3A_237, %sub3A_441 : vector<32x128xf32>
    %mul3A_1383 = arith.mulf %mul3A_241, %sub3A_441 : vector<32x128xf32>
    %mul3A_1384 = arith.mulf %mul3A_231, %sub3A_441 : vector<32x128xf32>
    %mul3A_1385 = arith.mulf %mul3A_1384, %sub3A_441 : vector<32x128xf32>
    %mul3A_1386 = arith.mulf %mul3A_232, %sub3A_288 : vector<32x128xf32>
    %add3A_1387 = arith.addf %mul3A_1386, %mul3A_1382 : vector<32x128xf32>
    %mul3A_1388 = arith.mulf %sub3A_288, %add3A_1387 : vector<32x128xf32>
    %add3A_1389 = arith.addf %mul3A_1385, %mul3A_1388 : vector<32x128xf32>
    %mul3A_1390 = arith.mulf %mul3A_245, %sub3A_288 : vector<32x128xf32>
    %add3A_1391 = arith.addf %mul3A_1390, %mul3A_1383 : vector<32x128xf32>
    %and3A_1392 = arith.andi %and3A_477, %and3A_318 : vector<32x128xi1>
    %add3A_1393 = arith.addi %mul3A_500, %mul3A_341 : vector<32x128xi32>
    %add3A_1394 = arith.addf %mul3A_516, %add3A_1391 : vector<32x128xf32>
    %mul3A_1395 = arith.mulf %sub3A_298, %add3A_1394 : vector<32x128xf32>
    %add3A_1396 = arith.addf %add3A_1389, %mul3A_1395 : vector<32x128xf32>
    %and3A_1397 = arith.andi %and3A_1392, %and3A_325 : vector<32x128xi1>
    %jit3A_1398 = arith.constant 0.000000e+00 : f32
    %broadcast_in_dim3A_1399 = vector.broadcast %jit3A_1398 : f32 to vector<32x128xf32>
    %select_n3A_1400 = arith.select %and3A_1397, %get3A_61, %broadcast_in_dim3A_1399 : vector<32x128xi1>, vector<32x128xf32>
    %mul3A_1401 = arith.constant -5.000000e-01 : f32
    %mul3A_1402 = vector.broadcast %mul3A_1401 : f32 to vector<32x128xf32>
    %mul3A_1403 = arith.mulf %mul3A_1402, %add3A_1396 : vector<32x128xf32>
    %exp3A_1404 = math.exp %mul3A_1403 : vector<32x128xf32>
    %mul3A_1405 = arith.mulf %select_n3A_1400, %exp3A_1404 : vector<32x128xf32>
    %add3A_1406 = arith.addi %add3A_1393, %min3A_347 : vector<32x128xi32>
    %lt3A_1407 = arith.constant 1048576 : i32
    %lt3A_1408 = vector.broadcast %lt3A_1407 : i32 to vector<32x128xi32>
    %lt3A_1409 = arith.cmpi slt, %add3A_1406, %lt3A_1408 : vector<32x128xi32>
    %swap3A_1410 = arith.constant 18 : index
    %swap3A_1411 = arith.constant 0 : index
    %swap3A_1412 = arith.constant 0 : index
    %swap3A_1413 = vector.load %arg2[%swap3A_1410, %swap3A_1411, %swap3A_1412] : memref<27x32x128xf32, #tpu.memory_space<vmem>>, vector<1x32x128xf32>
    %swap3A_1414 = vector.shape_cast %swap3A_1413 : vector<1x32x128xf32> to vector<32x128xf32>
    %swap3A_1415 = vector.shape_cast %mul3A_1405 : vector<32x128xf32> to vector<1x32x128xf32>
    tpu.vector_store %arg2[%swap3A_1410, %swap3A_1411, %swap3A_1412], %swap3A_1415 {strides = array<i32>} : memref<27x32x128xf32, #tpu.memory_space<vmem>>, vector<1x32x128xf32>,
    %jit3A_1416 = arith.constant -1 : i32
    %broadcast_in_dim3A_1417 = vector.broadcast %jit3A_1416 : i32 to vector<32x128xi32>
    %select_n3A_1418 = arith.select %lt3A_1409, %add3A_1406, %broadcast_in_dim3A_1417 : vector<32x128xi1>, vector<32x128xi32>
    %swap3A_1419 = arith.constant 0 : index
    %swap3A_1420 = arith.constant 18 : index
    %swap3A_1421 = arith.constant 0 : index
    %swap3A_1422 = arith.constant 0 : index
    %swap3A_1423 = vector.load %arg3[%swap3A_1419, %swap3A_1420, %swap3A_1421, %swap3A_1422] : memref<2x27x32x128xi32, #tpu.memory_space<vmem>>, vector<1x1x32x128xi32>
    %swap3A_1424 = vector.shape_cast %swap3A_1423 : vector<1x1x32x128xi32> to vector<32x128xi32>
    %swap3A_1425 = vector.shape_cast %select_n3A_1418 : vector<32x128xi32> to vector<1x1x32x128xi32>
    tpu.vector_store %arg3[%swap3A_1419, %swap3A_1420, %swap3A_1421, %swap3A_1422], %swap3A_1425 {strides = array<i32>} : memref<2x27x32x128xi32, #tpu.memory_space<vmem>>, vector<1x1x32x128xi32>,
    %sub3A_1426 = arith.constant 1048576 : i32
    %sub3A_1427 = vector.broadcast %sub3A_1426 : i32 to vector<32x128xi32>
    %sub3A_1428 = arith.subi %add3A_1406, %sub3A_1427 : vector<32x128xi32>
    %jit3A_1429 = arith.constant -1 : i32
    %broadcast_in_dim3A_1430 = vector.broadcast %jit3A_1429 : i32 to vector<32x128xi32>
    %select_n3A_1431 = arith.select %lt3A_1409, %broadcast_in_dim3A_1430, %sub3A_1428 : vector<32x128xi1>, vector<32x128xi32>
    %swap3A_1432 = arith.constant 1 : index
    %swap3A_1433 = arith.constant 18 : index
    %swap3A_1434 = arith.constant 0 : index
    %swap3A_1435 = arith.constant 0 : index
    %swap3A_1436 = vector.load %arg3[%swap3A_1432, %swap3A_1433, %swap3A_1434, %swap3A_1435] : memref<2x27x32x128xi32, #tpu.memory_space<vmem>>, vector<1x1x32x128xi32>
    %swap3A_1437 = vector.shape_cast %swap3A_1436 : vector<1x1x32x128xi32> to vector<32x128xi32>
    %swap3A_1438 = vector.shape_cast %select_n3A_1431 : vector<32x128xi32> to vector<1x1x32x128xi32>
    tpu.vector_store %arg3[%swap3A_1432, %swap3A_1433, %swap3A_1434, %swap3A_1435], %swap3A_1438 {strides = array<i32>} : memref<2x27x32x128xi32, #tpu.memory_space<vmem>>, vector<1x1x32x128xi32>,
    %add3A_1439 = arith.addf %mul3A_517, %add3A_1391 : vector<32x128xf32>
    %mul3A_1440 = arith.mulf %sub3A_377, %add3A_1439 : vector<32x128xf32>
    %add3A_1441 = arith.addf %add3A_1389, %mul3A_1440 : vector<32x128xf32>
    %and3A_1442 = arith.andi %and3A_1392, %and3A_407 : vector<32x128xi1>
    %jit3A_1443 = arith.constant 0.000000e+00 : f32
    %broadcast_in_dim3A_1444 = vector.broadcast %jit3A_1443 : f32 to vector<32x128xf32>
    %select_n3A_1445 = arith.select %and3A_1442, %get3A_61, %broadcast_in_dim3A_1444 : vector<32x128xi1>, vector<32x128xf32>
    %mul3A_1446 = arith.constant -5.000000e-01 : f32
    %mul3A_1447 = vector.broadcast %mul3A_1446 : f32 to vector<32x128xf32>
    %mul3A_1448 = arith.mulf %mul3A_1447, %add3A_1441 : vector<32x128xf32>
    %exp3A_1449 = math.exp %mul3A_1448 : vector<32x128xf32>
    %mul3A_1450 = arith.mulf %select_n3A_1445, %exp3A_1449 : vector<32x128xf32>
    %add3A_1451 = arith.addi %add3A_1393, %min3A_431 : vector<32x128xi32>
    %lt3A_1452 = arith.constant 1048576 : i32
    %lt3A_1453 = vector.broadcast %lt3A_1452 : i32 to vector<32x128xi32>
    %lt3A_1454 = arith.cmpi slt, %add3A_1451, %lt3A_1453 : vector<32x128xi32>
    %swap3A_1455 = arith.constant 19 : index
    %swap3A_1456 = arith.constant 0 : index
    %swap3A_1457 = arith.constant 0 : index
    %swap3A_1458 = vector.load %arg2[%swap3A_1455, %swap3A_1456, %swap3A_1457] : memref<27x32x128xf32, #tpu.memory_space<vmem>>, vector<1x32x128xf32>
    %swap3A_1459 = vector.shape_cast %swap3A_1458 : vector<1x32x128xf32> to vector<32x128xf32>
    %swap3A_1460 = vector.shape_cast %mul3A_1450 : vector<32x128xf32> to vector<1x32x128xf32>
    tpu.vector_store %arg2[%swap3A_1455, %swap3A_1456, %swap3A_1457], %swap3A_1460 {strides = array<i32>} : memref<27x32x128xf32, #tpu.memory_space<vmem>>, vector<1x32x128xf32>,
    %jit3A_1461 = arith.constant -1 : i32
    %broadcast_in_dim3A_1462 = vector.broadcast %jit3A_1461 : i32 to vector<32x128xi32>
    %select_n3A_1463 = arith.select %lt3A_1454, %add3A_1451, %broadcast_in_dim3A_1462 : vector<32x128xi1>, vector<32x128xi32>
    %swap3A_1464 = arith.constant 0 : index
    %swap3A_1465 = arith.constant 19 : index
    %swap3A_1466 = arith.constant 0 : index
    %swap3A_1467 = arith.constant 0 : index
    %swap3A_1468 = vector.load %arg3[%swap3A_1464, %swap3A_1465, %swap3A_1466, %swap3A_1467] : memref<2x27x32x128xi32, #tpu.memory_space<vmem>>, vector<1x1x32x128xi32>
    %swap3A_1469 = vector.shape_cast %swap3A_1468 : vector<1x1x32x128xi32> to vector<32x128xi32>
    %swap3A_1470 = vector.shape_cast %select_n3A_1463 : vector<32x128xi32> to vector<1x1x32x128xi32>
    tpu.vector_store %arg3[%swap3A_1464, %swap3A_1465, %swap3A_1466, %swap3A_1467], %swap3A_1470 {strides = array<i32>} : memref<2x27x32x128xi32, #tpu.memory_space<vmem>>, vector<1x1x32x128xi32>,
    %sub3A_1471 = arith.constant 1048576 : i32
    %sub3A_1472 = vector.broadcast %sub3A_1471 : i32 to vector<32x128xi32>
    %sub3A_1473 = arith.subi %add3A_1451, %sub3A_1472 : vector<32x128xi32>
    %jit3A_1474 = arith.constant -1 : i32
    %broadcast_in_dim3A_1475 = vector.broadcast %jit3A_1474 : i32 to vector<32x128xi32>
    %select_n3A_1476 = arith.select %lt3A_1454, %broadcast_in_dim3A_1475, %sub3A_1473 : vector<32x128xi1>, vector<32x128xi32>
    %swap3A_1477 = arith.constant 1 : index
    %swap3A_1478 = arith.constant 19 : index
    %swap3A_1479 = arith.constant 0 : index
    %swap3A_1480 = arith.constant 0 : index
    %swap3A_1481 = vector.load %arg3[%swap3A_1477, %swap3A_1478, %swap3A_1479, %swap3A_1480] : memref<2x27x32x128xi32, #tpu.memory_space<vmem>>, vector<1x1x32x128xi32>
    %swap3A_1482 = vector.shape_cast %swap3A_1481 : vector<1x1x32x128xi32> to vector<32x128xi32>
    %swap3A_1483 = vector.shape_cast %select_n3A_1476 : vector<32x128xi32> to vector<1x1x32x128xi32>
    tpu.vector_store %arg3[%swap3A_1477, %swap3A_1478, %swap3A_1479, %swap3A_1480], %swap3A_1483 {strides = array<i32>} : memref<2x27x32x128xi32, #tpu.memory_space<vmem>>, vector<1x1x32x128xi32>,
    %add3A_1484 = arith.addf %mul3A_518, %add3A_1391 : vector<32x128xf32>
    %mul3A_1485 = arith.mulf %sub3A_461, %add3A_1484 : vector<32x128xf32>
    %add3A_1486 = arith.addf %add3A_1389, %mul3A_1485 : vector<32x128xf32>
    %and3A_1487 = arith.andi %and3A_1392, %and3A_491 : vector<32x128xi1>
    %jit3A_1488 = arith.constant 0.000000e+00 : f32
    %broadcast_in_dim3A_1489 = vector.broadcast %jit3A_1488 : f32 to vector<32x128xf32>
    %select_n3A_1490 = arith.select %and3A_1487, %get3A_61, %broadcast_in_dim3A_1489 : vector<32x128xi1>, vector<32x128xf32>
    %mul3A_1491 = arith.constant -5.000000e-01 : f32
    %mul3A_1492 = vector.broadcast %mul3A_1491 : f32 to vector<32x128xf32>
    %mul3A_1493 = arith.mulf %mul3A_1492, %add3A_1486 : vector<32x128xf32>
    %exp3A_1494 = math.exp %mul3A_1493 : vector<32x128xf32>
    %mul3A_1495 = arith.mulf %select_n3A_1490, %exp3A_1494 : vector<32x128xf32>
    %add3A_1496 = arith.addi %add3A_1393, %min3A_515 : vector<32x128xi32>
    %lt3A_1497 = arith.constant 1048576 : i32
    %lt3A_1498 = vector.broadcast %lt3A_1497 : i32 to vector<32x128xi32>
    %lt3A_1499 = arith.cmpi slt, %add3A_1496, %lt3A_1498 : vector<32x128xi32>
    %swap3A_1500 = arith.constant 20 : index
    %swap3A_1501 = arith.constant 0 : index
    %swap3A_1502 = arith.constant 0 : index
    %swap3A_1503 = vector.load %arg2[%swap3A_1500, %swap3A_1501, %swap3A_1502] : memref<27x32x128xf32, #tpu.memory_space<vmem>>, vector<1x32x128xf32>
    %swap3A_1504 = vector.shape_cast %swap3A_1503 : vector<1x32x128xf32> to vector<32x128xf32>
    %swap3A_1505 = vector.shape_cast %mul3A_1495 : vector<32x128xf32> to vector<1x32x128xf32>
    tpu.vector_store %arg2[%swap3A_1500, %swap3A_1501, %swap3A_1502], %swap3A_1505 {strides = array<i32>} : memref<27x32x128xf32, #tpu.memory_space<vmem>>, vector<1x32x128xf32>,
    %jit3A_1506 = arith.constant -1 : i32
    %broadcast_in_dim3A_1507 = vector.broadcast %jit3A_1506 : i32 to vector<32x128xi32>
    %select_n3A_1508 = arith.select %lt3A_1499, %add3A_1496, %broadcast_in_dim3A_1507 : vector<32x128xi1>, vector<32x128xi32>
    %swap3A_1509 = arith.constant 0 : index
    %swap3A_1510 = arith.constant 20 : index
    %swap3A_1511 = arith.constant 0 : index
    %swap3A_1512 = arith.constant 0 : index
    %swap3A_1513 = vector.load %arg3[%swap3A_1509, %swap3A_1510, %swap3A_1511, %swap3A_1512] : memref<2x27x32x128xi32, #tpu.memory_space<vmem>>, vector<1x1x32x128xi32>
    %swap3A_1514 = vector.shape_cast %swap3A_1513 : vector<1x1x32x128xi32> to vector<32x128xi32>
    %swap3A_1515 = vector.shape_cast %select_n3A_1508 : vector<32x128xi32> to vector<1x1x32x128xi32>
    tpu.vector_store %arg3[%swap3A_1509, %swap3A_1510, %swap3A_1511, %swap3A_1512], %swap3A_1515 {strides = array<i32>} : memref<2x27x32x128xi32, #tpu.memory_space<vmem>>, vector<1x1x32x128xi32>,
    %sub3A_1516 = arith.constant 1048576 : i32
    %sub3A_1517 = vector.broadcast %sub3A_1516 : i32 to vector<32x128xi32>
    %sub3A_1518 = arith.subi %add3A_1496, %sub3A_1517 : vector<32x128xi32>
    %jit3A_1519 = arith.constant -1 : i32
    %broadcast_in_dim3A_1520 = vector.broadcast %jit3A_1519 : i32 to vector<32x128xi32>
    %select_n3A_1521 = arith.select %lt3A_1499, %broadcast_in_dim3A_1520, %sub3A_1518 : vector<32x128xi1>, vector<32x128xi32>
    %swap3A_1522 = arith.constant 1 : index
    %swap3A_1523 = arith.constant 20 : index
    %swap3A_1524 = arith.constant 0 : index
    %swap3A_1525 = arith.constant 0 : index
    %swap3A_1526 = vector.load %arg3[%swap3A_1522, %swap3A_1523, %swap3A_1524, %swap3A_1525] : memref<2x27x32x128xi32, #tpu.memory_space<vmem>>, vector<1x1x32x128xi32>
    %swap3A_1527 = vector.shape_cast %swap3A_1526 : vector<1x1x32x128xi32> to vector<32x128xi32>
    %swap3A_1528 = vector.shape_cast %select_n3A_1521 : vector<32x128xi32> to vector<1x1x32x128xi32>
    tpu.vector_store %arg3[%swap3A_1522, %swap3A_1523, %swap3A_1524, %swap3A_1525], %swap3A_1528 {strides = array<i32>} : memref<2x27x32x128xi32, #tpu.memory_space<vmem>>, vector<1x1x32x128xi32>,
    %mul3A_1529 = arith.mulf %mul3A_232, %sub3A_367 : vector<32x128xf32>
    %add3A_1530 = arith.addf %mul3A_1529, %mul3A_1382 : vector<32x128xf32>
    %mul3A_1531 = arith.mulf %sub3A_367, %add3A_1530 : vector<32x128xf32>
    %add3A_1532 = arith.addf %mul3A_1385, %mul3A_1531 : vector<32x128xf32>
    %mul3A_1533 = arith.mulf %mul3A_245, %sub3A_367 : vector<32x128xf32>
    %add3A_1534 = arith.addf %mul3A_1533, %mul3A_1383 : vector<32x128xf32>
    %and3A_1535 = arith.andi %and3A_477, %and3A_400 : vector<32x128xi1>
    %add3A_1536 = arith.addi %mul3A_500, %mul3A_425 : vector<32x128xi32>
    %add3A_1537 = arith.addf %mul3A_516, %add3A_1534 : vector<32x128xf32>
    %mul3A_1538 = arith.mulf %sub3A_298, %add3A_1537 : vector<32x128xf32>
    %add3A_1539 = arith.addf %add3A_1532, %mul3A_1538 : vector<32x128xf32>
    %and3A_1540 = arith.andi %and3A_1535, %and3A_325 : vector<32x128xi1>
    %jit3A_1541 = arith.constant 0.000000e+00 : f32
    %broadcast_in_dim3A_1542 = vector.broadcast %jit3A_1541 : f32 to vector<32x128xf32>
    %select_n3A_1543 = arith.select %and3A_1540, %get3A_61, %broadcast_in_dim3A_1542 : vector<32x128xi1>, vector<32x128xf32>
    %mul3A_1544 = arith.constant -5.000000e-01 : f32
    %mul3A_1545 = vector.broadcast %mul3A_1544 : f32 to vector<32x128xf32>
    %mul3A_1546 = arith.mulf %mul3A_1545, %add3A_1539 : vector<32x128xf32>
    %exp3A_1547 = math.exp %mul3A_1546 : vector<32x128xf32>
    %mul3A_1548 = arith.mulf %select_n3A_1543, %exp3A_1547 : vector<32x128xf32>
    %add3A_1549 = arith.addi %add3A_1536, %min3A_347 : vector<32x128xi32>
    %lt3A_1550 = arith.constant 1048576 : i32
    %lt3A_1551 = vector.broadcast %lt3A_1550 : i32 to vector<32x128xi32>
    %lt3A_1552 = arith.cmpi slt, %add3A_1549, %lt3A_1551 : vector<32x128xi32>
    %swap3A_1553 = arith.constant 21 : index
    %swap3A_1554 = arith.constant 0 : index
    %swap3A_1555 = arith.constant 0 : index
    %swap3A_1556 = vector.load %arg2[%swap3A_1553, %swap3A_1554, %swap3A_1555] : memref<27x32x128xf32, #tpu.memory_space<vmem>>, vector<1x32x128xf32>
    %swap3A_1557 = vector.shape_cast %swap3A_1556 : vector<1x32x128xf32> to vector<32x128xf32>
    %swap3A_1558 = vector.shape_cast %mul3A_1548 : vector<32x128xf32> to vector<1x32x128xf32>
    tpu.vector_store %arg2[%swap3A_1553, %swap3A_1554, %swap3A_1555], %swap3A_1558 {strides = array<i32>} : memref<27x32x128xf32, #tpu.memory_space<vmem>>, vector<1x32x128xf32>,
    %jit3A_1559 = arith.constant -1 : i32
    %broadcast_in_dim3A_1560 = vector.broadcast %jit3A_1559 : i32 to vector<32x128xi32>
    %select_n3A_1561 = arith.select %lt3A_1552, %add3A_1549, %broadcast_in_dim3A_1560 : vector<32x128xi1>, vector<32x128xi32>
    %swap3A_1562 = arith.constant 0 : index
    %swap3A_1563 = arith.constant 21 : index
    %swap3A_1564 = arith.constant 0 : index
    %swap3A_1565 = arith.constant 0 : index
    %swap3A_1566 = vector.load %arg3[%swap3A_1562, %swap3A_1563, %swap3A_1564, %swap3A_1565] : memref<2x27x32x128xi32, #tpu.memory_space<vmem>>, vector<1x1x32x128xi32>
    %swap3A_1567 = vector.shape_cast %swap3A_1566 : vector<1x1x32x128xi32> to vector<32x128xi32>
    %swap3A_1568 = vector.shape_cast %select_n3A_1561 : vector<32x128xi32> to vector<1x1x32x128xi32>
    tpu.vector_store %arg3[%swap3A_1562, %swap3A_1563, %swap3A_1564, %swap3A_1565], %swap3A_1568 {strides = array<i32>} : memref<2x27x32x128xi32, #tpu.memory_space<vmem>>, vector<1x1x32x128xi32>,
    %sub3A_1569 = arith.constant 1048576 : i32
    %sub3A_1570 = vector.broadcast %sub3A_1569 : i32 to vector<32x128xi32>
    %sub3A_1571 = arith.subi %add3A_1549, %sub3A_1570 : vector<32x128xi32>
    %jit3A_1572 = arith.constant -1 : i32
    %broadcast_in_dim3A_1573 = vector.broadcast %jit3A_1572 : i32 to vector<32x128xi32>
    %select_n3A_1574 = arith.select %lt3A_1552, %broadcast_in_dim3A_1573, %sub3A_1571 : vector<32x128xi1>, vector<32x128xi32>
    %swap3A_1575 = arith.constant 1 : index
    %swap3A_1576 = arith.constant 21 : index
    %swap3A_1577 = arith.constant 0 : index
    %swap3A_1578 = arith.constant 0 : index
    %swap3A_1579 = vector.load %arg3[%swap3A_1575, %swap3A_1576, %swap3A_1577, %swap3A_1578] : memref<2x27x32x128xi32, #tpu.memory_space<vmem>>, vector<1x1x32x128xi32>
    %swap3A_1580 = vector.shape_cast %swap3A_1579 : vector<1x1x32x128xi32> to vector<32x128xi32>
    %swap3A_1581 = vector.shape_cast %select_n3A_1574 : vector<32x128xi32> to vector<1x1x32x128xi32>
    tpu.vector_store %arg3[%swap3A_1575, %swap3A_1576, %swap3A_1577, %swap3A_1578], %swap3A_1581 {strides = array<i32>} : memref<2x27x32x128xi32, #tpu.memory_space<vmem>>, vector<1x1x32x128xi32>,
    %add3A_1582 = arith.addf %mul3A_517, %add3A_1534 : vector<32x128xf32>
    %mul3A_1583 = arith.mulf %sub3A_377, %add3A_1582 : vector<32x128xf32>
    %add3A_1584 = arith.addf %add3A_1532, %mul3A_1583 : vector<32x128xf32>
    %and3A_1585 = arith.andi %and3A_1535, %and3A_407 : vector<32x128xi1>
    %jit3A_1586 = arith.constant 0.000000e+00 : f32
    %broadcast_in_dim3A_1587 = vector.broadcast %jit3A_1586 : f32 to vector<32x128xf32>
    %select_n3A_1588 = arith.select %and3A_1585, %get3A_61, %broadcast_in_dim3A_1587 : vector<32x128xi1>, vector<32x128xf32>
    %mul3A_1589 = arith.constant -5.000000e-01 : f32
    %mul3A_1590 = vector.broadcast %mul3A_1589 : f32 to vector<32x128xf32>
    %mul3A_1591 = arith.mulf %mul3A_1590, %add3A_1584 : vector<32x128xf32>
    %exp3A_1592 = math.exp %mul3A_1591 : vector<32x128xf32>
    %mul3A_1593 = arith.mulf %select_n3A_1588, %exp3A_1592 : vector<32x128xf32>
    %add3A_1594 = arith.addi %add3A_1536, %min3A_431 : vector<32x128xi32>
    %lt3A_1595 = arith.constant 1048576 : i32
    %lt3A_1596 = vector.broadcast %lt3A_1595 : i32 to vector<32x128xi32>
    %lt3A_1597 = arith.cmpi slt, %add3A_1594, %lt3A_1596 : vector<32x128xi32>
    %swap3A_1598 = arith.constant 22 : index
    %swap3A_1599 = arith.constant 0 : index
    %swap3A_1600 = arith.constant 0 : index
    %swap3A_1601 = vector.load %arg2[%swap3A_1598, %swap3A_1599, %swap3A_1600] : memref<27x32x128xf32, #tpu.memory_space<vmem>>, vector<1x32x128xf32>
    %swap3A_1602 = vector.shape_cast %swap3A_1601 : vector<1x32x128xf32> to vector<32x128xf32>
    %swap3A_1603 = vector.shape_cast %mul3A_1593 : vector<32x128xf32> to vector<1x32x128xf32>
    tpu.vector_store %arg2[%swap3A_1598, %swap3A_1599, %swap3A_1600], %swap3A_1603 {strides = array<i32>} : memref<27x32x128xf32, #tpu.memory_space<vmem>>, vector<1x32x128xf32>,
    %jit3A_1604 = arith.constant -1 : i32
    %broadcast_in_dim3A_1605 = vector.broadcast %jit3A_1604 : i32 to vector<32x128xi32>
    %select_n3A_1606 = arith.select %lt3A_1597, %add3A_1594, %broadcast_in_dim3A_1605 : vector<32x128xi1>, vector<32x128xi32>
    %swap3A_1607 = arith.constant 0 : index
    %swap3A_1608 = arith.constant 22 : index
    %swap3A_1609 = arith.constant 0 : index
    %swap3A_1610 = arith.constant 0 : index
    %swap3A_1611 = vector.load %arg3[%swap3A_1607, %swap3A_1608, %swap3A_1609, %swap3A_1610] : memref<2x27x32x128xi32, #tpu.memory_space<vmem>>, vector<1x1x32x128xi32>
    %swap3A_1612 = vector.shape_cast %swap3A_1611 : vector<1x1x32x128xi32> to vector<32x128xi32>
    %swap3A_1613 = vector.shape_cast %select_n3A_1606 : vector<32x128xi32> to vector<1x1x32x128xi32>
    tpu.vector_store %arg3[%swap3A_1607, %swap3A_1608, %swap3A_1609, %swap3A_1610], %swap3A_1613 {strides = array<i32>} : memref<2x27x32x128xi32, #tpu.memory_space<vmem>>, vector<1x1x32x128xi32>,
    %sub3A_1614 = arith.constant 1048576 : i32
    %sub3A_1615 = vector.broadcast %sub3A_1614 : i32 to vector<32x128xi32>
    %sub3A_1616 = arith.subi %add3A_1594, %sub3A_1615 : vector<32x128xi32>
    %jit3A_1617 = arith.constant -1 : i32
    %broadcast_in_dim3A_1618 = vector.broadcast %jit3A_1617 : i32 to vector<32x128xi32>
    %select_n3A_1619 = arith.select %lt3A_1597, %broadcast_in_dim3A_1618, %sub3A_1616 : vector<32x128xi1>, vector<32x128xi32>
    %swap3A_1620 = arith.constant 1 : index
    %swap3A_1621 = arith.constant 22 : index
    %swap3A_1622 = arith.constant 0 : index
    %swap3A_1623 = arith.constant 0 : index
    %swap3A_1624 = vector.load %arg3[%swap3A_1620, %swap3A_1621, %swap3A_1622, %swap3A_1623] : memref<2x27x32x128xi32, #tpu.memory_space<vmem>>, vector<1x1x32x128xi32>
    %swap3A_1625 = vector.shape_cast %swap3A_1624 : vector<1x1x32x128xi32> to vector<32x128xi32>
    %swap3A_1626 = vector.shape_cast %select_n3A_1619 : vector<32x128xi32> to vector<1x1x32x128xi32>
    tpu.vector_store %arg3[%swap3A_1620, %swap3A_1621, %swap3A_1622, %swap3A_1623], %swap3A_1626 {strides = array<i32>} : memref<2x27x32x128xi32, #tpu.memory_space<vmem>>, vector<1x1x32x128xi32>,
    %add3A_1627 = arith.addf %mul3A_518, %add3A_1534 : vector<32x128xf32>
    %mul3A_1628 = arith.mulf %sub3A_461, %add3A_1627 : vector<32x128xf32>
    %add3A_1629 = arith.addf %add3A_1532, %mul3A_1628 : vector<32x128xf32>
    %and3A_1630 = arith.andi %and3A_1535, %and3A_491 : vector<32x128xi1>
    %jit3A_1631 = arith.constant 0.000000e+00 : f32
    %broadcast_in_dim3A_1632 = vector.broadcast %jit3A_1631 : f32 to vector<32x128xf32>
    %select_n3A_1633 = arith.select %and3A_1630, %get3A_61, %broadcast_in_dim3A_1632 : vector<32x128xi1>, vector<32x128xf32>
    %mul3A_1634 = arith.constant -5.000000e-01 : f32
    %mul3A_1635 = vector.broadcast %mul3A_1634 : f32 to vector<32x128xf32>
    %mul3A_1636 = arith.mulf %mul3A_1635, %add3A_1629 : vector<32x128xf32>
    %exp3A_1637 = math.exp %mul3A_1636 : vector<32x128xf32>
    %mul3A_1638 = arith.mulf %select_n3A_1633, %exp3A_1637 : vector<32x128xf32>
    %add3A_1639 = arith.addi %add3A_1536, %min3A_515 : vector<32x128xi32>
    %lt3A_1640 = arith.constant 1048576 : i32
    %lt3A_1641 = vector.broadcast %lt3A_1640 : i32 to vector<32x128xi32>
    %lt3A_1642 = arith.cmpi slt, %add3A_1639, %lt3A_1641 : vector<32x128xi32>
    %swap3A_1643 = arith.constant 23 : index
    %swap3A_1644 = arith.constant 0 : index
    %swap3A_1645 = arith.constant 0 : index
    %swap3A_1646 = vector.load %arg2[%swap3A_1643, %swap3A_1644, %swap3A_1645] : memref<27x32x128xf32, #tpu.memory_space<vmem>>, vector<1x32x128xf32>
    %swap3A_1647 = vector.shape_cast %swap3A_1646 : vector<1x32x128xf32> to vector<32x128xf32>
    %swap3A_1648 = vector.shape_cast %mul3A_1638 : vector<32x128xf32> to vector<1x32x128xf32>
    tpu.vector_store %arg2[%swap3A_1643, %swap3A_1644, %swap3A_1645], %swap3A_1648 {strides = array<i32>} : memref<27x32x128xf32, #tpu.memory_space<vmem>>, vector<1x32x128xf32>,
    %jit3A_1649 = arith.constant -1 : i32
    %broadcast_in_dim3A_1650 = vector.broadcast %jit3A_1649 : i32 to vector<32x128xi32>
    %select_n3A_1651 = arith.select %lt3A_1642, %add3A_1639, %broadcast_in_dim3A_1650 : vector<32x128xi1>, vector<32x128xi32>
    %swap3A_1652 = arith.constant 0 : index
    %swap3A_1653 = arith.constant 23 : index
    %swap3A_1654 = arith.constant 0 : index
    %swap3A_1655 = arith.constant 0 : index
    %swap3A_1656 = vector.load %arg3[%swap3A_1652, %swap3A_1653, %swap3A_1654, %swap3A_1655] : memref<2x27x32x128xi32, #tpu.memory_space<vmem>>, vector<1x1x32x128xi32>
    %swap3A_1657 = vector.shape_cast %swap3A_1656 : vector<1x1x32x128xi32> to vector<32x128xi32>
    %swap3A_1658 = vector.shape_cast %select_n3A_1651 : vector<32x128xi32> to vector<1x1x32x128xi32>
    tpu.vector_store %arg3[%swap3A_1652, %swap3A_1653, %swap3A_1654, %swap3A_1655], %swap3A_1658 {strides = array<i32>} : memref<2x27x32x128xi32, #tpu.memory_space<vmem>>, vector<1x1x32x128xi32>,
    %sub3A_1659 = arith.constant 1048576 : i32
    %sub3A_1660 = vector.broadcast %sub3A_1659 : i32 to vector<32x128xi32>
    %sub3A_1661 = arith.subi %add3A_1639, %sub3A_1660 : vector<32x128xi32>
    %jit3A_1662 = arith.constant -1 : i32
    %broadcast_in_dim3A_1663 = vector.broadcast %jit3A_1662 : i32 to vector<32x128xi32>
    %select_n3A_1664 = arith.select %lt3A_1642, %broadcast_in_dim3A_1663, %sub3A_1661 : vector<32x128xi1>, vector<32x128xi32>
    %swap3A_1665 = arith.constant 1 : index
    %swap3A_1666 = arith.constant 23 : index
    %swap3A_1667 = arith.constant 0 : index
    %swap3A_1668 = arith.constant 0 : index
    %swap3A_1669 = vector.load %arg3[%swap3A_1665, %swap3A_1666, %swap3A_1667, %swap3A_1668] : memref<2x27x32x128xi32, #tpu.memory_space<vmem>>, vector<1x1x32x128xi32>
    %swap3A_1670 = vector.shape_cast %swap3A_1669 : vector<1x1x32x128xi32> to vector<32x128xi32>
    %swap3A_1671 = vector.shape_cast %select_n3A_1664 : vector<32x128xi32> to vector<1x1x32x128xi32>
    tpu.vector_store %arg3[%swap3A_1665, %swap3A_1666, %swap3A_1667, %swap3A_1668], %swap3A_1671 {strides = array<i32>} : memref<2x27x32x128xi32, #tpu.memory_space<vmem>>, vector<1x1x32x128xi32>,
    %mul3A_1672 = arith.mulf %mul3A_232, %sub3A_451 : vector<32x128xf32>
    %add3A_1673 = arith.addf %mul3A_1672, %mul3A_1382 : vector<32x128xf32>
    %mul3A_1674 = arith.mulf %sub3A_451, %add3A_1673 : vector<32x128xf32>
    %add3A_1675 = arith.addf %mul3A_1385, %mul3A_1674 : vector<32x128xf32>
    %mul3A_1676 = arith.mulf %mul3A_245, %sub3A_451 : vector<32x128xf32>
    %add3A_1677 = arith.addf %mul3A_1676, %mul3A_1383 : vector<32x128xf32>
    %and3A_1678 = arith.andi %and3A_477, %and3A_484 : vector<32x128xi1>
    %add3A_1679 = arith.addi %mul3A_500, %mul3A_509 : vector<32x128xi32>
    %add3A_1680 = arith.addf %mul3A_516, %add3A_1677 : vector<32x128xf32>
    %mul3A_1681 = arith.mulf %sub3A_298, %add3A_1680 : vector<32x128xf32>
    %add3A_1682 = arith.addf %add3A_1675, %mul3A_1681 : vector<32x128xf32>
    %and3A_1683 = arith.andi %and3A_1678, %and3A_325 : vector<32x128xi1>
    %jit3A_1684 = arith.constant 0.000000e+00 : f32
    %broadcast_in_dim3A_1685 = vector.broadcast %jit3A_1684 : f32 to vector<32x128xf32>
    %select_n3A_1686 = arith.select %and3A_1683, %get3A_61, %broadcast_in_dim3A_1685 : vector<32x128xi1>, vector<32x128xf32>
    %mul3A_1687 = arith.constant -5.000000e-01 : f32
    %mul3A_1688 = vector.broadcast %mul3A_1687 : f32 to vector<32x128xf32>
    %mul3A_1689 = arith.mulf %mul3A_1688, %add3A_1682 : vector<32x128xf32>
    %exp3A_1690 = math.exp %mul3A_1689 : vector<32x128xf32>
    %mul3A_1691 = arith.mulf %select_n3A_1686, %exp3A_1690 : vector<32x128xf32>
    %add3A_1692 = arith.addi %add3A_1679, %min3A_347 : vector<32x128xi32>
    %lt3A_1693 = arith.constant 1048576 : i32
    %lt3A_1694 = vector.broadcast %lt3A_1693 : i32 to vector<32x128xi32>
    %lt3A_1695 = arith.cmpi slt, %add3A_1692, %lt3A_1694 : vector<32x128xi32>
    %swap3A_1696 = arith.constant 24 : index
    %swap3A_1697 = arith.constant 0 : index
    %swap3A_1698 = arith.constant 0 : index
    %swap3A_1699 = vector.load %arg2[%swap3A_1696, %swap3A_1697, %swap3A_1698] : memref<27x32x128xf32, #tpu.memory_space<vmem>>, vector<1x32x128xf32>
    %swap3A_1700 = vector.shape_cast %swap3A_1699 : vector<1x32x128xf32> to vector<32x128xf32>
    %swap3A_1701 = vector.shape_cast %mul3A_1691 : vector<32x128xf32> to vector<1x32x128xf32>
    tpu.vector_store %arg2[%swap3A_1696, %swap3A_1697, %swap3A_1698], %swap3A_1701 {strides = array<i32>} : memref<27x32x128xf32, #tpu.memory_space<vmem>>, vector<1x32x128xf32>,
    %jit3A_1702 = arith.constant -1 : i32
    %broadcast_in_dim3A_1703 = vector.broadcast %jit3A_1702 : i32 to vector<32x128xi32>
    %select_n3A_1704 = arith.select %lt3A_1695, %add3A_1692, %broadcast_in_dim3A_1703 : vector<32x128xi1>, vector<32x128xi32>
    %swap3A_1705 = arith.constant 0 : index
    %swap3A_1706 = arith.constant 24 : index
    %swap3A_1707 = arith.constant 0 : index
    %swap3A_1708 = arith.constant 0 : index
    %swap3A_1709 = vector.load %arg3[%swap3A_1705, %swap3A_1706, %swap3A_1707, %swap3A_1708] : memref<2x27x32x128xi32, #tpu.memory_space<vmem>>, vector<1x1x32x128xi32>
    %swap3A_1710 = vector.shape_cast %swap3A_1709 : vector<1x1x32x128xi32> to vector<32x128xi32>
    %swap3A_1711 = vector.shape_cast %select_n3A_1704 : vector<32x128xi32> to vector<1x1x32x128xi32>
    tpu.vector_store %arg3[%swap3A_1705, %swap3A_1706, %swap3A_1707, %swap3A_1708], %swap3A_1711 {strides = array<i32>} : memref<2x27x32x128xi32, #tpu.memory_space<vmem>>, vector<1x1x32x128xi32>,
    %sub3A_1712 = arith.constant 1048576 : i32
    %sub3A_1713 = vector.broadcast %sub3A_1712 : i32 to vector<32x128xi32>
    %sub3A_1714 = arith.subi %add3A_1692, %sub3A_1713 : vector<32x128xi32>
    %jit3A_1715 = arith.constant -1 : i32
    %broadcast_in_dim3A_1716 = vector.broadcast %jit3A_1715 : i32 to vector<32x128xi32>
    %select_n3A_1717 = arith.select %lt3A_1695, %broadcast_in_dim3A_1716, %sub3A_1714 : vector<32x128xi1>, vector<32x128xi32>
    %swap3A_1718 = arith.constant 1 : index
    %swap3A_1719 = arith.constant 24 : index
    %swap3A_1720 = arith.constant 0 : index
    %swap3A_1721 = arith.constant 0 : index
    %swap3A_1722 = vector.load %arg3[%swap3A_1718, %swap3A_1719, %swap3A_1720, %swap3A_1721] : memref<2x27x32x128xi32, #tpu.memory_space<vmem>>, vector<1x1x32x128xi32>
    %swap3A_1723 = vector.shape_cast %swap3A_1722 : vector<1x1x32x128xi32> to vector<32x128xi32>
    %swap3A_1724 = vector.shape_cast %select_n3A_1717 : vector<32x128xi32> to vector<1x1x32x128xi32>
    tpu.vector_store %arg3[%swap3A_1718, %swap3A_1719, %swap3A_1720, %swap3A_1721], %swap3A_1724 {strides = array<i32>} : memref<2x27x32x128xi32, #tpu.memory_space<vmem>>, vector<1x1x32x128xi32>,
    %add3A_1725 = arith.addf %mul3A_517, %add3A_1677 : vector<32x128xf32>
    %mul3A_1726 = arith.mulf %sub3A_377, %add3A_1725 : vector<32x128xf32>
    %add3A_1727 = arith.addf %add3A_1675, %mul3A_1726 : vector<32x128xf32>
    %and3A_1728 = arith.andi %and3A_1678, %and3A_407 : vector<32x128xi1>
    %jit3A_1729 = arith.constant 0.000000e+00 : f32
    %broadcast_in_dim3A_1730 = vector.broadcast %jit3A_1729 : f32 to vector<32x128xf32>
    %select_n3A_1731 = arith.select %and3A_1728, %get3A_61, %broadcast_in_dim3A_1730 : vector<32x128xi1>, vector<32x128xf32>
    %mul3A_1732 = arith.constant -5.000000e-01 : f32
    %mul3A_1733 = vector.broadcast %mul3A_1732 : f32 to vector<32x128xf32>
    %mul3A_1734 = arith.mulf %mul3A_1733, %add3A_1727 : vector<32x128xf32>
    %exp3A_1735 = math.exp %mul3A_1734 : vector<32x128xf32>
    %mul3A_1736 = arith.mulf %select_n3A_1731, %exp3A_1735 : vector<32x128xf32>
    %add3A_1737 = arith.addi %add3A_1679, %min3A_431 : vector<32x128xi32>
    %lt3A_1738 = arith.constant 1048576 : i32
    %lt3A_1739 = vector.broadcast %lt3A_1738 : i32 to vector<32x128xi32>
    %lt3A_1740 = arith.cmpi slt, %add3A_1737, %lt3A_1739 : vector<32x128xi32>
    %swap3A_1741 = arith.constant 25 : index
    %swap3A_1742 = arith.constant 0 : index
    %swap3A_1743 = arith.constant 0 : index
    %swap3A_1744 = vector.load %arg2[%swap3A_1741, %swap3A_1742, %swap3A_1743] : memref<27x32x128xf32, #tpu.memory_space<vmem>>, vector<1x32x128xf32>
    %swap3A_1745 = vector.shape_cast %swap3A_1744 : vector<1x32x128xf32> to vector<32x128xf32>
    %swap3A_1746 = vector.shape_cast %mul3A_1736 : vector<32x128xf32> to vector<1x32x128xf32>
    tpu.vector_store %arg2[%swap3A_1741, %swap3A_1742, %swap3A_1743], %swap3A_1746 {strides = array<i32>} : memref<27x32x128xf32, #tpu.memory_space<vmem>>, vector<1x32x128xf32>,
    %jit3A_1747 = arith.constant -1 : i32
    %broadcast_in_dim3A_1748 = vector.broadcast %jit3A_1747 : i32 to vector<32x128xi32>
    %select_n3A_1749 = arith.select %lt3A_1740, %add3A_1737, %broadcast_in_dim3A_1748 : vector<32x128xi1>, vector<32x128xi32>
    %swap3A_1750 = arith.constant 0 : index
    %swap3A_1751 = arith.constant 25 : index
    %swap3A_1752 = arith.constant 0 : index
    %swap3A_1753 = arith.constant 0 : index
    %swap3A_1754 = vector.load %arg3[%swap3A_1750, %swap3A_1751, %swap3A_1752, %swap3A_1753] : memref<2x27x32x128xi32, #tpu.memory_space<vmem>>, vector<1x1x32x128xi32>
    %swap3A_1755 = vector.shape_cast %swap3A_1754 : vector<1x1x32x128xi32> to vector<32x128xi32>
    %swap3A_1756 = vector.shape_cast %select_n3A_1749 : vector<32x128xi32> to vector<1x1x32x128xi32>
    tpu.vector_store %arg3[%swap3A_1750, %swap3A_1751, %swap3A_1752, %swap3A_1753], %swap3A_1756 {strides = array<i32>} : memref<2x27x32x128xi32, #tpu.memory_space<vmem>>, vector<1x1x32x128xi32>,
    %sub3A_1757 = arith.constant 1048576 : i32
    %sub3A_1758 = vector.broadcast %sub3A_1757 : i32 to vector<32x128xi32>
    %sub3A_1759 = arith.subi %add3A_1737, %sub3A_1758 : vector<32x128xi32>
    %jit3A_1760 = arith.constant -1 : i32
    %broadcast_in_dim3A_1761 = vector.broadcast %jit3A_1760 : i32 to vector<32x128xi32>
    %select_n3A_1762 = arith.select %lt3A_1740, %broadcast_in_dim3A_1761, %sub3A_1759 : vector<32x128xi1>, vector<32x128xi32>
    %swap3A_1763 = arith.constant 1 : index
    %swap3A_1764 = arith.constant 25 : index
    %swap3A_1765 = arith.constant 0 : index
    %swap3A_1766 = arith.constant 0 : index
    %swap3A_1767 = vector.load %arg3[%swap3A_1763, %swap3A_1764, %swap3A_1765, %swap3A_1766] : memref<2x27x32x128xi32, #tpu.memory_space<vmem>>, vector<1x1x32x128xi32>
    %swap3A_1768 = vector.shape_cast %swap3A_1767 : vector<1x1x32x128xi32> to vector<32x128xi32>
    %swap3A_1769 = vector.shape_cast %select_n3A_1762 : vector<32x128xi32> to vector<1x1x32x128xi32>
    tpu.vector_store %arg3[%swap3A_1763, %swap3A_1764, %swap3A_1765, %swap3A_1766], %swap3A_1769 {strides = array<i32>} : memref<2x27x32x128xi32, #tpu.memory_space<vmem>>, vector<1x1x32x128xi32>,
    %add3A_1770 = arith.addf %mul3A_518, %add3A_1677 : vector<32x128xf32>
    %mul3A_1771 = arith.mulf %sub3A_461, %add3A_1770 : vector<32x128xf32>
    %add3A_1772 = arith.addf %add3A_1675, %mul3A_1771 : vector<32x128xf32>
    %and3A_1773 = arith.andi %and3A_1678, %and3A_491 : vector<32x128xi1>
    %jit3A_1774 = arith.constant 0.000000e+00 : f32
    %broadcast_in_dim3A_1775 = vector.broadcast %jit3A_1774 : f32 to vector<32x128xf32>
    %select_n3A_1776 = arith.select %and3A_1773, %get3A_61, %broadcast_in_dim3A_1775 : vector<32x128xi1>, vector<32x128xf32>
    %mul3A_1777 = arith.constant -5.000000e-01 : f32
    %mul3A_1778 = vector.broadcast %mul3A_1777 : f32 to vector<32x128xf32>
    %mul3A_1779 = arith.mulf %mul3A_1778, %add3A_1772 : vector<32x128xf32>
    %exp3A_1780 = math.exp %mul3A_1779 : vector<32x128xf32>
    %mul3A_1781 = arith.mulf %select_n3A_1776, %exp3A_1780 : vector<32x128xf32>
    %add3A_1782 = arith.addi %add3A_1679, %min3A_515 : vector<32x128xi32>
    %lt3A_1783 = arith.constant 1048576 : i32
    %lt3A_1784 = vector.broadcast %lt3A_1783 : i32 to vector<32x128xi32>
    %lt3A_1785 = arith.cmpi slt, %add3A_1782, %lt3A_1784 : vector<32x128xi32>
    %swap3A_1786 = arith.constant 26 : index
    %swap3A_1787 = arith.constant 0 : index
    %swap3A_1788 = arith.constant 0 : index
    %swap3A_1789 = vector.load %arg2[%swap3A_1786, %swap3A_1787, %swap3A_1788] : memref<27x32x128xf32, #tpu.memory_space<vmem>>, vector<1x32x128xf32>
    %swap3A_1790 = vector.shape_cast %swap3A_1789 : vector<1x32x128xf32> to vector<32x128xf32>
    %swap3A_1791 = vector.shape_cast %mul3A_1781 : vector<32x128xf32> to vector<1x32x128xf32>
    tpu.vector_store %arg2[%swap3A_1786, %swap3A_1787, %swap3A_1788], %swap3A_1791 {strides = array<i32>} : memref<27x32x128xf32, #tpu.memory_space<vmem>>, vector<1x32x128xf32>,
    %jit3A_1792 = arith.constant -1 : i32
    %broadcast_in_dim3A_1793 = vector.broadcast %jit3A_1792 : i32 to vector<32x128xi32>
    %select_n3A_1794 = arith.select %lt3A_1785, %add3A_1782, %broadcast_in_dim3A_1793 : vector<32x128xi1>, vector<32x128xi32>
    %swap3A_1795 = arith.constant 0 : index
    %swap3A_1796 = arith.constant 26 : index
    %swap3A_1797 = arith.constant 0 : index
    %swap3A_1798 = arith.constant 0 : index
    %swap3A_1799 = vector.load %arg3[%swap3A_1795, %swap3A_1796, %swap3A_1797, %swap3A_1798] : memref<2x27x32x128xi32, #tpu.memory_space<vmem>>, vector<1x1x32x128xi32>
    %swap3A_1800 = vector.shape_cast %swap3A_1799 : vector<1x1x32x128xi32> to vector<32x128xi32>
    %swap3A_1801 = vector.shape_cast %select_n3A_1794 : vector<32x128xi32> to vector<1x1x32x128xi32>
    tpu.vector_store %arg3[%swap3A_1795, %swap3A_1796, %swap3A_1797, %swap3A_1798], %swap3A_1801 {strides = array<i32>} : memref<2x27x32x128xi32, #tpu.memory_space<vmem>>, vector<1x1x32x128xi32>,
    %sub3A_1802 = arith.constant 1048576 : i32
    %sub3A_1803 = vector.broadcast %sub3A_1802 : i32 to vector<32x128xi32>
    %sub3A_1804 = arith.subi %add3A_1782, %sub3A_1803 : vector<32x128xi32>
    %jit3A_1805 = arith.constant -1 : i32
    %broadcast_in_dim3A_1806 = vector.broadcast %jit3A_1805 : i32 to vector<32x128xi32>
    %select_n3A_1807 = arith.select %lt3A_1785, %broadcast_in_dim3A_1806, %sub3A_1804 : vector<32x128xi1>, vector<32x128xi32>
    %swap3A_1808 = arith.constant 1 : index
    %swap3A_1809 = arith.constant 26 : index
    %swap3A_1810 = arith.constant 0 : index
    %swap3A_1811 = arith.constant 0 : index
    %swap3A_1812 = vector.load %arg3[%swap3A_1808, %swap3A_1809, %swap3A_1810, %swap3A_1811] : memref<2x27x32x128xi32, #tpu.memory_space<vmem>>, vector<1x1x32x128xi32>
    %swap3A_1813 = vector.shape_cast %swap3A_1812 : vector<1x1x32x128xi32> to vector<32x128xi32>
    %swap3A_1814 = vector.shape_cast %select_n3A_1807 : vector<32x128xi32> to vector<1x1x32x128xi32>
    tpu.vector_store %arg3[%swap3A_1808, %swap3A_1809, %swap3A_1810, %swap3A_1811], %swap3A_1814 {strides = array<i32>} : memref<2x27x32x128xi32, #tpu.memory_space<vmem>>, vector<1x1x32x128xi32>,
    return
  }
  func.func @transform_0(%arg0: i32) -> (i32, i32, i32) {
    %c0_i32 = arith.constant 0 : i32
    %c0_i32_0 = arith.constant 0 : i32
    %c0_i32_1 = arith.constant 0 : i32
    return %c0_i32, %arg0, %c0_i32_0 : i32, i32, i32
  }
  func.func @transform_1(%arg0: i32) -> (i32, i32, i32) {
    %c0_i32 = arith.constant 0 : i32
    %c0_i32_0 = arith.constant 0 : i32
    %c0_i32_1 = arith.constant 0 : i32
    return %c0_i32, %arg0, %c0_i32_0 : i32, i32, i32
  }
  func.func @transform_2(%arg0: i32) -> (i32, i32, i32, i32) {
    %c0_i32 = arith.constant 0 : i32
    %c0_i32_0 = arith.constant 0 : i32
    %c0_i32_1 = arith.constant 0 : i32
    %c0_i32_2 = arith.constant 0 : i32
    return %c0_i32, %c0_i32_0, %arg0, %c0_i32_1 : i32, i32, i32, i32
  }
  func.func @transform_3(%arg0: i32) -> (i32, i32) {
    %c0_i32 = arith.constant 0 : i32
    %c0_i32_0 = arith.constant 0 : i32
    return %arg0, %c0_i32 : i32, i32
  }
}

</mosaic_0001>

<sc_bundles>
// kernel: kernel.4.cloned.1.call-start
scs
__scs_entry_jumppad:
0x0: {  	(pc) =	sbr.rel $0x88, $3  }
0x1: {  	(tag) =	ssettag $0x0;
	lr =	simm.s32 $0x1  }
0x2: {  	[smem:$0x3F9D] =	sst lr;
	_ =	strace $0xD0000000  }
0x3: {  	_ = 	snop  }
0x4: {  	_ = 	snop  }
0x5: {  	_ = 	snop  }
0x6: {  	_ = 	snop  }
0x7: {  	_ = 	snop  }
__scs_overlays_trampoline_lowered:
0x8: {  	[smem:$0x3FAC] =	sst s0  }
0x9: {  	[smem:$0x3FAD] =	sst s1  }
0xa: {  	[smem:$0x3FAE] =	sst s2  }
0xb: {  	[smem:$0x3FAF] =	sst s3  }
0xc: {  	[smem:$0x3FB0] =	sst s4  }
0xd: {  	[smem:$0x3FB1] =	sst s5  }
0xe: {  	[smem:$0x3FB2] =	sst s6  }
0xf: {  	[smem:$0x3FB3] =	sst s7  }
0x10: {  	[smem:$0x3FB4] =	sst s8  }
0x11: {  	[smem:$0x3FB5] =	sst s9;
	s0 =	simm.s32 @!p0 $0x0  }
0x12: {  	s1 =	sld [smem:$0x3F9B];
	s0 =	simm.s32 @p0 $0x1  }
0x13: {  	[smem:$0x3FB6] =	sst s0;
	s0 =	simm.s32 @!p1 $0x0  }
0x14: {  	s2 =	sld [smem:$0x3F9A];
	s0 =	simm.s32 @p1 $0x1  }
0x15: {  	[smem:$0x3FB7] =	sst s0;
	s0 =	simm.s32 @!p2 $0x0  }
0x16: {  	s3 =	sld [smem:$0x3FDB];
	s0 =	simm.s32 @p2 $0x1  }
0x17: {  	s4 =	simm.s32 $0x1BF5;
	[smem:$0x3FB9] =	sst s0  }
0x18: {  	s0 =	sld [smem:$0x3F9C];
	_ =	swait.ge [sflag:s4], $0x0  }
0x19: {  	s7 =	sld [smem:$0x3F9D]  }
0x1a: {  	s8 =	sadd.s32 $0xFFFFE003, lr  }
0x1b: {  	s9 =	sadd.s32 $0xFFFFFEF7, lr;
	s5 =	simm.s32 $0xFFFFFFFF;
	p2 =	slt.u32 s8, $0xFFFFF086  }
0x1c: {  	p1 =	slt.u32 s9, $0xF7A;
	s5 =	simm.s32 @!p2 $0x0  }
0x1d: {  	s5 =	simm.s32 @p1 $0x1;
	p0 =	seq.s32 s7, s2  }
0x1e: {  	s7 =	smul.u32 @!p0 $0xF7A, s2;
	p2 =	seq.s32 @!p0 s5, $0x0  }
0x1f: {  	s9 =	smul.u32 $0xF7A, s1;
	s8 =	simm.s32 @!p0 $0x1BF5;
	p2 =	por !p2, p0  }
0x20: {  	[sflag:s8] =	ssyncset.s32 @!p0 $0xFFFFF086;
	s6 =	sadd.s32 @!p0 s3, s7;
	s7 =	simm.s32 @!p0 $0x108  }
0x21: {  	s3 =	sadd.s32 s3, s9;
	s6 =	sadd.s32 @!p0 $0x88, s6;
	s7 =	simm.s32 @p2 $0x1082  }
0x22: {  	[simem:s7], [sflag:s8] =	dma.local @!p0 [hbm:s6], $0xF7A  }
0x23: {  	s9 =	sor.u32 $0xD0000000, s2;
	s6 =	simm.s32 $0x108;
	_ =	swait.ge @!p0 [sflag:s8], $0x0  }
0x24: {  	s3 =	sadd.s32 $0x88, s3;
	s6 =	simm.s32 @!p1 $0x1082;
	[sflag:s4] =	ssyncset.s32 $0xFFFFF086  }
0x25: {  	[simem:s6], [sflag:s4] =	dma.local [hbm:s3], $0xF7A  }
0x26: {  	[smem:$0x3F9D] =	sst s1;
	(tag) =	ssettag s2;
	_ =	strace s9  }
0x27: {  	s1 =	sld [smem:$0x3FAD]  }
0x28: {  	s2 =	sld [smem:$0x3FAE]  }
0x29: {  	s4 =	sld [smem:$0x3FB0]  }
0x2a: {  	p0 =	seq.s32 s5, $0x0;
	s5 =	sld [smem:$0x3FB1]  }
0x2b: {  	s6 =	sld [smem:$0x3FB2]  }
0x2c: {  	s7 =	sld [smem:$0x3FB3]  }
0x2d: {  	s3 =	simm.s32 $0x108;
	s8 =	sld [smem:$0x3FB4]  }
0x2e: {  	s3 =	simm.s32 @!p0 $0x1082;
	s9 =	sld [smem:$0x3FB5]  }
0x2f: {  	lr =	sadd.s32 s0, s3;
	s0 =	sld [smem:$0x3FAC]  }
0x30: {  	s3 =	sld [smem:$0x3FAF]  }
0x31: {  	[smem:$0x3FB8] =	sst s10  }
0x32: {  	s10 =	sld [smem:$0x3FB6];
	_ =	sdelay $0x3  }
0x33: {  	p0 =	seq.s32 s10, $0x1;
	s10 =	sld [smem:$0x3FB8];
	_ =	sdelay $0x3  }
0x34: {  	[smem:$0x3FB8] =	sst s10  }
0x35: {  	s10 =	sld [smem:$0x3FB7];
	_ =	sdelay $0x3  }
0x36: {  	p1 =	seq.s32 s10, $0x1;
	s10 =	sld [smem:$0x3FB8];
	_ =	sdelay $0x3  }
0x37: {  	[smem:$0x3FB8] =	sst s10  }
0x38: {  	s10 =	sld [smem:$0x3FB9]  }
0x39: {  	_ = 	snop;
	(pc) =	sbr.ind lr, $3  }
0x3a: {  	_ = 	snop  }
0x3b: {  	_ = 	snop  }
0x3c: {  	p2 =	seq.s32 s10, $0x1;
	s10 =	sld [smem:$0x3FB8]  }
0x3d: {  	_ =	shalt  }
0x3e: {  	_ =	shalt  }
0x3f: {  	_ =	shalt  }
0x40: {  	_ =	shalt  }
0x41: {  	_ =	shalt  }
0x42: {  	_ =	shalt  }
0x43: {  	_ =	shalt  }
0x44: {  	_ =	shalt  }
0x45: {  	_ =	shalt  }
0x46: {  	_ =	shalt  }
0x47: {  	_ =	shalt  }
0x48: {  	_ =	shalt  }
0x49: {  	_ =	shalt  }
0x4a: {  	_ =	shalt  }
0x4b: {  	_ =	shalt  }
0x4c: {  	_ =	shalt  }
0x4d: {  	_ =	shalt  }
0x4e: {  	_ =	shalt  }
0x4f: {  	_ =	shalt  }
0x50: {  	_ =	shalt  }
0x51: {  	_ =	shalt  }
0x52: {  	_ =	shalt  }
0x53: {  	_ =	shalt  }
0x54: {  	_ =	shalt  }
0x55: {  	_ =	shalt  }
0x56: {  	_ =	shalt  }
0x57: {  	_ =	shalt  }
0x58: {  	_ =	shalt  }
0x59: {  	_ =	shalt  }
0x5a: {  	_ =	shalt  }
0x5b: {  	_ =	shalt  }
0x5c: {  	_ =	shalt  }
0x5d: {  	_ =	shalt  }
0x5e: {  	_ =	shalt  }
0x5f: {  	_ =	shalt  }
0x60: {  	_ =	shalt  }
0x61: {  	_ =	shalt  }
0x62: {  	_ =	shalt  }
0x63: {  	_ =	shalt  }
0x64: {  	_ =	shalt  }
0x65: {  	_ =	shalt  }
0x66: {  	_ =	shalt  }
0x67: {  	_ =	shalt  }
0x68: {  	_ =	shalt  }
0x69: {  	_ =	shalt  }
0x6a: {  	_ =	shalt  }
0x6b: {  	_ =	shalt  }
0x6c: {  	_ =	shalt  }
0x6d: {  	_ =	shalt  }
0x6e: {  	_ =	shalt  }
0x6f: {  	_ =	shalt  }
0x70: {  	_ =	shalt  }
0x71: {  	_ =	shalt  }
0x72: {  	_ =	shalt  }
0x73: {  	_ =	shalt  }
0x74: {  	_ =	shalt  }
0x75: {  	_ =	shalt  }
0x76: {  	_ =	shalt  }
0x77: {  	_ =	shalt  }
0x78: {  	_ =	shalt  }
0x79: {  	_ =	shalt  }
0x7a: {  	_ =	shalt  }
0x7b: {  	_ =	shalt  }
0x7c: {  	_ =	shalt  }
0x7d: {  	_ =	shalt  }
0x7e: {  	_ =	shalt  }
0x7f: {  	_ =	shalt  }
0x80: {  	_ =	shalt  }
0x81: {  	_ =	shalt  }
0x82: {  	_ =	shalt  }
0x83: {  	_ =	shalt  }
0x84: {  	_ =	shalt  }
0x85: {  	_ =	shalt  }
0x86: {  	_ =	shalt  }
0x87: {  	_ =	shalt  }
.Lfunc_end0:
.L_simem_size_0:
called_computation.1_lowered:
.L_overlay_start_0:
0x88: {  	s2 =	sld [smem:$0x3FD9]  }
0x89: {  	s3 =	sld [smem:$0x3FFE];
	_ =	sdelay $0x1  }
0x8a: {  	s1 =	srdreg.scid  }
0x8b: {  	s0 =	sand.u32 $0x1, s1  }
0x8c: {  	s14 =	sshll.u32 s0, $0xA;
	s2 =	sadd.s32 s3, s2  }
0x8d: {  	s2 =	sadd.s32 s2, s14  }
0x8e: {  	[smem:$0x3FC4] =	sst s2  }
0x8f: {  	_ = 	snop  }
0x90: {  	s2 =	sld [smem:$0x3FD0];
	_ =	sdelay $0x2  }
0x91: {  	s15 =	simm.s32 $0xA;
	s4 =	simm.s32 $0x10  }
0x92: {  	[smem:s4], [sflag:s15] =	dma.local [hbm:s2], $0x1  }
0x93: {  	_ =	swait.eq [sflag:s15], $0x1  }
0x94: {  	[sflag:s15] =	ssyncset.done $0x0  }
0x95: {  	[sflag:s15] =	ssyncadd.s32 $0xFFFFFFFF  }
0x96: {  	s16 =	sld [smem:$0x10];
	(tm) =	ssettm $0x1  }
0x97: {  	s17 =	sld [smem:$0x3FFB];
	_ =	sdelay $0x3  }
0x98: {  	_ =	strace s17  }
0x99: {  	s3 =	sld [smem:$0x3FFC];
	_ =	sdelay $0x3  }
0x9a: {  	_ =	strace s3  }
0x9b: {  	s3 =	sld [smem:$0x3FFD];
	_ =	sdelay $0x3  }
0x9c: {  	_ =	strace s3  }
0x9d: {  	_ =	strace $0x8FFFFFFF  }
0x9e: {  	s18 =	sld [smem:$0x3FDB];
	_ =	sdelay $0x1  }
0x9f: {  	s19 =	simm.s32 $_scs_section_size  }
0xa0: {  	s5 =	simm.s32 $_size__tile_overlayer_lowered;
	s6 =	simm.s32 $_tile_overlayer_lowered  }
0xa1: {  	s22 =	simm.s32 $0x1BFF;
	s21 =	sshll.u32 s6, $0x1;
	s3 =	sadd.s32 s19, s18  }
0xa2: {  	s7 =	simm.s32 $0x0;
	s20 =	sshll.u32 s5, $0x1;
	s5 =	sadd.s32 s21, s3  }
0xa3: {  	[timem:s7], [sflag:s22] =	dma.local [hbm:s5], s20  }
0xa4: {  	_ =	swait.ge [sflag:s22], s20  }
0xa5: {  	s4 =	ssub.s32 $0x0, s20;
	[sflag:s22] =	ssyncset.done $0x0  }
0xa6: {  	[sflag:s22] =	ssyncadd.s32 s4;
	_ =	sdelay $0x1  }
0xa7: {  	s23 =	simm.s32 $0x1B8B  }
0xa8: {  	_ =	swait.ge [sflag:s23], $0x1  }
0xa9: {  	[sflag:s23] =	ssyncset.done $0x0  }
0xaa: {  	s25 =	simm.s32 $0x1B8E;
	s24 =	sld [smem:$0x3FFE];
	[sflag:s23] =	ssyncadd.s32 $0xFFFFFFFF  }
0xab: {  	s26 =	simm.s32 $execute0_lowered;
	[smem:$0x3FD2] =	sst s25  }
0xac: {  	s5 =	sshll.u32 s26, $0x1;
	_ =	strace $0x80000049;
	[dreg:$0x1] =	wrdreg $0xFFFFFFFF  }
0xad: {  	s28 =	simm.s32 $_size_execute0_lowered;
	s3 =	sadd.s32 s3, s5;
	[dreg:$0x0] =	wrdreg $0x0  }
0xae: {  	s5 =	sshll.u32 s28, $0x1;
	[dreg:$0x2] =	wrdreg s3  }
0xaf: {  	[dreg:$0x3] =	wrdreg s5  }
0xb0: {  	[dreg:$0x4] =	wrdreg $0xC0  }
0xb1: {  	_ =	task [dreg:s7], $0x5FFFF  }
0xb2: {  	[dreg:$0x1] =	wrdreg $0xFFFFFFFF  }
0xb3: {  	[dreg:$0x0] =	wrdreg $0x60  }
0xb4: {  	[dreg:$0x2] =	wrdreg s24  }
0xb5: {  	[dreg:$0x3] =	wrdreg s16  }
0xb6: {  	[dreg:$0x4] =	wrdreg $0x0  }
0xb7: {  	[dreg:$0x5] =	wrdreg $0x9  }
0xb8: {  	_ =	task.clear_ibuf [dreg:s7], $0x6FFFF;
	_ =	strace $0x90000049  }
0xb9: {  	s29 =	simm.s32 $0x9;
	_ =	strace $0x8000004B  }
0xba: {  	_ =	swait.ge [sflag:s29], $0x1  }
0xbb: {  	[sflag:s29] =	ssyncadd.s32 $0xFFFFFFFF  }
0xbc: {  	_ =	strace $0x9000004B  }
0xbd: {  	_ =	sfence  }
0xbe: {  	s30 =	sld [smem:$0x0];
	_ =	sdelay $0x2  }
0xbf: {  	s31 =	sshll.u32 s1, $0xD;
	s1 =	sshrl.u32 s1, $0x2  }
0xc0: {  	s3 =	sand.u32 $0x4000, s31;
	s1 =	sadd.s32 s1, s30  }
0xc1: {  	s0 =	sor.u32 s3, s0;
	s1 =	sshll.u32 s1, $0x11  }
0xc2: {  	s0 =	sor.u32 s1, s0  }
0xc3: {  	s0 =	sadd.s32 $0x8F2B, s0  }
0xc4: {  	[sflag:s0] =	ssyncadd.remote.s32 $0x1  }
0xc5: {  	_ =	sfence.sel $0xFFFF  }
0xc6: {  	[dreg:$0x0] =	wrdreg $0xFFFFFFFF;
	(pc) =	sbr.abs _section_cstart, $3  }
0xc7: {  	[dreg:$0x1] =	wrdreg $0xFFFFFFFF  }
0xc8: {  	_ =	task.clear_ibuf [dreg:s7], $0x2FFFF;
	_ =	strace $0x9FFFFFFF  }
0xc9: {  	(tm) =	ssettm $0x7FFFFFFF  }
tec
execute0_lowered:
.L_overlay_start_1:
0x0: {  	(tag) =	ssettag $0x1  }
0x1: {  	s1 =	rddreg [dreg:$0x0]  }
0x2: {  	s0 =	rddreg [dreg:$0x1]  }
0x3: {  	s2 =	rddreg [dreg:$0x2]  }
0x4: {  	s3 =	simm.s32 $0x0;
	s16 =	stileid.u32;
	s4 =	srdreg.scid  }
0x5: {  	p0 =	por $0x0, $0x0;
	s31 =	simm.s32 $0x2;
	[smem:$0x7FF] =	sst s3  }
0x6: {  	s5 =	sadd.s32 $0x14B600, s1;
	s9 =	smul.u32 $0x52B00, s16;
	s13 =	sshll.u32 s16, $0xD  }
0x7: {  	s8 =	sand.u32 $0x1, s4;
	s6 =	sadd.s32 $0x1F0C00, s1;
	_ =	strace $0x8000004A  }
0x8: {  	s7 =	ssub.s32 $0x2, s8;
	s10 =	smul.u32 $0x4EC00, s8;
	s1 =	sadd.s32 s13, s1  }
0x9: {  	s12 =	smul.u32 $0x46E00, s8;
	s11 =	sshll.u32 s8, $0x7;
	s14 =	sshrl.u32 s7, $0x1  }
0xa: {  	s24 =	smul.u32 $0x37200, s8;
	s1 =	sadd.s32 $0xA00, s1;
	s7 =	ssub.s32 s7, s14  }
0xb: {  	s15 =	sadd.s32 s10, s9;
	s10 =	sshll.u32 s16, $0x10;
	s12 =	sadd.s32 s9, s12  }
0xc: {  	[dreg:$0x4] =	wrdreg s1;
	s14 =	smul.u32 $0x3F000, s8;
	s13 =	sshll.u32 s15, $0x1  }
0xd: {  	s12 =	sadd.s32 $0x3F00, s12;
	s19 =	sshrl.u32 s15, $0x3;
	s13 =	sor.u32 s11, s13  }
0xe: {  	s18 =	sshll.u32 s12, $0x1;
	s21 =	sadd.s32 s9, s14;
	s12 =	sshrl.u32 s12, $0x3  }
0xf: {  	s14 =	smul.u32 $0x2F400, s8;
	s17 =	sshrl.u32 s13, $0x3;
	s20 =	sor.u32 s11, s18  }
0x10: {  	s23 =	sadd.s32 $0x7E00, s21;
	s25 =	sadd.s32 s5, s12;
	s1 =	sadd.s32 s6, s17  }
0x11: {  	s4 =	sshrl.u32 s20, $0x3;
	s13 =	sshll.u32 s23, $0x1;
	[dreg:$0x8] =	wrdreg s25  }
0x12: {  	s15 =	sshrl.u32 s23, $0x3;
	[dreg:$0x5] =	wrdreg s1;
	s1 =	sadd.s32 s5, s19  }
0x13: {  	s20 =	smul.u32 $0x27600, s8;
	s22 =	sadd.s32 s6, s4;
	[dreg:$0x6] =	wrdreg s1  }
0x14: {  	s26 =	sor.u32 s11, s13;
	s13 =	sadd.s32 s9, s24;
	[dreg:$0x7] =	wrdreg s22  }
0x15: {  	s12 =	sshrl.u32 s26, $0x3;
	s23 =	sadd.s32 s9, s20;
	s26 =	smul.u32 $0x1F800, s8  }
0x16: {  	s1 =	sadd.s32 s6, s12;
	s12 =	sadd.s32 $0xBD00, s13;
	s13 =	sadd.s32 s9, s14  }
0x17: {  	s25 =	sadd.s32 $0x13B00, s23;
	s23 =	smul.u32 $0xFC00, s8;
	[dreg:$0x9] =	wrdreg s1  }
0x18: {  	s17 =	sshll.u32 s12, $0x1;
	s1 =	sadd.s32 s5, s15;
	s19 =	sadd.s32 $0xFC00, s13  }
0x19: {  	s21 =	sshrl.u32 s12, $0x3;
	s4 =	sor.u32 s11, s17;
	[dreg:$0xa] =	wrdreg s1  }
0x1a: {  	s13 =	sshll.u32 s19, $0x1;
	s17 =	sadd.s32 s9, s26;
	s26 =	sadd.s32 s9, s23  }
0x1b: {  	s18 =	sshrl.u32 s4, $0x3;
	s22 =	sor.u32 s11, s13;
	s4 =	sshrl.u32 s19, $0x3  }
0x1c: {  	s13 =	sshll.u32 s25, $0x1;
	s19 =	sshrl.u32 s25, $0x3;
	s1 =	sadd.s32 s6, s18  }
0x1d: {  	s12 =	sshrl.u32 s22, $0x3;
	s4 =	sadd.s32 s5, s4;
	s13 =	sor.u32 s11, s13  }
0x1e: {  	s18 =	smul.u32 $0x17A00, s8;
	[dreg:$0xb] =	wrdreg s1;
	s1 =	sadd.s32 s5, s21  }
0x1f: {  	s24 =	sadd.s32 s6, s12;
	[dreg:$0xe] =	wrdreg s4;
	s15 =	sshrl.u32 s13, $0x3  }
0x20: {  	s4 =	sadd.s32 $0x17A00, s17;
	s17 =	smul.u32 $0x7E00, s8;
	[dreg:$0xc] =	wrdreg s1  }
0x21: {  	[dreg:$0xd] =	wrdreg s24;
	s1 =	sadd.s32 s6, s15;
	s20 =	sshll.u32 s4, $0x1  }
0x22: {  	s13 =	sadd.s32 s9, s18;
	s24 =	sshrl.u32 s4, $0x3;
	s15 =	sadd.s32 $0x1F800, s26  }
0x23: {  	s26 =	sadd.s32 $0x27600, s9;
	[dreg:$0xf] =	wrdreg s1;
	s1 =	sadd.s32 s5, s19  }
0x24: {  	s12 =	sor.u32 s11, s20;
	s22 =	sadd.s32 $0x1B900, s13;
	[dreg:$0x10] =	wrdreg s1  }
0x25: {  	s21 =	sshrl.u32 s12, $0x3;
	s13 =	sshll.u32 s22, $0x1;
	s12 =	sshrl.u32 s22, $0x3  }
0x26: {  	s1 =	sadd.s32 s6, s21;
	s25 =	sor.u32 s11, s13;
	s13 =	sshll.u32 s15, $0x1  }
0x27: {  	s18 =	sadd.s32 s5, s12;
	s21 =	sadd.s32 s9, s17;
	s12 =	sadd.s32 s10, s2  }
0x28: {  	s17 =	sshll.u32 s8, $0x1;
	[dreg:$0x11] =	wrdreg s1;
	s1 =	sadd.s32 s5, s24  }
0x29: {  	s4 =	sshrl.u32 s25, $0x3;
	s19 =	sor.u32 s11, s13;
	[dreg:$0x14] =	wrdreg s18  }
0x2a: {  	s22 =	sadd.s32 $0x23700, s21;
	[dreg:$0x12] =	wrdreg s1;
	s14 =	sadd.s32 s6, s4  }
0x2b: {  	s20 =	sshrl.u32 s19, $0x3;
	s4 =	sshrl.u32 s15, $0x3;
	s24 =	sshll.u32 s22, $0x1  }
0x2c: {  	s15 =	sshll.u32 s26, $0x1;
	s13 =	sshrl.u32 s22, $0x3;
	[dreg:$0x13] =	wrdreg s14  }
0x2d: {  	s1 =	sadd.s32 s6, s20;
	s23 =	sadd.s32 s5, s4;
	s25 =	sor.u32 s11, s24  }
0x2e: {  	s14 =	sxor.u32 $0xB, s17;
	s15 =	sor.u32 s11, s15;
	s18 =	sadd.s32 s5, s13  }
0x2f: {  	s4 =	sshrl.u32 s26, $0x3;
	s24 =	sshll.u32 s16, $0x6;
	[dreg:$0x15] =	wrdreg s1  }
0x30: {  	s17 =	smul.u32 $0xFFFE8600, s8;
	s16 =	sshll.u32 s8, $0x4;
	[dreg:$0x16] =	wrdreg s23  }
0x31: {  	s1 =	sshrl.u32 s25, $0x3;
	s14 =	smul.u32 $0x3F00, s14;
	s19 =	sshrl.u32 s15, $0x3  }
0x32: {  	[dreg:$0x18] =	wrdreg s18;
	s23 =	sshll.u32 s8, $0x2;
	s4 =	sadd.s32 s5, s4  }
0x33: {  	s1 =	sadd.s32 s6, s1;
	s20 =	sadd.s32 s6, s19;
	[dreg:$0x1a] =	wrdreg s4  }
0x34: {  	s4 =	sor.u32 $0x1C05, s24;
	s19 =	sadd.s32 s9, s17;
	[dreg:$0x17] =	wrdreg s1  }
0x35: {  	s21 =	sadd.s32 s9, s14;
	[dreg:$0x19] =	wrdreg s20;
	s14 =	sxor.u32 $0xC, s23  }
0x36: {  	s20 =	sshll.u32 s8, $0x3;
	s22 =	sshll.u32 s21, $0x1;
	s14 =	smul.u32 $0x3F00, s14  }
0x37: {  	s25 =	sshrl.u32 s21, $0x3;
	s15 =	sxor.u32 $0xE, s20;
	s1 =	sor.u32 s11, s22  }
0x38: {  	s20 =	smul.u32 $0xFFFD0C00, s8;
	s1 =	sshrl.u32 s1, $0x3;
	s26 =	sadd.s32 s9, s14  }
0x39: {  	s15 =	smul.u32 $0x3F00, s15;
	s1 =	sadd.s32 s6, s1;
	s14 =	sshll.u32 s26, $0x1  }
0x3a: {  	s13 =	sshrl.u32 s26, $0x3;
	s26 =	smul.u32 $0xFFFD8A00, s8;
	[dreg:$0x1b] =	wrdreg s1  }
0x3b: {  	s1 =	sadd.s32 s5, s25;
	s18 =	sor.u32 s11, s14;
	s14 =	sadd.s32 $0x33300, s19  }
0x3c: {  	s22 =	sadd.s32 s5, s13;
	s25 =	sadd.s32 s9, s15;
	[dreg:$0x1c] =	wrdreg s1  }
0x3d: {  	s1 =	sshrl.u32 s18, $0x3;
	s21 =	sshll.u32 s14, $0x1;
	[dreg:$0x1e] =	wrdreg s22  }
0x3e: {  	s15 =	sshll.u32 s25, $0x1;
	s14 =	sshrl.u32 s14, $0x3;
	s17 =	sadd.s32 s9, s26  }
0x3f: {  	s13 =	sshrl.u32 s25, $0x3;
	s25 =	smul.u32 $0xFFFC8E00, s8;
	s1 =	sadd.s32 s6, s1  }
0x40: {  	s23 =	sor.u32 s11, s21;
	s15 =	sor.u32 s11, s15;
	s19 =	sadd.s32 $0x3B100, s17  }
0x41: {  	s21 =	sadd.s32 s5, s13;
	[dreg:$0x1d] =	wrdreg s1;
	s24 =	sshrl.u32 s23, $0x3  }
0x42: {  	[smem:$0x7FD] =	sst s21;
	s1 =	sadd.s32 s6, s24;
	s24 =	sadd.s32 s9, s20  }
0x43: {  	[dreg:$0x1f] =	wrdreg s1;
	s1 =	sadd.s32 s5, s14;
	s14 =	sshrl.u32 s15, $0x3  }
0x44: {  	s15 =	sshll.u32 s19, $0x1;
	s13 =	sadd.s32 $0x3F000, s24;
	[smem:$0x7FB] =	sst s1  }
0x45: {  	s18 =	sadd.s32 s6, s14;
	s22 =	sor.u32 s11, s15;
	s14 =	sshrl.u32 s19, $0x3  }
0x46: {  	s15 =	sadd.s32 s9, s25;
	[smem:$0x7FC] =	sst s18;
	s23 =	sshrl.u32 s22, $0x3  }
0x47: {  	s28 =	sadd.s32 s5, s14;
	s14 =	sshll.u32 s13, $0x1;
	s13 =	sshrl.u32 s13, $0x3  }
0x48: {  	s18 =	smul.u32 $0xFFFB9200, s8;
	s26 =	sadd.s32 s6, s23;
	s1 =	sor.u32 s11, s14  }
0x49: {  	s14 =	sadd.s32 $0x42F00, s15;
	s15 =	sxor.u32 $0x12, s16;
	s30 =	sadd.s32 s5, s13  }
0x4a: {  	s1 =	sshrl.u32 s1, $0x3;
	s17 =	sshll.u32 s14, $0x1;
	s15 =	smul.u32 $0x3F00, s15  }
0x4b: {  	s23 =	sadd.s32 s9, s18;
	s14 =	sshrl.u32 s14, $0x3;
	s25 =	sadd.s32 s6, s1  }
0x4c: {  	s1 =	sor.u32 s11, s17;
	s17 =	smul.u32 $0xFFFB1400, s8;
	s29 =	sadd.s32 s5, s14  }
0x4d: {  	s8 =	sshll.u32 s8, $0x14;
	s1 =	sshrl.u32 s1, $0x3;
	s19 =	sadd.s32 s9, s15  }
0x4e: {  	s15 =	sadd.s32 $0x4AD00, s23;
	s8 =	sor.u32 s10, s8;
	s23 =	smax.u32 s7, $0x1  }
0x4f: {  	s7 =	sshrl.u32 s12, $0x3;
	s12 =	simm.s32 $0x1;
	s22 =	sadd.s32 s6, s1  }
0x50: {  	s21 =	sshll.u32 s19, $0x1;
	s24 =	sshll.u32 s15, $0x1;
	s13 =	sshrl.u32 s19, $0x3  }
0x51: {  	s9 =	sadd.s32 s9, s17;
	s18 =	sshrl.u32 s15, $0x3;
	s8 =	sshrl.u32 s8, $0x3  }
0x52: {  	p1 =	sne.s32 s23, $0x1;
	s15 =	simm.s32 $0x3;
	s1 =	sor.u32 s11, s21  }
0x53: {  	s14 =	sor.u32 s11, s24;
	s24 =	sadd.s32 s5, s13;
	s16 =	sadd.s32 $0x4EC00, s9  }
0x54: {  	s17 =	sadd.s32 s5, s18;
	s18 =	simm.s32 $0x80;
	s1 =	sshrl.u32 s1, $0x3  }
0x55: {  	s19 =	sshll.u32 s16, $0x1;
	s20 =	sadd.s32 s6, s1;
	s1 =	sshrl.u32 s14, $0x3  }
0x56: {  	s21 =	sor.u32 s11, s19;
	s19 =	simm.s32 $0x100;
	s14 =	simm.s32 $0x4  }
.Ltmp0:
0x57: {  	s13 =	sadd.s32 s6, s1;
	s9 =	sshrl.u32 s21, $0x3;
	(pc) =	sbr.rel @!p1 .LBB2_3-.Ltmp0, $4  }
0x58: {  	s1 =	sshrl.u32 s16, $0x3;
	s21 =	simm.s32 $0x13F00;
	s16 =	simm.s32 $0x3F00  }
0x59: {  	s10 =	sadd.s32 s6, s9;
	s11 =	sadd.s32 s5, s1;
	s5 =	sadd.s32 s0, s8  }
0x5a: {  	s6 =	simm.s32 $0x5;
	s8 =	simm.s32 $0x10000;
	s9 =	simm.s32 $0x17E00  }
0x5b: {  	s0 =	sadd.s32 $0xFFFFFFFF, s23;
	s23 =	simm.s32 $0x1BD00;
	s1 =	rddreg [dreg:$0x4]  }
0x5c: {  	[spmem:s7], [sflag:s4] =	dma.local [hbm:s1], $0x2000  }
0x5d: {  	_ =	swait.ge [sflag:s6], $0x2000  }
0x5e: {  	[sflag:s6] =	ssyncset.done $0x0  }
0x5f: {  	[sflag:s6] =	ssyncadd.s32 $0xFFFFE000  }
0x60: {  	[bflag:$0x0] =	sbarrier.arrive $0xFFFF  }
0x61: {  	s1 =	rddreg [dreg:$0x5]  }
0x62: {  	[smem:$0x7FA] =	sst s0  }
0x63: {  	[tilespmem:s8], [sflag:$0x1] =	stream.strided.gather [hbm4b:s1+s18], $0x3F00, s19, s18, $0x38;
	[tilespmem:$0x1FC00] =	vst v63  }
0x64: {  	s0 =	rddreg [dreg:$0x6]  }
0x65: {  	[tilespmem:s9], [sflag:$0x1] =	stream.linear.gather [hbm4b:s0+s3], $0x3F00, $0x38;
	[tilespmem:$0x1FC00] =	vst v63  }
0x66: {  	_ =	swait.ge [sflag:s12], $0x3F00  }
0x67: {  	[sflag:s12] =	ssyncset.done $0x0  }
0x68: {  	[sflag:s12] =	ssyncadd.s32 $0xFFFFC100  }
0x69: {  	_ =	swait.ge [sflag:s12], $0x3F00  }
0x6a: {  	[sflag:s12] =	ssyncset.done $0x0  }
0x6b: {  	s0 =	rddreg [dreg:$0x7];
	[sflag:s12] =	ssyncadd.s32 $0xFFFFC100  }
0x6c: {  	[tilespmem:s21], [sflag:$0x2] =	stream.strided.gather [hbm4b:s0+s18], $0x3F00, s19, s18, $0x38;
	[tilespmem:$0x1FC00] =	vst v63  }
0x6d: {  	s1 =	rddreg [dreg:$0x8]  }
0x6e: {  	[tilespmem:s23], [sflag:$0x2] =	stream.linear.gather [hbm4b:s1+s3], $0x3F00, $0x38;
	[tilespmem:$0x1FC00] =	vst v63  }
0x6f: {  	(ifvalue) =	ssetifvalue $0xFFFFFFFF  }
0x70: {  	[spmem:s2] =	stream.indirect.scatter.add.f32 [tilespmem:s9], [sflag:$0x3], $0x1, s8, s16, $0x40b8;
	[tilespmem:$0x1FC00] =	vst v63  }
0x71: {  	_ =	swait.ge [sflag:s31], $0x3F00  }
0x72: {  	[sflag:s31] =	ssyncset.done $0x0  }
0x73: {  	[sflag:s31] =	ssyncadd.s32 $0xFFFFC100  }
0x74: {  	_ =	swait.ge [sflag:s31], $0x3F00  }
0x75: {  	[sflag:s31] =	ssyncset.done $0x0  }
0x76: {  	[sflag:s31] =	ssyncadd.s32 $0xFFFFC100  }
0x77: {  	_ =	swait.ge [sflag:s15], $0x3F00  }
0x78: {  	[sflag:s15] =	ssyncset.done $0x0  }
0x79: {  	s0 =	rddreg [dreg:$0x9];
	[sflag:s15] =	ssyncadd.s32 $0xFFFFC100  }
0x7a: {  	[tilespmem:s8], [sflag:$0x1] =	stream.strided.gather [hbm4b:s0+s18], $0x3F00, s19, s18, $0x38;
	[tilespmem:$0x1FC00] =	vst v63  }
0x7b: {  	s1 =	rddreg [dreg:$0xa]  }
0x7c: {  	[tilespmem:s9], [sflag:$0x1] =	stream.linear.gather [hbm4b:s1+s3], $0x3F00, $0x38;
	[tilespmem:$0x1FC00] =	vst v63  }
0x7d: {  	(ifvalue) =	ssetifvalue $0xFFFFFFFF  }
0x7e: {  	[spmem:s2] =	stream.indirect.scatter.add.f32 [tilespmem:s23], [sflag:$0x4], $0x1, s21, s16, $0x40b8;
	[tilespmem:$0x1FC00] =	vst v63  }
0x7f: {  	_ =	swait.ge [sflag:s12], $0x3F00  }
0x80: {  	[sflag:s12] =	ssyncset.done $0x0  }
0x81: {  	[sflag:s12] =	ssyncadd.s32 $0xFFFFC100  }
0x82: {  	_ =	swait.ge [sflag:s12], $0x3F00  }
0x83: {  	[sflag:s12] =	ssyncset.done $0x0  }
0x84: {  	[sflag:s12] =	ssyncadd.s32 $0xFFFFC100  }
0x85: {  	_ =	swait.ge [sflag:s14], $0x3F00  }
0x86: {  	[sflag:s14] =	ssyncset.done $0x0  }
0x87: {  	s0 =	rddreg [dreg:$0xb];
	[sflag:s14] =	ssyncadd.s32 $0xFFFFC100  }
0x88: {  	[tilespmem:s21], [sflag:$0x2] =	stream.strided.gather [hbm4b:s0+s18], $0x3F00, s19, s18, $0x38;
	[tilespmem:$0x1FC00] =	vst v63  }
0x89: {  	s1 =	rddreg [dreg:$0xc]  }
0x8a: {  	[tilespmem:s23], [sflag:$0x2] =	stream.linear.gather [hbm4b:s1+s3], $0x3F00, $0x38;
	[tilespmem:$0x1FC00] =	vst v63  }
0x8b: {  	(ifvalue) =	ssetifvalue $0xFFFFFFFF  }
0x8c: {  	[spmem:s2] =	stream.indirect.scatter.add.f32 [tilespmem:s9], [sflag:$0x3], $0x1, s8, s16, $0x40b8;
	[tilespmem:$0x1FC00] =	vst v63  }
0x8d: {  	_ =	swait.ge [sflag:s31], $0x3F00  }
0x8e: {  	[sflag:s31] =	ssyncset.done $0x0  }
0x8f: {  	[sflag:s31] =	ssyncadd.s32 $0xFFFFC100  }
0x90: {  	_ =	swait.ge [sflag:s31], $0x3F00  }
0x91: {  	[sflag:s31] =	ssyncset.done $0x0  }
0x92: {  	[sflag:s31] =	ssyncadd.s32 $0xFFFFC100  }
0x93: {  	_ =	swait.ge [sflag:s15], $0x3F00  }
0x94: {  	[sflag:s15] =	ssyncset.done $0x0  }
0x95: {  	s0 =	rddreg [dreg:$0xd];
	[sflag:s15] =	ssyncadd.s32 $0xFFFFC100  }
0x96: {  	[tilespmem:s8], [sflag:$0x1] =	stream.strided.gather [hbm4b:s0+s18], $0x3F00, s19, s18, $0x38;
	[tilespmem:$0x1FC00] =	vst v63  }
0x97: {  	s1 =	rddreg [dreg:$0xe]  }
0x98: {  	[tilespmem:s9], [sflag:$0x1] =	stream.linear.gather [hbm4b:s1+s3], $0x3F00, $0x38;
	[tilespmem:$0x1FC00] =	vst v63  }
0x99: {  	(ifvalue) =	ssetifvalue $0xFFFFFFFF  }
0x9a: {  	[spmem:s2] =	stream.indirect.scatter.add.f32 [tilespmem:s23], [sflag:$0x4], $0x1, s21, s16, $0x40b8;
	[tilespmem:$0x1FC00] =	vst v63  }
0x9b: {  	_ =	swait.ge [sflag:s12], $0x3F00  }
0x9c: {  	[sflag:s12] =	ssyncset.done $0x0  }
0x9d: {  	[sflag:s12] =	ssyncadd.s32 $0xFFFFC100  }
0x9e: {  	_ =	swait.ge [sflag:s12], $0x3F00  }
0x9f: {  	[sflag:s12] =	ssyncset.done $0x0  }
0xa0: {  	[sflag:s12] =	ssyncadd.s32 $0xFFFFC100  }
0xa1: {  	_ =	swait.ge [sflag:s14], $0x3F00  }
0xa2: {  	[sflag:s14] =	ssyncset.done $0x0  }
0xa3: {  	s0 =	rddreg [dreg:$0xf];
	[sflag:s14] =	ssyncadd.s32 $0xFFFFC100  }
0xa4: {  	[tilespmem:s21], [sflag:$0x2] =	stream.strided.gather [hbm4b:s0+s18], $0x3F00, s19, s18, $0x38;
	[tilespmem:$0x1FC00] =	vst v63  }
0xa5: {  	s1 =	rddreg [dreg:$0x10]  }
0xa6: {  	[tilespmem:s23], [sflag:$0x2] =	stream.linear.gather [hbm4b:s1+s3], $0x3F00, $0x38;
	[tilespmem:$0x1FC00] =	vst v63  }
0xa7: {  	(ifvalue) =	ssetifvalue $0xFFFFFFFF  }
0xa8: {  	[spmem:s2] =	stream.indirect.scatter.add.f32 [tilespmem:s9], [sflag:$0x3], $0x1, s8, s16, $0x40b8;
	[tilespmem:$0x1FC00] =	vst v63  }
0xa9: {  	_ =	swait.ge [sflag:s31], $0x3F00  }
0xaa: {  	[sflag:s31] =	ssyncset.done $0x0  }
0xab: {  	[sflag:s31] =	ssyncadd.s32 $0xFFFFC100  }
0xac: {  	_ =	swait.ge [sflag:s31], $0x3F00  }
0xad: {  	[sflag:s31] =	ssyncset.done $0x0  }
0xae: {  	[sflag:s31] =	ssyncadd.s32 $0xFFFFC100  }
0xaf: {  	_ =	swait.ge [sflag:s15], $0x3F00  }
0xb0: {  	[sflag:s15] =	ssyncset.done $0x0  }
0xb1: {  	s0 =	rddreg [dreg:$0x11];
	[sflag:s15] =	ssyncadd.s32 $0xFFFFC100  }
0xb2: {  	[tilespmem:s8], [sflag:$0x1] =	stream.strided.gather [hbm4b:s0+s18], $0x3F00, s19, s18, $0x38;
	[tilespmem:$0x1FC00] =	vst v63  }
0xb3: {  	s1 =	rddreg [dreg:$0x12]  }
0xb4: {  	[tilespmem:s9], [sflag:$0x1] =	stream.linear.gather [hbm4b:s1+s3], $0x3F00, $0x38;
	[tilespmem:$0x1FC00] =	vst v63  }
0xb5: {  	(ifvalue) =	ssetifvalue $0xFFFFFFFF  }
0xb6: {  	[spmem:s2] =	stream.indirect.scatter.add.f32 [tilespmem:s23], [sflag:$0x4], $0x1, s21, s16, $0x40b8;
	[tilespmem:$0x1FC00] =	vst v63  }
0xb7: {  	_ =	swait.ge [sflag:s12], $0x3F00  }
0xb8: {  	[sflag:s12] =	ssyncset.done $0x0  }
0xb9: {  	[sflag:s12] =	ssyncadd.s32 $0xFFFFC100  }
0xba: {  	_ =	swait.ge [sflag:s12], $0x3F00  }
0xbb: {  	[sflag:s12] =	ssyncset.done $0x0  }
0xbc: {  	[sflag:s12] =	ssyncadd.s32 $0xFFFFC100  }
0xbd: {  	_ =	swait.ge [sflag:s14], $0x3F00  }
0xbe: {  	[sflag:s14] =	ssyncset.done $0x0  }
0xbf: {  	s0 =	rddreg [dreg:$0x13];
	[sflag:s14] =	ssyncadd.s32 $0xFFFFC100  }
0xc0: {  	[tilespmem:s21], [sflag:$0x2] =	stream.strided.gather [hbm4b:s0+s18], $0x3F00, s19, s18, $0x38;
	[tilespmem:$0x1FC00] =	vst v63  }
0xc1: {  	s1 =	rddreg [dreg:$0x14]  }
0xc2: {  	[tilespmem:s23], [sflag:$0x2] =	stream.linear.gather [hbm4b:s1+s3], $0x3F00, $0x38;
	[tilespmem:$0x1FC00] =	vst v63  }
0xc3: {  	(ifvalue) =	ssetifvalue $0xFFFFFFFF  }
0xc4: {  	[spmem:s2] =	stream.indirect.scatter.add.f32 [tilespmem:s9], [sflag:$0x3], $0x1, s8, s16, $0x40b8;
	[tilespmem:$0x1FC00] =	vst v63  }
0xc5: {  	_ =	swait.ge [sflag:s31], $0x3F00  }
0xc6: {  	[sflag:s31] =	ssyncset.done $0x0  }
0xc7: {  	[sflag:s31] =	ssyncadd.s32 $0xFFFFC100  }
0xc8: {  	_ =	swait.ge [sflag:s31], $0x3F00  }
0xc9: {  	[sflag:s31] =	ssyncset.done $0x0  }
0xca: {  	[sflag:s31] =	ssyncadd.s32 $0xFFFFC100  }
0xcb: {  	_ =	swait.ge [sflag:s15], $0x3F00  }
0xcc: {  	[sflag:s15] =	ssyncset.done $0x0  }
0xcd: {  	s0 =	rddreg [dreg:$0x15];
	[sflag:s15] =	ssyncadd.s32 $0xFFFFC100  }
0xce: {  	[tilespmem:s8], [sflag:$0x1] =	stream.strided.gather [hbm4b:s0+s18], $0x3F00, s19, s18, $0x38;
	[tilespmem:$0x1FC00] =	vst v63  }
0xcf: {  	s1 =	rddreg [dreg:$0x16]  }
0xd0: {  	[tilespmem:s9], [sflag:$0x1] =	stream.linear.gather [hbm4b:s1+s3], $0x3F00, $0x38;
	[tilespmem:$0x1FC00] =	vst v63  }
0xd1: {  	(ifvalue) =	ssetifvalue $0xFFFFFFFF  }
0xd2: {  	[spmem:s2] =	stream.indirect.scatter.add.f32 [tilespmem:s23], [sflag:$0x4], $0x1, s21, s16, $0x40b8;
	[tilespmem:$0x1FC00] =	vst v63  }
0xd3: {  	_ =	swait.ge [sflag:s12], $0x3F00  }
0xd4: {  	[sflag:s12] =	ssyncset.done $0x0  }
0xd5: {  	[sflag:s12] =	ssyncadd.s32 $0xFFFFC100  }
0xd6: {  	_ =	swait.ge [sflag:s12], $0x3F00  }
0xd7: {  	[sflag:s12] =	ssyncset.done $0x0  }
0xd8: {  	[sflag:s12] =	ssyncadd.s32 $0xFFFFC100  }
0xd9: {  	_ =	swait.ge [sflag:s14], $0x3F00  }
0xda: {  	[sflag:s14] =	ssyncset.done $0x0  }
0xdb: {  	s0 =	rddreg [dreg:$0x17];
	[sflag:s14] =	ssyncadd.s32 $0xFFFFC100  }
0xdc: {  	[tilespmem:s21], [sflag:$0x2] =	stream.strided.gather [hbm4b:s0+s18], $0x3F00, s19, s18, $0x38;
	[tilespmem:$0x1FC00] =	vst v63  }
0xdd: {  	s1 =	rddreg [dreg:$0x18]  }
0xde: {  	[tilespmem:s23], [sflag:$0x2] =	stream.linear.gather [hbm4b:s1+s3], $0x3F00, $0x38;
	[tilespmem:$0x1FC00] =	vst v63  }
0xdf: {  	(ifvalue) =	ssetifvalue $0xFFFFFFFF  }
0xe0: {  	[spmem:s2] =	stream.indirect.scatter.add.f32 [tilespmem:s9], [sflag:$0x3], $0x1, s8, s16, $0x40b8;
	[tilespmem:$0x1FC00] =	vst v63  }
0xe1: {  	_ =	swait.ge [sflag:s31], $0x3F00  }
0xe2: {  	[sflag:s31] =	ssyncset.done $0x0  }
0xe3: {  	[sflag:s31] =	ssyncadd.s32 $0xFFFFC100  }
0xe4: {  	_ =	swait.ge [sflag:s31], $0x3F00  }
0xe5: {  	[sflag:s31] =	ssyncset.done $0x0  }
0xe6: {  	[sflag:s31] =	ssyncadd.s32 $0xFFFFC100  }
0xe7: {  	_ =	swait.ge [sflag:s15], $0x3F00  }
0xe8: {  	[sflag:s15] =	ssyncset.done $0x0  }
0xe9: {  	s0 =	rddreg [dreg:$0x19];
	[sflag:s15] =	ssyncadd.s32 $0xFFFFC100  }
0xea: {  	[tilespmem:s8], [sflag:$0x1] =	stream.strided.gather [hbm4b:s0+s18], $0x3F00, s19, s18, $0x38;
	[tilespmem:$0x1FC00] =	vst v63  }
0xeb: {  	s1 =	rddreg [dreg:$0x1a]  }
0xec: {  	[tilespmem:s9], [sflag:$0x1] =	stream.linear.gather [hbm4b:s1+s3], $0x3F00, $0x38;
	[tilespmem:$0x1FC00] =	vst v63  }
0xed: {  	(ifvalue) =	ssetifvalue $0xFFFFFFFF  }
0xee: {  	[spmem:s2] =	stream.indirect.scatter.add.f32 [tilespmem:s23], [sflag:$0x4], $0x1, s21, s16, $0x40b8;
	[tilespmem:$0x1FC00] =	vst v63  }
0xef: {  	_ =	swait.ge [sflag:s12], $0x3F00  }
0xf0: {  	[sflag:s12] =	ssyncset.done $0x0  }
0xf1: {  	[sflag:s12] =	ssyncadd.s32 $0xFFFFC100  }
0xf2: {  	_ =	swait.ge [sflag:s12], $0x3F00  }
0xf3: {  	[sflag:s12] =	ssyncset.done $0x0  }
0xf4: {  	[sflag:s12] =	ssyncadd.s32 $0xFFFFC100  }
0xf5: {  	_ =	swait.ge [sflag:s14], $0x3F00  }
0xf6: {  	[sflag:s14] =	ssyncset.done $0x0  }
0xf7: {  	s0 =	rddreg [dreg:$0x1b];
	[sflag:s14] =	ssyncadd.s32 $0xFFFFC100  }
0xf8: {  	[tilespmem:s21], [sflag:$0x2] =	stream.strided.gather [hbm4b:s0+s18], $0x3F00, s19, s18, $0x38;
	[tilespmem:$0x1FC00] =	vst v63  }
0xf9: {  	s1 =	rddreg [dreg:$0x1c]  }
0xfa: {  	[tilespmem:s23], [sflag:$0x2] =	stream.linear.gather [hbm4b:s1+s3], $0x3F00, $0x38;
	[tilespmem:$0x1FC00] =	vst v63  }
0xfb: {  	(ifvalue) =	ssetifvalue $0xFFFFFFFF  }
0xfc: {  	[spmem:s2] =	stream.indirect.scatter.add.f32 [tilespmem:s9], [sflag:$0x3], $0x1, s8, s16, $0x40b8;
	[tilespmem:$0x1FC00] =	vst v63  }
0xfd: {  	_ =	swait.ge [sflag:s31], $0x3F00  }
0xfe: {  	[sflag:s31] =	ssyncset.done $0x0  }
0xff: {  	[sflag:s31] =	ssyncadd.s32 $0xFFFFC100  }
0x100: {  	_ =	swait.ge [sflag:s31], $0x3F00  }
0x101: {  	[sflag:s31] =	ssyncset.done $0x0  }
0x102: {  	[sflag:s31] =	ssyncadd.s32 $0xFFFFC100  }
0x103: {  	_ =	swait.ge [sflag:s15], $0x3F00  }
0x104: {  	[sflag:s15] =	ssyncset.done $0x0  }
0x105: {  	s0 =	rddreg [dreg:$0x1d];
	[sflag:s15] =	ssyncadd.s32 $0xFFFFC100  }
0x106: {  	[tilespmem:s8], [sflag:$0x1] =	stream.strided.gather [hbm4b:s0+s18], $0x3F00, s19, s18, $0x38;
	[tilespmem:$0x1FC00] =	vst v63  }
0x107: {  	s1 =	rddreg [dreg:$0x1e]  }
0x108: {  	[tilespmem:s9], [sflag:$0x1] =	stream.linear.gather [hbm4b:s1+s3], $0x3F00, $0x38;
	[tilespmem:$0x1FC00] =	vst v63  }
0x109: {  	(ifvalue) =	ssetifvalue $0xFFFFFFFF  }
0x10a: {  	[spmem:s2] =	stream.indirect.scatter.add.f32 [tilespmem:s23], [sflag:$0x4], $0x1, s21, s16, $0x40b8;
	[tilespmem:$0x1FC00] =	vst v63  }
0x10b: {  	_ =	swait.ge [sflag:s12], $0x3F00  }
0x10c: {  	[sflag:s12] =	ssyncset.done $0x0  }
0x10d: {  	[sflag:s12] =	ssyncadd.s32 $0xFFFFC100  }
0x10e: {  	_ =	swait.ge [sflag:s12], $0x3F00  }
0x10f: {  	[sflag:s12] =	ssyncset.done $0x0  }
0x110: {  	[sflag:s12] =	ssyncadd.s32 $0xFFFFC100  }
0x111: {  	_ =	swait.ge [sflag:s14], $0x3F00  }
0x112: {  	s0 =	rddreg [dreg:$0x1f];
	[sflag:s14] =	ssyncset.done $0x0  }
0x113: {  	s1 =	sld [smem:$0x7FB];
	[sflag:s14] =	ssyncadd.s32 $0xFFFFC100  }
0x114: {  	[tilespmem:s21], [sflag:$0x2] =	stream.strided.gather [hbm4b:s0+s18], $0x3F00, s19, s18, $0x38;
	[tilespmem:$0x1FC00] =	vst v63  }
0x115: {  	_ = 	snop  }
0x116: {  	[tilespmem:s23], [sflag:$0x2] =	stream.linear.gather [hbm4b:s1+s3], $0x3F00, $0x38;
	[tilespmem:$0x1FC00] =	vst v63  }
0x117: {  	(ifvalue) =	ssetifvalue $0xFFFFFFFF  }
0x118: {  	[spmem:s2] =	stream.indirect.scatter.add.f32 [tilespmem:s9], [sflag:$0x3], $0x1, s8, s16, $0x40b8;
	[tilespmem:$0x1FC00] =	vst v63  }
0x119: {  	_ =	swait.ge [sflag:s31], $0x3F00  }
0x11a: {  	[sflag:s31] =	ssyncset.done $0x0  }
0x11b: {  	[sflag:s31] =	ssyncadd.s32 $0xFFFFC100  }
0x11c: {  	_ =	swait.ge [sflag:s31], $0x3F00  }
0x11d: {  	[sflag:s31] =	ssyncset.done $0x0  }
0x11e: {  	[sflag:s31] =	ssyncadd.s32 $0xFFFFC100  }
0x11f: {  	_ =	swait.ge [sflag:s15], $0x3F00  }
0x120: {  	s0 =	sld [smem:$0x7FC]  }
0x121: {  	[sflag:s15] =	ssyncset.done $0x0  }
0x122: {  	s1 =	sld [smem:$0x7FD];
	[sflag:s15] =	ssyncadd.s32 $0xFFFFC100  }
0x123: {  	[tilespmem:s8], [sflag:$0x1] =	stream.strided.gather [hbm4b:s0+s18], $0x3F00, s19, s18, $0x38;
	[tilespmem:$0x1FC00] =	vst v63  }
0x124: {  	_ = 	snop  }
0x125: {  	[tilespmem:s9], [sflag:$0x1] =	stream.linear.gather [hbm4b:s1+s3], $0x3F00, $0x38;
	[tilespmem:$0x1FC00] =	vst v63  }
0x126: {  	(ifvalue) =	ssetifvalue $0xFFFFFFFF  }
0x127: {  	[spmem:s2] =	stream.indirect.scatter.add.f32 [tilespmem:s23], [sflag:$0x4], $0x1, s21, s16, $0x40b8;
	[tilespmem:$0x1FC00] =	vst v63  }
0x128: {  	_ =	swait.ge [sflag:s12], $0x3F00  }
0x129: {  	[sflag:s12] =	ssyncset.done $0x0  }
0x12a: {  	[sflag:s12] =	ssyncadd.s32 $0xFFFFC100  }
0x12b: {  	_ =	swait.ge [sflag:s12], $0x3F00  }
0x12c: {  	[sflag:s12] =	ssyncset.done $0x0  }
0x12d: {  	[sflag:s12] =	ssyncadd.s32 $0xFFFFC100  }
0x12e: {  	_ =	swait.ge [sflag:s14], $0x3F00  }
0x12f: {  	[sflag:s14] =	ssyncset.done $0x0  }
0x130: {  	[sflag:s14] =	ssyncadd.s32 $0xFFFFC100  }
0x131: {  	[tilespmem:s21], [sflag:$0x2] =	stream.strided.gather [hbm4b:s26+s18], $0x3F00, s19, s18, $0x38;
	[tilespmem:$0x1FC00] =	vst v63  }
0x132: {  	_ = 	snop  }
0x133: {  	[tilespmem:s23], [sflag:$0x2] =	stream.linear.gather [hbm4b:s28+s3], $0x3F00, $0x38;
	[tilespmem:$0x1FC00] =	vst v63  }
0x134: {  	(ifvalue) =	ssetifvalue $0xFFFFFFFF  }
0x135: {  	[spmem:s2] =	stream.indirect.scatter.add.f32 [tilespmem:s9], [sflag:$0x3], $0x1, s8, s16, $0x40b8;
	[tilespmem:$0x1FC00] =	vst v63  }
0x136: {  	_ =	swait.ge [sflag:s31], $0x3F00  }
0x137: {  	[sflag:s31] =	ssyncset.done $0x0  }
0x138: {  	[sflag:s31] =	ssyncadd.s32 $0xFFFFC100  }
0x139: {  	_ =	swait.ge [sflag:s31], $0x3F00  }
0x13a: {  	[sflag:s31] =	ssyncset.done $0x0  }
0x13b: {  	[sflag:s31] =	ssyncadd.s32 $0xFFFFC100  }
0x13c: {  	_ =	swait.ge [sflag:s15], $0x3F00  }
0x13d: {  	[sflag:s15] =	ssyncset.done $0x0  }
0x13e: {  	[sflag:s15] =	ssyncadd.s32 $0xFFFFC100  }
0x13f: {  	[tilespmem:s8], [sflag:$0x1] =	stream.strided.gather [hbm4b:s25+s18], $0x3F00, s19, s18, $0x38;
	[tilespmem:$0x1FC00] =	vst v63  }
0x140: {  	_ = 	snop  }
0x141: {  	[tilespmem:s9], [sflag:$0x1] =	stream.linear.gather [hbm4b:s30+s3], $0x3F00, $0x38;
	[tilespmem:$0x1FC00] =	vst v63  }
0x142: {  	(ifvalue) =	ssetifvalue $0xFFFFFFFF  }
0x143: {  	[spmem:s2] =	stream.indirect.scatter.add.f32 [tilespmem:s23], [sflag:$0x4], $0x1, s21, s16, $0x40b8;
	[tilespmem:$0x1FC00] =	vst v63  }
0x144: {  	_ =	swait.ge [sflag:s12], $0x3F00  }
0x145: {  	[sflag:s12] =	ssyncset.done $0x0  }
0x146: {  	[sflag:s12] =	ssyncadd.s32 $0xFFFFC100  }
0x147: {  	_ =	swait.ge [sflag:s12], $0x3F00  }
0x148: {  	[sflag:s12] =	ssyncset.done $0x0  }
0x149: {  	[sflag:s12] =	ssyncadd.s32 $0xFFFFC100  }
0x14a: {  	_ =	swait.ge [sflag:s14], $0x3F00  }
0x14b: {  	[sflag:s14] =	ssyncset.done $0x0  }
0x14c: {  	[sflag:s14] =	ssyncadd.s32 $0xFFFFC100  }
0x14d: {  	[tilespmem:s21], [sflag:$0x2] =	stream.strided.gather [hbm4b:s22+s18], $0x3F00, s19, s18, $0x38;
	[tilespmem:$0x1FC00] =	vst v63  }
0x14e: {  	_ = 	snop  }
0x14f: {  	[tilespmem:s23], [sflag:$0x2] =	stream.linear.gather [hbm4b:s29+s3], $0x3F00, $0x38;
	[tilespmem:$0x1FC00] =	vst v63  }
0x150: {  	(ifvalue) =	ssetifvalue $0xFFFFFFFF  }
0x151: {  	[spmem:s2] =	stream.indirect.scatter.add.f32 [tilespmem:s9], [sflag:$0x3], $0x1, s8, s16, $0x40b8;
	[tilespmem:$0x1FC00] =	vst v63  }
0x152: {  	_ =	swait.ge [sflag:s31], $0x3F00  }
0x153: {  	[sflag:s31] =	ssyncset.done $0x0  }
0x154: {  	[sflag:s31] =	ssyncadd.s32 $0xFFFFC100  }
0x155: {  	_ =	swait.ge [sflag:s31], $0x3F00  }
0x156: {  	[sflag:s31] =	ssyncset.done $0x0  }
0x157: {  	[sflag:s31] =	ssyncadd.s32 $0xFFFFC100  }
0x158: {  	_ =	swait.ge [sflag:s15], $0x3F00  }
0x159: {  	[sflag:s15] =	ssyncset.done $0x0  }
0x15a: {  	[sflag:s15] =	ssyncadd.s32 $0xFFFFC100  }
0x15b: {  	[tilespmem:s8], [sflag:$0x1] =	stream.strided.gather [hbm4b:s20+s18], $0x3F00, s19, s18, $0x38;
	[tilespmem:$0x1FC00] =	vst v63  }
0x15c: {  	_ = 	snop  }
0x15d: {  	[tilespmem:s9], [sflag:$0x1] =	stream.linear.gather [hbm4b:s24+s3], $0x3F00, $0x38;
	[tilespmem:$0x1FC00] =	vst v63  }
0x15e: {  	(ifvalue) =	ssetifvalue $0xFFFFFFFF  }
0x15f: {  	[spmem:s2] =	stream.indirect.scatter.add.f32 [tilespmem:s23], [sflag:$0x4], $0x1, s21, s16, $0x40b8;
	[tilespmem:$0x1FC00] =	vst v63  }
0x160: {  	_ =	swait.ge [sflag:s12], $0x3F00  }
0x161: {  	[sflag:s12] =	ssyncset.done $0x0  }
0x162: {  	[sflag:s12] =	ssyncadd.s32 $0xFFFFC100  }
0x163: {  	_ =	swait.ge [sflag:s12], $0x3F00  }
0x164: {  	[sflag:s12] =	ssyncset.done $0x0  }
0x165: {  	[sflag:s12] =	ssyncadd.s32 $0xFFFFC100  }
0x166: {  	_ =	swait.ge [sflag:s14], $0x3F00  }
0x167: {  	[sflag:s14] =	ssyncset.done $0x0  }
0x168: {  	[sflag:s14] =	ssyncadd.s32 $0xFFFFC100  }
0x169: {  	[tilespmem:s21], [sflag:$0x2] =	stream.strided.gather [hbm4b:s13+s18], $0x3F00, s19, s18, $0x38;
	[tilespmem:$0x1FC00] =	vst v63  }
0x16a: {  	_ = 	snop  }
0x16b: {  	[tilespmem:s23], [sflag:$0x2] =	stream.linear.gather [hbm4b:s17+s3], $0x3F00, $0x38;
	[tilespmem:$0x1FC00] =	vst v63  }
0x16c: {  	(ifvalue) =	ssetifvalue $0xFFFFFFFF  }
0x16d: {  	[spmem:s2] =	stream.indirect.scatter.add.f32 [tilespmem:s9], [sflag:$0x3], $0x1, s8, s16, $0x40b8;
	[tilespmem:$0x1FC00] =	vst v63  }
0x16e: {  	_ =	swait.ge [sflag:s31], $0x3F00  }
0x16f: {  	[sflag:s31] =	ssyncset.done $0x0  }
0x170: {  	[sflag:s31] =	ssyncadd.s32 $0xFFFFC100  }
0x171: {  	_ =	swait.ge [sflag:s31], $0x3F00  }
0x172: {  	[sflag:s31] =	ssyncset.done $0x0  }
0x173: {  	[sflag:s31] =	ssyncadd.s32 $0xFFFFC100  }
0x174: {  	_ =	swait.ge [sflag:s15], $0x3F00  }
0x175: {  	[sflag:s15] =	ssyncset.done $0x0  }
0x176: {  	[sflag:s15] =	ssyncadd.s32 $0xFFFFC100  }
0x177: {  	[tilespmem:s8], [sflag:$0x1] =	stream.strided.gather [hbm4b:s10+s18], $0x3F00, s19, s18, $0x38;
	[tilespmem:$0x1FC00] =	vst v63  }
0x178: {  	_ = 	snop  }
0x179: {  	[tilespmem:s9], [sflag:$0x1] =	stream.linear.gather [hbm4b:s11+s3], $0x3F00, $0x38;
	[tilespmem:$0x1FC00] =	vst v63  }
0x17a: {  	(ifvalue) =	ssetifvalue $0xFFFFFFFF  }
0x17b: {  	[spmem:s2] =	stream.indirect.scatter.add.f32 [tilespmem:s23], [sflag:$0x4], $0x1, s21, s16, $0x40b8;
	[tilespmem:$0x1FC00] =	vst v63  }
0x17c: {  	_ =	swait.ge [sflag:s12], $0x3F00  }
0x17d: {  	[sflag:s12] =	ssyncset.done $0x0  }
0x17e: {  	[sflag:s12] =	ssyncadd.s32 $0xFFFFC100  }
0x17f: {  	_ =	swait.ge [sflag:s12], $0x3F00  }
0x180: {  	[sflag:s12] =	ssyncset.done $0x0  }
0x181: {  	[sflag:s12] =	ssyncadd.s32 $0xFFFFC100;
	(ifvalue) =	ssetifvalue $0xFFFFFFFF  }
0x182: {  	[spmem:s2] =	stream.indirect.scatter.add.f32 [tilespmem:s9], [sflag:$0x3], $0x1, s8, s16, $0x40b8;
	[tilespmem:$0x1FC00] =	vst v63  }
0x183: {  	_ =	swait.ge [sflag:s15], $0x3F00  }
0x184: {  	[sflag:s15] =	ssyncset.done $0x0  }
0x185: {  	[sflag:s15] =	ssyncadd.s32 $0xFFFFC100  }
0x186: {  	_ =	swait.ge [sflag:s14], $0x3F00  }
0x187: {  	[sflag:s14] =	ssyncset.done $0x0  }
0x188: {  	[sflag:s14] =	ssyncadd.s32 $0xFFFFC100  }
0x189: {  	[bflag:$0x0] =	sbarrier.arrive $0xFFFF  }
0x18a: {  	[hbm:s5], [sflag:s4] =	dma.local [spmem:s7], $0x2000  }
0x18b: {  	s1 =	sld [smem:$0x7FA];
	_ =	sdelay $0x2  }
0x18c: {  	p1 =	sne.s32 s1, $0x1  }
.Ltmp1:
0x18d: {  	_ = 	snop;
	(pc) =	sbr.rel @!p1 .LBB2_3-.Ltmp1, $3  }
0x18e: {  	_ =	sdelay $0x1  }
0x18f: {  	p0 =	por $0x1, $0x1;
	_ =	swait.ge [sflag:s6], $0x2000  }
0x190: {  	[sflag:s6] =	ssyncset.done $0x0;
	s0 =	sadd.s32 $0xFFFFFFFF, s1;
	s1 =	rddreg [dreg:$0x4]  }
.LBB2_2:
0x191: {  	[sflag:s6] =	ssyncadd.s32 $0xFFFFE000  }
0x192: {  	[spmem:s7], [sflag:s4] =	dma.local [hbm:s1], $0x2000  }
0x193: {  	_ =	swait.ge [sflag:s6], $0x2000  }
0x194: {  	[sflag:s6] =	ssyncset.done $0x0  }
0x195: {  	[sflag:s6] =	ssyncadd.s32 $0xFFFFE000  }
0x196: {  	s6 =	smov.u32 s7;
	s7 =	smov.u32 s4;
	s4 =	smov.u32 s30  }
0x197: {  	s30 =	smov.u32 s29;
	s29 =	smov.u32 s28;
	s28 =	smov.u32 s26  }
0x198: {  	s26 =	smov.u32 s25;
	s25 =	smov.u32 s24;
	s24 =	smov.u32 s22  }
0x199: {  	s22 =	smov.u32 s20;
	s20 =	smov.u32 s17;
	[bflag:$0x0] =	sbarrier.arrive $0xFFFF  }
0x19a: {  	s17 =	smov.u32 s13;
	s13 =	smov.u32 s11;
	s1 =	rddreg [dreg:$0x5]  }
0x19b: {  	[tilespmem:s8], [sflag:$0x1] =	stream.strided.gather [hbm4b:s1+s18], $0x3F00, s19, s18, $0x38;
	[tilespmem:$0x1FC00] =	vst v63  }
0x19c: {  	s11 =	smov.u32 s10;
	s10 =	smov.u32 s5;
	s5 =	rddreg [dreg:$0x6]  }
0x19d: {  	[tilespmem:s9], [sflag:$0x1] =	stream.linear.gather [hbm4b:s5+s3], $0x3F00, $0x38;
	[tilespmem:$0x1FC00] =	vst v63  }
0x19e: {  	_ =	swait.ge [sflag:s12], $0x3F00  }
0x19f: {  	[sflag:s12] =	ssyncset.done $0x0  }
0x1a0: {  	[sflag:s12] =	ssyncadd.s32 $0xFFFFC100  }
0x1a1: {  	_ =	swait.ge [sflag:s12], $0x3F00  }
0x1a2: {  	[sflag:s12] =	ssyncset.done $0x0  }
0x1a3: {  	s1 =	rddreg [dreg:$0x7];
	[sflag:s12] =	ssyncadd.s32 $0xFFFFC100  }
0x1a4: {  	[tilespmem:s21], [sflag:$0x2] =	stream.strided.gather [hbm4b:s1+s18], $0x3F00, s19, s18, $0x38;
	[tilespmem:$0x1FC00] =	vst v63  }
0x1a5: {  	s5 =	rddreg [dreg:$0x8]  }
0x1a6: {  	[tilespmem:s23], [sflag:$0x2] =	stream.linear.gather [hbm4b:s5+s3], $0x3F00, $0x38;
	[tilespmem:$0x1FC00] =	vst v63  }
0x1a7: {  	(ifvalue) =	ssetifvalue $0xFFFFFFFF  }
0x1a8: {  	[spmem:s2] =	stream.indirect.scatter.add.f32 [tilespmem:s9], [sflag:$0x3], $0x1, s8, s16, $0x40b8;
	[tilespmem:$0x1FC00] =	vst v63  }
0x1a9: {  	_ =	swait.ge [sflag:s31], $0x3F00  }
0x1aa: {  	[sflag:s31] =	ssyncset.done $0x0  }
0x1ab: {  	[sflag:s31] =	ssyncadd.s32 $0xFFFFC100  }
0x1ac: {  	_ =	swait.ge [sflag:s31], $0x3F00  }
0x1ad: {  	[sflag:s31] =	ssyncset.done $0x0  }
0x1ae: {  	[sflag:s31] =	ssyncadd.s32 $0xFFFFC100  }
0x1af: {  	_ =	swait.ge [sflag:s15], $0x3F00  }
0x1b0: {  	[sflag:s15] =	ssyncset.done $0x0  }
0x1b1: {  	s1 =	rddreg [dreg:$0x9];
	[sflag:s15] =	ssyncadd.s32 $0xFFFFC100  }
0x1b2: {  	[tilespmem:s8], [sflag:$0x1] =	stream.strided.gather [hbm4b:s1+s18], $0x3F00, s19, s18, $0x38;
	[tilespmem:$0x1FC00] =	vst v63  }
0x1b3: {  	s5 =	rddreg [dreg:$0xa]  }
0x1b4: {  	[tilespmem:s9], [sflag:$0x1] =	stream.linear.gather [hbm4b:s5+s3], $0x3F00, $0x38;
	[tilespmem:$0x1FC00] =	vst v63  }
0x1b5: {  	(ifvalue) =	ssetifvalue $0xFFFFFFFF  }
0x1b6: {  	[spmem:s2] =	stream.indirect.scatter.add.f32 [tilespmem:s23], [sflag:$0x4], $0x1, s21, s16, $0x40b8;
	[tilespmem:$0x1FC00] =	vst v63  }
0x1b7: {  	_ =	swait.ge [sflag:s12], $0x3F00  }
0x1b8: {  	[sflag:s12] =	ssyncset.done $0x0  }
0x1b9: {  	[sflag:s12] =	ssyncadd.s32 $0xFFFFC100  }
0x1ba: {  	_ =	swait.ge [sflag:s12], $0x3F00  }
0x1bb: {  	[sflag:s12] =	ssyncset.done $0x0  }
0x1bc: {  	[sflag:s12] =	ssyncadd.s32 $0xFFFFC100  }
0x1bd: {  	_ =	swait.ge [sflag:s14], $0x3F00  }
0x1be: {  	[sflag:s14] =	ssyncset.done $0x0  }
0x1bf: {  	s1 =	rddreg [dreg:$0xb];
	[sflag:s14] =	ssyncadd.s32 $0xFFFFC100  }
0x1c0: {  	[tilespmem:s21], [sflag:$0x2] =	stream.strided.gather [hbm4b:s1+s18], $0x3F00, s19, s18, $0x38;
	[tilespmem:$0x1FC00] =	vst v63  }
0x1c1: {  	s5 =	rddreg [dreg:$0xc]  }
0x1c2: {  	[tilespmem:s23], [sflag:$0x2] =	stream.linear.gather [hbm4b:s5+s3], $0x3F00, $0x38;
	[tilespmem:$0x1FC00] =	vst v63  }
0x1c3: {  	(ifvalue) =	ssetifvalue $0xFFFFFFFF  }
0x1c4: {  	[spmem:s2] =	stream.indirect.scatter.add.f32 [tilespmem:s9], [sflag:$0x3], $0x1, s8, s16, $0x40b8;
	[tilespmem:$0x1FC00] =	vst v63  }
0x1c5: {  	_ =	swait.ge [sflag:s31], $0x3F00  }
0x1c6: {  	[sflag:s31] =	ssyncset.done $0x0  }
0x1c7: {  	[sflag:s31] =	ssyncadd.s32 $0xFFFFC100  }
0x1c8: {  	_ =	swait.ge [sflag:s31], $0x3F00  }
0x1c9: {  	[sflag:s31] =	ssyncset.done $0x0  }
0x1ca: {  	[sflag:s31] =	ssyncadd.s32 $0xFFFFC100  }
0x1cb: {  	_ =	swait.ge [sflag:s15], $0x3F00  }
0x1cc: {  	[sflag:s15] =	ssyncset.done $0x0  }
0x1cd: {  	s1 =	rddreg [dreg:$0xd];
	[sflag:s15] =	ssyncadd.s32 $0xFFFFC100  }
0x1ce: {  	[tilespmem:s8], [sflag:$0x1] =	stream.strided.gather [hbm4b:s1+s18], $0x3F00, s19, s18, $0x38;
	[tilespmem:$0x1FC00] =	vst v63  }
0x1cf: {  	s5 =	rddreg [dreg:$0xe]  }
0x1d0: {  	[tilespmem:s9], [sflag:$0x1] =	stream.linear.gather [hbm4b:s5+s3], $0x3F00, $0x38;
	[tilespmem:$0x1FC00] =	vst v63  }
0x1d1: {  	(ifvalue) =	ssetifvalue $0xFFFFFFFF  }
0x1d2: {  	[spmem:s2] =	stream.indirect.scatter.add.f32 [tilespmem:s23], [sflag:$0x4], $0x1, s21, s16, $0x40b8;
	[tilespmem:$0x1FC00] =	vst v63  }
0x1d3: {  	_ =	swait.ge [sflag:s12], $0x3F00  }
0x1d4: {  	[sflag:s12] =	ssyncset.done $0x0  }
0x1d5: {  	[sflag:s12] =	ssyncadd.s32 $0xFFFFC100  }
0x1d6: {  	_ =	swait.ge [sflag:s12], $0x3F00  }
0x1d7: {  	[sflag:s12] =	ssyncset.done $0x0  }
0x1d8: {  	[sflag:s12] =	ssyncadd.s32 $0xFFFFC100  }
0x1d9: {  	_ =	swait.ge [sflag:s14], $0x3F00  }
0x1da: {  	[sflag:s14] =	ssyncset.done $0x0  }
0x1db: {  	s1 =	rddreg [dreg:$0xf];
	[sflag:s14] =	ssyncadd.s32 $0xFFFFC100  }
0x1dc: {  	[tilespmem:s21], [sflag:$0x2] =	stream.strided.gather [hbm4b:s1+s18], $0x3F00, s19, s18, $0x38;
	[tilespmem:$0x1FC00] =	vst v63  }
0x1dd: {  	s5 =	rddreg [dreg:$0x10]  }
0x1de: {  	[tilespmem:s23], [sflag:$0x2] =	stream.linear.gather [hbm4b:s5+s3], $0x3F00, $0x38;
	[tilespmem:$0x1FC00] =	vst v63  }
0x1df: {  	(ifvalue) =	ssetifvalue $0xFFFFFFFF  }
0x1e0: {  	[spmem:s2] =	stream.indirect.scatter.add.f32 [tilespmem:s9], [sflag:$0x3], $0x1, s8, s16, $0x40b8;
	[tilespmem:$0x1FC00] =	vst v63  }
0x1e1: {  	_ =	swait.ge [sflag:s31], $0x3F00  }
0x1e2: {  	[sflag:s31] =	ssyncset.done $0x0  }
0x1e3: {  	[sflag:s31] =	ssyncadd.s32 $0xFFFFC100  }
0x1e4: {  	_ =	swait.ge [sflag:s31], $0x3F00  }
0x1e5: {  	[sflag:s31] =	ssyncset.done $0x0  }
0x1e6: {  	[sflag:s31] =	ssyncadd.s32 $0xFFFFC100  }
0x1e7: {  	_ =	swait.ge [sflag:s15], $0x3F00  }
0x1e8: {  	[sflag:s15] =	ssyncset.done $0x0  }
0x1e9: {  	s1 =	rddreg [dreg:$0x11];
	[sflag:s15] =	ssyncadd.s32 $0xFFFFC100  }
0x1ea: {  	[tilespmem:s8], [sflag:$0x1] =	stream.strided.gather [hbm4b:s1+s18], $0x3F00, s19, s18, $0x38;
	[tilespmem:$0x1FC00] =	vst v63  }
0x1eb: {  	s5 =	rddreg [dreg:$0x12]  }
0x1ec: {  	[tilespmem:s9], [sflag:$0x1] =	stream.linear.gather [hbm4b:s5+s3], $0x3F00, $0x38;
	[tilespmem:$0x1FC00] =	vst v63  }
0x1ed: {  	(ifvalue) =	ssetifvalue $0xFFFFFFFF  }
0x1ee: {  	[spmem:s2] =	stream.indirect.scatter.add.f32 [tilespmem:s23], [sflag:$0x4], $0x1, s21, s16, $0x40b8;
	[tilespmem:$0x1FC00] =	vst v63  }
0x1ef: {  	_ =	swait.ge [sflag:s12], $0x3F00  }
0x1f0: {  	[sflag:s12] =	ssyncset.done $0x0  }
0x1f1: {  	[sflag:s12] =	ssyncadd.s32 $0xFFFFC100  }
0x1f2: {  	_ =	swait.ge [sflag:s12], $0x3F00  }
0x1f3: {  	[sflag:s12] =	ssyncset.done $0x0  }
0x1f4: {  	[sflag:s12] =	ssyncadd.s32 $0xFFFFC100  }
0x1f5: {  	_ =	swait.ge [sflag:s14], $0x3F00  }
0x1f6: {  	[sflag:s14] =	ssyncset.done $0x0  }
0x1f7: {  	s1 =	rddreg [dreg:$0x13];
	[sflag:s14] =	ssyncadd.s32 $0xFFFFC100  }
0x1f8: {  	[tilespmem:s21], [sflag:$0x2] =	stream.strided.gather [hbm4b:s1+s18], $0x3F00, s19, s18, $0x38;
	[tilespmem:$0x1FC00] =	vst v63  }
0x1f9: {  	s5 =	rddreg [dreg:$0x14]  }
0x1fa: {  	[tilespmem:s23], [sflag:$0x2] =	stream.linear.gather [hbm4b:s5+s3], $0x3F00, $0x38;
	[tilespmem:$0x1FC00] =	vst v63  }
0x1fb: {  	(ifvalue) =	ssetifvalue $0xFFFFFFFF  }
0x1fc: {  	[spmem:s2] =	stream.indirect.scatter.add.f32 [tilespmem:s9], [sflag:$0x3], $0x1, s8, s16, $0x40b8;
	[tilespmem:$0x1FC00] =	vst v63  }
0x1fd: {  	_ =	swait.ge [sflag:s31], $0x3F00  }
0x1fe: {  	[sflag:s31] =	ssyncset.done $0x0  }
0x1ff: {  	[sflag:s31] =	ssyncadd.s32 $0xFFFFC100  }
0x200: {  	_ =	swait.ge [sflag:s31], $0x3F00  }
0x201: {  	[sflag:s31] =	ssyncset.done $0x0  }
0x202: {  	[sflag:s31] =	ssyncadd.s32 $0xFFFFC100  }
0x203: {  	_ =	swait.ge [sflag:s15], $0x3F00  }
0x204: {  	[sflag:s15] =	ssyncset.done $0x0  }
0x205: {  	s1 =	rddreg [dreg:$0x15];
	[sflag:s15] =	ssyncadd.s32 $0xFFFFC100  }
0x206: {  	[tilespmem:s8], [sflag:$0x1] =	stream.strided.gather [hbm4b:s1+s18], $0x3F00, s19, s18, $0x38;
	[tilespmem:$0x1FC00] =	vst v63  }
0x207: {  	s5 =	rddreg [dreg:$0x16]  }
0x208: {  	[tilespmem:s9], [sflag:$0x1] =	stream.linear.gather [hbm4b:s5+s3], $0x3F00, $0x38;
	[tilespmem:$0x1FC00] =	vst v63  }
0x209: {  	(ifvalue) =	ssetifvalue $0xFFFFFFFF  }
0x20a: {  	[spmem:s2] =	stream.indirect.scatter.add.f32 [tilespmem:s23], [sflag:$0x4], $0x1, s21, s16, $0x40b8;
	[tilespmem:$0x1FC00] =	vst v63  }
0x20b: {  	_ =	swait.ge [sflag:s12], $0x3F00  }
0x20c: {  	[sflag:s12] =	ssyncset.done $0x0  }
0x20d: {  	[sflag:s12] =	ssyncadd.s32 $0xFFFFC100  }
0x20e: {  	_ =	swait.ge [sflag:s12], $0x3F00  }
0x20f: {  	[sflag:s12] =	ssyncset.done $0x0  }
0x210: {  	[sflag:s12] =	ssyncadd.s32 $0xFFFFC100  }
0x211: {  	_ =	swait.ge [sflag:s14], $0x3F00  }
0x212: {  	[sflag:s14] =	ssyncset.done $0x0  }
0x213: {  	s1 =	rddreg [dreg:$0x17];
	[sflag:s14] =	ssyncadd.s32 $0xFFFFC100  }
0x214: {  	[tilespmem:s21], [sflag:$0x2] =	stream.strided.gather [hbm4b:s1+s18], $0x3F00, s19, s18, $0x38;
	[tilespmem:$0x1FC00] =	vst v63  }
0x215: {  	s5 =	rddreg [dreg:$0x18]  }
0x216: {  	[tilespmem:s23], [sflag:$0x2] =	stream.linear.gather [hbm4b:s5+s3], $0x3F00, $0x38;
	[tilespmem:$0x1FC00] =	vst v63  }
0x217: {  	(ifvalue) =	ssetifvalue $0xFFFFFFFF  }
0x218: {  	[spmem:s2] =	stream.indirect.scatter.add.f32 [tilespmem:s9], [sflag:$0x3], $0x1, s8, s16, $0x40b8;
	[tilespmem:$0x1FC00] =	vst v63  }
0x219: {  	_ =	swait.ge [sflag:s31], $0x3F00  }
0x21a: {  	[sflag:s31] =	ssyncset.done $0x0  }
0x21b: {  	[sflag:s31] =	ssyncadd.s32 $0xFFFFC100  }
0x21c: {  	_ =	swait.ge [sflag:s31], $0x3F00  }
0x21d: {  	[sflag:s31] =	ssyncset.done $0x0  }
0x21e: {  	[sflag:s31] =	ssyncadd.s32 $0xFFFFC100  }
0x21f: {  	_ =	swait.ge [sflag:s15], $0x3F00  }
0x220: {  	[sflag:s15] =	ssyncset.done $0x0  }
0x221: {  	s1 =	rddreg [dreg:$0x19];
	[sflag:s15] =	ssyncadd.s32 $0xFFFFC100  }
0x222: {  	[tilespmem:s8], [sflag:$0x1] =	stream.strided.gather [hbm4b:s1+s18], $0x3F00, s19, s18, $0x38;
	[tilespmem:$0x1FC00] =	vst v63  }
0x223: {  	s5 =	rddreg [dreg:$0x1a]  }
0x224: {  	[tilespmem:s9], [sflag:$0x1] =	stream.linear.gather [hbm4b:s5+s3], $0x3F00, $0x38;
	[tilespmem:$0x1FC00] =	vst v63  }
0x225: {  	(ifvalue) =	ssetifvalue $0xFFFFFFFF  }
0x226: {  	[spmem:s2] =	stream.indirect.scatter.add.f32 [tilespmem:s23], [sflag:$0x4], $0x1, s21, s16, $0x40b8;
	[tilespmem:$0x1FC00] =	vst v63  }
0x227: {  	_ =	swait.ge [sflag:s12], $0x3F00  }
0x228: {  	[sflag:s12] =	ssyncset.done $0x0  }
0x229: {  	[sflag:s12] =	ssyncadd.s32 $0xFFFFC100  }
0x22a: {  	_ =	swait.ge [sflag:s12], $0x3F00  }
0x22b: {  	[sflag:s12] =	ssyncset.done $0x0  }
0x22c: {  	[sflag:s12] =	ssyncadd.s32 $0xFFFFC100  }
0x22d: {  	_ =	swait.ge [sflag:s14], $0x3F00  }
0x22e: {  	[sflag:s14] =	ssyncset.done $0x0  }
0x22f: {  	s1 =	rddreg [dreg:$0x1b];
	[sflag:s14] =	ssyncadd.s32 $0xFFFFC100  }
0x230: {  	[tilespmem:s21], [sflag:$0x2] =	stream.strided.gather [hbm4b:s1+s18], $0x3F00, s19, s18, $0x38;
	[tilespmem:$0x1FC00] =	vst v63  }
0x231: {  	s5 =	rddreg [dreg:$0x1c]  }
0x232: {  	[tilespmem:s23], [sflag:$0x2] =	stream.linear.gather [hbm4b:s5+s3], $0x3F00, $0x38;
	[tilespmem:$0x1FC00] =	vst v63  }
0x233: {  	(ifvalue) =	ssetifvalue $0xFFFFFFFF  }
0x234: {  	[spmem:s2] =	stream.indirect.scatter.add.f32 [tilespmem:s9], [sflag:$0x3], $0x1, s8, s16, $0x40b8;
	[tilespmem:$0x1FC00] =	vst v63  }
0x235: {  	_ =	swait.ge [sflag:s31], $0x3F00  }
0x236: {  	[sflag:s31] =	ssyncset.done $0x0  }
0x237: {  	[sflag:s31] =	ssyncadd.s32 $0xFFFFC100  }
0x238: {  	_ =	swait.ge [sflag:s31], $0x3F00  }
0x239: {  	[sflag:s31] =	ssyncset.done $0x0  }
0x23a: {  	[sflag:s31] =	ssyncadd.s32 $0xFFFFC100  }
0x23b: {  	_ =	swait.ge [sflag:s15], $0x3F00  }
0x23c: {  	[sflag:s15] =	ssyncset.done $0x0  }
0x23d: {  	s1 =	rddreg [dreg:$0x1d];
	[sflag:s15] =	ssyncadd.s32 $0xFFFFC100  }
0x23e: {  	[tilespmem:s8], [sflag:$0x1] =	stream.strided.gather [hbm4b:s1+s18], $0x3F00, s19, s18, $0x38;
	[tilespmem:$0x1FC00] =	vst v63  }
0x23f: {  	s5 =	rddreg [dreg:$0x1e]  }
0x240: {  	[tilespmem:s9], [sflag:$0x1] =	stream.linear.gather [hbm4b:s5+s3], $0x3F00, $0x38;
	[tilespmem:$0x1FC00] =	vst v63  }
0x241: {  	(ifvalue) =	ssetifvalue $0xFFFFFFFF  }
0x242: {  	[spmem:s2] =	stream.indirect.scatter.add.f32 [tilespmem:s23], [sflag:$0x4], $0x1, s21, s16, $0x40b8;
	[tilespmem:$0x1FC00] =	vst v63  }
0x243: {  	_ =	swait.ge [sflag:s12], $0x3F00  }
0x244: {  	[sflag:s12] =	ssyncset.done $0x0  }
0x245: {  	[sflag:s12] =	ssyncadd.s32 $0xFFFFC100  }
0x246: {  	_ =	swait.ge [sflag:s12], $0x3F00  }
0x247: {  	[sflag:s12] =	ssyncset.done $0x0  }
0x248: {  	[sflag:s12] =	ssyncadd.s32 $0xFFFFC100  }
0x249: {  	_ =	swait.ge [sflag:s14], $0x3F00  }
0x24a: {  	s1 =	rddreg [dreg:$0x1f];
	[sflag:s14] =	ssyncset.done $0x0  }
0x24b: {  	s5 =	sld [smem:$0x7FB];
	[sflag:s14] =	ssyncadd.s32 $0xFFFFC100  }
0x24c: {  	[tilespmem:s21], [sflag:$0x2] =	stream.strided.gather [hbm4b:s1+s18], $0x3F00, s19, s18, $0x38;
	[tilespmem:$0x1FC00] =	vst v63  }
0x24d: {  	_ = 	snop  }
0x24e: {  	[tilespmem:s23], [sflag:$0x2] =	stream.linear.gather [hbm4b:s5+s3], $0x3F00, $0x38;
	[tilespmem:$0x1FC00] =	vst v63  }
0x24f: {  	(ifvalue) =	ssetifvalue $0xFFFFFFFF  }
0x250: {  	[spmem:s2] =	stream.indirect.scatter.add.f32 [tilespmem:s9], [sflag:$0x3], $0x1, s8, s16, $0x40b8;
	[tilespmem:$0x1FC00] =	vst v63  }
0x251: {  	_ =	swait.ge [sflag:s31], $0x3F00  }
0x252: {  	[sflag:s31] =	ssyncset.done $0x0  }
0x253: {  	[sflag:s31] =	ssyncadd.s32 $0xFFFFC100  }
0x254: {  	_ =	swait.ge [sflag:s31], $0x3F00  }
0x255: {  	[sflag:s31] =	ssyncset.done $0x0  }
0x256: {  	[sflag:s31] =	ssyncadd.s32 $0xFFFFC100  }
0x257: {  	_ =	swait.ge [sflag:s15], $0x3F00  }
0x258: {  	s1 =	sld [smem:$0x7FC]  }
0x259: {  	[sflag:s15] =	ssyncset.done $0x0  }
0x25a: {  	s5 =	sld [smem:$0x7FD];
	[sflag:s15] =	ssyncadd.s32 $0xFFFFC100  }
0x25b: {  	[tilespmem:s8], [sflag:$0x1] =	stream.strided.gather [hbm4b:s1+s18], $0x3F00, s19, s18, $0x38;
	[tilespmem:$0x1FC00] =	vst v63  }
0x25c: {  	_ = 	snop  }
0x25d: {  	[tilespmem:s9], [sflag:$0x1] =	stream.linear.gather [hbm4b:s5+s3], $0x3F00, $0x38;
	[tilespmem:$0x1FC00] =	vst v63  }
0x25e: {  	(ifvalue) =	ssetifvalue $0xFFFFFFFF  }
0x25f: {  	[spmem:s2] =	stream.indirect.scatter.add.f32 [tilespmem:s23], [sflag:$0x4], $0x1, s21, s16, $0x40b8;
	[tilespmem:$0x1FC00] =	vst v63  }
0x260: {  	_ =	swait.ge [sflag:s12], $0x3F00  }
0x261: {  	[sflag:s12] =	ssyncset.done $0x0  }
0x262: {  	[sflag:s12] =	ssyncadd.s32 $0xFFFFC100  }
0x263: {  	_ =	swait.ge [sflag:s12], $0x3F00  }
0x264: {  	s5 =	smov.u32 s10;
	s10 =	smov.u32 s11;
	[sflag:s12] =	ssyncset.done $0x0  }
0x265: {  	s11 =	smov.u32 s13;
	s13 =	smov.u32 s17;
	[sflag:s12] =	ssyncadd.s32 $0xFFFFC100  }
0x266: {  	s17 =	smov.u32 s20;
	s20 =	smov.u32 s22;
	_ =	swait.ge [sflag:s14], $0x3F00  }
0x267: {  	s22 =	smov.u32 s24;
	s24 =	smov.u32 s25;
	[sflag:s14] =	ssyncset.done $0x0  }
0x268: {  	s25 =	smov.u32 s26;
	s26 =	smov.u32 s28;
	[sflag:s14] =	ssyncadd.s32 $0xFFFFC100  }
0x269: {  	[tilespmem:s21], [sflag:$0x2] =	stream.strided.gather [hbm4b:s26+s18], $0x3F00, s19, s18, $0x38;
	[tilespmem:$0x1FC00] =	vst v63  }
0x26a: {  	s28 =	smov.u32 s29  }
0x26b: {  	[tilespmem:s23], [sflag:$0x2] =	stream.linear.gather [hbm4b:s28+s3], $0x3F00, $0x38;
	[tilespmem:$0x1FC00] =	vst v63  }
0x26c: {  	(ifvalue) =	ssetifvalue $0xFFFFFFFF  }
0x26d: {  	[spmem:s2] =	stream.indirect.scatter.add.f32 [tilespmem:s9], [sflag:$0x3], $0x1, s8, s16, $0x40b8;
	[tilespmem:$0x1FC00] =	vst v63  }
0x26e: {  	_ =	swait.ge [sflag:s31], $0x3F00  }
0x26f: {  	[sflag:s31] =	ssyncset.done $0x0  }
0x270: {  	[sflag:s31] =	ssyncadd.s32 $0xFFFFC100  }
0x271: {  	_ =	swait.ge [sflag:s31], $0x3F00  }
0x272: {  	[sflag:s31] =	ssyncset.done $0x0  }
0x273: {  	[sflag:s31] =	ssyncadd.s32 $0xFFFFC100  }
0x274: {  	_ =	swait.ge [sflag:s15], $0x3F00  }
0x275: {  	[sflag:s15] =	ssyncset.done $0x0  }
0x276: {  	[sflag:s15] =	ssyncadd.s32 $0xFFFFC100  }
0x277: {  	[tilespmem:s8], [sflag:$0x1] =	stream.strided.gather [hbm4b:s25+s18], $0x3F00, s19, s18, $0x38;
	[tilespmem:$0x1FC00] =	vst v63  }
0x278: {  	s29 =	smov.u32 s30;
	s30 =	smov.u32 s4  }
0x279: {  	[tilespmem:s9], [sflag:$0x1] =	stream.linear.gather [hbm4b:s30+s3], $0x3F00, $0x38;
	[tilespmem:$0x1FC00] =	vst v63  }
0x27a: {  	(ifvalue) =	ssetifvalue $0xFFFFFFFF  }
0x27b: {  	[spmem:s2] =	stream.indirect.scatter.add.f32 [tilespmem:s23], [sflag:$0x4], $0x1, s21, s16, $0x40b8;
	[tilespmem:$0x1FC00] =	vst v63  }
0x27c: {  	_ =	swait.ge [sflag:s12], $0x3F00  }
0x27d: {  	[sflag:s12] =	ssyncset.done $0x0  }
0x27e: {  	[sflag:s12] =	ssyncadd.s32 $0xFFFFC100  }
0x27f: {  	_ =	swait.ge [sflag:s12], $0x3F00  }
0x280: {  	[sflag:s12] =	ssyncset.done $0x0  }
0x281: {  	[sflag:s12] =	ssyncadd.s32 $0xFFFFC100  }
0x282: {  	_ =	swait.ge [sflag:s14], $0x3F00  }
0x283: {  	[sflag:s14] =	ssyncset.done $0x0  }
0x284: {  	[sflag:s14] =	ssyncadd.s32 $0xFFFFC100  }
0x285: {  	[tilespmem:s21], [sflag:$0x2] =	stream.strided.gather [hbm4b:s22+s18], $0x3F00, s19, s18, $0x38;
	[tilespmem:$0x1FC00] =	vst v63  }
0x286: {  	_ = 	snop  }
0x287: {  	[tilespmem:s23], [sflag:$0x2] =	stream.linear.gather [hbm4b:s29+s3], $0x3F00, $0x38;
	[tilespmem:$0x1FC00] =	vst v63  }
0x288: {  	(ifvalue) =	ssetifvalue $0xFFFFFFFF  }
0x289: {  	[spmem:s2] =	stream.indirect.scatter.add.f32 [tilespmem:s9], [sflag:$0x3], $0x1, s8, s16, $0x40b8;
	[tilespmem:$0x1FC00] =	vst v63  }
0x28a: {  	_ =	swait.ge [sflag:s31], $0x3F00  }
0x28b: {  	[sflag:s31] =	ssyncset.done $0x0  }
0x28c: {  	[sflag:s31] =	ssyncadd.s32 $0xFFFFC100  }
0x28d: {  	_ =	swait.ge [sflag:s31], $0x3F00  }
0x28e: {  	[sflag:s31] =	ssyncset.done $0x0  }
0x28f: {  	[sflag:s31] =	ssyncadd.s32 $0xFFFFC100  }
0x290: {  	_ =	swait.ge [sflag:s15], $0x3F00  }
0x291: {  	[sflag:s15] =	ssyncset.done $0x0  }
0x292: {  	[sflag:s15] =	ssyncadd.s32 $0xFFFFC100  }
0x293: {  	[tilespmem:s8], [sflag:$0x1] =	stream.strided.gather [hbm4b:s20+s18], $0x3F00, s19, s18, $0x38;
	[tilespmem:$0x1FC00] =	vst v63  }
0x294: {  	_ = 	snop  }
0x295: {  	[tilespmem:s9], [sflag:$0x1] =	stream.linear.gather [hbm4b:s24+s3], $0x3F00, $0x38;
	[tilespmem:$0x1FC00] =	vst v63  }
0x296: {  	(ifvalue) =	ssetifvalue $0xFFFFFFFF  }
0x297: {  	[spmem:s2] =	stream.indirect.scatter.add.f32 [tilespmem:s23], [sflag:$0x4], $0x1, s21, s16, $0x40b8;
	[tilespmem:$0x1FC00] =	vst v63  }
0x298: {  	_ =	swait.ge [sflag:s12], $0x3F00  }
0x299: {  	[sflag:s12] =	ssyncset.done $0x0  }
0x29a: {  	[sflag:s12] =	ssyncadd.s32 $0xFFFFC100  }
0x29b: {  	_ =	swait.ge [sflag:s12], $0x3F00  }
0x29c: {  	[sflag:s12] =	ssyncset.done $0x0  }
0x29d: {  	[sflag:s12] =	ssyncadd.s32 $0xFFFFC100  }
0x29e: {  	_ =	swait.ge [sflag:s14], $0x3F00  }
0x29f: {  	[sflag:s14] =	ssyncset.done $0x0  }
0x2a0: {  	[sflag:s14] =	ssyncadd.s32 $0xFFFFC100  }
0x2a1: {  	[tilespmem:s21], [sflag:$0x2] =	stream.strided.gather [hbm4b:s13+s18], $0x3F00, s19, s18, $0x38;
	[tilespmem:$0x1FC00] =	vst v63  }
0x2a2: {  	_ = 	snop  }
0x2a3: {  	[tilespmem:s23], [sflag:$0x2] =	stream.linear.gather [hbm4b:s17+s3], $0x3F00, $0x38;
	[tilespmem:$0x1FC00] =	vst v63  }
0x2a4: {  	(ifvalue) =	ssetifvalue $0xFFFFFFFF  }
0x2a5: {  	[spmem:s2] =	stream.indirect.scatter.add.f32 [tilespmem:s9], [sflag:$0x3], $0x1, s8, s16, $0x40b8;
	[tilespmem:$0x1FC00] =	vst v63  }
0x2a6: {  	_ =	swait.ge [sflag:s31], $0x3F00  }
0x2a7: {  	[sflag:s31] =	ssyncset.done $0x0  }
0x2a8: {  	[sflag:s31] =	ssyncadd.s32 $0xFFFFC100  }
0x2a9: {  	_ =	swait.ge [sflag:s31], $0x3F00  }
0x2aa: {  	[sflag:s31] =	ssyncset.done $0x0  }
0x2ab: {  	[sflag:s31] =	ssyncadd.s32 $0xFFFFC100  }
0x2ac: {  	_ =	swait.ge [sflag:s15], $0x3F00  }
0x2ad: {  	[sflag:s15] =	ssyncset.done $0x0  }
0x2ae: {  	[sflag:s15] =	ssyncadd.s32 $0xFFFFC100  }
0x2af: {  	[tilespmem:s8], [sflag:$0x1] =	stream.strided.gather [hbm4b:s10+s18], $0x3F00, s19, s18, $0x38;
	[tilespmem:$0x1FC00] =	vst v63  }
0x2b0: {  	_ = 	snop  }
0x2b1: {  	[tilespmem:s9], [sflag:$0x1] =	stream.linear.gather [hbm4b:s11+s3], $0x3F00, $0x38;
	[tilespmem:$0x1FC00] =	vst v63  }
0x2b2: {  	(ifvalue) =	ssetifvalue $0xFFFFFFFF  }
0x2b3: {  	[spmem:s2] =	stream.indirect.scatter.add.f32 [tilespmem:s23], [sflag:$0x4], $0x1, s21, s16, $0x40b8;
	[tilespmem:$0x1FC00] =	vst v63  }
0x2b4: {  	_ =	swait.ge [sflag:s12], $0x3F00  }
0x2b5: {  	[sflag:s12] =	ssyncset.done $0x0  }
0x2b6: {  	[sflag:s12] =	ssyncadd.s32 $0xFFFFC100  }
0x2b7: {  	_ =	swait.ge [sflag:s12], $0x3F00  }
0x2b8: {  	[sflag:s12] =	ssyncset.done $0x0  }
0x2b9: {  	[sflag:s12] =	ssyncadd.s32 $0xFFFFC100;
	(ifvalue) =	ssetifvalue $0xFFFFFFFF  }
0x2ba: {  	[spmem:s2] =	stream.indirect.scatter.add.f32 [tilespmem:s9], [sflag:$0x3], $0x1, s8, s16, $0x40b8;
	[tilespmem:$0x1FC00] =	vst v63  }
0x2bb: {  	_ =	swait.ge [sflag:s15], $0x3F00  }
0x2bc: {  	[sflag:s15] =	ssyncset.done $0x0  }
0x2bd: {  	[sflag:s15] =	ssyncadd.s32 $0xFFFFC100  }
0x2be: {  	_ =	swait.ge [sflag:s14], $0x3F00  }
0x2bf: {  	p1 =	sne.s32 s0, $0x1;
	[sflag:s14] =	ssyncset.done $0x0  }
.Ltmp2:
0x2c0: {  	s4 =	smov.u32 s7;
	[sflag:s14] =	ssyncadd.s32 $0xFFFFC100;
	(pc) =	sbr.rel @p1 .LBB2_2-.Ltmp2, $4  }
0x2c1: {  	s7 =	smov.u32 s6;
	s6 =	simm.s32 $0x5;
	[bflag:$0x0] =	sbarrier.arrive $0xFFFF  }
0x2c2: {  	[hbm:s5], [sflag:s4] =	dma.local [spmem:s7], $0x2000  }
0x2c3: {  	_ =	swait.ge [sflag:s6], $0x2000  }
0x2c4: {  	s0 =	sadd.s32 $0xFFFFFFFF, s0;
	s1 =	rddreg [dreg:$0x4];
	[sflag:s6] =	ssyncset.done $0x0  }
.LBB2_3:
0x2c5: {  	[sflag:s6] =	ssyncadd.s32 @p0 $0xFFFFE000  }
0x2c6: {  	[spmem:s7], [sflag:s4] =	dma.local [hbm:s1], $0x2000  }
0x2c7: {  	_ =	swait.ge [sflag:s6], $0x2000  }
0x2c8: {  	[sflag:s6] =	ssyncset.done $0x0  }
0x2c9: {  	[sflag:s6] =	ssyncadd.s32 $0xFFFFE000  }
0x2ca: {  	[bflag:$0x0] =	sbarrier.arrive $0xFFFF  }
0x2cb: {  	s0 =	rddreg [dreg:$0x5]  }
0x2cc: {  	[tilespmem:s8], [sflag:$0x1] =	stream.strided.gather [hbm4b:s0+s18], $0x3F00, s19, s18, $0x38;
	[tilespmem:$0x1FC00] =	vst v63  }
0x2cd: {  	s1 =	rddreg [dreg:$0x6]  }
0x2ce: {  	[tilespmem:s9], [sflag:$0x1] =	stream.linear.gather [hbm4b:s1+s3], $0x3F00, $0x38;
	[tilespmem:$0x1FC00] =	vst v63  }
0x2cf: {  	_ =	swait.ge [sflag:s12], $0x3F00  }
0x2d0: {  	[sflag:s12] =	ssyncset.done $0x0  }
0x2d1: {  	[sflag:s12] =	ssyncadd.s32 $0xFFFFC100  }
0x2d2: {  	_ =	swait.ge [sflag:s12], $0x3F00  }
0x2d3: {  	[sflag:s12] =	ssyncset.done $0x0  }
0x2d4: {  	s0 =	rddreg [dreg:$0x7];
	[sflag:s12] =	ssyncadd.s32 $0xFFFFC100  }
0x2d5: {  	[tilespmem:s21], [sflag:$0x2] =	stream.strided.gather [hbm4b:s0+s18], $0x3F00, s19, s18, $0x38;
	[tilespmem:$0x1FC00] =	vst v63  }
0x2d6: {  	s1 =	rddreg [dreg:$0x8]  }
0x2d7: {  	[tilespmem:s23], [sflag:$0x2] =	stream.linear.gather [hbm4b:s1+s3], $0x3F00, $0x38;
	[tilespmem:$0x1FC00] =	vst v63  }
0x2d8: {  	(ifvalue) =	ssetifvalue $0xFFFFFFFF  }
0x2d9: {  	[spmem:s2] =	stream.indirect.scatter.add.f32 [tilespmem:s9], [sflag:$0x3], $0x1, s8, s16, $0x40b8;
	[tilespmem:$0x1FC00] =	vst v63  }
0x2da: {  	_ =	swait.ge [sflag:s31], $0x3F00  }
0x2db: {  	[sflag:s31] =	ssyncset.done $0x0  }
0x2dc: {  	[sflag:s31] =	ssyncadd.s32 $0xFFFFC100  }
0x2dd: {  	_ =	swait.ge [sflag:s31], $0x3F00  }
0x2de: {  	[sflag:s31] =	ssyncset.done $0x0  }
0x2df: {  	[sflag:s31] =	ssyncadd.s32 $0xFFFFC100  }
0x2e0: {  	_ =	swait.ge [sflag:s15], $0x3F00  }
0x2e1: {  	[sflag:s15] =	ssyncset.done $0x0  }
0x2e2: {  	s0 =	rddreg [dreg:$0x9];
	[sflag:s15] =	ssyncadd.s32 $0xFFFFC100  }
0x2e3: {  	[tilespmem:s8], [sflag:$0x1] =	stream.strided.gather [hbm4b:s0+s18], $0x3F00, s19, s18, $0x38;
	[tilespmem:$0x1FC00] =	vst v63  }
0x2e4: {  	s1 =	rddreg [dreg:$0xa]  }
0x2e5: {  	[tilespmem:s9], [sflag:$0x1] =	stream.linear.gather [hbm4b:s1+s3], $0x3F00, $0x38;
	[tilespmem:$0x1FC00] =	vst v63  }
0x2e6: {  	(ifvalue) =	ssetifvalue $0xFFFFFFFF  }
0x2e7: {  	[spmem:s2] =	stream.indirect.scatter.add.f32 [tilespmem:s23], [sflag:$0x4], $0x1, s21, s16, $0x40b8;
	[tilespmem:$0x1FC00] =	vst v63  }
0x2e8: {  	_ =	swait.ge [sflag:s12], $0x3F00  }
0x2e9: {  	[sflag:s12] =	ssyncset.done $0x0  }
0x2ea: {  	[sflag:s12] =	ssyncadd.s32 $0xFFFFC100  }
0x2eb: {  	_ =	swait.ge [sflag:s12], $0x3F00  }
0x2ec: {  	[sflag:s12] =	ssyncset.done $0x0  }
0x2ed: {  	[sflag:s12] =	ssyncadd.s32 $0xFFFFC100  }
0x2ee: {  	_ =	swait.ge [sflag:s14], $0x3F00  }
0x2ef: {  	[sflag:s14] =	ssyncset.done $0x0  }
0x2f0: {  	s0 =	rddreg [dreg:$0xb];
	[sflag:s14] =	ssyncadd.s32 $0xFFFFC100  }
0x2f1: {  	[tilespmem:s21], [sflag:$0x2] =	stream.strided.gather [hbm4b:s0+s18], $0x3F00, s19, s18, $0x38;
	[tilespmem:$0x1FC00] =	vst v63  }
0x2f2: {  	s1 =	rddreg [dreg:$0xc]  }
0x2f3: {  	[tilespmem:s23], [sflag:$0x2] =	stream.linear.gather [hbm4b:s1+s3], $0x3F00, $0x38;
	[tilespmem:$0x1FC00] =	vst v63  }
0x2f4: {  	(ifvalue) =	ssetifvalue $0xFFFFFFFF  }
0x2f5: {  	[spmem:s2] =	stream.indirect.scatter.add.f32 [tilespmem:s9], [sflag:$0x3], $0x1, s8, s16, $0x40b8;
	[tilespmem:$0x1FC00] =	vst v63  }
0x2f6: {  	_ =	swait.ge [sflag:s31], $0x3F00  }
0x2f7: {  	[sflag:s31] =	ssyncset.done $0x0  }
0x2f8: {  	[sflag:s31] =	ssyncadd.s32 $0xFFFFC100  }
0x2f9: {  	_ =	swait.ge [sflag:s31], $0x3F00  }
0x2fa: {  	[sflag:s31] =	ssyncset.done $0x0  }
0x2fb: {  	[sflag:s31] =	ssyncadd.s32 $0xFFFFC100  }
0x2fc: {  	_ =	swait.ge [sflag:s15], $0x3F00  }
0x2fd: {  	[sflag:s15] =	ssyncset.done $0x0  }
0x2fe: {  	s0 =	rddreg [dreg:$0xd];
	[sflag:s15] =	ssyncadd.s32 $0xFFFFC100  }
0x2ff: {  	[tilespmem:s8], [sflag:$0x1] =	stream.strided.gather [hbm4b:s0+s18], $0x3F00, s19, s18, $0x38;
	[tilespmem:$0x1FC00] =	vst v63  }
0x300: {  	s1 =	rddreg [dreg:$0xe]  }
0x301: {  	[tilespmem:s9], [sflag:$0x1] =	stream.linear.gather [hbm4b:s1+s3], $0x3F00, $0x38;
	[tilespmem:$0x1FC00] =	vst v63  }
0x302: {  	(ifvalue) =	ssetifvalue $0xFFFFFFFF  }
0x303: {  	[spmem:s2] =	stream.indirect.scatter.add.f32 [tilespmem:s23], [sflag:$0x4], $0x1, s21, s16, $0x40b8;
	[tilespmem:$0x1FC00] =	vst v63  }
0x304: {  	_ =	swait.ge [sflag:s12], $0x3F00  }
0x305: {  	[sflag:s12] =	ssyncset.done $0x0  }
0x306: {  	[sflag:s12] =	ssyncadd.s32 $0xFFFFC100  }
0x307: {  	_ =	swait.ge [sflag:s12], $0x3F00  }
0x308: {  	[sflag:s12] =	ssyncset.done $0x0  }
0x309: {  	[sflag:s12] =	ssyncadd.s32 $0xFFFFC100  }
0x30a: {  	_ =	swait.ge [sflag:s14], $0x3F00  }
0x30b: {  	[sflag:s14] =	ssyncset.done $0x0  }
0x30c: {  	s0 =	rddreg [dreg:$0xf];
	[sflag:s14] =	ssyncadd.s32 $0xFFFFC100  }
0x30d: {  	[tilespmem:s21], [sflag:$0x2] =	stream.strided.gather [hbm4b:s0+s18], $0x3F00, s19, s18, $0x38;
	[tilespmem:$0x1FC00] =	vst v63  }
0x30e: {  	s1 =	rddreg [dreg:$0x10]  }
0x30f: {  	[tilespmem:s23], [sflag:$0x2] =	stream.linear.gather [hbm4b:s1+s3], $0x3F00, $0x38;
	[tilespmem:$0x1FC00] =	vst v63  }
0x310: {  	(ifvalue) =	ssetifvalue $0xFFFFFFFF  }
0x311: {  	[spmem:s2] =	stream.indirect.scatter.add.f32 [tilespmem:s9], [sflag:$0x3], $0x1, s8, s16, $0x40b8;
	[tilespmem:$0x1FC00] =	vst v63  }
0x312: {  	_ =	swait.ge [sflag:s31], $0x3F00  }
0x313: {  	[sflag:s31] =	ssyncset.done $0x0  }
0x314: {  	[sflag:s31] =	ssyncadd.s32 $0xFFFFC100  }
0x315: {  	_ =	swait.ge [sflag:s31], $0x3F00  }
0x316: {  	[sflag:s31] =	ssyncset.done $0x0  }
0x317: {  	[sflag:s31] =	ssyncadd.s32 $0xFFFFC100  }
0x318: {  	_ =	swait.ge [sflag:s15], $0x3F00  }
0x319: {  	[sflag:s15] =	ssyncset.done $0x0  }
0x31a: {  	s0 =	rddreg [dreg:$0x11];
	[sflag:s15] =	ssyncadd.s32 $0xFFFFC100  }
0x31b: {  	[tilespmem:s8], [sflag:$0x1] =	stream.strided.gather [hbm4b:s0+s18], $0x3F00, s19, s18, $0x38;
	[tilespmem:$0x1FC00] =	vst v63  }
0x31c: {  	s1 =	rddreg [dreg:$0x12]  }
0x31d: {  	[tilespmem:s9], [sflag:$0x1] =	stream.linear.gather [hbm4b:s1+s3], $0x3F00, $0x38;
	[tilespmem:$0x1FC00] =	vst v63  }
0x31e: {  	(ifvalue) =	ssetifvalue $0xFFFFFFFF  }
0x31f: {  	[spmem:s2] =	stream.indirect.scatter.add.f32 [tilespmem:s23], [sflag:$0x4], $0x1, s21, s16, $0x40b8;
	[tilespmem:$0x1FC00] =	vst v63  }
0x320: {  	_ =	swait.ge [sflag:s12], $0x3F00  }
0x321: {  	[sflag:s12] =	ssyncset.done $0x0  }
0x322: {  	[sflag:s12] =	ssyncadd.s32 $0xFFFFC100  }
0x323: {  	_ =	swait.ge [sflag:s12], $0x3F00  }
0x324: {  	[sflag:s12] =	ssyncset.done $0x0  }
0x325: {  	[sflag:s12] =	ssyncadd.s32 $0xFFFFC100  }
0x326: {  	_ =	swait.ge [sflag:s14], $0x3F00  }
0x327: {  	[sflag:s14] =	ssyncset.done $0x0  }
0x328: {  	s0 =	rddreg [dreg:$0x13];
	[sflag:s14] =	ssyncadd.s32 $0xFFFFC100  }
0x329: {  	[tilespmem:s21], [sflag:$0x2] =	stream.strided.gather [hbm4b:s0+s18], $0x3F00, s19, s18, $0x38;
	[tilespmem:$0x1FC00] =	vst v63  }
0x32a: {  	s1 =	rddreg [dreg:$0x14]  }
0x32b: {  	[tilespmem:s23], [sflag:$0x2] =	stream.linear.gather [hbm4b:s1+s3], $0x3F00, $0x38;
	[tilespmem:$0x1FC00] =	vst v63  }
0x32c: {  	(ifvalue) =	ssetifvalue $0xFFFFFFFF  }
0x32d: {  	[spmem:s2] =	stream.indirect.scatter.add.f32 [tilespmem:s9], [sflag:$0x3], $0x1, s8, s16, $0x40b8;
	[tilespmem:$0x1FC00] =	vst v63  }
0x32e: {  	_ =	swait.ge [sflag:s31], $0x3F00  }
0x32f: {  	[sflag:s31] =	ssyncset.done $0x0  }
0x330: {  	[sflag:s31] =	ssyncadd.s32 $0xFFFFC100  }
0x331: {  	_ =	swait.ge [sflag:s31], $0x3F00  }
0x332: {  	[sflag:s31] =	ssyncset.done $0x0  }
0x333: {  	[sflag:s31] =	ssyncadd.s32 $0xFFFFC100  }
0x334: {  	_ =	swait.ge [sflag:s15], $0x3F00  }
0x335: {  	[sflag:s15] =	ssyncset.done $0x0  }
0x336: {  	s0 =	rddreg [dreg:$0x15];
	[sflag:s15] =	ssyncadd.s32 $0xFFFFC100  }
0x337: {  	[tilespmem:s8], [sflag:$0x1] =	stream.strided.gather [hbm4b:s0+s18], $0x3F00, s19, s18, $0x38;
	[tilespmem:$0x1FC00] =	vst v63  }
0x338: {  	s1 =	rddreg [dreg:$0x16]  }
0x339: {  	[tilespmem:s9], [sflag:$0x1] =	stream.linear.gather [hbm4b:s1+s3], $0x3F00, $0x38;
	[tilespmem:$0x1FC00] =	vst v63  }
0x33a: {  	(ifvalue) =	ssetifvalue $0xFFFFFFFF  }
0x33b: {  	[spmem:s2] =	stream.indirect.scatter.add.f32 [tilespmem:s23], [sflag:$0x4], $0x1, s21, s16, $0x40b8;
	[tilespmem:$0x1FC00] =	vst v63  }
0x33c: {  	_ =	swait.ge [sflag:s12], $0x3F00  }
0x33d: {  	[sflag:s12] =	ssyncset.done $0x0  }
0x33e: {  	[sflag:s12] =	ssyncadd.s32 $0xFFFFC100  }
0x33f: {  	_ =	swait.ge [sflag:s12], $0x3F00  }
0x340: {  	[sflag:s12] =	ssyncset.done $0x0  }
0x341: {  	[sflag:s12] =	ssyncadd.s32 $0xFFFFC100  }
0x342: {  	_ =	swait.ge [sflag:s14], $0x3F00  }
0x343: {  	[sflag:s14] =	ssyncset.done $0x0  }
0x344: {  	s0 =	rddreg [dreg:$0x17];
	[sflag:s14] =	ssyncadd.s32 $0xFFFFC100  }
0x345: {  	[tilespmem:s21], [sflag:$0x2] =	stream.strided.gather [hbm4b:s0+s18], $0x3F00, s19, s18, $0x38;
	[tilespmem:$0x1FC00] =	vst v63  }
0x346: {  	s1 =	rddreg [dreg:$0x18]  }
0x347: {  	[tilespmem:s23], [sflag:$0x2] =	stream.linear.gather [hbm4b:s1+s3], $0x3F00, $0x38;
	[tilespmem:$0x1FC00] =	vst v63  }
0x348: {  	(ifvalue) =	ssetifvalue $0xFFFFFFFF  }
0x349: {  	[spmem:s2] =	stream.indirect.scatter.add.f32 [tilespmem:s9], [sflag:$0x3], $0x1, s8, s16, $0x40b8;
	[tilespmem:$0x1FC00] =	vst v63  }
0x34a: {  	_ =	swait.ge [sflag:s31], $0x3F00  }
0x34b: {  	[sflag:s31] =	ssyncset.done $0x0  }
0x34c: {  	[sflag:s31] =	ssyncadd.s32 $0xFFFFC100  }
0x34d: {  	_ =	swait.ge [sflag:s31], $0x3F00  }
0x34e: {  	[sflag:s31] =	ssyncset.done $0x0  }
0x34f: {  	[sflag:s31] =	ssyncadd.s32 $0xFFFFC100  }
0x350: {  	_ =	swait.ge [sflag:s15], $0x3F00  }
0x351: {  	[sflag:s15] =	ssyncset.done $0x0  }
0x352: {  	s0 =	rddreg [dreg:$0x19];
	[sflag:s15] =	ssyncadd.s32 $0xFFFFC100  }
0x353: {  	[tilespmem:s8], [sflag:$0x1] =	stream.strided.gather [hbm4b:s0+s18], $0x3F00, s19, s18, $0x38;
	[tilespmem:$0x1FC00] =	vst v63  }
0x354: {  	s1 =	rddreg [dreg:$0x1a]  }
0x355: {  	[tilespmem:s9], [sflag:$0x1] =	stream.linear.gather [hbm4b:s1+s3], $0x3F00, $0x38;
	[tilespmem:$0x1FC00] =	vst v63  }
0x356: {  	(ifvalue) =	ssetifvalue $0xFFFFFFFF  }
0x357: {  	[spmem:s2] =	stream.indirect.scatter.add.f32 [tilespmem:s23], [sflag:$0x4], $0x1, s21, s16, $0x40b8;
	[tilespmem:$0x1FC00] =	vst v63  }
0x358: {  	_ =	swait.ge [sflag:s12], $0x3F00  }
0x359: {  	[sflag:s12] =	ssyncset.done $0x0  }
0x35a: {  	[sflag:s12] =	ssyncadd.s32 $0xFFFFC100  }
0x35b: {  	_ =	swait.ge [sflag:s12], $0x3F00  }
0x35c: {  	[sflag:s12] =	ssyncset.done $0x0  }
0x35d: {  	[sflag:s12] =	ssyncadd.s32 $0xFFFFC100  }
0x35e: {  	_ =	swait.ge [sflag:s14], $0x3F00  }
0x35f: {  	[sflag:s14] =	ssyncset.done $0x0  }
0x360: {  	s0 =	rddreg [dreg:$0x1b];
	[sflag:s14] =	ssyncadd.s32 $0xFFFFC100  }
0x361: {  	[tilespmem:s21], [sflag:$0x2] =	stream.strided.gather [hbm4b:s0+s18], $0x3F00, s19, s18, $0x38;
	[tilespmem:$0x1FC00] =	vst v63  }
0x362: {  	s1 =	rddreg [dreg:$0x1c]  }
0x363: {  	[tilespmem:s23], [sflag:$0x2] =	stream.linear.gather [hbm4b:s1+s3], $0x3F00, $0x38;
	[tilespmem:$0x1FC00] =	vst v63  }
0x364: {  	(ifvalue) =	ssetifvalue $0xFFFFFFFF  }
0x365: {  	[spmem:s2] =	stream.indirect.scatter.add.f32 [tilespmem:s9], [sflag:$0x3], $0x1, s8, s16, $0x40b8;
	[tilespmem:$0x1FC00] =	vst v63  }
0x366: {  	_ =	swait.ge [sflag:s31], $0x3F00  }
0x367: {  	[sflag:s31] =	ssyncset.done $0x0  }
0x368: {  	[sflag:s31] =	ssyncadd.s32 $0xFFFFC100  }
0x369: {  	_ =	swait.ge [sflag:s31], $0x3F00  }
0x36a: {  	[sflag:s31] =	ssyncset.done $0x0  }
0x36b: {  	[sflag:s31] =	ssyncadd.s32 $0xFFFFC100  }
0x36c: {  	_ =	swait.ge [sflag:s15], $0x3F00  }
0x36d: {  	[sflag:s15] =	ssyncset.done $0x0  }
0x36e: {  	s0 =	rddreg [dreg:$0x1d];
	[sflag:s15] =	ssyncadd.s32 $0xFFFFC100  }
0x36f: {  	[tilespmem:s8], [sflag:$0x1] =	stream.strided.gather [hbm4b:s0+s18], $0x3F00, s19, s18, $0x38;
	[tilespmem:$0x1FC00] =	vst v63  }
0x370: {  	s1 =	rddreg [dreg:$0x1e]  }
0x371: {  	[tilespmem:s9], [sflag:$0x1] =	stream.linear.gather [hbm4b:s1+s3], $0x3F00, $0x38;
	[tilespmem:$0x1FC00] =	vst v63  }
0x372: {  	(ifvalue) =	ssetifvalue $0xFFFFFFFF  }
0x373: {  	[spmem:s2] =	stream.indirect.scatter.add.f32 [tilespmem:s23], [sflag:$0x4], $0x1, s21, s16, $0x40b8;
	[tilespmem:$0x1FC00] =	vst v63  }
0x374: {  	_ =	swait.ge [sflag:s12], $0x3F00  }
0x375: {  	[sflag:s12] =	ssyncset.done $0x0  }
0x376: {  	[sflag:s12] =	ssyncadd.s32 $0xFFFFC100  }
0x377: {  	_ =	swait.ge [sflag:s12], $0x3F00  }
0x378: {  	[sflag:s12] =	ssyncset.done $0x0  }
0x379: {  	[sflag:s12] =	ssyncadd.s32 $0xFFFFC100  }
0x37a: {  	_ =	swait.ge [sflag:s14], $0x3F00  }
0x37b: {  	s0 =	rddreg [dreg:$0x1f];
	[sflag:s14] =	ssyncset.done $0x0  }
0x37c: {  	s1 =	sld [smem:$0x7FB];
	[sflag:s14] =	ssyncadd.s32 $0xFFFFC100  }
0x37d: {  	[tilespmem:s21], [sflag:$0x2] =	stream.strided.gather [hbm4b:s0+s18], $0x3F00, s19, s18, $0x38;
	[tilespmem:$0x1FC00] =	vst v63  }
0x37e: {  	_ = 	snop  }
0x37f: {  	[tilespmem:s23], [sflag:$0x2] =	stream.linear.gather [hbm4b:s1+s3], $0x3F00, $0x38;
	[tilespmem:$0x1FC00] =	vst v63  }
0x380: {  	(ifvalue) =	ssetifvalue $0xFFFFFFFF  }
0x381: {  	[spmem:s2] =	stream.indirect.scatter.add.f32 [tilespmem:s9], [sflag:$0x3], $0x1, s8, s16, $0x40b8;
	[tilespmem:$0x1FC00] =	vst v63  }
0x382: {  	_ =	swait.ge [sflag:s31], $0x3F00  }
0x383: {  	[sflag:s31] =	ssyncset.done $0x0  }
0x384: {  	[sflag:s31] =	ssyncadd.s32 $0xFFFFC100  }
0x385: {  	_ =	swait.ge [sflag:s31], $0x3F00  }
0x386: {  	[sflag:s31] =	ssyncset.done $0x0  }
0x387: {  	[sflag:s31] =	ssyncadd.s32 $0xFFFFC100  }
0x388: {  	_ =	swait.ge [sflag:s15], $0x3F00  }
0x389: {  	s0 =	sld [smem:$0x7FC]  }
0x38a: {  	[sflag:s15] =	ssyncset.done $0x0  }
0x38b: {  	s1 =	sld [smem:$0x7FD];
	[sflag:s15] =	ssyncadd.s32 $0xFFFFC100  }
0x38c: {  	[tilespmem:s8], [sflag:$0x1] =	stream.strided.gather [hbm4b:s0+s18], $0x3F00, s19, s18, $0x38;
	[tilespmem:$0x1FC00] =	vst v63  }
0x38d: {  	_ = 	snop  }
0x38e: {  	[tilespmem:s9], [sflag:$0x1] =	stream.linear.gather [hbm4b:s1+s3], $0x3F00, $0x38;
	[tilespmem:$0x1FC00] =	vst v63  }
0x38f: {  	(ifvalue) =	ssetifvalue $0xFFFFFFFF  }
0x390: {  	[spmem:s2] =	stream.indirect.scatter.add.f32 [tilespmem:s23], [sflag:$0x4], $0x1, s21, s16, $0x40b8;
	[tilespmem:$0x1FC00] =	vst v63  }
0x391: {  	_ =	swait.ge [sflag:s12], $0x3F00  }
0x392: {  	[sflag:s12] =	ssyncset.done $0x0  }
0x393: {  	[sflag:s12] =	ssyncadd.s32 $0xFFFFC100  }
0x394: {  	_ =	swait.ge [sflag:s12], $0x3F00  }
0x395: {  	[sflag:s12] =	ssyncset.done $0x0  }
0x396: {  	[sflag:s12] =	ssyncadd.s32 $0xFFFFC100  }
0x397: {  	_ =	swait.ge [sflag:s14], $0x3F00  }
0x398: {  	[sflag:s14] =	ssyncset.done $0x0  }
0x399: {  	[sflag:s14] =	ssyncadd.s32 $0xFFFFC100  }
0x39a: {  	[tilespmem:s21], [sflag:$0x2] =	stream.strided.gather [hbm4b:s26+s18], $0x3F00, s19, s18, $0x38;
	[tilespmem:$0x1FC00] =	vst v63  }
0x39b: {  	_ = 	snop  }
0x39c: {  	[tilespmem:s23], [sflag:$0x2] =	stream.linear.gather [hbm4b:s28+s3], $0x3F00, $0x38;
	[tilespmem:$0x1FC00] =	vst v63  }
0x39d: {  	(ifvalue) =	ssetifvalue $0xFFFFFFFF  }
0x39e: {  	[spmem:s2] =	stream.indirect.scatter.add.f32 [tilespmem:s9], [sflag:$0x3], $0x1, s8, s16, $0x40b8;
	[tilespmem:$0x1FC00] =	vst v63  }
0x39f: {  	_ =	swait.ge [sflag:s31], $0x3F00  }
0x3a0: {  	[sflag:s31] =	ssyncset.done $0x0  }
0x3a1: {  	[sflag:s31] =	ssyncadd.s32 $0xFFFFC100  }
0x3a2: {  	_ =	swait.ge [sflag:s31], $0x3F00  }
0x3a3: {  	[sflag:s31] =	ssyncset.done $0x0  }
0x3a4: {  	[sflag:s31] =	ssyncadd.s32 $0xFFFFC100  }
0x3a5: {  	_ =	swait.ge [sflag:s15], $0x3F00  }
0x3a6: {  	[sflag:s15] =	ssyncset.done $0x0  }
0x3a7: {  	[sflag:s15] =	ssyncadd.s32 $0xFFFFC100  }
0x3a8: {  	[tilespmem:s8], [sflag:$0x1] =	stream.strided.gather [hbm4b:s25+s18], $0x3F00, s19, s18, $0x38;
	[tilespmem:$0x1FC00] =	vst v63  }
0x3a9: {  	_ = 	snop  }
0x3aa: {  	[tilespmem:s9], [sflag:$0x1] =	stream.linear.gather [hbm4b:s30+s3], $0x3F00, $0x38;
	[tilespmem:$0x1FC00] =	vst v63  }
0x3ab: {  	(ifvalue) =	ssetifvalue $0xFFFFFFFF  }
0x3ac: {  	[spmem:s2] =	stream.indirect.scatter.add.f32 [tilespmem:s23], [sflag:$0x4], $0x1, s21, s16, $0x40b8;
	[tilespmem:$0x1FC00] =	vst v63  }
0x3ad: {  	_ =	swait.ge [sflag:s12], $0x3F00  }
0x3ae: {  	[sflag:s12] =	ssyncset.done $0x0  }
0x3af: {  	[sflag:s12] =	ssyncadd.s32 $0xFFFFC100  }
0x3b0: {  	_ =	swait.ge [sflag:s12], $0x3F00  }
0x3b1: {  	[sflag:s12] =	ssyncset.done $0x0  }
0x3b2: {  	[sflag:s12] =	ssyncadd.s32 $0xFFFFC100  }
0x3b3: {  	_ =	swait.ge [sflag:s14], $0x3F00  }
0x3b4: {  	[sflag:s14] =	ssyncset.done $0x0  }
0x3b5: {  	[sflag:s14] =	ssyncadd.s32 $0xFFFFC100  }
0x3b6: {  	[tilespmem:s21], [sflag:$0x2] =	stream.strided.gather [hbm4b:s22+s18], $0x3F00, s19, s18, $0x38;
	[tilespmem:$0x1FC00] =	vst v63  }
0x3b7: {  	_ = 	snop  }
0x3b8: {  	[tilespmem:s23], [sflag:$0x2] =	stream.linear.gather [hbm4b:s29+s3], $0x3F00, $0x38;
	[tilespmem:$0x1FC00] =	vst v63  }
0x3b9: {  	(ifvalue) =	ssetifvalue $0xFFFFFFFF  }
0x3ba: {  	[spmem:s2] =	stream.indirect.scatter.add.f32 [tilespmem:s9], [sflag:$0x3], $0x1, s8, s16, $0x40b8;
	[tilespmem:$0x1FC00] =	vst v63  }
0x3bb: {  	_ =	swait.ge [sflag:s31], $0x3F00  }
0x3bc: {  	[sflag:s31] =	ssyncset.done $0x0  }
0x3bd: {  	[sflag:s31] =	ssyncadd.s32 $0xFFFFC100  }
0x3be: {  	_ =	swait.ge [sflag:s31], $0x3F00  }
0x3bf: {  	[sflag:s31] =	ssyncset.done $0x0  }
0x3c0: {  	[sflag:s31] =	ssyncadd.s32 $0xFFFFC100  }
0x3c1: {  	_ =	swait.ge [sflag:s15], $0x3F00  }
0x3c2: {  	[sflag:s15] =	ssyncset.done $0x0  }
0x3c3: {  	[sflag:s15] =	ssyncadd.s32 $0xFFFFC100  }
0x3c4: {  	[tilespmem:s8], [sflag:$0x1] =	stream.strided.gather [hbm4b:s20+s18], $0x3F00, s19, s18, $0x38;
	[tilespmem:$0x1FC00] =	vst v63  }
0x3c5: {  	_ = 	snop  }
0x3c6: {  	[tilespmem:s9], [sflag:$0x1] =	stream.linear.gather [hbm4b:s24+s3], $0x3F00, $0x38;
	[tilespmem:$0x1FC00] =	vst v63  }
0x3c7: {  	(ifvalue) =	ssetifvalue $0xFFFFFFFF  }
0x3c8: {  	[spmem:s2] =	stream.indirect.scatter.add.f32 [tilespmem:s23], [sflag:$0x4], $0x1, s21, s16, $0x40b8;
	[tilespmem:$0x1FC00] =	vst v63  }
0x3c9: {  	_ =	swait.ge [sflag:s12], $0x3F00  }
0x3ca: {  	[sflag:s12] =	ssyncset.done $0x0  }
0x3cb: {  	[sflag:s12] =	ssyncadd.s32 $0xFFFFC100  }
0x3cc: {  	_ =	swait.ge [sflag:s12], $0x3F00  }
0x3cd: {  	[sflag:s12] =	ssyncset.done $0x0  }
0x3ce: {  	[sflag:s12] =	ssyncadd.s32 $0xFFFFC100  }
0x3cf: {  	_ =	swait.ge [sflag:s14], $0x3F00  }
0x3d0: {  	[sflag:s14] =	ssyncset.done $0x0  }
0x3d1: {  	[sflag:s14] =	ssyncadd.s32 $0xFFFFC100  }
0x3d2: {  	[tilespmem:s21], [sflag:$0x2] =	stream.strided.gather [hbm4b:s13+s18], $0x3F00, s19, s18, $0x38;
	[tilespmem:$0x1FC00] =	vst v63  }
0x3d3: {  	_ = 	snop  }
0x3d4: {  	[tilespmem:s23], [sflag:$0x2] =	stream.linear.gather [hbm4b:s17+s3], $0x3F00, $0x38;
	[tilespmem:$0x1FC00] =	vst v63  }
0x3d5: {  	(ifvalue) =	ssetifvalue $0xFFFFFFFF  }
0x3d6: {  	[spmem:s2] =	stream.indirect.scatter.add.f32 [tilespmem:s9], [sflag:$0x3], $0x1, s8, s16, $0x40b8;
	[tilespmem:$0x1FC00] =	vst v63  }
0x3d7: {  	_ =	swait.ge [sflag:s31], $0x3F00  }
0x3d8: {  	[sflag:s31] =	ssyncset.done $0x0  }
0x3d9: {  	[sflag:s31] =	ssyncadd.s32 $0xFFFFC100  }
0x3da: {  	_ =	swait.ge [sflag:s31], $0x3F00  }
0x3db: {  	[sflag:s31] =	ssyncset.done $0x0  }
0x3dc: {  	[sflag:s31] =	ssyncadd.s32 $0xFFFFC100  }
0x3dd: {  	_ =	swait.ge [sflag:s15], $0x3F00  }
0x3de: {  	[sflag:s15] =	ssyncset.done $0x0  }
0x3df: {  	[sflag:s15] =	ssyncadd.s32 $0xFFFFC100  }
0x3e0: {  	[tilespmem:s8], [sflag:$0x1] =	stream.strided.gather [hbm4b:s10+s18], $0x3F00, s19, s18, $0x38;
	[tilespmem:$0x1FC00] =	vst v63  }
0x3e1: {  	_ = 	snop  }
0x3e2: {  	[tilespmem:s9], [sflag:$0x1] =	stream.linear.gather [hbm4b:s11+s3], $0x3F00, $0x38;
	[tilespmem:$0x1FC00] =	vst v63  }
0x3e3: {  	(ifvalue) =	ssetifvalue $0xFFFFFFFF  }
0x3e4: {  	[spmem:s2] =	stream.indirect.scatter.add.f32 [tilespmem:s23], [sflag:$0x4], $0x1, s21, s16, $0x40b8;
	[tilespmem:$0x1FC00] =	vst v63  }
0x3e5: {  	_ =	swait.ge [sflag:s12], $0x3F00  }
0x3e6: {  	[sflag:s12] =	ssyncset.done $0x0  }
0x3e7: {  	[sflag:s12] =	ssyncadd.s32 $0xFFFFC100  }
0x3e8: {  	_ =	swait.ge [sflag:s12], $0x3F00  }
0x3e9: {  	[sflag:s12] =	ssyncset.done $0x0  }
0x3ea: {  	[sflag:s12] =	ssyncadd.s32 $0xFFFFC100;
	(ifvalue) =	ssetifvalue $0xFFFFFFFF  }
0x3eb: {  	[spmem:s2] =	stream.indirect.scatter.add.f32 [tilespmem:s9], [sflag:$0x3], $0x1, s8, s16, $0x40b8;
	[tilespmem:$0x1FC00] =	vst v63  }
0x3ec: {  	_ =	swait.ge [sflag:s15], $0x3F00  }
0x3ed: {  	[sflag:s15] =	ssyncset.done $0x0  }
0x3ee: {  	[sflag:s15] =	ssyncadd.s32 $0xFFFFC100  }
0x3ef: {  	_ =	swait.ge [sflag:s14], $0x3F00  }
0x3f0: {  	[sflag:s14] =	ssyncset.done $0x0  }
0x3f1: {  	[sflag:s14] =	ssyncadd.s32 $0xFFFFC100  }
0x3f2: {  	[bflag:$0x0] =	sbarrier.arrive $0xFFFF  }
0x3f3: {  	[hbm:s5], [sflag:s4] =	dma.local [spmem:s7], $0x2000  }
0x3f4: {  	_ =	swait.ge [sflag:s6], $0x2000  }
0x3f5: {  	[sflag:s6] =	ssyncset.done $0x0  }
0x3f6: {  	[sflag:s6] =	ssyncadd.s32 $0xFFFFE000  }
0x3f7: {  	_ =	sfence.sel $0x180000  }
0x3f8: {  	[bflag:$0x0] =	sbarrier.arrive $0xFFFF  }
0x3f9: {  	_ =	strace $0x9000004A  }
0x3fa: {  	s31 =	stileid.u32;
	[bflag:$0x2] =	sbarrier.arrive $0xFFFF  }
0x3fb: {  	p0 =	sne.s32 s31, $0x0;
	s0 =	rddreg [dreg:$0x3]  }
0x3fc: {  	s0 =	sadd.s32 @!p0 $0x100000, s0  }
0x3fd: {  	[sflag:s0] =	ssyncadd.tile.s32 @!p0 $0x1;
	_ =	shalt  }
.Lfunc_end2:
_tile_overlayer_lowered:
.L_overlay_start_2:
0x3fe: {  	(tag) =	ssettag $0x2  }
0x3ff: {  	s0 =	rddreg [dreg:$0x0];
	s2 =	stileid.u32  }
0x400: {  	s1 =	rddreg [dreg:$0x1];
	p0 =	sne.s32 s2, $0x0  }
0x401: {  	s3 =	rddreg [dreg:$0x2];
	[bflag:$0x3] =	sbarrier.arrive $0xFFFF;
	s2 =	simm.s32 @!p0 $0x1C05  }
0x402: {  	[timem:s3], [sflag:s2] =	dma.local @!p0 [hbm:s0], s1  }
0x403: {  	s0 =	simm.s32 @!p0 $0x5  }
0x404: {  	_ =	swait.ge @!p0 [sflag:s0], s1  }
0x405: {  	s1 =	ssub.s32 @!p0 $0x0, s1;
	[sflag:s0] =	ssyncset.done @!p0 $0x0  }
0x406: {  	[sflag:s0] =	ssyncadd.s32 @!p0 s1  }
0x407: {  	[bflag:$0x3] =	sbarrier.arrive $0xFFFF  }
0x408: {  	_ =	shalt  }

// kernel: sparse-core-data-format-call.cloned.1.call-start
scs
called_computation_lowered:
.L_overlay_start_0:
0x0: {  	s1 =	sld [smem:$0x3FD9]  }
0x1: {  	s2 =	sld [smem:$0x3FFE];
	_ =	sdelay $0x1  }
0x2: {  	s3 =	srdreg.scid  }
0x3: {  	s0 =	sand.u32 $0x1, s3  }
0x4: {  	s17 =	sshll.u32 s0, $0xA;
	s1 =	sadd.s32 s2, s1  }
0x5: {  	s1 =	sadd.s32 s1, s17  }
0x6: {  	[smem:$0x3FC4] =	sst s1  }
0x7: {  	_ = 	snop  }
0x8: {  	(tm) =	ssettm $0x1  }
0x9: {  	s18 =	sld [smem:$0x3FFB];
	_ =	sdelay $0x3  }
0xa: {  	_ =	strace s18  }
0xb: {  	s1 =	sld [smem:$0x3FFC];
	_ =	sdelay $0x3  }
0xc: {  	_ =	strace s1  }
0xd: {  	s1 =	sld [smem:$0x3FFD];
	_ =	sdelay $0x3  }
0xe: {  	_ =	strace s1  }
0xf: {  	_ =	strace $0x8FFFFFFF  }
0x10: {  	s19 =	sld [smem:$0x3FDB];
	_ =	sdelay $0x1  }
0x11: {  	s20 =	simm.s32 $_scs_section_size  }
0x12: {  	s4 =	simm.s32 $_size__tile_overlayer_lowered;
	s5 =	simm.s32 $_tile_overlayer_lowered  }
0x13: {  	s23 =	simm.s32 $0x1BFF;
	s22 =	sshll.u32 s5, $0x1;
	s1 =	sadd.s32 s20, s19  }
0x14: {  	s6 =	simm.s32 $0x0;
	s21 =	sshll.u32 s4, $0x1;
	s4 =	sadd.s32 s22, s1  }
0x15: {  	[timem:s6], [sflag:s23] =	dma.local [hbm:s4], s21  }
0x16: {  	_ =	swait.ge [sflag:s23], s21  }
0x17: {  	s2 =	ssub.s32 $0x0, s21;
	[sflag:s23] =	ssyncset.done $0x0  }
0x18: {  	[sflag:s23] =	ssyncadd.s32 s2;
	_ =	sdelay $0x1  }
0x19: {  	s24 =	simm.s32 $0x1B8B  }
0x1a: {  	_ =	swait.ge [sflag:s24], $0x1  }
0x1b: {  	[sflag:s24] =	ssyncset.done $0x0  }
0x1c: {  	s26 =	simm.s32 $0x1B8E;
	s25 =	sld [smem:$0x3FFE];
	[sflag:s24] =	ssyncadd.s32 $0xFFFFFFFF  }
0x1d: {  	s27 =	simm.s32 $execute0_lowered;
	[smem:$0x3FD2] =	sst s26  }
0x1e: {  	s4 =	sshll.u32 s27, $0x1;
	_ =	strace $0x80000046;
	[dreg:$0x1] =	wrdreg $0xFFFFFFFF  }
0x1f: {  	s28 =	simm.s32 $_size_execute0_lowered;
	s1 =	sadd.s32 s1, s4;
	[dreg:$0x0] =	wrdreg $0x0  }
0x20: {  	s4 =	sshll.u32 s28, $0x1;
	[dreg:$0x2] =	wrdreg s1  }
0x21: {  	[dreg:$0x3] =	wrdreg s4  }
0x22: {  	[dreg:$0x4] =	wrdreg $0xC0  }
0x23: {  	_ =	task [dreg:s6], $0x5FFFF  }
0x24: {  	[dreg:$0x1] =	wrdreg $0xFFFFFFFF  }
0x25: {  	[dreg:$0x0] =	wrdreg $0x60  }
0x26: {  	[dreg:$0x2] =	wrdreg s25  }
0x27: {  	[dreg:$0x3] =	wrdreg $0x9  }
0x28: {  	_ =	task.clear_ibuf [dreg:s6], $0x4FFFF;
	_ =	strace $0x90000046  }
0x29: {  	s29 =	simm.s32 $0x9;
	_ =	strace $0x80000048  }
0x2a: {  	_ =	swait.ge [sflag:s29], $0x1  }
0x2b: {  	[sflag:s29] =	ssyncadd.s32 $0xFFFFFFFF  }
0x2c: {  	_ =	strace $0x90000048  }
0x2d: {  	_ =	sfence  }
0x2e: {  	s30 =	sld [smem:$0x0];
	_ =	sdelay $0x2  }
0x2f: {  	s31 =	sshll.u32 s3, $0xD;
	s3 =	sshrl.u32 s3, $0x2  }
0x30: {  	s2 =	sand.u32 $0x4000, s31;
	s1 =	sadd.s32 s3, s30  }
0x31: {  	s0 =	sor.u32 s2, s0;
	s1 =	sshll.u32 s1, $0x11  }
0x32: {  	s0 =	sor.u32 s1, s0  }
0x33: {  	s0 =	sadd.s32 $0x8F2B, s0  }
0x34: {  	[sflag:s0] =	ssyncadd.remote.s32 $0x1  }
0x35: {  	_ =	sfence.sel $0xFFFF  }
0x36: {  	[dreg:$0x0] =	wrdreg $0xFFFFFFFF;
	(pc) =	sbr.abs _section_cstart, $3  }
0x37: {  	[dreg:$0x1] =	wrdreg $0xFFFFFFFF  }
0x38: {  	_ =	task.clear_ibuf [dreg:s6], $0x2FFFF;
	_ =	strace $0x9FFFFFFF  }
0x39: {  	(tm) =	ssettm $0x7FFFFFFF  }
tec
execute0_lowered:
.L_overlay_start_1:
0x0: {  	(tag) =	ssettag $0x1  }
0x1: {  	s0 =	stileid.u32  }
0x2: {  	s1 =	srdreg.scid;
	s7 =	rddreg [dreg:$0x0]  }
0x3: {  	_ =	strace $0x80000047;
	s8 =	simm.s32 $0x2;
	s18 =	simm.s32 $0x0  }
0x4: {  	s9 =	simm.s32 $0x80;
	s10 =	simm.s32 $0x100;
	s11 =	simm.s32 $0x0  }
0x5: {  	s17 =	simm.s32 $0x0;
	s2 =	sshll.u32 s0, $0x6;
	s1 =	sshll.u32 s1, $0xA  }
0x6: {  	s12 =	simm.s32 $0x0;
	s1 =	sor.u32 s2, s1;
	s2 =	sand.u32 $0x1, s0  }
0x7: {  	s13 =	simm.s32 $0x0;
	s3 =	sand.u32 $0x780, s1;
	s30 =	ssub.s32 $0x2, s2  }
0x8: {  	s16 =	simm.s32 $0x0;
	s4 =	ssub.s32 $0xA500, s3;
	s5 =	sshrl.u32 s30, $0x1  }
.Ltmp0:
0x9: {  	s1 =	sand.u32 $0x1, s30;
	s6 =	sshrl.u32 s4, $0xB;
	(pc) =	sbr.rel .LBB1_1-.Ltmp0, $4  }
0xa: {  	s24 =	simm.s32 $0x0;
	s1 =	sadd.s32 s1, s5;
	s31 =	sadd.s32 $0x1, s6  }
0xb: {  	s15 =	smov.u32 s2;
	s4 =	simm.s32 $0x1;
	s5 =	smul.u32 s1, s31  }
0xc: {  	s14 =	smov.u32 s3;
	[sflag:s4] =	ssyncpa.u1 $0x0;
	s6 =	sadd.s32 $0xA00, s7  }
0xd: {  	s7 =	sadd.s32 $0x1F0C00, s7;
	[sflag:s8] =	ssyncpa.u1 $0x0;
	s8 =	sadd.s32 $0x1, s5  }
.LBB1_11:
0xe: {  	s1 =	sshll.u32 s13, $0x4  }
0xf: {  	s1 =	sand.u32 $0x10, s1  }
0x10: {  	s20 =	sshll.u32 s12, $0x5;
	s1 =	sadd.s32 s7, s1  }
0x11: {  	s21 =	sor.u32 $0x8000, s22;
	s1 =	sadd.s32 s20, s1  }
0x12: {  	[hbm4b:s1+s9] =	stream.strided.scatter [tilespmem:s21], [sflag:$0x2], s19, s10, s9, $0x38;
	[tilespmem:$0x10000] =	vst v63  }
.LBB1_12:
0x13: {  	p0 =	slt.u32 s16, $0x2  }
0x14: {  	p1 =	sgt.s32 @!p0 s18, $0xA4E0  }
0x15: {  	s1 =	smov.u32 s18;
	s19 =	sshra.s32 @!p0 s18, $0x1F;
	p1 =	por !p1, p0  }
0x16: {  	s18 =	sand.u32 @!p0 s19, s18;
	s1 =	simm.s32 @p1 $0xA4E0  }
0x17: {  	s19 =	sshra.s32 @!p0 s17, $0x1F;
	p1 =	sgt.s32 @!p0 s17, $0x1;
	s1 =	ssub.s32 @!p0 s1, s18  }
0x18: {  	p1 =	por !p1, p0;
	s18 =	smov.u32 s17;
	s17 =	sand.u32 @!p0 s19, s17  }
0x19: {  	s21 =	smov.u32 s15;
	s18 =	simm.s32 @p1 $0x1;
	s17 =	sxor.u32 @!p0 $0xFFFFFFFF, s17  }
0x1a: {  	s19 =	sadd.s32 @!p0 $0xFFFF5B20, s1;
	s1 =	ssub.s32 @!p0 $0xA560, s1;
	s17 =	sadd.s32 @!p0 s17, s18  }
0x1b: {  	p1 =	sgt.s32 @!p0 s19, $0x7F;
	p2 =	sgt.s32 @!p0 s17, $0x0;
	s17 =	sshll.u32 @!p0 s17, $0x7  }
0x1c: {  	p1 =	por !p1, p0;
	s17 =	ssub.s32 @!p0 $0x80, s17;
	p2 =	por !p2, p0  }
0x1d: {  	s19 =	sadd.s32 $0x800, s14;
	s1 =	simm.s32 @!p1 $0x0;
	s17 =	simm.s32 @!p2 $0x0  }
0x1e: {  	p1 =	sgt.s32 s19, $0xA55F;
	s1 =	smul.u32 @!p0 s1, s17;
	s17 =	sadd.s32 $0x2, s15  }
0x1f: {  	s21 =	smov.u32 @p1 s17  }
0x20: {  	s19 =	smov.u32 @p1 s3;
	p1 =	sgt.s32 s21, $0x1  }
0x21: {  	s21 =	smov.u32 @p1 s2;
	p1 =	sne.s32 s16, s8  }
.Ltmp1:
0x22: {  	s11 =	sadd.s32 $0x4000, s11;
	s20 =	simm.s32 @!p0 $0x2;
	(pc) =	sbr.rel @!p1 .LBB1_13-.Ltmp1, $4  }
0x23: {  	s18 =	smov.u32 s12;
	s12 =	smov.u32 s14;
	s1 =	sand.u32 @!p0 $0x3FFFFF80, s1  }
0x24: {  	s14 =	smov.u32 s19;
	s17 =	smov.u32 s13;
	_ =	swait.ge @!p0 [sflag:s20], s1  }
0x25: {  	s13 =	smov.u32 s15;
	s1 =	ssub.s32 @!p0 $0x0, s1;
	[sflag:s20] =	ssyncset.done @!p0 $0x0  }
0x26: {  	s16 =	sadd.s32 $0x1, s16;
	s15 =	smov.u32 s21;
	[sflag:s20] =	ssyncadd.s32 @!p0 s1  }
.LBB1_1:
0x27: {  	p0 =	sge.u32 s16, s5;
	s21 =	smov.u32 s14;
	s23 =	smov.u32 s15  }
0x28: {  	s31 =	sadd.s32 $0xFFFFFFFF, s16;
	s1 =	sand.u32 @!p0 $0x1FFFFFF, s14;
	p1 =	sgt.s32 @!p0 s15, $0x1  }
0x29: {  	p2 =	sgt.s32 @!p0 s14, $0xA4E0;
	s20 =	sshra.s32 @!p0 s15, $0x1F;
	s22 =	sshra.s32 @!p0 s14, $0x1F  }
0x2a: {  	s19 =	smulhi.u32 @!p0 $0x318931, s1;
	p1 =	por !p1, p0;
	p2 =	por !p2, p0  }
0x2b: {  	s20 =	sand.u32 @!p0 s20, s15;
	s22 =	sand.u32 @!p0 s22, s14;
	s21 =	simm.s32 @p2 $0xA4E0  }
0x2c: {  	s23 =	simm.s32 @p1 $0x1;
	s20 =	sxor.u32 @!p0 $0xFFFFFFFF, s20;
	s21 =	ssub.s32 @!p0 s21, s22  }
0x2d: {  	s19 =	sshrl.u32 @!p0 s19, $0x5;
	s20 =	sadd.s32 @!p0 s20, s23;
	s23 =	smul.u32 @!p0 $0xA5600, s15  }
0x2e: {  	s22 =	sadd.s32 @!p0 $0xFFFF5B20, s21;
	s19 =	smul.u32 @!p0 $0xA560, s19;
	p1 =	sgt.s32 @!p0 s20, $0x0  }
0x2f: {  	s21 =	ssub.s32 @!p0 $0xA560, s21;
	s20 =	sshll.u32 @!p0 s20, $0x7;
	p2 =	sgt.s32 @!p0 s22, $0x7F  }
0x30: {  	s20 =	ssub.s32 @!p0 $0x80, s20;
	p1 =	por !p1, p0;
	p2 =	por !p2, p0  }
0x31: {  	s22 =	sxor.u32 @!p0 $0xFFFFFFFF, s16;
	s20 =	simm.s32 @!p1 $0x0;
	s21 =	simm.s32 @!p2 $0x0  }
0x32: {  	s1 =	ssub.s32 @!p0 s1, s19;
	s19 =	sshll.u32 @!p0 s22, $0xE;
	s20 =	smul.u32 @!p0 s21, s20  }
0x33: {  	s19 =	sand.u32 @!p0 $0x4000, s19;
	s1 =	sshll.u32 @!p0 s1, $0x4;
	s21 =	sadd.s32 @!p0 s6, s23  }
0x34: {  	s1 =	sadd.s32 @!p0 s1, s21;
	s21 =	simm.s32 @!p0 $0x0;
	s20 =	sand.u32 @!p0 $0x3FFFFF80, s20  }
0x35: {  	[tilespmem:s19], [sflag:$0x1] =	stream.linear.gather @!p0 [hbm4b:s1+s21], s20, $0x38;
	[tilespmem:$0x10000] =	vst v63  }
0x36: {  	p0 =	sge.u32 s31, s5  }
.Ltmp2:
0x37: {  	_ = 	snop;
	(pc) =	sbr.rel @p0 .LBB1_12-.Ltmp2, $1  }
0x38: {  	_ =	sdelay $0x3  }
0x39: {  	p0 =	sgt.s32 s13, $0x1;
	s1 =	smov.u32 s13  }
0x3a: {  	s19 =	sshra.s32 s13, $0x1F;
	s20 =	smov.u32 s12;
	s21 =	sshra.s32 s12, $0x1F  }
0x3b: {  	s1 =	simm.s32 @!p0 $0x1;
	s19 =	sand.u32 s19, s13;
	p0 =	sgt.s32 s12, $0xA4E0  }
0x3c: {  	s21 =	sand.u32 s21, s12;
	s19 =	sxor.u32 $0xFFFFFFFF, s19;
	s20 =	simm.s32 @!p0 $0xA4E0  }
0x3d: {  	s1 =	sadd.s32 s19, s1;
	s31 =	ssub.s32 s20, s21  }
0x3e: {  	p0 =	sgt.s32 s1, $0x0;
	s20 =	sadd.s32 $0xFFFF5B20, s31;
	s1 =	sshll.u32 s1, $0x7  }
0x3f: {  	p1 =	sgt.s32 s20, $0x7F;
	s1 =	ssub.s32 $0x80, s1;
	s20 =	sadd.s32 $0x1, s13  }
0x40: {  	s21 =	sadd.s32 $0x80, s12;
	s1 =	simm.s32 @p0 $0x0;
	p0 =	slt.s32 s20, $0x2  }
0x41: {  	s20 =	simm.s32 @!p0 $0x2;
	p0 =	slt.s32 s21, $0xA560  }
0x42: {  	s20 =	ssub.s32 s20, s13;
	s21 =	simm.s32 @!p0 $0xA560  }
0x43: {  	s19 =	ssub.s32 $0xA560, s31;
	s21 =	ssub.s32 s21, s12;
	p0 =	slt.s32 s20, $0x1  }
0x44: {  	s19 =	simm.s32 @p1 $0x0;
	p1 =	slt.s32 @!p0 s21, $0x1  }
0x45: {  	s1 =	smul.u32 s19, s1;
	p0 =	por p0, p1  }
.Ltmp3:
0x46: {  	_ = 	snop;
	(pc) =	sbr.rel @p0 .LBB1_11-.Ltmp3, $4  }
0x47: {  	s19 =	sand.u32 $0x3FFFFF80, s1  }
0x48: {  	_ =	swait.ge [sflag:s4], s19  }
0x49: {  	s22 =	sshll.u32 s16, $0xE;
	s1 =	ssub.s32 $0x0, s19;
	[sflag:s4] =	ssyncset.done $0x0  }
0x4a: {  	s22 =	sand.u32 $0x4000, s22;
	[sflag:s4] =	ssyncadd.s32 s1  }
0x4b: {  	s1 =	sshll.u32 s11, $0x2  }
0x4c: {  	s1 =	sand.u32 $0x10000, s1  }
0x4d: {  	s1 =	sshrl.u32 s1, $0x2  }
0x4e: {  	s25 =	simm.s32 $0x0;
	s26 =	simm.s32 $0x0;
	s23 =	sadd.s32 $0x8040, s1  }
.LBB1_4:
0x4f: {  	s1 =	sshll.u32 s26, $0x10  }
0x50: {  	s1 =	sshra.s32 s1, $0x2  }
0x51: {  	p1 =	sne.s32 s21, $0x1;
	s1 =	sadd.s32 s1, s22  }
.Ltmp4:
0x52: {  	v0 =	vmov s1;
	(pc) =	sbr.rel @!p1 .LBB1_5-.Ltmp4, $3  }
0x53: {  	_ =	sdelay $0x1  }
0x54: {  	s27 =	sand.u32 $0x80, s25;
	s29 =	sand.u32 $0x3F80, s24  }
0x55: {  	p0 =	por $0x0, $0x0;
	s27 =	sadd.s32 s27, s23;
	s1 =	sadd.s32 $0xFFFFFFFF, s21  }
0x56: {  	_ =	sdelay $0x3  }
0x57: {  	v6 =	vld.idx.msk [tilespmem:v0+s29+$0x70 ss:$0x1], $0xffff  }
0x58: {  	v7 =	vld.idx.msk [tilespmem:v0+s29+$0x0 ss:$0x1], $0xffff  }
0x59: {  	v1 =	vld.idx.msk [tilespmem:v0+s29+$0x10 ss:$0x1], $0xffff;
	p1 =	sne.s32 s1, $0x1  }
.Ltmp5:
0x5a: {  	v2 =	vld.idx.msk [tilespmem:v0+s29+$0x20 ss:$0x1], $0xffff;
	(pc) =	sbr.rel @!p1 .LBB1_7-.Ltmp5, $4  }
0x5b: {  	v3 =	vld.idx.msk [tilespmem:v0+s29+$0x30 ss:$0x1], $0xffff  }
0x5c: {  	v4 =	vld.idx.msk [tilespmem:v0+s29+$0x40 ss:$0x1], $0xffff  }
0x5d: {  	v5 =	vld.idx.msk [tilespmem:v0+s29+$0x50 ss:$0x1], $0xffff;
	s31 =	simm.s32 $0x80;
	s1 =	sadd.s32 $0xFFFFFFFF, s1;
	[tilespmem:s27+$0x30] =	vst v6  }
0x5e: {  	p0 =	por $0x1, $0x1;
	s28 =	smov.u32 s27;
	s30 =	sand.u32 $0x3F80, s31;
	[tilespmem:s27+$0xFFFFFFC0] =	vst v7;
	v6 =	vld.idx.msk [tilespmem:v0+s29+$0x60 ss:$0x1], $0xffff  }
.LBB1_8:
0x5f: {  	p1 =	sne.s32 s1, $0x1;
	v7 =	vld.idx.msk [tilespmem:v0+s30+$0x70 ss:$0x1], $0xffff;
	[tilespmem:s28+$0xFFFFFFD0] =	vst v1  }
0x60: {  	v8 =	vld.idx.msk [tilespmem:v0+s30+$0x0 ss:$0x1], $0xffff;
	[tilespmem:s28+$0xFFFFFFE0] =	vst v2  }
0x61: {  	v1 =	vld.idx.msk [tilespmem:v0+s30+$0x10 ss:$0x1], $0xffff;
	[tilespmem:s28+$0xFFFFFFF0] =	vst v3  }
.Ltmp6:
0x62: {  	v2 =	vld.idx.msk [tilespmem:v0+s30+$0x20 ss:$0x1], $0xffff;
	[tilespmem:s28+$0x0] =	vst v4;
	(pc) =	sbr.rel @p1 .LBB1_8-.Ltmp6, $4  }
0x63: {  	v3 =	vld.idx.msk [tilespmem:v0+s30+$0x30 ss:$0x1], $0xffff;
	[tilespmem:s28+$0x10] =	vst v5  }
0x64: {  	v4 =	vld.idx.msk [tilespmem:v0+s30+$0x40 ss:$0x1], $0xffff;
	[tilespmem:s28+$0x20] =	vst v6;
	s28 =	sadd.s32 $0x80, s28  }
0x65: {  	s31 =	sadd.s32 $0x80, s31;
	v5 =	vld.idx.msk [tilespmem:v0+s30+$0x50 ss:$0x1], $0xffff;
	[tilespmem:s28+$0x30] =	vst v7  }
0x66: {  	s1 =	sadd.s32 $0xFFFFFFFF, s1;
	[tilespmem:s28+$0xFFFFFFC0] =	vst v8;
	v6 =	vld.idx.msk [tilespmem:v0+s30+$0x60 ss:$0x1], $0xffff;
	s30 =	sand.u32 $0x3F80, s31  }
0x67: {  	s29 =	smov.u32 s30  }
.LBB1_10:
0x68: {  	_ =	sdelay $0x2  }
0x69: {  	[tilespmem:s28+$0xFFFFFFD0] =	vst @p0 v1  }
0x6a: {  	v56 =	vld.idx.msk [tilespmem:v0+s29+$0x70 ss:$0x1], $0xffff;
	[tilespmem:s28+$0xFFFFFFE0] =	vst @p0 v2  }
0x6b: {  	v57 =	vld.idx.msk [tilespmem:v0+s29+$0x0 ss:$0x1], $0xffff;
	[tilespmem:s28+$0xFFFFFFF0] =	vst @p0 v3  }
0x6c: {  	v58 =	vld.idx.msk [tilespmem:v0+s29+$0x10 ss:$0x1], $0xffff;
	[tilespmem:s28+$0x0] =	vst @p0 v4  }
0x6d: {  	v59 =	vld.idx.msk [tilespmem:v0+s29+$0x20 ss:$0x1], $0xffff;
	s1 =	sadd.s32 @p0 $0x80, s28;
	[tilespmem:s28+$0x10] =	vst @p0 v5  }
0x6e: {  	v60 =	vld.idx.msk [tilespmem:v0+s29+$0x30 ss:$0x1], $0xffff;
	s27 =	smov.u32 @p0 s1;
	[tilespmem:s28+$0x20] =	vst @p0 v6  }
0x6f: {  	v61 =	vld.idx.msk [tilespmem:v0+s29+$0x40 ss:$0x1], $0xffff;
	[tilespmem:s27+$0x30] =	vst v56  }
0x70: {  	v62 =	vld.idx.msk [tilespmem:v0+s29+$0x50 ss:$0x1], $0xffff;
	s26 =	sadd.s32 $0x1, s26;
	[tilespmem:s27+$0xFFFFFFC0] =	vst v57  }
0x71: {  	v63 =	vld.idx.msk [tilespmem:v0+s29+$0x60 ss:$0x1], $0xffff;
	p0 =	sne.s32 s26, s20;
	[tilespmem:s27+$0xFFFFFFD0] =	vst v58  }
.Ltmp7:
0x72: {  	[tilespmem:s27+$0xFFFFFFE0] =	vst v59;
	(pc) =	sbr.rel @p0 .LBB1_4-.Ltmp7, $4  }
.Ltmp8:
0x73: {  	[tilespmem:s27+$0xFFFFFFF0] =	vst v60;
	(pc) =	sbr.rel @!p0 .LBB1_11-.Ltmp8, $4  }
0x74: {  	[tilespmem:s27+$0x0] =	vst v61  }
0x75: {  	[tilespmem:s27+$0x10] =	vst v62  }
0x76: {  	s25 =	sadd.s32 $0x80, s25;
	[tilespmem:s27+$0x20] =	vst v63  }
0x77: {  	_ = 	snop  }
.LBB1_5:
.Ltmp9:
0x78: {  	(pc) =	sbr.rel .LBB1_10-.Ltmp9, $2  }
0x79: {  	_ =	sdelay $0x2  }
0x7a: {  	s28 =	smov.u32 s27  }
.LBB1_7:
.Ltmp10:
0x7b: {  	(pc) =	sbr.rel .LBB1_10-.Ltmp10, $2  }
0x7c: {  	_ =	sdelay $0x2  }
0x7d: {  	s29 =	smov.u32 s30;
	s28 =	smov.u32 s27  }
.LBB1_13:
0x7e: {  	_ =	sfence.sel $0x180000  }
0x7f: {  	s1 =	simm.s32 $0x1;
	[bflag:$0x0] =	sbarrier.arrive $0xFFFF  }
0x80: {  	s31 =	simm.s32 $0x2;
	[sflag:s1] =	ssyncpa.u1 $0x1  }
0x81: {  	[sflag:s31] =	ssyncpa.u1 $0x1  }
0x82: {  	_ =	strace $0x90000047  }
0x83: {  	[bflag:$0x2] =	sbarrier.arrive $0xFFFF  }
0x84: {  	p0 =	sne.s32 s0, $0x0;
	s0 =	rddreg [dreg:$0x1]  }
0x85: {  	s0 =	sadd.s32 @!p0 $0x100000, s0  }
0x86: {  	[sflag:s0] =	ssyncadd.tile.s32 @!p0 $0x1;
	_ =	shalt  }
.Lfunc_end1:
_tile_overlayer_lowered:
.L_overlay_start_2:
0x87: {  	(tag) =	ssettag $0x2  }
0x88: {  	s0 =	rddreg [dreg:$0x0];
	s2 =	stileid.u32  }
0x89: {  	s1 =	rddreg [dreg:$0x1];
	p0 =	sne.s32 s2, $0x0  }
0x8a: {  	s3 =	rddreg [dreg:$0x2];
	[bflag:$0x3] =	sbarrier.arrive $0xFFFF;
	s2 =	simm.s32 @!p0 $0x1C01  }
0x8b: {  	[timem:s3], [sflag:s2] =	dma.local @!p0 [hbm:s0], s1  }
0x8c: {  	s0 =	simm.s32 @!p0 $0x1  }
0x8d: {  	_ =	swait.ge @!p0 [sflag:s0], s1  }
0x8e: {  	s1 =	ssub.s32 @!p0 $0x0, s1;
	[sflag:s0] =	ssyncset.done @!p0 $0x0  }
0x8f: {  	[sflag:s0] =	ssyncadd.s32 @!p0 s1  }
0x90: {  	[bflag:$0x3] =	sbarrier.arrive $0xFFFF  }
0x91: {  	_ =	shalt  }

</sc_bundles>
